<compile_context>
chip_gen: v7x
topology: tpu7x:2x2x1
jax: 0.10.2.dev20260603
libtpu: 0.0.44.dev20260713+nightly
codegen_flags: <defaults>
</compile_context>

<pallas_src>
import functools

import jax
import jax.numpy as jnp
from jax import lax
from jax.experimental import pallas as pl
from jax.experimental.pallas import tpu as pltpu
from jax.experimental.pallas import tpu_sc as plsc

N_NODES_C = 100000
N_HEDGES_C = 200000
N_TYPES_C = 16
B_C = 4096
H_C = 4
S_C = 32
D_C = 128

NC = 2
NS = 16
NW = NC * NS
BPW = B_C // NW
RPW = BPW * H_C
NCHUNK = H_C
CR = BPW
EPC = CR * S_C
EPT = 12544
WPT = EPT // 8
TPW = 25088


def _sc_body(npT_hbm, th_hbm, lb_hbm, nbrF_hbm, ht_hbm, emb_hbm,
             pooled_hbm, nm_hbm,
             np_v, th_v, lb_v, tp_v, raw_v, pk_v,
             ix0, ix1, nb0, nb1,
             eb0, eb1, hist_v, nm_v, tp_sh,
             sem_ne, sem_emb, sem_tp):
    wid = lax.axis_index("s") * NC + lax.axis_index("c")
    sid = lax.axis_index("s")
    base_b = wid * BPW
    iota16 = lax.iota(jnp.int32, 16)
    ones = jnp.ones((16,), jnp.float32)

    for h in range(H_C):
        pltpu.sync_copy(npT_hbm.at[pl.ds(h * B_C + base_b, BPW)],
                        np_v.at[pl.ds(h * BPW, BPW)])

    start_e = pl.multiple_of(jnp.minimum(sid * EPT, N_HEDGES_C - EPT), 64)
    tp_cp = pltpu.async_copy(ht_hbm.at[pl.ds(start_e, EPT)], raw_v, sem_tp)

    ixbufs = [ix0, ix1]
    nbufs = [nb0, nb1]
    ebufs = [eb0, eb1]
    ne_cp = [[None] * S_C for _ in range(NCHUNK)]
    emb_cp = [None] * NCHUNK
    soff = iota16 * N_NODES_C

    def _fire_ne(c):
        ix = ixbufs[c % 2]

        @plsc.parallel_loop(0, CR)
        def _mkidx(r):
            n = plsc.load_gather(
                np_v, [jnp.full((16,), c * CR + r, jnp.int32)])
            for k in range(2):
                ix[pl.ds(r * S_C + k * 16, 16)] = n + (soff + k * 16 * N_NODES_C)

        for j in range(S_C):
            ne_cp[c][j] = pltpu.async_copy(
                nbrF_hbm.at[ix.at[pl.ds(j * 128, 128)]],
                nbufs[c % 2].at[pl.ds(j * 128, 128)], sem_ne)

    def _fire_emb(c):
        emb_cp[c] = pltpu.async_copy(
            emb_hbm.at[np_v.at[pl.ds(c * CR, CR)]], ebufs[c % 2], sem_emb)

    pltpu.sync_copy(th_hbm.at[pl.ds(base_b, BPW)], th_v)
    pltpu.sync_copy(lb_hbm.at[pl.ds(base_b, BPW)], lb_v)

    _fire_emb(0)
    _fire_emb(1)
    _fire_ne(0)
    _fire_ne(1)

    tp_cp.wait()

    @plsc.parallel_loop(0, WPT // 16)
    def _pack(i):
        j = (jnp.full((16,), i * 16, jnp.int32) + iota16) * 8
        w = plsc.load_gather(raw_v, [j])
        for k in range(1, 8):
            w = w | lax.shift_left(plsc.load_gather(raw_v, [j + k]), 4 * k)
        pk_v[pl.ds(i * 16, 16)] = w

    pltpu.sync_copy(
        pk_v,
        tp_sh.at[pl.ds(pl.multiple_of(lax.shift_right_logical(start_e, 3), 8),
                       WPT)])

    @plsc.parallel_loop(0, BPW)
    def _zero(i):
        hist_v[i, pl.ds(0, 16)] = jnp.zeros((16,), jnp.float32)

    plsc.subcore_barrier()
    pltpu.sync_copy(tp_sh, tp_v)

    for c in range(NCHUNK):
        for j in range(S_C):
            ne_cp[c][j].wait()
        nb = nbufs[c % 2]

        @plsc.parallel_loop(0, CR)
        def _hist(r, _nb=nb):
            rv = jnp.full((16,), r, jnp.int32)
            thv = plsc.load_gather(th_v, [rv])
            for k in range(2):
                e = _nb[pl.ds(r * S_C + k * 16, 16)]
                w = plsc.load_gather(tp_v, [lax.shift_right_logical(e, 3)])
                sh = lax.shift_left(jnp.bitwise_and(e, 7), 2)
                t = jnp.bitwise_and(lax.shift_right_logical(w, sh), 15)
                m = jnp.not_equal(e, thv)
                plsc.addupdate_scatter(hist_v, [rv, t], ones, mask=m)

        if c + 2 < NCHUNK:
            _fire_ne(c + 2)

    @plsc.parallel_loop(0, BPW)
    def _pooled(b):
        hv = hist_v[b, pl.ds(0, 16)]
        lbl = plsc.load_gather(lb_v, [jnp.full((16,), b, jnp.int32)])
        onehot = jnp.where(iota16 == lbl, 1.0, 0.0).astype(jnp.float32)
        hist_v[b, pl.ds(0, 16)] = hv * (1.0 / 128.0) + onehot

    pltpu.sync_copy(hist_v,
                    pooled_hbm.at[pl.ds(base_b, BPW), pl.ds(0, N_TYPES_C)])

    for c in range(NCHUNK):
        emb_cp[c].wait()
        eb = ebufs[c % 2]

        @plsc.parallel_loop(0, CR)
        def _emb(i, _c=c, _eb=eb):
            for d in range(8):
                v = _eb[i, pl.ds(d * 16, 16)]
                if _c == 0:
                    nm_v[i, pl.ds(d * 16, 16)] = v
                else:
                    nm_v[i, pl.ds(d * 16, 16)] += v

        if c + 2 < NCHUNK:
            _fire_emb(c + 2)

    pltpu.sync_copy(nm_v, nm_hbm.at[pl.ds(base_b, BPW)])


_sc_gather = functools.partial(
    pl.kernel,
    out_type=(
        jax.ShapeDtypeStruct((B_C, D_C), jnp.float32),
        jax.ShapeDtypeStruct((B_C, D_C), jnp.float32),
    ),
    mesh=plsc.VectorSubcoreMesh(core_axis_name="c", subcore_axis_name="s"),
    compiler_params=pltpu.CompilerParams(needs_layout_passes=False,
                                         use_tc_tiling_on_sc=False),
    scratch_types=[
        pltpu.VMEM((RPW,), jnp.int32),
        pltpu.VMEM((BPW,), jnp.int32),
        pltpu.VMEM((BPW,), jnp.int32),
        pltpu.VMEM((TPW,), jnp.int32),
        pltpu.VMEM((EPT,), jnp.int32),
        pltpu.VMEM((WPT,), jnp.int32),
        pltpu.VMEM((EPC,), jnp.int32),
        pltpu.VMEM((EPC,), jnp.int32),
        pltpu.VMEM((EPC,), jnp.int32),
        pltpu.VMEM((EPC,), jnp.int32),
        pltpu.VMEM((CR, D_C), jnp.float32),
        pltpu.VMEM((CR, D_C), jnp.float32),
        pltpu.VMEM((BPW, N_TYPES_C), jnp.float32),
        pltpu.VMEM((BPW, D_C), jnp.float32),
        pltpu.VMEM_SHARED((TPW,), jnp.int32),
        pltpu.SemaphoreType.DMA,
        pltpu.SemaphoreType.DMA,
        pltpu.SemaphoreType.DMA,
    ],
)(_sc_body)


def _tc_body(pooled_ref, nm_ref, w1_ref, b1_ref, w2_ref, b2_ref,
             sc_ref, v2_ref):
    v1 = jnp.dot(pooled_ref[:, :N_TYPES_C], w1_ref[...],
                 preferred_element_type=jnp.float32) + b1_ref[...]
    sc_ref[...] = jax.nn.sigmoid(v1)
    p2 = jnp.dot(nm_ref[...], w2_ref[...] * 0.25,
                 preferred_element_type=jnp.float32) + b2_ref[...]
    v2_ref[...] = jnp.concatenate([v1, p2], axis=1)


_tc_heads = pl.pallas_call(
    _tc_body,
    out_shape=(
        jax.ShapeDtypeStruct((B_C, N_TYPES_C), jnp.float32),
        jax.ShapeDtypeStruct((B_C, 2 * N_TYPES_C), jnp.float32),
    ),
)


@jax.jit
def kernel(node_pairs, train_hedges, labels, neighborhedges, hedgetypes,
           nodeEmb, W1, b1, W2, b2):
    npT = node_pairs.astype(jnp.int32).T.reshape(-1)
    th = train_hedges.astype(jnp.int32)
    lb = labels.astype(jnp.int32)
    nbrF = neighborhedges.astype(jnp.int32).T.reshape(-1)
    ht = hedgetypes.astype(jnp.int32)

    pooled, embsum = _sc_gather(npT, th, lb, nbrF, ht, nodeEmb)

    scores, vector2 = _tc_heads(pooled, embsum, W1, b1.reshape(1, -1),
                                W2, b2.reshape(1, -1))
    return (scores, vector2)

# --- scband reference (transcript-rebuilt; emitter-appended) ---
"""Pipeline reference for scband-poly-hype-53145925320941 (READ-ONLY COPY).

The authoritative reference and input builder live on the scoring server;
editing this copy changes nothing except your own understanding.
"""

import jax, jax.numpy as jnp
import numpy as np

N_NODES = 100000
N_HEDGES = 200000
N_TYPES = 16
B = 4096
HEDGE_SIZE = 4
NEIGHBOR_SAMPLES = 32
EMB_DIM = 128


def setup_inputs(seed: int = 0) -> dict:
    key = jax.random.key(seed)
    ks = jax.random.split(key, 10)
    node_pairs = jax.random.randint(ks[0], (B, HEDGE_SIZE), 0, N_NODES)
    train_hedges = jax.random.randint(ks[1], (B,), 0, N_HEDGES)
    labels = jax.random.randint(ks[2], (B,), 0, N_TYPES)
    neighborhedges = jax.random.randint(ks[3], (N_NODES, NEIGHBOR_SAMPLES), 0, N_HEDGES)
    hedgetypes = jax.random.randint(ks[4], (N_HEDGES,), 0, N_TYPES)
    nodeEmb = jax.random.normal(ks[5], (N_NODES, EMB_DIM), dtype=jnp.float32)
    W1 = jax.random.normal(ks[6], (N_TYPES, N_TYPES), dtype=jnp.float32) * 0.25
    b1 = jnp.zeros((N_TYPES,), dtype=jnp.float32)
    W2 = jax.random.normal(ks[7], (EMB_DIM, N_TYPES), dtype=jnp.float32) * 0.09
    b2 = jnp.zeros((N_TYPES,), dtype=jnp.float32)
    return {"node_pairs": node_pairs, "train_hedges": train_hedges, "labels": labels,
            "neighborhedges": neighborhedges, "hedgetypes": hedgetypes, "nodeEmb": nodeEmb,
            "W1": W1, "b1": b1, "W2": W2, "b2": b2}


def reference(node_pairs, train_hedges, labels, neighborhedges, hedgetypes, nodeEmb, W1, b1, W2, b2):
    # _build_type_feature: one-hot type features
    type_features = jnp.eye(N_TYPES, dtype=jnp.float32)
    # _get_neighbors_and_masks
    neighbor_edges = jnp.take(neighborhedges, node_pairs.reshape(-1), axis=0).reshape(B, HEDGE_SIZE * NEIGHBOR_SAMPLES)
    node_emb = jnp.take(nodeEmb, node_pairs.reshape(-1), axis=0).reshape(B, HEDGE_SIZE, EMB_DIM)
    masks = ((neighbor_edges - train_hedges[:, None]) != 0).astype(jnp.float32)
    # _aggregate_neighbors
    self_vectors = jnp.take(type_features, labels, axis=0)  # [B, n_types]
    types = jnp.take(hedgetypes, neighbor_edges.reshape(-1), axis=0)
    neighbor_vectors = jnp.take(type_features, types, axis=0).reshape(B, 1, HEDGE_SIZE, NEIGHBOR_SAMPLES, N_TYPES)
    masks = masks.reshape(B, 1, HEDGE_SIZE, NEIGHBOR_SAMPLES, 1)
    # MeanAggregator: masked mean over neighbor samples, mean over hedge members,
    # self-inclusion, then linear; second head projects node embeddings.
    entity_vectors = jnp.mean(neighbor_vectors * masks, axis=-2)  # [B,1,H,n_types]
    pooled = jnp.mean(entity_vectors, axis=-2).reshape(B, N_TYPES)  # [B,n_types]
    pooled = pooled + self_vectors
    vector1 = pooled @ W1 + b1  # scores [B, n_types]
    node_mean = jnp.mean(node_emb, axis=1)  # [B, emb_dim]
    vector2 = jnp.concatenate([vector1, node_mean @ W2 + b2], axis=-1)  # embedding [B, 2*n_types]
    scores = vector1
    scores_normalized = jax.nn.sigmoid(scores)
    return (scores_normalized, vector2)

if __name__ == "__main__":
    import jax
    _d = setup_inputs()
    print(jax.jit(kernel)(*tuple(_d.values())))

</pallas_src>

<mosaic_0001>
#map = affine_map<(d0, d1) -> (0)>
#map1 = affine_map<(d0, d1) -> (0, 0)>
module attributes {stable_mosaic.version = 14 : i64} {
  func.func @_sc_body(%arg0: i32, %arg1: i32, %arg2: memref<16384xi32, #tpu.memory_space<hbm>>, %arg3: memref<4096xi32, #tpu.memory_space<hbm>>, %arg4: memref<4096xi32, #tpu.memory_space<hbm>>, %arg5: memref<3200000xi32, #tpu.memory_space<hbm>>, %arg6: memref<200000xi32, #tpu.memory_space<hbm>>, %arg7: memref<100000x128xf32, #tpu.memory_space<hbm>>, %arg8: memref<4096x128xf32, #tpu.memory_space<hbm>>, %arg9: memref<4096x128xf32, #tpu.memory_space<hbm>>, %arg10: memref<512xi32, #tpu.memory_space<vmem>>, %arg11: memref<128xi32, #tpu.memory_space<vmem>>, %arg12: memref<128xi32, #tpu.memory_space<vmem>>, %arg13: memref<25088xi32, #tpu.memory_space<vmem>>, %arg14: memref<12544xi32, #tpu.memory_space<vmem>>, %arg15: memref<1568xi32, #tpu.memory_space<vmem>>, %arg16: memref<4096xi32, #tpu.memory_space<vmem>>, %arg17: memref<4096xi32, #tpu.memory_space<vmem>>, %arg18: memref<4096xi32, #tpu.memory_space<vmem>>, %arg19: memref<4096xi32, #tpu.memory_space<vmem>>, %arg20: memref<128x128xf32, #tpu.memory_space<vmem>>, %arg21: memref<128x128xf32, #tpu.memory_space<vmem>>, %arg22: memref<128x16xf32, #tpu.memory_space<vmem>>, %arg23: memref<128x128xf32, #tpu.memory_space<vmem>>, %arg24: memref<25088xi32, #tpu.memory_space<vmem_shared>>, %arg25: memref<!tpu.dma_semaphore, #tpu.memory_space<semaphore_mem>>, %arg26: memref<!tpu.dma_semaphore, #tpu.memory_space<semaphore_mem>>, %arg27: memref<!tpu.dma_semaphore, #tpu.memory_space<semaphore_mem>>) attributes {dimension_semantics = [#tpu.dimension_semantics<core_parallel>, #tpu.dimension_semantics<subcore_parallel>], iteration_bounds = array<i64: 2, 16>, scalar_prefetch = 0 : i64, scratch_operands = 18 : i64, tpu.core_type = #tpu.core_type<sc_vector_subcore>, window_params = [{transform_indices = #map}, {transform_indices = #map}, {transform_indices = #map}, {transform_indices = #map}, {transform_indices = #map}, {transform_indices = #map1}, {transform_indices = #map1}, {transform_indices = #map1}]} {
    %mul3A = arith.constant 2 : i32
    %mul3A_0 = arith.muli %arg1, %mul3A : i32
    %add3A = arith.addi %mul3A_0, %arg0 : i32
    %mul3A_1 = arith.constant 128 : i32
    %mul3A_2 = arith.muli %add3A, %mul3A_1 : i32
    %iota3A = tpu.iota {dimensions = array<i32: 0>} : vector<16xi32>
    %broadcast_in_dim3A = arith.constant 1.000000e+00 : f32
    %broadcast_in_dim3A_3 = vector.broadcast %broadcast_in_dim3A : f32 to vector<16xf32>
    %add3A_4 = arith.constant 0 : i32
    %add3A_5 = arith.addi %add3A_4, %mul3A_2 : i32
    "tpu.region"() ({
      %run_scoped3A = tpu.sem_alloc : memref<!tpu.dma_semaphore, #tpu.memory_space<semaphore_mem>>
      %dma_start3A_1642 = arith.constant 0 : i32
      %dma_start3A_1643 = tpu.memref_slice %arg10[%dma_start3A_1642] : memref<512xi32, #tpu.memory_space<vmem>> -> memref<128xi32, #tpu.memory_space<vmem>>
      %dma_start3A_1644 = tpu.memref_slice %arg2[%add3A_5] : memref<16384xi32, #tpu.memory_space<hbm>> -> memref<128xi32, #tpu.memory_space<hbm>>
      %dma_start3A_1645 = arith.constant 0 : i32
      %dma_start3A_1646 = tpu.memref_slice %arg10[%dma_start3A_1645] : memref<512xi32, #tpu.memory_space<vmem>> -> memref<128xi32, #tpu.memory_space<vmem>>
      %dma_start3A_1647 = tpu.memref_slice %arg2[%add3A_5] : memref<16384xi32, #tpu.memory_space<hbm>> -> memref<128xi32, #tpu.memory_space<hbm>>
      tpu.enqueue_dma source(%dma_start3A_1647 : memref<128xi32, #tpu.memory_space<hbm>>) target(%dma_start3A_1646 : memref<128xi32, #tpu.memory_space<vmem>>) target_semaphore(%run_scoped3A : memref<!tpu.dma_semaphore, #tpu.memory_space<semaphore_mem>>)
      %dma_wait3A_1648 = arith.constant 0 : i32
      %dma_wait3A_1649 = tpu.memref_slice %arg10[%dma_wait3A_1648] : memref<512xi32, #tpu.memory_space<vmem>> -> memref<128xi32, #tpu.memory_space<vmem>>
      %dma_wait3A_1650 = tpu.memref_slice %arg2[%add3A_5] : memref<16384xi32, #tpu.memory_space<hbm>> -> memref<128xi32, #tpu.memory_space<hbm>>
      %dma_wait3A_1651 = arith.constant 0 : i32
      %dma_wait3A_1652 = tpu.memref_slice %arg10[%dma_wait3A_1651] : memref<512xi32, #tpu.memory_space<vmem>> -> memref<128xi32, #tpu.memory_space<vmem>>
      %dma_wait3A_1653 = tpu.memref_slice %arg2[%add3A_5] : memref<16384xi32, #tpu.memory_space<hbm>> -> memref<128xi32, #tpu.memory_space<hbm>>
      tpu.wait_dma2 semaphore(%run_scoped3A : memref<!tpu.dma_semaphore, #tpu.memory_space<semaphore_mem>>) src(%dma_wait3A_1653 : memref<128xi32, #tpu.memory_space<hbm>>) dst(%dma_wait3A_1652 : memref<128xi32, #tpu.memory_space<vmem>>)
      tpu.yield
    }) : () -> ()
    %add3A_6 = arith.constant 4096 : i32
    %add3A_7 = arith.addi %add3A_6, %mul3A_2 : i32
    "tpu.region"() ({
      %run_scoped3A = tpu.sem_alloc : memref<!tpu.dma_semaphore, #tpu.memory_space<semaphore_mem>>
      %dma_start3A_1642 = arith.constant 128 : i32
      %dma_start3A_1643 = tpu.memref_slice %arg10[%dma_start3A_1642] : memref<512xi32, #tpu.memory_space<vmem>> -> memref<128xi32, #tpu.memory_space<vmem>>
      %dma_start3A_1644 = tpu.memref_slice %arg2[%add3A_7] : memref<16384xi32, #tpu.memory_space<hbm>> -> memref<128xi32, #tpu.memory_space<hbm>>
      %dma_start3A_1645 = arith.constant 128 : i32
      %dma_start3A_1646 = tpu.memref_slice %arg10[%dma_start3A_1645] : memref<512xi32, #tpu.memory_space<vmem>> -> memref<128xi32, #tpu.memory_space<vmem>>
      %dma_start3A_1647 = tpu.memref_slice %arg2[%add3A_7] : memref<16384xi32, #tpu.memory_space<hbm>> -> memref<128xi32, #tpu.memory_space<hbm>>
      tpu.enqueue_dma source(%dma_start3A_1647 : memref<128xi32, #tpu.memory_space<hbm>>) target(%dma_start3A_1646 : memref<128xi32, #tpu.memory_space<vmem>>) target_semaphore(%run_scoped3A : memref<!tpu.dma_semaphore, #tpu.memory_space<semaphore_mem>>)
      %dma_wait3A_1648 = arith.constant 128 : i32
      %dma_wait3A_1649 = tpu.memref_slice %arg10[%dma_wait3A_1648] : memref<512xi32, #tpu.memory_space<vmem>> -> memref<128xi32, #tpu.memory_space<vmem>>
      %dma_wait3A_1650 = tpu.memref_slice %arg2[%add3A_7] : memref<16384xi32, #tpu.memory_space<hbm>> -> memref<128xi32, #tpu.memory_space<hbm>>
      %dma_wait3A_1651 = arith.constant 128 : i32
      %dma_wait3A_1652 = tpu.memref_slice %arg10[%dma_wait3A_1651] : memref<512xi32, #tpu.memory_space<vmem>> -> memref<128xi32, #tpu.memory_space<vmem>>
      %dma_wait3A_1653 = tpu.memref_slice %arg2[%add3A_7] : memref<16384xi32, #tpu.memory_space<hbm>> -> memref<128xi32, #tpu.memory_space<hbm>>
      tpu.wait_dma2 semaphore(%run_scoped3A : memref<!tpu.dma_semaphore, #tpu.memory_space<semaphore_mem>>) src(%dma_wait3A_1653 : memref<128xi32, #tpu.memory_space<hbm>>) dst(%dma_wait3A_1652 : memref<128xi32, #tpu.memory_space<vmem>>)
      tpu.yield
    }) : () -> ()
    %add3A_8 = arith.constant 8192 : i32
    %add3A_9 = arith.addi %add3A_8, %mul3A_2 : i32
    "tpu.region"() ({
      %run_scoped3A = tpu.sem_alloc : memref<!tpu.dma_semaphore, #tpu.memory_space<semaphore_mem>>
      %dma_start3A_1642 = arith.constant 256 : i32
      %dma_start3A_1643 = tpu.memref_slice %arg10[%dma_start3A_1642] : memref<512xi32, #tpu.memory_space<vmem>> -> memref<128xi32, #tpu.memory_space<vmem>>
      %dma_start3A_1644 = tpu.memref_slice %arg2[%add3A_9] : memref<16384xi32, #tpu.memory_space<hbm>> -> memref<128xi32, #tpu.memory_space<hbm>>
      %dma_start3A_1645 = arith.constant 256 : i32
      %dma_start3A_1646 = tpu.memref_slice %arg10[%dma_start3A_1645] : memref<512xi32, #tpu.memory_space<vmem>> -> memref<128xi32, #tpu.memory_space<vmem>>
      %dma_start3A_1647 = tpu.memref_slice %arg2[%add3A_9] : memref<16384xi32, #tpu.memory_space<hbm>> -> memref<128xi32, #tpu.memory_space<hbm>>
      tpu.enqueue_dma source(%dma_start3A_1647 : memref<128xi32, #tpu.memory_space<hbm>>) target(%dma_start3A_1646 : memref<128xi32, #tpu.memory_space<vmem>>) target_semaphore(%run_scoped3A : memref<!tpu.dma_semaphore, #tpu.memory_space<semaphore_mem>>)
      %dma_wait3A_1648 = arith.constant 256 : i32
      %dma_wait3A_1649 = tpu.memref_slice %arg10[%dma_wait3A_1648] : memref<512xi32, #tpu.memory_space<vmem>> -> memref<128xi32, #tpu.memory_space<vmem>>
      %dma_wait3A_1650 = tpu.memref_slice %arg2[%add3A_9] : memref<16384xi32, #tpu.memory_space<hbm>> -> memref<128xi32, #tpu.memory_space<hbm>>
      %dma_wait3A_1651 = arith.constant 256 : i32
      %dma_wait3A_1652 = tpu.memref_slice %arg10[%dma_wait3A_1651] : memref<512xi32, #tpu.memory_space<vmem>> -> memref<128xi32, #tpu.memory_space<vmem>>
      %dma_wait3A_1653 = tpu.memref_slice %arg2[%add3A_9] : memref<16384xi32, #tpu.memory_space<hbm>> -> memref<128xi32, #tpu.memory_space<hbm>>
      tpu.wait_dma2 semaphore(%run_scoped3A : memref<!tpu.dma_semaphore, #tpu.memory_space<semaphore_mem>>) src(%dma_wait3A_1653 : memref<128xi32, #tpu.memory_space<hbm>>) dst(%dma_wait3A_1652 : memref<128xi32, #tpu.memory_space<vmem>>)
      tpu.yield
    }) : () -> ()
    %add3A_10 = arith.constant 12288 : i32
    %add3A_11 = arith.addi %add3A_10, %mul3A_2 : i32
    "tpu.region"() ({
      %run_scoped3A = tpu.sem_alloc : memref<!tpu.dma_semaphore, #tpu.memory_space<semaphore_mem>>
      %dma_start3A_1642 = arith.constant 384 : i32
      %dma_start3A_1643 = tpu.memref_slice %arg10[%dma_start3A_1642] : memref<512xi32, #tpu.memory_space<vmem>> -> memref<128xi32, #tpu.memory_space<vmem>>
      %dma_start3A_1644 = tpu.memref_slice %arg2[%add3A_11] : memref<16384xi32, #tpu.memory_space<hbm>> -> memref<128xi32, #tpu.memory_space<hbm>>
      %dma_start3A_1645 = arith.constant 384 : i32
      %dma_start3A_1646 = tpu.memref_slice %arg10[%dma_start3A_1645] : memref<512xi32, #tpu.memory_space<vmem>> -> memref<128xi32, #tpu.memory_space<vmem>>
      %dma_start3A_1647 = tpu.memref_slice %arg2[%add3A_11] : memref<16384xi32, #tpu.memory_space<hbm>> -> memref<128xi32, #tpu.memory_space<hbm>>
      tpu.enqueue_dma source(%dma_start3A_1647 : memref<128xi32, #tpu.memory_space<hbm>>) target(%dma_start3A_1646 : memref<128xi32, #tpu.memory_space<vmem>>) target_semaphore(%run_scoped3A : memref<!tpu.dma_semaphore, #tpu.memory_space<semaphore_mem>>)
      %dma_wait3A_1648 = arith.constant 384 : i32
      %dma_wait3A_1649 = tpu.memref_slice %arg10[%dma_wait3A_1648] : memref<512xi32, #tpu.memory_space<vmem>> -> memref<128xi32, #tpu.memory_space<vmem>>
      %dma_wait3A_1650 = tpu.memref_slice %arg2[%add3A_11] : memref<16384xi32, #tpu.memory_space<hbm>> -> memref<128xi32, #tpu.memory_space<hbm>>
      %dma_wait3A_1651 = arith.constant 384 : i32
      %dma_wait3A_1652 = tpu.memref_slice %arg10[%dma_wait3A_1651] : memref<512xi32, #tpu.memory_space<vmem>> -> memref<128xi32, #tpu.memory_space<vmem>>
      %dma_wait3A_1653 = tpu.memref_slice %arg2[%add3A_11] : memref<16384xi32, #tpu.memory_space<hbm>> -> memref<128xi32, #tpu.memory_space<hbm>>
      tpu.wait_dma2 semaphore(%run_scoped3A : memref<!tpu.dma_semaphore, #tpu.memory_space<semaphore_mem>>) src(%dma_wait3A_1653 : memref<128xi32, #tpu.memory_space<hbm>>) dst(%dma_wait3A_1652 : memref<128xi32, #tpu.memory_space<vmem>>)
      tpu.yield
    }) : () -> ()
    %mul3A_12 = arith.constant 12544 : i32
    %mul3A_13 = arith.muli %arg1, %mul3A_12 : i32
    %min3A = arith.constant 187456 : i32
    %min3A_14 = arith.minsi %mul3A_13, %min3A : i32
    %multiple_of3A = tpu.assume_multiple %min3A_14, 64 : i32
    %dma_start3A = tpu.memref_slice %arg6[%multiple_of3A] : memref<200000xi32, #tpu.memory_space<hbm>> -> memref<12544xi32, #tpu.memory_space<hbm>>
    %dma_start3A_15 = tpu.memref_slice %arg6[%multiple_of3A] : memref<200000xi32, #tpu.memory_space<hbm>> -> memref<12544xi32, #tpu.memory_space<hbm>>
    tpu.enqueue_dma source(%dma_start3A_15 : memref<12544xi32, #tpu.memory_space<hbm>>) target(%arg14 : memref<12544xi32, #tpu.memory_space<vmem>>) target_semaphore(%arg27 : memref<!tpu.dma_semaphore, #tpu.memory_space<semaphore_mem>>)
    %mul3A_16 = arith.constant 100000 : i32
    %mul3A_17 = vector.broadcast %mul3A_16 : i32 to vector<16xi32>
    %mul3A_18 = arith.muli %iota3A, %mul3A_17 : vector<16xi32>
    "tpu.region"() ({
      %run_scoped3A = tpu.sem_alloc : memref<!tpu.dma_semaphore, #tpu.memory_space<semaphore_mem>>
      %dma_start3A_1642 = tpu.memref_slice %arg3[%mul3A_2] : memref<4096xi32, #tpu.memory_space<hbm>> -> memref<128xi32, #tpu.memory_space<hbm>>
      %dma_start3A_1643 = tpu.memref_slice %arg3[%mul3A_2] : memref<4096xi32, #tpu.memory_space<hbm>> -> memref<128xi32, #tpu.memory_space<hbm>>
      tpu.enqueue_dma source(%dma_start3A_1643 : memref<128xi32, #tpu.memory_space<hbm>>) target(%arg11 : memref<128xi32, #tpu.memory_space<vmem>>) target_semaphore(%run_scoped3A : memref<!tpu.dma_semaphore, #tpu.memory_space<semaphore_mem>>)
      %dma_wait3A_1644 = tpu.memref_slice %arg3[%mul3A_2] : memref<4096xi32, #tpu.memory_space<hbm>> -> memref<128xi32, #tpu.memory_space<hbm>>
      %dma_wait3A_1645 = tpu.memref_slice %arg3[%mul3A_2] : memref<4096xi32, #tpu.memory_space<hbm>> -> memref<128xi32, #tpu.memory_space<hbm>>
      tpu.wait_dma2 semaphore(%run_scoped3A : memref<!tpu.dma_semaphore, #tpu.memory_space<semaphore_mem>>) src(%dma_wait3A_1645 : memref<128xi32, #tpu.memory_space<hbm>>) dst(%arg11 : memref<128xi32, #tpu.memory_space<vmem>>)
      tpu.yield
    }) : () -> ()
    "tpu.region"() ({
      %run_scoped3A = tpu.sem_alloc : memref<!tpu.dma_semaphore, #tpu.memory_space<semaphore_mem>>
      %dma_start3A_1642 = tpu.memref_slice %arg4[%mul3A_2] : memref<4096xi32, #tpu.memory_space<hbm>> -> memref<128xi32, #tpu.memory_space<hbm>>
      %dma_start3A_1643 = tpu.memref_slice %arg4[%mul3A_2] : memref<4096xi32, #tpu.memory_space<hbm>> -> memref<128xi32, #tpu.memory_space<hbm>>
      tpu.enqueue_dma source(%dma_start3A_1643 : memref<128xi32, #tpu.memory_space<hbm>>) target(%arg12 : memref<128xi32, #tpu.memory_space<vmem>>) target_semaphore(%run_scoped3A : memref<!tpu.dma_semaphore, #tpu.memory_space<semaphore_mem>>)
      %dma_wait3A_1644 = tpu.memref_slice %arg4[%mul3A_2] : memref<4096xi32, #tpu.memory_space<hbm>> -> memref<128xi32, #tpu.memory_space<hbm>>
      %dma_wait3A_1645 = tpu.memref_slice %arg4[%mul3A_2] : memref<4096xi32, #tpu.memory_space<hbm>> -> memref<128xi32, #tpu.memory_space<hbm>>
      tpu.wait_dma2 semaphore(%run_scoped3A : memref<!tpu.dma_semaphore, #tpu.memory_space<semaphore_mem>>) src(%dma_wait3A_1645 : memref<128xi32, #tpu.memory_space<hbm>>) dst(%arg12 : memref<128xi32, #tpu.memory_space<vmem>>)
      tpu.yield
    }) : () -> ()
    %dma_start3A_19 = arith.constant 0 : i32
    %dma_start3A_20 = tpu.memref_slice %arg10[%dma_start3A_19] : memref<512xi32, #tpu.memory_space<vmem>> -> memref<128xi32, #tpu.memory_space<vmem>>
    %dma_start3A_21 = arith.constant 0 : i32
    %dma_start3A_22 = arith.constant 0 : i32
    %dma_start3A_23 = tpu.memref_slice %arg7[%dma_start3A_21, %dma_start3A_22] : memref<100000x128xf32, #tpu.memory_space<hbm>> -> memref<100000x128xf32, #tpu.memory_space<hbm>>
    tpu.enqueue_indirect_dma source(%dma_start3A_23 : memref<100000x128xf32, #tpu.memory_space<hbm>>) target(%arg20 : memref<128x128xf32, #tpu.memory_space<vmem>>) offsets(%dma_start3A_20 : memref<128xi32, #tpu.memory_space<vmem>>) semaphore(%arg26 : memref<!tpu.dma_semaphore, #tpu.memory_space<semaphore_mem>>)
    %dma_start3A_24 = arith.constant 128 : i32
    %dma_start3A_25 = tpu.memref_slice %arg10[%dma_start3A_24] : memref<512xi32, #tpu.memory_space<vmem>> -> memref<128xi32, #tpu.memory_space<vmem>>
    %dma_start3A_26 = arith.constant 0 : i32
    %dma_start3A_27 = arith.constant 0 : i32
    %dma_start3A_28 = tpu.memref_slice %arg7[%dma_start3A_26, %dma_start3A_27] : memref<100000x128xf32, #tpu.memory_space<hbm>> -> memref<100000x128xf32, #tpu.memory_space<hbm>>
    tpu.enqueue_indirect_dma source(%dma_start3A_28 : memref<100000x128xf32, #tpu.memory_space<hbm>>) target(%arg21 : memref<128x128xf32, #tpu.memory_space<vmem>>) offsets(%dma_start3A_25 : memref<128xi32, #tpu.memory_space<vmem>>) semaphore(%arg26 : memref<!tpu.dma_semaphore, #tpu.memory_space<semaphore_mem>>)
    %parallel_loop3A = arith.constant 0 : i32
    %parallel_loop3A_29 = arith.constant 128 : i32
    %parallel_loop3A_30 = arith.constant 1 : i32
    scf.for %parallel_loop3A_1642 = %parallel_loop3A to %parallel_loop3A_29 step %parallel_loop3A_30  : i32 {
      %parallel_loop3A_1643 = arith.constant 0 : i32
      %parallel_loop3A_1644 = arith.addi %parallel_loop3A_1643, %parallel_loop3A_1642 : i32
      %parallel_loop3A_1645 = vector.broadcast %parallel_loop3A_1644 : i32 to vector<16xi32>
      %parallel_loop3A_1646 = tpu.vector_load_idx %arg10[%parallel_loop3A_1645] : memref<512xi32, #tpu.memory_space<vmem>>[vector<16xi32>], vector<16xi32>,
      %parallel_loop3A_1647 = arith.constant 0 : i32
      %parallel_loop3A_1648 = vector.broadcast %parallel_loop3A_1647 : i32 to vector<16xi32>
      %parallel_loop3A_1649 = arith.addi %mul3A_18, %parallel_loop3A_1648 : vector<16xi32>
      %parallel_loop3A_1650 = arith.addi %parallel_loop3A_1646, %parallel_loop3A_1649 : vector<16xi32>
      %parallel_loop3A_1651 = arith.constant 32 : i32
      %parallel_loop3A_1652 = arith.muli %parallel_loop3A_1642, %parallel_loop3A_1651 : i32
      %parallel_loop3A_1653 = arith.constant 0 : i32
      %parallel_loop3A_1654 = arith.addi %parallel_loop3A_1652, %parallel_loop3A_1653 : i32
      %parallel_loop3A_1655 = arith.index_cast %parallel_loop3A_1654 : i32 to index
      %parallel_loop3A_1656 = tpu.vector_load %arg16[%parallel_loop3A_1655] {strides = array<i32>} : memref<4096xi32, #tpu.memory_space<vmem>>, vector<16xi32>,
      tpu.vector_store %arg16[%parallel_loop3A_1655], %parallel_loop3A_1650 {strides = array<i32>} : memref<4096xi32, #tpu.memory_space<vmem>>, vector<16xi32>,
      %parallel_loop3A_1657 = arith.constant 1600000 : i32
      %parallel_loop3A_1658 = vector.broadcast %parallel_loop3A_1657 : i32 to vector<16xi32>
      %parallel_loop3A_1659 = arith.addi %mul3A_18, %parallel_loop3A_1658 : vector<16xi32>
      %parallel_loop3A_1660 = arith.addi %parallel_loop3A_1646, %parallel_loop3A_1659 : vector<16xi32>
      %parallel_loop3A_1661 = arith.constant 32 : i32
      %parallel_loop3A_1662 = arith.muli %parallel_loop3A_1642, %parallel_loop3A_1661 : i32
      %parallel_loop3A_1663 = arith.constant 16 : i32
      %parallel_loop3A_1664 = arith.addi %parallel_loop3A_1662, %parallel_loop3A_1663 : i32
      %parallel_loop3A_1665 = arith.index_cast %parallel_loop3A_1664 : i32 to index
      %parallel_loop3A_1666 = tpu.vector_load %arg16[%parallel_loop3A_1665] {strides = array<i32>} : memref<4096xi32, #tpu.memory_space<vmem>>, vector<16xi32>,
      tpu.vector_store %arg16[%parallel_loop3A_1665], %parallel_loop3A_1660 {strides = array<i32>} : memref<4096xi32, #tpu.memory_space<vmem>>, vector<16xi32>,
    } {sc.loop_unroll_factor = 1 : i64, sc.parallel_access}
    %dma_start3A_31 = arith.constant 0 : i32
    %dma_start3A_32 = tpu.memref_slice %arg18[%dma_start3A_31] : memref<4096xi32, #tpu.memory_space<vmem>> -> memref<128xi32, #tpu.memory_space<vmem>>
    %dma_start3A_33 = arith.constant 0 : i32
    %dma_start3A_34 = tpu.memref_slice %arg16[%dma_start3A_33] : memref<4096xi32, #tpu.memory_space<vmem>> -> memref<128xi32, #tpu.memory_space<vmem>>
    %dma_start3A_35 = arith.constant 0 : i32
    %dma_start3A_36 = tpu.memref_slice %arg5[%dma_start3A_35] : memref<3200000xi32, #tpu.memory_space<hbm>> -> memref<3200000xi32, #tpu.memory_space<hbm>>
    tpu.enqueue_indirect_dma source(%dma_start3A_36 : memref<3200000xi32, #tpu.memory_space<hbm>>) target(%dma_start3A_32 : memref<128xi32, #tpu.memory_space<vmem>>) offsets(%dma_start3A_34 : memref<128xi32, #tpu.memory_space<vmem>>) semaphore(%arg25 : memref<!tpu.dma_semaphore, #tpu.memory_space<semaphore_mem>>)
    %dma_start3A_37 = arith.constant 128 : i32
    %dma_start3A_38 = tpu.memref_slice %arg18[%dma_start3A_37] : memref<4096xi32, #tpu.memory_space<vmem>> -> memref<128xi32, #tpu.memory_space<vmem>>
    %dma_start3A_39 = arith.constant 128 : i32
    %dma_start3A_40 = tpu.memref_slice %arg16[%dma_start3A_39] : memref<4096xi32, #tpu.memory_space<vmem>> -> memref<128xi32, #tpu.memory_space<vmem>>
    %dma_start3A_41 = arith.constant 0 : i32
    %dma_start3A_42 = tpu.memref_slice %arg5[%dma_start3A_41] : memref<3200000xi32, #tpu.memory_space<hbm>> -> memref<3200000xi32, #tpu.memory_space<hbm>>
    tpu.enqueue_indirect_dma source(%dma_start3A_42 : memref<3200000xi32, #tpu.memory_space<hbm>>) target(%dma_start3A_38 : memref<128xi32, #tpu.memory_space<vmem>>) offsets(%dma_start3A_40 : memref<128xi32, #tpu.memory_space<vmem>>) semaphore(%arg25 : memref<!tpu.dma_semaphore, #tpu.memory_space<semaphore_mem>>)
    %dma_start3A_43 = arith.constant 256 : i32
    %dma_start3A_44 = tpu.memref_slice %arg18[%dma_start3A_43] : memref<4096xi32, #tpu.memory_space<vmem>> -> memref<128xi32, #tpu.memory_space<vmem>>
    %dma_start3A_45 = arith.constant 256 : i32
    %dma_start3A_46 = tpu.memref_slice %arg16[%dma_start3A_45] : memref<4096xi32, #tpu.memory_space<vmem>> -> memref<128xi32, #tpu.memory_space<vmem>>
    %dma_start3A_47 = arith.constant 0 : i32
    %dma_start3A_48 = tpu.memref_slice %arg5[%dma_start3A_47] : memref<3200000xi32, #tpu.memory_space<hbm>> -> memref<3200000xi32, #tpu.memory_space<hbm>>
    tpu.enqueue_indirect_dma source(%dma_start3A_48 : memref<3200000xi32, #tpu.memory_space<hbm>>) target(%dma_start3A_44 : memref<128xi32, #tpu.memory_space<vmem>>) offsets(%dma_start3A_46 : memref<128xi32, #tpu.memory_space<vmem>>) semaphore(%arg25 : memref<!tpu.dma_semaphore, #tpu.memory_space<semaphore_mem>>)
    %dma_start3A_49 = arith.constant 384 : i32
    %dma_start3A_50 = tpu.memref_slice %arg18[%dma_start3A_49] : memref<4096xi32, #tpu.memory_space<vmem>> -> memref<128xi32, #tpu.memory_space<vmem>>
    %dma_start3A_51 = arith.constant 384 : i32
    %dma_start3A_52 = tpu.memref_slice %arg16[%dma_start3A_51] : memref<4096xi32, #tpu.memory_space<vmem>> -> memref<128xi32, #tpu.memory_space<vmem>>
    %dma_start3A_53 = arith.constant 0 : i32
    %dma_start3A_54 = tpu.memref_slice %arg5[%dma_start3A_53] : memref<3200000xi32, #tpu.memory_space<hbm>> -> memref<3200000xi32, #tpu.memory_space<hbm>>
    tpu.enqueue_indirect_dma source(%dma_start3A_54 : memref<3200000xi32, #tpu.memory_space<hbm>>) target(%dma_start3A_50 : memref<128xi32, #tpu.memory_space<vmem>>) offsets(%dma_start3A_52 : memref<128xi32, #tpu.memory_space<vmem>>) semaphore(%arg25 : memref<!tpu.dma_semaphore, #tpu.memory_space<semaphore_mem>>)
    %dma_start3A_55 = arith.constant 512 : i32
    %dma_start3A_56 = tpu.memref_slice %arg18[%dma_start3A_55] : memref<4096xi32, #tpu.memory_space<vmem>> -> memref<128xi32, #tpu.memory_space<vmem>>
    %dma_start3A_57 = arith.constant 512 : i32
    %dma_start3A_58 = tpu.memref_slice %arg16[%dma_start3A_57] : memref<4096xi32, #tpu.memory_space<vmem>> -> memref<128xi32, #tpu.memory_space<vmem>>
    %dma_start3A_59 = arith.constant 0 : i32
    %dma_start3A_60 = tpu.memref_slice %arg5[%dma_start3A_59] : memref<3200000xi32, #tpu.memory_space<hbm>> -> memref<3200000xi32, #tpu.memory_space<hbm>>
    tpu.enqueue_indirect_dma source(%dma_start3A_60 : memref<3200000xi32, #tpu.memory_space<hbm>>) target(%dma_start3A_56 : memref<128xi32, #tpu.memory_space<vmem>>) offsets(%dma_start3A_58 : memref<128xi32, #tpu.memory_space<vmem>>) semaphore(%arg25 : memref<!tpu.dma_semaphore, #tpu.memory_space<semaphore_mem>>)
    %dma_start3A_61 = arith.constant 640 : i32
    %dma_start3A_62 = tpu.memref_slice %arg18[%dma_start3A_61] : memref<4096xi32, #tpu.memory_space<vmem>> -> memref<128xi32, #tpu.memory_space<vmem>>
    %dma_start3A_63 = arith.constant 640 : i32
    %dma_start3A_64 = tpu.memref_slice %arg16[%dma_start3A_63] : memref<4096xi32, #tpu.memory_space<vmem>> -> memref<128xi32, #tpu.memory_space<vmem>>
    %dma_start3A_65 = arith.constant 0 : i32
    %dma_start3A_66 = tpu.memref_slice %arg5[%dma_start3A_65] : memref<3200000xi32, #tpu.memory_space<hbm>> -> memref<3200000xi32, #tpu.memory_space<hbm>>
    tpu.enqueue_indirect_dma source(%dma_start3A_66 : memref<3200000xi32, #tpu.memory_space<hbm>>) target(%dma_start3A_62 : memref<128xi32, #tpu.memory_space<vmem>>) offsets(%dma_start3A_64 : memref<128xi32, #tpu.memory_space<vmem>>) semaphore(%arg25 : memref<!tpu.dma_semaphore, #tpu.memory_space<semaphore_mem>>)
    %dma_start3A_67 = arith.constant 768 : i32
    %dma_start3A_68 = tpu.memref_slice %arg18[%dma_start3A_67] : memref<4096xi32, #tpu.memory_space<vmem>> -> memref<128xi32, #tpu.memory_space<vmem>>
    %dma_start3A_69 = arith.constant 768 : i32
    %dma_start3A_70 = tpu.memref_slice %arg16[%dma_start3A_69] : memref<4096xi32, #tpu.memory_space<vmem>> -> memref<128xi32, #tpu.memory_space<vmem>>
    %dma_start3A_71 = arith.constant 0 : i32
    %dma_start3A_72 = tpu.memref_slice %arg5[%dma_start3A_71] : memref<3200000xi32, #tpu.memory_space<hbm>> -> memref<3200000xi32, #tpu.memory_space<hbm>>
    tpu.enqueue_indirect_dma source(%dma_start3A_72 : memref<3200000xi32, #tpu.memory_space<hbm>>) target(%dma_start3A_68 : memref<128xi32, #tpu.memory_space<vmem>>) offsets(%dma_start3A_70 : memref<128xi32, #tpu.memory_space<vmem>>) semaphore(%arg25 : memref<!tpu.dma_semaphore, #tpu.memory_space<semaphore_mem>>)
    %dma_start3A_73 = arith.constant 896 : i32
    %dma_start3A_74 = tpu.memref_slice %arg18[%dma_start3A_73] : memref<4096xi32, #tpu.memory_space<vmem>> -> memref<128xi32, #tpu.memory_space<vmem>>
    %dma_start3A_75 = arith.constant 896 : i32
    %dma_start3A_76 = tpu.memref_slice %arg16[%dma_start3A_75] : memref<4096xi32, #tpu.memory_space<vmem>> -> memref<128xi32, #tpu.memory_space<vmem>>
    %dma_start3A_77 = arith.constant 0 : i32
    %dma_start3A_78 = tpu.memref_slice %arg5[%dma_start3A_77] : memref<3200000xi32, #tpu.memory_space<hbm>> -> memref<3200000xi32, #tpu.memory_space<hbm>>
    tpu.enqueue_indirect_dma source(%dma_start3A_78 : memref<3200000xi32, #tpu.memory_space<hbm>>) target(%dma_start3A_74 : memref<128xi32, #tpu.memory_space<vmem>>) offsets(%dma_start3A_76 : memref<128xi32, #tpu.memory_space<vmem>>) semaphore(%arg25 : memref<!tpu.dma_semaphore, #tpu.memory_space<semaphore_mem>>)
    %dma_start3A_79 = arith.constant 1024 : i32
    %dma_start3A_80 = tpu.memref_slice %arg18[%dma_start3A_79] : memref<4096xi32, #tpu.memory_space<vmem>> -> memref<128xi32, #tpu.memory_space<vmem>>
    %dma_start3A_81 = arith.constant 1024 : i32
    %dma_start3A_82 = tpu.memref_slice %arg16[%dma_start3A_81] : memref<4096xi32, #tpu.memory_space<vmem>> -> memref<128xi32, #tpu.memory_space<vmem>>
    %dma_start3A_83 = arith.constant 0 : i32
    %dma_start3A_84 = tpu.memref_slice %arg5[%dma_start3A_83] : memref<3200000xi32, #tpu.memory_space<hbm>> -> memref<3200000xi32, #tpu.memory_space<hbm>>
    tpu.enqueue_indirect_dma source(%dma_start3A_84 : memref<3200000xi32, #tpu.memory_space<hbm>>) target(%dma_start3A_80 : memref<128xi32, #tpu.memory_space<vmem>>) offsets(%dma_start3A_82 : memref<128xi32, #tpu.memory_space<vmem>>) semaphore(%arg25 : memref<!tpu.dma_semaphore, #tpu.memory_space<semaphore_mem>>)
    %dma_start3A_85 = arith.constant 1152 : i32
    %dma_start3A_86 = tpu.memref_slice %arg18[%dma_start3A_85] : memref<4096xi32, #tpu.memory_space<vmem>> -> memref<128xi32, #tpu.memory_space<vmem>>
    %dma_start3A_87 = arith.constant 1152 : i32
    %dma_start3A_88 = tpu.memref_slice %arg16[%dma_start3A_87] : memref<4096xi32, #tpu.memory_space<vmem>> -> memref<128xi32, #tpu.memory_space<vmem>>
    %dma_start3A_89 = arith.constant 0 : i32
    %dma_start3A_90 = tpu.memref_slice %arg5[%dma_start3A_89] : memref<3200000xi32, #tpu.memory_space<hbm>> -> memref<3200000xi32, #tpu.memory_space<hbm>>
    tpu.enqueue_indirect_dma source(%dma_start3A_90 : memref<3200000xi32, #tpu.memory_space<hbm>>) target(%dma_start3A_86 : memref<128xi32, #tpu.memory_space<vmem>>) offsets(%dma_start3A_88 : memref<128xi32, #tpu.memory_space<vmem>>) semaphore(%arg25 : memref<!tpu.dma_semaphore, #tpu.memory_space<semaphore_mem>>)
    %dma_start3A_91 = arith.constant 1280 : i32
    %dma_start3A_92 = tpu.memref_slice %arg18[%dma_start3A_91] : memref<4096xi32, #tpu.memory_space<vmem>> -> memref<128xi32, #tpu.memory_space<vmem>>
    %dma_start3A_93 = arith.constant 1280 : i32
    %dma_start3A_94 = tpu.memref_slice %arg16[%dma_start3A_93] : memref<4096xi32, #tpu.memory_space<vmem>> -> memref<128xi32, #tpu.memory_space<vmem>>
    %dma_start3A_95 = arith.constant 0 : i32
    %dma_start3A_96 = tpu.memref_slice %arg5[%dma_start3A_95] : memref<3200000xi32, #tpu.memory_space<hbm>> -> memref<3200000xi32, #tpu.memory_space<hbm>>
    tpu.enqueue_indirect_dma source(%dma_start3A_96 : memref<3200000xi32, #tpu.memory_space<hbm>>) target(%dma_start3A_92 : memref<128xi32, #tpu.memory_space<vmem>>) offsets(%dma_start3A_94 : memref<128xi32, #tpu.memory_space<vmem>>) semaphore(%arg25 : memref<!tpu.dma_semaphore, #tpu.memory_space<semaphore_mem>>)
    %dma_start3A_97 = arith.constant 1408 : i32
    %dma_start3A_98 = tpu.memref_slice %arg18[%dma_start3A_97] : memref<4096xi32, #tpu.memory_space<vmem>> -> memref<128xi32, #tpu.memory_space<vmem>>
    %dma_start3A_99 = arith.constant 1408 : i32
    %dma_start3A_100 = tpu.memref_slice %arg16[%dma_start3A_99] : memref<4096xi32, #tpu.memory_space<vmem>> -> memref<128xi32, #tpu.memory_space<vmem>>
    %dma_start3A_101 = arith.constant 0 : i32
    %dma_start3A_102 = tpu.memref_slice %arg5[%dma_start3A_101] : memref<3200000xi32, #tpu.memory_space<hbm>> -> memref<3200000xi32, #tpu.memory_space<hbm>>
    tpu.enqueue_indirect_dma source(%dma_start3A_102 : memref<3200000xi32, #tpu.memory_space<hbm>>) target(%dma_start3A_98 : memref<128xi32, #tpu.memory_space<vmem>>) offsets(%dma_start3A_100 : memref<128xi32, #tpu.memory_space<vmem>>) semaphore(%arg25 : memref<!tpu.dma_semaphore, #tpu.memory_space<semaphore_mem>>)
    %dma_start3A_103 = arith.constant 1536 : i32
    %dma_start3A_104 = tpu.memref_slice %arg18[%dma_start3A_103] : memref<4096xi32, #tpu.memory_space<vmem>> -> memref<128xi32, #tpu.memory_space<vmem>>
    %dma_start3A_105 = arith.constant 1536 : i32
    %dma_start3A_106 = tpu.memref_slice %arg16[%dma_start3A_105] : memref<4096xi32, #tpu.memory_space<vmem>> -> memref<128xi32, #tpu.memory_space<vmem>>
    %dma_start3A_107 = arith.constant 0 : i32
    %dma_start3A_108 = tpu.memref_slice %arg5[%dma_start3A_107] : memref<3200000xi32, #tpu.memory_space<hbm>> -> memref<3200000xi32, #tpu.memory_space<hbm>>
    tpu.enqueue_indirect_dma source(%dma_start3A_108 : memref<3200000xi32, #tpu.memory_space<hbm>>) target(%dma_start3A_104 : memref<128xi32, #tpu.memory_space<vmem>>) offsets(%dma_start3A_106 : memref<128xi32, #tpu.memory_space<vmem>>) semaphore(%arg25 : memref<!tpu.dma_semaphore, #tpu.memory_space<semaphore_mem>>)
    %dma_start3A_109 = arith.constant 1664 : i32
    %dma_start3A_110 = tpu.memref_slice %arg18[%dma_start3A_109] : memref<4096xi32, #tpu.memory_space<vmem>> -> memref<128xi32, #tpu.memory_space<vmem>>
    %dma_start3A_111 = arith.constant 1664 : i32
    %dma_start3A_112 = tpu.memref_slice %arg16[%dma_start3A_111] : memref<4096xi32, #tpu.memory_space<vmem>> -> memref<128xi32, #tpu.memory_space<vmem>>
    %dma_start3A_113 = arith.constant 0 : i32
    %dma_start3A_114 = tpu.memref_slice %arg5[%dma_start3A_113] : memref<3200000xi32, #tpu.memory_space<hbm>> -> memref<3200000xi32, #tpu.memory_space<hbm>>
    tpu.enqueue_indirect_dma source(%dma_start3A_114 : memref<3200000xi32, #tpu.memory_space<hbm>>) target(%dma_start3A_110 : memref<128xi32, #tpu.memory_space<vmem>>) offsets(%dma_start3A_112 : memref<128xi32, #tpu.memory_space<vmem>>) semaphore(%arg25 : memref<!tpu.dma_semaphore, #tpu.memory_space<semaphore_mem>>)
    %dma_start3A_115 = arith.constant 1792 : i32
    %dma_start3A_116 = tpu.memref_slice %arg18[%dma_start3A_115] : memref<4096xi32, #tpu.memory_space<vmem>> -> memref<128xi32, #tpu.memory_space<vmem>>
    %dma_start3A_117 = arith.constant 1792 : i32
    %dma_start3A_118 = tpu.memref_slice %arg16[%dma_start3A_117] : memref<4096xi32, #tpu.memory_space<vmem>> -> memref<128xi32, #tpu.memory_space<vmem>>
    %dma_start3A_119 = arith.constant 0 : i32
    %dma_start3A_120 = tpu.memref_slice %arg5[%dma_start3A_119] : memref<3200000xi32, #tpu.memory_space<hbm>> -> memref<3200000xi32, #tpu.memory_space<hbm>>
    tpu.enqueue_indirect_dma source(%dma_start3A_120 : memref<3200000xi32, #tpu.memory_space<hbm>>) target(%dma_start3A_116 : memref<128xi32, #tpu.memory_space<vmem>>) offsets(%dma_start3A_118 : memref<128xi32, #tpu.memory_space<vmem>>) semaphore(%arg25 : memref<!tpu.dma_semaphore, #tpu.memory_space<semaphore_mem>>)
    %dma_start3A_121 = arith.constant 1920 : i32
    %dma_start3A_122 = tpu.memref_slice %arg18[%dma_start3A_121] : memref<4096xi32, #tpu.memory_space<vmem>> -> memref<128xi32, #tpu.memory_space<vmem>>
    %dma_start3A_123 = arith.constant 1920 : i32
    %dma_start3A_124 = tpu.memref_slice %arg16[%dma_start3A_123] : memref<4096xi32, #tpu.memory_space<vmem>> -> memref<128xi32, #tpu.memory_space<vmem>>
    %dma_start3A_125 = arith.constant 0 : i32
    %dma_start3A_126 = tpu.memref_slice %arg5[%dma_start3A_125] : memref<3200000xi32, #tpu.memory_space<hbm>> -> memref<3200000xi32, #tpu.memory_space<hbm>>
    tpu.enqueue_indirect_dma source(%dma_start3A_126 : memref<3200000xi32, #tpu.memory_space<hbm>>) target(%dma_start3A_122 : memref<128xi32, #tpu.memory_space<vmem>>) offsets(%dma_start3A_124 : memref<128xi32, #tpu.memory_space<vmem>>) semaphore(%arg25 : memref<!tpu.dma_semaphore, #tpu.memory_space<semaphore_mem>>)
    %dma_start3A_127 = arith.constant 2048 : i32
    %dma_start3A_128 = tpu.memref_slice %arg18[%dma_start3A_127] : memref<4096xi32, #tpu.memory_space<vmem>> -> memref<128xi32, #tpu.memory_space<vmem>>
    %dma_start3A_129 = arith.constant 2048 : i32
    %dma_start3A_130 = tpu.memref_slice %arg16[%dma_start3A_129] : memref<4096xi32, #tpu.memory_space<vmem>> -> memref<128xi32, #tpu.memory_space<vmem>>
    %dma_start3A_131 = arith.constant 0 : i32
    %dma_start3A_132 = tpu.memref_slice %arg5[%dma_start3A_131] : memref<3200000xi32, #tpu.memory_space<hbm>> -> memref<3200000xi32, #tpu.memory_space<hbm>>
    tpu.enqueue_indirect_dma source(%dma_start3A_132 : memref<3200000xi32, #tpu.memory_space<hbm>>) target(%dma_start3A_128 : memref<128xi32, #tpu.memory_space<vmem>>) offsets(%dma_start3A_130 : memref<128xi32, #tpu.memory_space<vmem>>) semaphore(%arg25 : memref<!tpu.dma_semaphore, #tpu.memory_space<semaphore_mem>>)
    %dma_start3A_133 = arith.constant 2176 : i32
    %dma_start3A_134 = tpu.memref_slice %arg18[%dma_start3A_133] : memref<4096xi32, #tpu.memory_space<vmem>> -> memref<128xi32, #tpu.memory_space<vmem>>
    %dma_start3A_135 = arith.constant 2176 : i32
    %dma_start3A_136 = tpu.memref_slice %arg16[%dma_start3A_135] : memref<4096xi32, #tpu.memory_space<vmem>> -> memref<128xi32, #tpu.memory_space<vmem>>
    %dma_start3A_137 = arith.constant 0 : i32
    %dma_start3A_138 = tpu.memref_slice %arg5[%dma_start3A_137] : memref<3200000xi32, #tpu.memory_space<hbm>> -> memref<3200000xi32, #tpu.memory_space<hbm>>
    tpu.enqueue_indirect_dma source(%dma_start3A_138 : memref<3200000xi32, #tpu.memory_space<hbm>>) target(%dma_start3A_134 : memref<128xi32, #tpu.memory_space<vmem>>) offsets(%dma_start3A_136 : memref<128xi32, #tpu.memory_space<vmem>>) semaphore(%arg25 : memref<!tpu.dma_semaphore, #tpu.memory_space<semaphore_mem>>)
    %dma_start3A_139 = arith.constant 2304 : i32
    %dma_start3A_140 = tpu.memref_slice %arg18[%dma_start3A_139] : memref<4096xi32, #tpu.memory_space<vmem>> -> memref<128xi32, #tpu.memory_space<vmem>>
    %dma_start3A_141 = arith.constant 2304 : i32
    %dma_start3A_142 = tpu.memref_slice %arg16[%dma_start3A_141] : memref<4096xi32, #tpu.memory_space<vmem>> -> memref<128xi32, #tpu.memory_space<vmem>>
    %dma_start3A_143 = arith.constant 0 : i32
    %dma_start3A_144 = tpu.memref_slice %arg5[%dma_start3A_143] : memref<3200000xi32, #tpu.memory_space<hbm>> -> memref<3200000xi32, #tpu.memory_space<hbm>>
    tpu.enqueue_indirect_dma source(%dma_start3A_144 : memref<3200000xi32, #tpu.memory_space<hbm>>) target(%dma_start3A_140 : memref<128xi32, #tpu.memory_space<vmem>>) offsets(%dma_start3A_142 : memref<128xi32, #tpu.memory_space<vmem>>) semaphore(%arg25 : memref<!tpu.dma_semaphore, #tpu.memory_space<semaphore_mem>>)
    %dma_start3A_145 = arith.constant 2432 : i32
    %dma_start3A_146 = tpu.memref_slice %arg18[%dma_start3A_145] : memref<4096xi32, #tpu.memory_space<vmem>> -> memref<128xi32, #tpu.memory_space<vmem>>
    %dma_start3A_147 = arith.constant 2432 : i32
    %dma_start3A_148 = tpu.memref_slice %arg16[%dma_start3A_147] : memref<4096xi32, #tpu.memory_space<vmem>> -> memref<128xi32, #tpu.memory_space<vmem>>
    %dma_start3A_149 = arith.constant 0 : i32
    %dma_start3A_150 = tpu.memref_slice %arg5[%dma_start3A_149] : memref<3200000xi32, #tpu.memory_space<hbm>> -> memref<3200000xi32, #tpu.memory_space<hbm>>
    tpu.enqueue_indirect_dma source(%dma_start3A_150 : memref<3200000xi32, #tpu.memory_space<hbm>>) target(%dma_start3A_146 : memref<128xi32, #tpu.memory_space<vmem>>) offsets(%dma_start3A_148 : memref<128xi32, #tpu.memory_space<vmem>>) semaphore(%arg25 : memref<!tpu.dma_semaphore, #tpu.memory_space<semaphore_mem>>)
    %dma_start3A_151 = arith.constant 2560 : i32
    %dma_start3A_152 = tpu.memref_slice %arg18[%dma_start3A_151] : memref<4096xi32, #tpu.memory_space<vmem>> -> memref<128xi32, #tpu.memory_space<vmem>>
    %dma_start3A_153 = arith.constant 2560 : i32
    %dma_start3A_154 = tpu.memref_slice %arg16[%dma_start3A_153] : memref<4096xi32, #tpu.memory_space<vmem>> -> memref<128xi32, #tpu.memory_space<vmem>>
    %dma_start3A_155 = arith.constant 0 : i32
    %dma_start3A_156 = tpu.memref_slice %arg5[%dma_start3A_155] : memref<3200000xi32, #tpu.memory_space<hbm>> -> memref<3200000xi32, #tpu.memory_space<hbm>>
    tpu.enqueue_indirect_dma source(%dma_start3A_156 : memref<3200000xi32, #tpu.memory_space<hbm>>) target(%dma_start3A_152 : memref<128xi32, #tpu.memory_space<vmem>>) offsets(%dma_start3A_154 : memref<128xi32, #tpu.memory_space<vmem>>) semaphore(%arg25 : memref<!tpu.dma_semaphore, #tpu.memory_space<semaphore_mem>>)
    %dma_start3A_157 = arith.constant 2688 : i32
    %dma_start3A_158 = tpu.memref_slice %arg18[%dma_start3A_157] : memref<4096xi32, #tpu.memory_space<vmem>> -> memref<128xi32, #tpu.memory_space<vmem>>
    %dma_start3A_159 = arith.constant 2688 : i32
    %dma_start3A_160 = tpu.memref_slice %arg16[%dma_start3A_159] : memref<4096xi32, #tpu.memory_space<vmem>> -> memref<128xi32, #tpu.memory_space<vmem>>
    %dma_start3A_161 = arith.constant 0 : i32
    %dma_start3A_162 = tpu.memref_slice %arg5[%dma_start3A_161] : memref<3200000xi32, #tpu.memory_space<hbm>> -> memref<3200000xi32, #tpu.memory_space<hbm>>
    tpu.enqueue_indirect_dma source(%dma_start3A_162 : memref<3200000xi32, #tpu.memory_space<hbm>>) target(%dma_start3A_158 : memref<128xi32, #tpu.memory_space<vmem>>) offsets(%dma_start3A_160 : memref<128xi32, #tpu.memory_space<vmem>>) semaphore(%arg25 : memref<!tpu.dma_semaphore, #tpu.memory_space<semaphore_mem>>)
    %dma_start3A_163 = arith.constant 2816 : i32
    %dma_start3A_164 = tpu.memref_slice %arg18[%dma_start3A_163] : memref<4096xi32, #tpu.memory_space<vmem>> -> memref<128xi32, #tpu.memory_space<vmem>>
    %dma_start3A_165 = arith.constant 2816 : i32
    %dma_start3A_166 = tpu.memref_slice %arg16[%dma_start3A_165] : memref<4096xi32, #tpu.memory_space<vmem>> -> memref<128xi32, #tpu.memory_space<vmem>>
    %dma_start3A_167 = arith.constant 0 : i32
    %dma_start3A_168 = tpu.memref_slice %arg5[%dma_start3A_167] : memref<3200000xi32, #tpu.memory_space<hbm>> -> memref<3200000xi32, #tpu.memory_space<hbm>>
    tpu.enqueue_indirect_dma source(%dma_start3A_168 : memref<3200000xi32, #tpu.memory_space<hbm>>) target(%dma_start3A_164 : memref<128xi32, #tpu.memory_space<vmem>>) offsets(%dma_start3A_166 : memref<128xi32, #tpu.memory_space<vmem>>) semaphore(%arg25 : memref<!tpu.dma_semaphore, #tpu.memory_space<semaphore_mem>>)
    %dma_start3A_169 = arith.constant 2944 : i32
    %dma_start3A_170 = tpu.memref_slice %arg18[%dma_start3A_169] : memref<4096xi32, #tpu.memory_space<vmem>> -> memref<128xi32, #tpu.memory_space<vmem>>
    %dma_start3A_171 = arith.constant 2944 : i32
    %dma_start3A_172 = tpu.memref_slice %arg16[%dma_start3A_171] : memref<4096xi32, #tpu.memory_space<vmem>> -> memref<128xi32, #tpu.memory_space<vmem>>
    %dma_start3A_173 = arith.constant 0 : i32
    %dma_start3A_174 = tpu.memref_slice %arg5[%dma_start3A_173] : memref<3200000xi32, #tpu.memory_space<hbm>> -> memref<3200000xi32, #tpu.memory_space<hbm>>
    tpu.enqueue_indirect_dma source(%dma_start3A_174 : memref<3200000xi32, #tpu.memory_space<hbm>>) target(%dma_start3A_170 : memref<128xi32, #tpu.memory_space<vmem>>) offsets(%dma_start3A_172 : memref<128xi32, #tpu.memory_space<vmem>>) semaphore(%arg25 : memref<!tpu.dma_semaphore, #tpu.memory_space<semaphore_mem>>)
    %dma_start3A_175 = arith.constant 3072 : i32
    %dma_start3A_176 = tpu.memref_slice %arg18[%dma_start3A_175] : memref<4096xi32, #tpu.memory_space<vmem>> -> memref<128xi32, #tpu.memory_space<vmem>>
    %dma_start3A_177 = arith.constant 3072 : i32
    %dma_start3A_178 = tpu.memref_slice %arg16[%dma_start3A_177] : memref<4096xi32, #tpu.memory_space<vmem>> -> memref<128xi32, #tpu.memory_space<vmem>>
    %dma_start3A_179 = arith.constant 0 : i32
    %dma_start3A_180 = tpu.memref_slice %arg5[%dma_start3A_179] : memref<3200000xi32, #tpu.memory_space<hbm>> -> memref<3200000xi32, #tpu.memory_space<hbm>>
    tpu.enqueue_indirect_dma source(%dma_start3A_180 : memref<3200000xi32, #tpu.memory_space<hbm>>) target(%dma_start3A_176 : memref<128xi32, #tpu.memory_space<vmem>>) offsets(%dma_start3A_178 : memref<128xi32, #tpu.memory_space<vmem>>) semaphore(%arg25 : memref<!tpu.dma_semaphore, #tpu.memory_space<semaphore_mem>>)
    %dma_start3A_181 = arith.constant 3200 : i32
    %dma_start3A_182 = tpu.memref_slice %arg18[%dma_start3A_181] : memref<4096xi32, #tpu.memory_space<vmem>> -> memref<128xi32, #tpu.memory_space<vmem>>
    %dma_start3A_183 = arith.constant 3200 : i32
    %dma_start3A_184 = tpu.memref_slice %arg16[%dma_start3A_183] : memref<4096xi32, #tpu.memory_space<vmem>> -> memref<128xi32, #tpu.memory_space<vmem>>
    %dma_start3A_185 = arith.constant 0 : i32
    %dma_start3A_186 = tpu.memref_slice %arg5[%dma_start3A_185] : memref<3200000xi32, #tpu.memory_space<hbm>> -> memref<3200000xi32, #tpu.memory_space<hbm>>
    tpu.enqueue_indirect_dma source(%dma_start3A_186 : memref<3200000xi32, #tpu.memory_space<hbm>>) target(%dma_start3A_182 : memref<128xi32, #tpu.memory_space<vmem>>) offsets(%dma_start3A_184 : memref<128xi32, #tpu.memory_space<vmem>>) semaphore(%arg25 : memref<!tpu.dma_semaphore, #tpu.memory_space<semaphore_mem>>)
    %dma_start3A_187 = arith.constant 3328 : i32
    %dma_start3A_188 = tpu.memref_slice %arg18[%dma_start3A_187] : memref<4096xi32, #tpu.memory_space<vmem>> -> memref<128xi32, #tpu.memory_space<vmem>>
    %dma_start3A_189 = arith.constant 3328 : i32
    %dma_start3A_190 = tpu.memref_slice %arg16[%dma_start3A_189] : memref<4096xi32, #tpu.memory_space<vmem>> -> memref<128xi32, #tpu.memory_space<vmem>>
    %dma_start3A_191 = arith.constant 0 : i32
    %dma_start3A_192 = tpu.memref_slice %arg5[%dma_start3A_191] : memref<3200000xi32, #tpu.memory_space<hbm>> -> memref<3200000xi32, #tpu.memory_space<hbm>>
    tpu.enqueue_indirect_dma source(%dma_start3A_192 : memref<3200000xi32, #tpu.memory_space<hbm>>) target(%dma_start3A_188 : memref<128xi32, #tpu.memory_space<vmem>>) offsets(%dma_start3A_190 : memref<128xi32, #tpu.memory_space<vmem>>) semaphore(%arg25 : memref<!tpu.dma_semaphore, #tpu.memory_space<semaphore_mem>>)
    %dma_start3A_193 = arith.constant 3456 : i32
    %dma_start3A_194 = tpu.memref_slice %arg18[%dma_start3A_193] : memref<4096xi32, #tpu.memory_space<vmem>> -> memref<128xi32, #tpu.memory_space<vmem>>
    %dma_start3A_195 = arith.constant 3456 : i32
    %dma_start3A_196 = tpu.memref_slice %arg16[%dma_start3A_195] : memref<4096xi32, #tpu.memory_space<vmem>> -> memref<128xi32, #tpu.memory_space<vmem>>
    %dma_start3A_197 = arith.constant 0 : i32
    %dma_start3A_198 = tpu.memref_slice %arg5[%dma_start3A_197] : memref<3200000xi32, #tpu.memory_space<hbm>> -> memref<3200000xi32, #tpu.memory_space<hbm>>
    tpu.enqueue_indirect_dma source(%dma_start3A_198 : memref<3200000xi32, #tpu.memory_space<hbm>>) target(%dma_start3A_194 : memref<128xi32, #tpu.memory_space<vmem>>) offsets(%dma_start3A_196 : memref<128xi32, #tpu.memory_space<vmem>>) semaphore(%arg25 : memref<!tpu.dma_semaphore, #tpu.memory_space<semaphore_mem>>)
    %dma_start3A_199 = arith.constant 3584 : i32
    %dma_start3A_200 = tpu.memref_slice %arg18[%dma_start3A_199] : memref<4096xi32, #tpu.memory_space<vmem>> -> memref<128xi32, #tpu.memory_space<vmem>>
    %dma_start3A_201 = arith.constant 3584 : i32
    %dma_start3A_202 = tpu.memref_slice %arg16[%dma_start3A_201] : memref<4096xi32, #tpu.memory_space<vmem>> -> memref<128xi32, #tpu.memory_space<vmem>>
    %dma_start3A_203 = arith.constant 0 : i32
    %dma_start3A_204 = tpu.memref_slice %arg5[%dma_start3A_203] : memref<3200000xi32, #tpu.memory_space<hbm>> -> memref<3200000xi32, #tpu.memory_space<hbm>>
    tpu.enqueue_indirect_dma source(%dma_start3A_204 : memref<3200000xi32, #tpu.memory_space<hbm>>) target(%dma_start3A_200 : memref<128xi32, #tpu.memory_space<vmem>>) offsets(%dma_start3A_202 : memref<128xi32, #tpu.memory_space<vmem>>) semaphore(%arg25 : memref<!tpu.dma_semaphore, #tpu.memory_space<semaphore_mem>>)
    %dma_start3A_205 = arith.constant 3712 : i32
    %dma_start3A_206 = tpu.memref_slice %arg18[%dma_start3A_205] : memref<4096xi32, #tpu.memory_space<vmem>> -> memref<128xi32, #tpu.memory_space<vmem>>
    %dma_start3A_207 = arith.constant 3712 : i32
    %dma_start3A_208 = tpu.memref_slice %arg16[%dma_start3A_207] : memref<4096xi32, #tpu.memory_space<vmem>> -> memref<128xi32, #tpu.memory_space<vmem>>
    %dma_start3A_209 = arith.constant 0 : i32
    %dma_start3A_210 = tpu.memref_slice %arg5[%dma_start3A_209] : memref<3200000xi32, #tpu.memory_space<hbm>> -> memref<3200000xi32, #tpu.memory_space<hbm>>
    tpu.enqueue_indirect_dma source(%dma_start3A_210 : memref<3200000xi32, #tpu.memory_space<hbm>>) target(%dma_start3A_206 : memref<128xi32, #tpu.memory_space<vmem>>) offsets(%dma_start3A_208 : memref<128xi32, #tpu.memory_space<vmem>>) semaphore(%arg25 : memref<!tpu.dma_semaphore, #tpu.memory_space<semaphore_mem>>)
    %dma_start3A_211 = arith.constant 3840 : i32
    %dma_start3A_212 = tpu.memref_slice %arg18[%dma_start3A_211] : memref<4096xi32, #tpu.memory_space<vmem>> -> memref<128xi32, #tpu.memory_space<vmem>>
    %dma_start3A_213 = arith.constant 3840 : i32
    %dma_start3A_214 = tpu.memref_slice %arg16[%dma_start3A_213] : memref<4096xi32, #tpu.memory_space<vmem>> -> memref<128xi32, #tpu.memory_space<vmem>>
    %dma_start3A_215 = arith.constant 0 : i32
    %dma_start3A_216 = tpu.memref_slice %arg5[%dma_start3A_215] : memref<3200000xi32, #tpu.memory_space<hbm>> -> memref<3200000xi32, #tpu.memory_space<hbm>>
    tpu.enqueue_indirect_dma source(%dma_start3A_216 : memref<3200000xi32, #tpu.memory_space<hbm>>) target(%dma_start3A_212 : memref<128xi32, #tpu.memory_space<vmem>>) offsets(%dma_start3A_214 : memref<128xi32, #tpu.memory_space<vmem>>) semaphore(%arg25 : memref<!tpu.dma_semaphore, #tpu.memory_space<semaphore_mem>>)
    %dma_start3A_217 = arith.constant 3968 : i32
    %dma_start3A_218 = tpu.memref_slice %arg18[%dma_start3A_217] : memref<4096xi32, #tpu.memory_space<vmem>> -> memref<128xi32, #tpu.memory_space<vmem>>
    %dma_start3A_219 = arith.constant 3968 : i32
    %dma_start3A_220 = tpu.memref_slice %arg16[%dma_start3A_219] : memref<4096xi32, #tpu.memory_space<vmem>> -> memref<128xi32, #tpu.memory_space<vmem>>
    %dma_start3A_221 = arith.constant 0 : i32
    %dma_start3A_222 = tpu.memref_slice %arg5[%dma_start3A_221] : memref<3200000xi32, #tpu.memory_space<hbm>> -> memref<3200000xi32, #tpu.memory_space<hbm>>
    tpu.enqueue_indirect_dma source(%dma_start3A_222 : memref<3200000xi32, #tpu.memory_space<hbm>>) target(%dma_start3A_218 : memref<128xi32, #tpu.memory_space<vmem>>) offsets(%dma_start3A_220 : memref<128xi32, #tpu.memory_space<vmem>>) semaphore(%arg25 : memref<!tpu.dma_semaphore, #tpu.memory_space<semaphore_mem>>)
    %parallel_loop3A_223 = arith.constant 0 : i32
    %parallel_loop3A_224 = arith.constant 128 : i32
    %parallel_loop3A_225 = arith.constant 1 : i32
    scf.for %parallel_loop3A_1642 = %parallel_loop3A_223 to %parallel_loop3A_224 step %parallel_loop3A_225  : i32 {
      %parallel_loop3A_1643 = arith.constant 128 : i32
      %parallel_loop3A_1644 = arith.addi %parallel_loop3A_1643, %parallel_loop3A_1642 : i32
      %parallel_loop3A_1645 = vector.broadcast %parallel_loop3A_1644 : i32 to vector<16xi32>
      %parallel_loop3A_1646 = tpu.vector_load_idx %arg10[%parallel_loop3A_1645] : memref<512xi32, #tpu.memory_space<vmem>>[vector<16xi32>], vector<16xi32>,
      %parallel_loop3A_1647 = arith.constant 0 : i32
      %parallel_loop3A_1648 = vector.broadcast %parallel_loop3A_1647 : i32 to vector<16xi32>
      %parallel_loop3A_1649 = arith.addi %mul3A_18, %parallel_loop3A_1648 : vector<16xi32>
      %parallel_loop3A_1650 = arith.addi %parallel_loop3A_1646, %parallel_loop3A_1649 : vector<16xi32>
      %parallel_loop3A_1651 = arith.constant 32 : i32
      %parallel_loop3A_1652 = arith.muli %parallel_loop3A_1642, %parallel_loop3A_1651 : i32
      %parallel_loop3A_1653 = arith.constant 0 : i32
      %parallel_loop3A_1654 = arith.addi %parallel_loop3A_1652, %parallel_loop3A_1653 : i32
      %parallel_loop3A_1655 = arith.index_cast %parallel_loop3A_1654 : i32 to index
      %parallel_loop3A_1656 = tpu.vector_load %arg17[%parallel_loop3A_1655] {strides = array<i32>} : memref<4096xi32, #tpu.memory_space<vmem>>, vector<16xi32>,
      tpu.vector_store %arg17[%parallel_loop3A_1655], %parallel_loop3A_1650 {strides = array<i32>} : memref<4096xi32, #tpu.memory_space<vmem>>, vector<16xi32>,
      %parallel_loop3A_1657 = arith.constant 1600000 : i32
      %parallel_loop3A_1658 = vector.broadcast %parallel_loop3A_1657 : i32 to vector<16xi32>
      %parallel_loop3A_1659 = arith.addi %mul3A_18, %parallel_loop3A_1658 : vector<16xi32>
      %parallel_loop3A_1660 = arith.addi %parallel_loop3A_1646, %parallel_loop3A_1659 : vector<16xi32>
      %parallel_loop3A_1661 = arith.constant 32 : i32
      %parallel_loop3A_1662 = arith.muli %parallel_loop3A_1642, %parallel_loop3A_1661 : i32
      %parallel_loop3A_1663 = arith.constant 16 : i32
      %parallel_loop3A_1664 = arith.addi %parallel_loop3A_1662, %parallel_loop3A_1663 : i32
      %parallel_loop3A_1665 = arith.index_cast %parallel_loop3A_1664 : i32 to index
      %parallel_loop3A_1666 = tpu.vector_load %arg17[%parallel_loop3A_1665] {strides = array<i32>} : memref<4096xi32, #tpu.memory_space<vmem>>, vector<16xi32>,
      tpu.vector_store %arg17[%parallel_loop3A_1665], %parallel_loop3A_1660 {strides = array<i32>} : memref<4096xi32, #tpu.memory_space<vmem>>, vector<16xi32>,
    } {sc.loop_unroll_factor = 1 : i64, sc.parallel_access}
    %dma_start3A_226 = arith.constant 0 : i32
    %dma_start3A_227 = tpu.memref_slice %arg19[%dma_start3A_226] : memref<4096xi32, #tpu.memory_space<vmem>> -> memref<128xi32, #tpu.memory_space<vmem>>
    %dma_start3A_228 = arith.constant 0 : i32
    %dma_start3A_229 = tpu.memref_slice %arg17[%dma_start3A_228] : memref<4096xi32, #tpu.memory_space<vmem>> -> memref<128xi32, #tpu.memory_space<vmem>>
    %dma_start3A_230 = arith.constant 0 : i32
    %dma_start3A_231 = tpu.memref_slice %arg5[%dma_start3A_230] : memref<3200000xi32, #tpu.memory_space<hbm>> -> memref<3200000xi32, #tpu.memory_space<hbm>>
    tpu.enqueue_indirect_dma source(%dma_start3A_231 : memref<3200000xi32, #tpu.memory_space<hbm>>) target(%dma_start3A_227 : memref<128xi32, #tpu.memory_space<vmem>>) offsets(%dma_start3A_229 : memref<128xi32, #tpu.memory_space<vmem>>) semaphore(%arg25 : memref<!tpu.dma_semaphore, #tpu.memory_space<semaphore_mem>>)
    %dma_start3A_232 = arith.constant 128 : i32
    %dma_start3A_233 = tpu.memref_slice %arg19[%dma_start3A_232] : memref<4096xi32, #tpu.memory_space<vmem>> -> memref<128xi32, #tpu.memory_space<vmem>>
    %dma_start3A_234 = arith.constant 128 : i32
    %dma_start3A_235 = tpu.memref_slice %arg17[%dma_start3A_234] : memref<4096xi32, #tpu.memory_space<vmem>> -> memref<128xi32, #tpu.memory_space<vmem>>
    %dma_start3A_236 = arith.constant 0 : i32
    %dma_start3A_237 = tpu.memref_slice %arg5[%dma_start3A_236] : memref<3200000xi32, #tpu.memory_space<hbm>> -> memref<3200000xi32, #tpu.memory_space<hbm>>
    tpu.enqueue_indirect_dma source(%dma_start3A_237 : memref<3200000xi32, #tpu.memory_space<hbm>>) target(%dma_start3A_233 : memref<128xi32, #tpu.memory_space<vmem>>) offsets(%dma_start3A_235 : memref<128xi32, #tpu.memory_space<vmem>>) semaphore(%arg25 : memref<!tpu.dma_semaphore, #tpu.memory_space<semaphore_mem>>)
    %dma_start3A_238 = arith.constant 256 : i32
    %dma_start3A_239 = tpu.memref_slice %arg19[%dma_start3A_238] : memref<4096xi32, #tpu.memory_space<vmem>> -> memref<128xi32, #tpu.memory_space<vmem>>
    %dma_start3A_240 = arith.constant 256 : i32
    %dma_start3A_241 = tpu.memref_slice %arg17[%dma_start3A_240] : memref<4096xi32, #tpu.memory_space<vmem>> -> memref<128xi32, #tpu.memory_space<vmem>>
    %dma_start3A_242 = arith.constant 0 : i32
    %dma_start3A_243 = tpu.memref_slice %arg5[%dma_start3A_242] : memref<3200000xi32, #tpu.memory_space<hbm>> -> memref<3200000xi32, #tpu.memory_space<hbm>>
    tpu.enqueue_indirect_dma source(%dma_start3A_243 : memref<3200000xi32, #tpu.memory_space<hbm>>) target(%dma_start3A_239 : memref<128xi32, #tpu.memory_space<vmem>>) offsets(%dma_start3A_241 : memref<128xi32, #tpu.memory_space<vmem>>) semaphore(%arg25 : memref<!tpu.dma_semaphore, #tpu.memory_space<semaphore_mem>>)
    %dma_start3A_244 = arith.constant 384 : i32
    %dma_start3A_245 = tpu.memref_slice %arg19[%dma_start3A_244] : memref<4096xi32, #tpu.memory_space<vmem>> -> memref<128xi32, #tpu.memory_space<vmem>>
    %dma_start3A_246 = arith.constant 384 : i32
    %dma_start3A_247 = tpu.memref_slice %arg17[%dma_start3A_246] : memref<4096xi32, #tpu.memory_space<vmem>> -> memref<128xi32, #tpu.memory_space<vmem>>
    %dma_start3A_248 = arith.constant 0 : i32
    %dma_start3A_249 = tpu.memref_slice %arg5[%dma_start3A_248] : memref<3200000xi32, #tpu.memory_space<hbm>> -> memref<3200000xi32, #tpu.memory_space<hbm>>
    tpu.enqueue_indirect_dma source(%dma_start3A_249 : memref<3200000xi32, #tpu.memory_space<hbm>>) target(%dma_start3A_245 : memref<128xi32, #tpu.memory_space<vmem>>) offsets(%dma_start3A_247 : memref<128xi32, #tpu.memory_space<vmem>>) semaphore(%arg25 : memref<!tpu.dma_semaphore, #tpu.memory_space<semaphore_mem>>)
    %dma_start3A_250 = arith.constant 512 : i32
    %dma_start3A_251 = tpu.memref_slice %arg19[%dma_start3A_250] : memref<4096xi32, #tpu.memory_space<vmem>> -> memref<128xi32, #tpu.memory_space<vmem>>
    %dma_start3A_252 = arith.constant 512 : i32
    %dma_start3A_253 = tpu.memref_slice %arg17[%dma_start3A_252] : memref<4096xi32, #tpu.memory_space<vmem>> -> memref<128xi32, #tpu.memory_space<vmem>>
    %dma_start3A_254 = arith.constant 0 : i32
    %dma_start3A_255 = tpu.memref_slice %arg5[%dma_start3A_254] : memref<3200000xi32, #tpu.memory_space<hbm>> -> memref<3200000xi32, #tpu.memory_space<hbm>>
    tpu.enqueue_indirect_dma source(%dma_start3A_255 : memref<3200000xi32, #tpu.memory_space<hbm>>) target(%dma_start3A_251 : memref<128xi32, #tpu.memory_space<vmem>>) offsets(%dma_start3A_253 : memref<128xi32, #tpu.memory_space<vmem>>) semaphore(%arg25 : memref<!tpu.dma_semaphore, #tpu.memory_space<semaphore_mem>>)
    %dma_start3A_256 = arith.constant 640 : i32
    %dma_start3A_257 = tpu.memref_slice %arg19[%dma_start3A_256] : memref<4096xi32, #tpu.memory_space<vmem>> -> memref<128xi32, #tpu.memory_space<vmem>>
    %dma_start3A_258 = arith.constant 640 : i32
    %dma_start3A_259 = tpu.memref_slice %arg17[%dma_start3A_258] : memref<4096xi32, #tpu.memory_space<vmem>> -> memref<128xi32, #tpu.memory_space<vmem>>
    %dma_start3A_260 = arith.constant 0 : i32
    %dma_start3A_261 = tpu.memref_slice %arg5[%dma_start3A_260] : memref<3200000xi32, #tpu.memory_space<hbm>> -> memref<3200000xi32, #tpu.memory_space<hbm>>
    tpu.enqueue_indirect_dma source(%dma_start3A_261 : memref<3200000xi32, #tpu.memory_space<hbm>>) target(%dma_start3A_257 : memref<128xi32, #tpu.memory_space<vmem>>) offsets(%dma_start3A_259 : memref<128xi32, #tpu.memory_space<vmem>>) semaphore(%arg25 : memref<!tpu.dma_semaphore, #tpu.memory_space<semaphore_mem>>)
    %dma_start3A_262 = arith.constant 768 : i32
    %dma_start3A_263 = tpu.memref_slice %arg19[%dma_start3A_262] : memref<4096xi32, #tpu.memory_space<vmem>> -> memref<128xi32, #tpu.memory_space<vmem>>
    %dma_start3A_264 = arith.constant 768 : i32
    %dma_start3A_265 = tpu.memref_slice %arg17[%dma_start3A_264] : memref<4096xi32, #tpu.memory_space<vmem>> -> memref<128xi32, #tpu.memory_space<vmem>>
    %dma_start3A_266 = arith.constant 0 : i32
    %dma_start3A_267 = tpu.memref_slice %arg5[%dma_start3A_266] : memref<3200000xi32, #tpu.memory_space<hbm>> -> memref<3200000xi32, #tpu.memory_space<hbm>>
    tpu.enqueue_indirect_dma source(%dma_start3A_267 : memref<3200000xi32, #tpu.memory_space<hbm>>) target(%dma_start3A_263 : memref<128xi32, #tpu.memory_space<vmem>>) offsets(%dma_start3A_265 : memref<128xi32, #tpu.memory_space<vmem>>) semaphore(%arg25 : memref<!tpu.dma_semaphore, #tpu.memory_space<semaphore_mem>>)
    %dma_start3A_268 = arith.constant 896 : i32
    %dma_start3A_269 = tpu.memref_slice %arg19[%dma_start3A_268] : memref<4096xi32, #tpu.memory_space<vmem>> -> memref<128xi32, #tpu.memory_space<vmem>>
    %dma_start3A_270 = arith.constant 896 : i32
    %dma_start3A_271 = tpu.memref_slice %arg17[%dma_start3A_270] : memref<4096xi32, #tpu.memory_space<vmem>> -> memref<128xi32, #tpu.memory_space<vmem>>
    %dma_start3A_272 = arith.constant 0 : i32
    %dma_start3A_273 = tpu.memref_slice %arg5[%dma_start3A_272] : memref<3200000xi32, #tpu.memory_space<hbm>> -> memref<3200000xi32, #tpu.memory_space<hbm>>
    tpu.enqueue_indirect_dma source(%dma_start3A_273 : memref<3200000xi32, #tpu.memory_space<hbm>>) target(%dma_start3A_269 : memref<128xi32, #tpu.memory_space<vmem>>) offsets(%dma_start3A_271 : memref<128xi32, #tpu.memory_space<vmem>>) semaphore(%arg25 : memref<!tpu.dma_semaphore, #tpu.memory_space<semaphore_mem>>)
    %dma_start3A_274 = arith.constant 1024 : i32
    %dma_start3A_275 = tpu.memref_slice %arg19[%dma_start3A_274] : memref<4096xi32, #tpu.memory_space<vmem>> -> memref<128xi32, #tpu.memory_space<vmem>>
    %dma_start3A_276 = arith.constant 1024 : i32
    %dma_start3A_277 = tpu.memref_slice %arg17[%dma_start3A_276] : memref<4096xi32, #tpu.memory_space<vmem>> -> memref<128xi32, #tpu.memory_space<vmem>>
    %dma_start3A_278 = arith.constant 0 : i32
    %dma_start3A_279 = tpu.memref_slice %arg5[%dma_start3A_278] : memref<3200000xi32, #tpu.memory_space<hbm>> -> memref<3200000xi32, #tpu.memory_space<hbm>>
    tpu.enqueue_indirect_dma source(%dma_start3A_279 : memref<3200000xi32, #tpu.memory_space<hbm>>) target(%dma_start3A_275 : memref<128xi32, #tpu.memory_space<vmem>>) offsets(%dma_start3A_277 : memref<128xi32, #tpu.memory_space<vmem>>) semaphore(%arg25 : memref<!tpu.dma_semaphore, #tpu.memory_space<semaphore_mem>>)
    %dma_start3A_280 = arith.constant 1152 : i32
    %dma_start3A_281 = tpu.memref_slice %arg19[%dma_start3A_280] : memref<4096xi32, #tpu.memory_space<vmem>> -> memref<128xi32, #tpu.memory_space<vmem>>
    %dma_start3A_282 = arith.constant 1152 : i32
    %dma_start3A_283 = tpu.memref_slice %arg17[%dma_start3A_282] : memref<4096xi32, #tpu.memory_space<vmem>> -> memref<128xi32, #tpu.memory_space<vmem>>
    %dma_start3A_284 = arith.constant 0 : i32
    %dma_start3A_285 = tpu.memref_slice %arg5[%dma_start3A_284] : memref<3200000xi32, #tpu.memory_space<hbm>> -> memref<3200000xi32, #tpu.memory_space<hbm>>
    tpu.enqueue_indirect_dma source(%dma_start3A_285 : memref<3200000xi32, #tpu.memory_space<hbm>>) target(%dma_start3A_281 : memref<128xi32, #tpu.memory_space<vmem>>) offsets(%dma_start3A_283 : memref<128xi32, #tpu.memory_space<vmem>>) semaphore(%arg25 : memref<!tpu.dma_semaphore, #tpu.memory_space<semaphore_mem>>)
    %dma_start3A_286 = arith.constant 1280 : i32
    %dma_start3A_287 = tpu.memref_slice %arg19[%dma_start3A_286] : memref<4096xi32, #tpu.memory_space<vmem>> -> memref<128xi32, #tpu.memory_space<vmem>>
    %dma_start3A_288 = arith.constant 1280 : i32
    %dma_start3A_289 = tpu.memref_slice %arg17[%dma_start3A_288] : memref<4096xi32, #tpu.memory_space<vmem>> -> memref<128xi32, #tpu.memory_space<vmem>>
    %dma_start3A_290 = arith.constant 0 : i32
    %dma_start3A_291 = tpu.memref_slice %arg5[%dma_start3A_290] : memref<3200000xi32, #tpu.memory_space<hbm>> -> memref<3200000xi32, #tpu.memory_space<hbm>>
    tpu.enqueue_indirect_dma source(%dma_start3A_291 : memref<3200000xi32, #tpu.memory_space<hbm>>) target(%dma_start3A_287 : memref<128xi32, #tpu.memory_space<vmem>>) offsets(%dma_start3A_289 : memref<128xi32, #tpu.memory_space<vmem>>) semaphore(%arg25 : memref<!tpu.dma_semaphore, #tpu.memory_space<semaphore_mem>>)
    %dma_start3A_292 = arith.constant 1408 : i32
    %dma_start3A_293 = tpu.memref_slice %arg19[%dma_start3A_292] : memref<4096xi32, #tpu.memory_space<vmem>> -> memref<128xi32, #tpu.memory_space<vmem>>
    %dma_start3A_294 = arith.constant 1408 : i32
    %dma_start3A_295 = tpu.memref_slice %arg17[%dma_start3A_294] : memref<4096xi32, #tpu.memory_space<vmem>> -> memref<128xi32, #tpu.memory_space<vmem>>
    %dma_start3A_296 = arith.constant 0 : i32
    %dma_start3A_297 = tpu.memref_slice %arg5[%dma_start3A_296] : memref<3200000xi32, #tpu.memory_space<hbm>> -> memref<3200000xi32, #tpu.memory_space<hbm>>
    tpu.enqueue_indirect_dma source(%dma_start3A_297 : memref<3200000xi32, #tpu.memory_space<hbm>>) target(%dma_start3A_293 : memref<128xi32, #tpu.memory_space<vmem>>) offsets(%dma_start3A_295 : memref<128xi32, #tpu.memory_space<vmem>>) semaphore(%arg25 : memref<!tpu.dma_semaphore, #tpu.memory_space<semaphore_mem>>)
    %dma_start3A_298 = arith.constant 1536 : i32
    %dma_start3A_299 = tpu.memref_slice %arg19[%dma_start3A_298] : memref<4096xi32, #tpu.memory_space<vmem>> -> memref<128xi32, #tpu.memory_space<vmem>>
    %dma_start3A_300 = arith.constant 1536 : i32
    %dma_start3A_301 = tpu.memref_slice %arg17[%dma_start3A_300] : memref<4096xi32, #tpu.memory_space<vmem>> -> memref<128xi32, #tpu.memory_space<vmem>>
    %dma_start3A_302 = arith.constant 0 : i32
    %dma_start3A_303 = tpu.memref_slice %arg5[%dma_start3A_302] : memref<3200000xi32, #tpu.memory_space<hbm>> -> memref<3200000xi32, #tpu.memory_space<hbm>>
    tpu.enqueue_indirect_dma source(%dma_start3A_303 : memref<3200000xi32, #tpu.memory_space<hbm>>) target(%dma_start3A_299 : memref<128xi32, #tpu.memory_space<vmem>>) offsets(%dma_start3A_301 : memref<128xi32, #tpu.memory_space<vmem>>) semaphore(%arg25 : memref<!tpu.dma_semaphore, #tpu.memory_space<semaphore_mem>>)
    %dma_start3A_304 = arith.constant 1664 : i32
    %dma_start3A_305 = tpu.memref_slice %arg19[%dma_start3A_304] : memref<4096xi32, #tpu.memory_space<vmem>> -> memref<128xi32, #tpu.memory_space<vmem>>
    %dma_start3A_306 = arith.constant 1664 : i32
    %dma_start3A_307 = tpu.memref_slice %arg17[%dma_start3A_306] : memref<4096xi32, #tpu.memory_space<vmem>> -> memref<128xi32, #tpu.memory_space<vmem>>
    %dma_start3A_308 = arith.constant 0 : i32
    %dma_start3A_309 = tpu.memref_slice %arg5[%dma_start3A_308] : memref<3200000xi32, #tpu.memory_space<hbm>> -> memref<3200000xi32, #tpu.memory_space<hbm>>
    tpu.enqueue_indirect_dma source(%dma_start3A_309 : memref<3200000xi32, #tpu.memory_space<hbm>>) target(%dma_start3A_305 : memref<128xi32, #tpu.memory_space<vmem>>) offsets(%dma_start3A_307 : memref<128xi32, #tpu.memory_space<vmem>>) semaphore(%arg25 : memref<!tpu.dma_semaphore, #tpu.memory_space<semaphore_mem>>)
    %dma_start3A_310 = arith.constant 1792 : i32
    %dma_start3A_311 = tpu.memref_slice %arg19[%dma_start3A_310] : memref<4096xi32, #tpu.memory_space<vmem>> -> memref<128xi32, #tpu.memory_space<vmem>>
    %dma_start3A_312 = arith.constant 1792 : i32
    %dma_start3A_313 = tpu.memref_slice %arg17[%dma_start3A_312] : memref<4096xi32, #tpu.memory_space<vmem>> -> memref<128xi32, #tpu.memory_space<vmem>>
    %dma_start3A_314 = arith.constant 0 : i32
    %dma_start3A_315 = tpu.memref_slice %arg5[%dma_start3A_314] : memref<3200000xi32, #tpu.memory_space<hbm>> -> memref<3200000xi32, #tpu.memory_space<hbm>>
    tpu.enqueue_indirect_dma source(%dma_start3A_315 : memref<3200000xi32, #tpu.memory_space<hbm>>) target(%dma_start3A_311 : memref<128xi32, #tpu.memory_space<vmem>>) offsets(%dma_start3A_313 : memref<128xi32, #tpu.memory_space<vmem>>) semaphore(%arg25 : memref<!tpu.dma_semaphore, #tpu.memory_space<semaphore_mem>>)
    %dma_start3A_316 = arith.constant 1920 : i32
    %dma_start3A_317 = tpu.memref_slice %arg19[%dma_start3A_316] : memref<4096xi32, #tpu.memory_space<vmem>> -> memref<128xi32, #tpu.memory_space<vmem>>
    %dma_start3A_318 = arith.constant 1920 : i32
    %dma_start3A_319 = tpu.memref_slice %arg17[%dma_start3A_318] : memref<4096xi32, #tpu.memory_space<vmem>> -> memref<128xi32, #tpu.memory_space<vmem>>
    %dma_start3A_320 = arith.constant 0 : i32
    %dma_start3A_321 = tpu.memref_slice %arg5[%dma_start3A_320] : memref<3200000xi32, #tpu.memory_space<hbm>> -> memref<3200000xi32, #tpu.memory_space<hbm>>
    tpu.enqueue_indirect_dma source(%dma_start3A_321 : memref<3200000xi32, #tpu.memory_space<hbm>>) target(%dma_start3A_317 : memref<128xi32, #tpu.memory_space<vmem>>) offsets(%dma_start3A_319 : memref<128xi32, #tpu.memory_space<vmem>>) semaphore(%arg25 : memref<!tpu.dma_semaphore, #tpu.memory_space<semaphore_mem>>)
    %dma_start3A_322 = arith.constant 2048 : i32
    %dma_start3A_323 = tpu.memref_slice %arg19[%dma_start3A_322] : memref<4096xi32, #tpu.memory_space<vmem>> -> memref<128xi32, #tpu.memory_space<vmem>>
    %dma_start3A_324 = arith.constant 2048 : i32
    %dma_start3A_325 = tpu.memref_slice %arg17[%dma_start3A_324] : memref<4096xi32, #tpu.memory_space<vmem>> -> memref<128xi32, #tpu.memory_space<vmem>>
    %dma_start3A_326 = arith.constant 0 : i32
    %dma_start3A_327 = tpu.memref_slice %arg5[%dma_start3A_326] : memref<3200000xi32, #tpu.memory_space<hbm>> -> memref<3200000xi32, #tpu.memory_space<hbm>>
    tpu.enqueue_indirect_dma source(%dma_start3A_327 : memref<3200000xi32, #tpu.memory_space<hbm>>) target(%dma_start3A_323 : memref<128xi32, #tpu.memory_space<vmem>>) offsets(%dma_start3A_325 : memref<128xi32, #tpu.memory_space<vmem>>) semaphore(%arg25 : memref<!tpu.dma_semaphore, #tpu.memory_space<semaphore_mem>>)
    %dma_start3A_328 = arith.constant 2176 : i32
    %dma_start3A_329 = tpu.memref_slice %arg19[%dma_start3A_328] : memref<4096xi32, #tpu.memory_space<vmem>> -> memref<128xi32, #tpu.memory_space<vmem>>
    %dma_start3A_330 = arith.constant 2176 : i32
    %dma_start3A_331 = tpu.memref_slice %arg17[%dma_start3A_330] : memref<4096xi32, #tpu.memory_space<vmem>> -> memref<128xi32, #tpu.memory_space<vmem>>
    %dma_start3A_332 = arith.constant 0 : i32
    %dma_start3A_333 = tpu.memref_slice %arg5[%dma_start3A_332] : memref<3200000xi32, #tpu.memory_space<hbm>> -> memref<3200000xi32, #tpu.memory_space<hbm>>
    tpu.enqueue_indirect_dma source(%dma_start3A_333 : memref<3200000xi32, #tpu.memory_space<hbm>>) target(%dma_start3A_329 : memref<128xi32, #tpu.memory_space<vmem>>) offsets(%dma_start3A_331 : memref<128xi32, #tpu.memory_space<vmem>>) semaphore(%arg25 : memref<!tpu.dma_semaphore, #tpu.memory_space<semaphore_mem>>)
    %dma_start3A_334 = arith.constant 2304 : i32
    %dma_start3A_335 = tpu.memref_slice %arg19[%dma_start3A_334] : memref<4096xi32, #tpu.memory_space<vmem>> -> memref<128xi32, #tpu.memory_space<vmem>>
    %dma_start3A_336 = arith.constant 2304 : i32
    %dma_start3A_337 = tpu.memref_slice %arg17[%dma_start3A_336] : memref<4096xi32, #tpu.memory_space<vmem>> -> memref<128xi32, #tpu.memory_space<vmem>>
    %dma_start3A_338 = arith.constant 0 : i32
    %dma_start3A_339 = tpu.memref_slice %arg5[%dma_start3A_338] : memref<3200000xi32, #tpu.memory_space<hbm>> -> memref<3200000xi32, #tpu.memory_space<hbm>>
    tpu.enqueue_indirect_dma source(%dma_start3A_339 : memref<3200000xi32, #tpu.memory_space<hbm>>) target(%dma_start3A_335 : memref<128xi32, #tpu.memory_space<vmem>>) offsets(%dma_start3A_337 : memref<128xi32, #tpu.memory_space<vmem>>) semaphore(%arg25 : memref<!tpu.dma_semaphore, #tpu.memory_space<semaphore_mem>>)
    %dma_start3A_340 = arith.constant 2432 : i32
    %dma_start3A_341 = tpu.memref_slice %arg19[%dma_start3A_340] : memref<4096xi32, #tpu.memory_space<vmem>> -> memref<128xi32, #tpu.memory_space<vmem>>
    %dma_start3A_342 = arith.constant 2432 : i32
    %dma_start3A_343 = tpu.memref_slice %arg17[%dma_start3A_342] : memref<4096xi32, #tpu.memory_space<vmem>> -> memref<128xi32, #tpu.memory_space<vmem>>
    %dma_start3A_344 = arith.constant 0 : i32
    %dma_start3A_345 = tpu.memref_slice %arg5[%dma_start3A_344] : memref<3200000xi32, #tpu.memory_space<hbm>> -> memref<3200000xi32, #tpu.memory_space<hbm>>
    tpu.enqueue_indirect_dma source(%dma_start3A_345 : memref<3200000xi32, #tpu.memory_space<hbm>>) target(%dma_start3A_341 : memref<128xi32, #tpu.memory_space<vmem>>) offsets(%dma_start3A_343 : memref<128xi32, #tpu.memory_space<vmem>>) semaphore(%arg25 : memref<!tpu.dma_semaphore, #tpu.memory_space<semaphore_mem>>)
    %dma_start3A_346 = arith.constant 2560 : i32
    %dma_start3A_347 = tpu.memref_slice %arg19[%dma_start3A_346] : memref<4096xi32, #tpu.memory_space<vmem>> -> memref<128xi32, #tpu.memory_space<vmem>>
    %dma_start3A_348 = arith.constant 2560 : i32
    %dma_start3A_349 = tpu.memref_slice %arg17[%dma_start3A_348] : memref<4096xi32, #tpu.memory_space<vmem>> -> memref<128xi32, #tpu.memory_space<vmem>>
    %dma_start3A_350 = arith.constant 0 : i32
    %dma_start3A_351 = tpu.memref_slice %arg5[%dma_start3A_350] : memref<3200000xi32, #tpu.memory_space<hbm>> -> memref<3200000xi32, #tpu.memory_space<hbm>>
    tpu.enqueue_indirect_dma source(%dma_start3A_351 : memref<3200000xi32, #tpu.memory_space<hbm>>) target(%dma_start3A_347 : memref<128xi32, #tpu.memory_space<vmem>>) offsets(%dma_start3A_349 : memref<128xi32, #tpu.memory_space<vmem>>) semaphore(%arg25 : memref<!tpu.dma_semaphore, #tpu.memory_space<semaphore_mem>>)
    %dma_start3A_352 = arith.constant 2688 : i32
    %dma_start3A_353 = tpu.memref_slice %arg19[%dma_start3A_352] : memref<4096xi32, #tpu.memory_space<vmem>> -> memref<128xi32, #tpu.memory_space<vmem>>
    %dma_start3A_354 = arith.constant 2688 : i32
    %dma_start3A_355 = tpu.memref_slice %arg17[%dma_start3A_354] : memref<4096xi32, #tpu.memory_space<vmem>> -> memref<128xi32, #tpu.memory_space<vmem>>
    %dma_start3A_356 = arith.constant 0 : i32
    %dma_start3A_357 = tpu.memref_slice %arg5[%dma_start3A_356] : memref<3200000xi32, #tpu.memory_space<hbm>> -> memref<3200000xi32, #tpu.memory_space<hbm>>
    tpu.enqueue_indirect_dma source(%dma_start3A_357 : memref<3200000xi32, #tpu.memory_space<hbm>>) target(%dma_start3A_353 : memref<128xi32, #tpu.memory_space<vmem>>) offsets(%dma_start3A_355 : memref<128xi32, #tpu.memory_space<vmem>>) semaphore(%arg25 : memref<!tpu.dma_semaphore, #tpu.memory_space<semaphore_mem>>)
    %dma_start3A_358 = arith.constant 2816 : i32
    %dma_start3A_359 = tpu.memref_slice %arg19[%dma_start3A_358] : memref<4096xi32, #tpu.memory_space<vmem>> -> memref<128xi32, #tpu.memory_space<vmem>>
    %dma_start3A_360 = arith.constant 2816 : i32
    %dma_start3A_361 = tpu.memref_slice %arg17[%dma_start3A_360] : memref<4096xi32, #tpu.memory_space<vmem>> -> memref<128xi32, #tpu.memory_space<vmem>>
    %dma_start3A_362 = arith.constant 0 : i32
    %dma_start3A_363 = tpu.memref_slice %arg5[%dma_start3A_362] : memref<3200000xi32, #tpu.memory_space<hbm>> -> memref<3200000xi32, #tpu.memory_space<hbm>>
    tpu.enqueue_indirect_dma source(%dma_start3A_363 : memref<3200000xi32, #tpu.memory_space<hbm>>) target(%dma_start3A_359 : memref<128xi32, #tpu.memory_space<vmem>>) offsets(%dma_start3A_361 : memref<128xi32, #tpu.memory_space<vmem>>) semaphore(%arg25 : memref<!tpu.dma_semaphore, #tpu.memory_space<semaphore_mem>>)
    %dma_start3A_364 = arith.constant 2944 : i32
    %dma_start3A_365 = tpu.memref_slice %arg19[%dma_start3A_364] : memref<4096xi32, #tpu.memory_space<vmem>> -> memref<128xi32, #tpu.memory_space<vmem>>
    %dma_start3A_366 = arith.constant 2944 : i32
    %dma_start3A_367 = tpu.memref_slice %arg17[%dma_start3A_366] : memref<4096xi32, #tpu.memory_space<vmem>> -> memref<128xi32, #tpu.memory_space<vmem>>
    %dma_start3A_368 = arith.constant 0 : i32
    %dma_start3A_369 = tpu.memref_slice %arg5[%dma_start3A_368] : memref<3200000xi32, #tpu.memory_space<hbm>> -> memref<3200000xi32, #tpu.memory_space<hbm>>
    tpu.enqueue_indirect_dma source(%dma_start3A_369 : memref<3200000xi32, #tpu.memory_space<hbm>>) target(%dma_start3A_365 : memref<128xi32, #tpu.memory_space<vmem>>) offsets(%dma_start3A_367 : memref<128xi32, #tpu.memory_space<vmem>>) semaphore(%arg25 : memref<!tpu.dma_semaphore, #tpu.memory_space<semaphore_mem>>)
    %dma_start3A_370 = arith.constant 3072 : i32
    %dma_start3A_371 = tpu.memref_slice %arg19[%dma_start3A_370] : memref<4096xi32, #tpu.memory_space<vmem>> -> memref<128xi32, #tpu.memory_space<vmem>>
    %dma_start3A_372 = arith.constant 3072 : i32
    %dma_start3A_373 = tpu.memref_slice %arg17[%dma_start3A_372] : memref<4096xi32, #tpu.memory_space<vmem>> -> memref<128xi32, #tpu.memory_space<vmem>>
    %dma_start3A_374 = arith.constant 0 : i32
    %dma_start3A_375 = tpu.memref_slice %arg5[%dma_start3A_374] : memref<3200000xi32, #tpu.memory_space<hbm>> -> memref<3200000xi32, #tpu.memory_space<hbm>>
    tpu.enqueue_indirect_dma source(%dma_start3A_375 : memref<3200000xi32, #tpu.memory_space<hbm>>) target(%dma_start3A_371 : memref<128xi32, #tpu.memory_space<vmem>>) offsets(%dma_start3A_373 : memref<128xi32, #tpu.memory_space<vmem>>) semaphore(%arg25 : memref<!tpu.dma_semaphore, #tpu.memory_space<semaphore_mem>>)
    %dma_start3A_376 = arith.constant 3200 : i32
    %dma_start3A_377 = tpu.memref_slice %arg19[%dma_start3A_376] : memref<4096xi32, #tpu.memory_space<vmem>> -> memref<128xi32, #tpu.memory_space<vmem>>
    %dma_start3A_378 = arith.constant 3200 : i32
    %dma_start3A_379 = tpu.memref_slice %arg17[%dma_start3A_378] : memref<4096xi32, #tpu.memory_space<vmem>> -> memref<128xi32, #tpu.memory_space<vmem>>
    %dma_start3A_380 = arith.constant 0 : i32
    %dma_start3A_381 = tpu.memref_slice %arg5[%dma_start3A_380] : memref<3200000xi32, #tpu.memory_space<hbm>> -> memref<3200000xi32, #tpu.memory_space<hbm>>
    tpu.enqueue_indirect_dma source(%dma_start3A_381 : memref<3200000xi32, #tpu.memory_space<hbm>>) target(%dma_start3A_377 : memref<128xi32, #tpu.memory_space<vmem>>) offsets(%dma_start3A_379 : memref<128xi32, #tpu.memory_space<vmem>>) semaphore(%arg25 : memref<!tpu.dma_semaphore, #tpu.memory_space<semaphore_mem>>)
    %dma_start3A_382 = arith.constant 3328 : i32
    %dma_start3A_383 = tpu.memref_slice %arg19[%dma_start3A_382] : memref<4096xi32, #tpu.memory_space<vmem>> -> memref<128xi32, #tpu.memory_space<vmem>>
    %dma_start3A_384 = arith.constant 3328 : i32
    %dma_start3A_385 = tpu.memref_slice %arg17[%dma_start3A_384] : memref<4096xi32, #tpu.memory_space<vmem>> -> memref<128xi32, #tpu.memory_space<vmem>>
    %dma_start3A_386 = arith.constant 0 : i32
    %dma_start3A_387 = tpu.memref_slice %arg5[%dma_start3A_386] : memref<3200000xi32, #tpu.memory_space<hbm>> -> memref<3200000xi32, #tpu.memory_space<hbm>>
    tpu.enqueue_indirect_dma source(%dma_start3A_387 : memref<3200000xi32, #tpu.memory_space<hbm>>) target(%dma_start3A_383 : memref<128xi32, #tpu.memory_space<vmem>>) offsets(%dma_start3A_385 : memref<128xi32, #tpu.memory_space<vmem>>) semaphore(%arg25 : memref<!tpu.dma_semaphore, #tpu.memory_space<semaphore_mem>>)
    %dma_start3A_388 = arith.constant 3456 : i32
    %dma_start3A_389 = tpu.memref_slice %arg19[%dma_start3A_388] : memref<4096xi32, #tpu.memory_space<vmem>> -> memref<128xi32, #tpu.memory_space<vmem>>
    %dma_start3A_390 = arith.constant 3456 : i32
    %dma_start3A_391 = tpu.memref_slice %arg17[%dma_start3A_390] : memref<4096xi32, #tpu.memory_space<vmem>> -> memref<128xi32, #tpu.memory_space<vmem>>
    %dma_start3A_392 = arith.constant 0 : i32
    %dma_start3A_393 = tpu.memref_slice %arg5[%dma_start3A_392] : memref<3200000xi32, #tpu.memory_space<hbm>> -> memref<3200000xi32, #tpu.memory_space<hbm>>
    tpu.enqueue_indirect_dma source(%dma_start3A_393 : memref<3200000xi32, #tpu.memory_space<hbm>>) target(%dma_start3A_389 : memref<128xi32, #tpu.memory_space<vmem>>) offsets(%dma_start3A_391 : memref<128xi32, #tpu.memory_space<vmem>>) semaphore(%arg25 : memref<!tpu.dma_semaphore, #tpu.memory_space<semaphore_mem>>)
    %dma_start3A_394 = arith.constant 3584 : i32
    %dma_start3A_395 = tpu.memref_slice %arg19[%dma_start3A_394] : memref<4096xi32, #tpu.memory_space<vmem>> -> memref<128xi32, #tpu.memory_space<vmem>>
    %dma_start3A_396 = arith.constant 3584 : i32
    %dma_start3A_397 = tpu.memref_slice %arg17[%dma_start3A_396] : memref<4096xi32, #tpu.memory_space<vmem>> -> memref<128xi32, #tpu.memory_space<vmem>>
    %dma_start3A_398 = arith.constant 0 : i32
    %dma_start3A_399 = tpu.memref_slice %arg5[%dma_start3A_398] : memref<3200000xi32, #tpu.memory_space<hbm>> -> memref<3200000xi32, #tpu.memory_space<hbm>>
    tpu.enqueue_indirect_dma source(%dma_start3A_399 : memref<3200000xi32, #tpu.memory_space<hbm>>) target(%dma_start3A_395 : memref<128xi32, #tpu.memory_space<vmem>>) offsets(%dma_start3A_397 : memref<128xi32, #tpu.memory_space<vmem>>) semaphore(%arg25 : memref<!tpu.dma_semaphore, #tpu.memory_space<semaphore_mem>>)
    %dma_start3A_400 = arith.constant 3712 : i32
    %dma_start3A_401 = tpu.memref_slice %arg19[%dma_start3A_400] : memref<4096xi32, #tpu.memory_space<vmem>> -> memref<128xi32, #tpu.memory_space<vmem>>
    %dma_start3A_402 = arith.constant 3712 : i32
    %dma_start3A_403 = tpu.memref_slice %arg17[%dma_start3A_402] : memref<4096xi32, #tpu.memory_space<vmem>> -> memref<128xi32, #tpu.memory_space<vmem>>
    %dma_start3A_404 = arith.constant 0 : i32
    %dma_start3A_405 = tpu.memref_slice %arg5[%dma_start3A_404] : memref<3200000xi32, #tpu.memory_space<hbm>> -> memref<3200000xi32, #tpu.memory_space<hbm>>
    tpu.enqueue_indirect_dma source(%dma_start3A_405 : memref<3200000xi32, #tpu.memory_space<hbm>>) target(%dma_start3A_401 : memref<128xi32, #tpu.memory_space<vmem>>) offsets(%dma_start3A_403 : memref<128xi32, #tpu.memory_space<vmem>>) semaphore(%arg25 : memref<!tpu.dma_semaphore, #tpu.memory_space<semaphore_mem>>)
    %dma_start3A_406 = arith.constant 3840 : i32
    %dma_start3A_407 = tpu.memref_slice %arg19[%dma_start3A_406] : memref<4096xi32, #tpu.memory_space<vmem>> -> memref<128xi32, #tpu.memory_space<vmem>>
    %dma_start3A_408 = arith.constant 3840 : i32
    %dma_start3A_409 = tpu.memref_slice %arg17[%dma_start3A_408] : memref<4096xi32, #tpu.memory_space<vmem>> -> memref<128xi32, #tpu.memory_space<vmem>>
    %dma_start3A_410 = arith.constant 0 : i32
    %dma_start3A_411 = tpu.memref_slice %arg5[%dma_start3A_410] : memref<3200000xi32, #tpu.memory_space<hbm>> -> memref<3200000xi32, #tpu.memory_space<hbm>>
    tpu.enqueue_indirect_dma source(%dma_start3A_411 : memref<3200000xi32, #tpu.memory_space<hbm>>) target(%dma_start3A_407 : memref<128xi32, #tpu.memory_space<vmem>>) offsets(%dma_start3A_409 : memref<128xi32, #tpu.memory_space<vmem>>) semaphore(%arg25 : memref<!tpu.dma_semaphore, #tpu.memory_space<semaphore_mem>>)
    %dma_start3A_412 = arith.constant 3968 : i32
    %dma_start3A_413 = tpu.memref_slice %arg19[%dma_start3A_412] : memref<4096xi32, #tpu.memory_space<vmem>> -> memref<128xi32, #tpu.memory_space<vmem>>
    %dma_start3A_414 = arith.constant 3968 : i32
    %dma_start3A_415 = tpu.memref_slice %arg17[%dma_start3A_414] : memref<4096xi32, #tpu.memory_space<vmem>> -> memref<128xi32, #tpu.memory_space<vmem>>
    %dma_start3A_416 = arith.constant 0 : i32
    %dma_start3A_417 = tpu.memref_slice %arg5[%dma_start3A_416] : memref<3200000xi32, #tpu.memory_space<hbm>> -> memref<3200000xi32, #tpu.memory_space<hbm>>
    tpu.enqueue_indirect_dma source(%dma_start3A_417 : memref<3200000xi32, #tpu.memory_space<hbm>>) target(%dma_start3A_413 : memref<128xi32, #tpu.memory_space<vmem>>) offsets(%dma_start3A_415 : memref<128xi32, #tpu.memory_space<vmem>>) semaphore(%arg25 : memref<!tpu.dma_semaphore, #tpu.memory_space<semaphore_mem>>)
    %dma_wait3A = tpu.memref_slice %arg6[%multiple_of3A] : memref<200000xi32, #tpu.memory_space<hbm>> -> memref<12544xi32, #tpu.memory_space<hbm>>
    %dma_wait3A_418 = tpu.memref_slice %arg6[%multiple_of3A] : memref<200000xi32, #tpu.memory_space<hbm>> -> memref<12544xi32, #tpu.memory_space<hbm>>
    tpu.wait_dma2 semaphore(%arg27 : memref<!tpu.dma_semaphore, #tpu.memory_space<semaphore_mem>>) src(%dma_wait3A_418 : memref<12544xi32, #tpu.memory_space<hbm>>) dst(%arg14 : memref<12544xi32, #tpu.memory_space<vmem>>)
    %parallel_loop3A_419 = arith.constant 0 : i32
    %parallel_loop3A_420 = arith.constant 98 : i32
    %parallel_loop3A_421 = arith.constant 1 : i32
    scf.for %parallel_loop3A_1642 = %parallel_loop3A_419 to %parallel_loop3A_420 step %parallel_loop3A_421  : i32 {
      %parallel_loop3A_1643 = arith.constant 16 : i32
      %parallel_loop3A_1644 = arith.muli %parallel_loop3A_1642, %parallel_loop3A_1643 : i32
      %parallel_loop3A_1645 = vector.broadcast %parallel_loop3A_1644 : i32 to vector<16xi32>
      %parallel_loop3A_1646 = arith.addi %parallel_loop3A_1645, %iota3A : vector<16xi32>
      %parallel_loop3A_1647 = arith.constant 8 : i32
      %parallel_loop3A_1648 = vector.broadcast %parallel_loop3A_1647 : i32 to vector<16xi32>
      %parallel_loop3A_1649 = arith.muli %parallel_loop3A_1646, %parallel_loop3A_1648 : vector<16xi32>
      %parallel_loop3A_1650 = tpu.vector_load_idx %arg14[%parallel_loop3A_1649] : memref<12544xi32, #tpu.memory_space<vmem>>[vector<16xi32>], vector<16xi32>,
      %parallel_loop3A_1651 = arith.constant 1 : i32
      %parallel_loop3A_1652 = vector.broadcast %parallel_loop3A_1651 : i32 to vector<16xi32>
      %parallel_loop3A_1653 = arith.addi %parallel_loop3A_1649, %parallel_loop3A_1652 : vector<16xi32>
      %parallel_loop3A_1654 = tpu.vector_load_idx %arg14[%parallel_loop3A_1653] : memref<12544xi32, #tpu.memory_space<vmem>>[vector<16xi32>], vector<16xi32>,
      %parallel_loop3A_1655 = arith.constant 4 : i32
      %parallel_loop3A_1656 = vector.broadcast %parallel_loop3A_1655 : i32 to vector<16xi32>
      %parallel_loop3A_1657 = arith.shli %parallel_loop3A_1654, %parallel_loop3A_1656 : vector<16xi32>
      %parallel_loop3A_1658 = arith.ori %parallel_loop3A_1650, %parallel_loop3A_1657 : vector<16xi32>
      %parallel_loop3A_1659 = arith.constant 2 : i32
      %parallel_loop3A_1660 = vector.broadcast %parallel_loop3A_1659 : i32 to vector<16xi32>
      %parallel_loop3A_1661 = arith.addi %parallel_loop3A_1649, %parallel_loop3A_1660 : vector<16xi32>
      %parallel_loop3A_1662 = tpu.vector_load_idx %arg14[%parallel_loop3A_1661] : memref<12544xi32, #tpu.memory_space<vmem>>[vector<16xi32>], vector<16xi32>,
      %parallel_loop3A_1663 = arith.constant 8 : i32
      %parallel_loop3A_1664 = vector.broadcast %parallel_loop3A_1663 : i32 to vector<16xi32>
      %parallel_loop3A_1665 = arith.shli %parallel_loop3A_1662, %parallel_loop3A_1664 : vector<16xi32>
      %parallel_loop3A_1666 = arith.ori %parallel_loop3A_1658, %parallel_loop3A_1665 : vector<16xi32>
      %parallel_loop3A_1667 = arith.constant 3 : i32
      %parallel_loop3A_1668 = vector.broadcast %parallel_loop3A_1667 : i32 to vector<16xi32>
      %parallel_loop3A_1669 = arith.addi %parallel_loop3A_1649, %parallel_loop3A_1668 : vector<16xi32>
      %parallel_loop3A_1670 = tpu.vector_load_idx %arg14[%parallel_loop3A_1669] : memref<12544xi32, #tpu.memory_space<vmem>>[vector<16xi32>], vector<16xi32>,
      %parallel_loop3A_1671 = arith.constant 12 : i32
      %parallel_loop3A_1672 = vector.broadcast %parallel_loop3A_1671 : i32 to vector<16xi32>
      %parallel_loop3A_1673 = arith.shli %parallel_loop3A_1670, %parallel_loop3A_1672 : vector<16xi32>
      %parallel_loop3A_1674 = arith.ori %parallel_loop3A_1666, %parallel_loop3A_1673 : vector<16xi32>
      %parallel_loop3A_1675 = arith.constant 4 : i32
      %parallel_loop3A_1676 = vector.broadcast %parallel_loop3A_1675 : i32 to vector<16xi32>
      %parallel_loop3A_1677 = arith.addi %parallel_loop3A_1649, %parallel_loop3A_1676 : vector<16xi32>
      %parallel_loop3A_1678 = tpu.vector_load_idx %arg14[%parallel_loop3A_1677] : memref<12544xi32, #tpu.memory_space<vmem>>[vector<16xi32>], vector<16xi32>,
      %parallel_loop3A_1679 = arith.constant 16 : i32
      %parallel_loop3A_1680 = vector.broadcast %parallel_loop3A_1679 : i32 to vector<16xi32>
      %parallel_loop3A_1681 = arith.shli %parallel_loop3A_1678, %parallel_loop3A_1680 : vector<16xi32>
      %parallel_loop3A_1682 = arith.ori %parallel_loop3A_1674, %parallel_loop3A_1681 : vector<16xi32>
      %parallel_loop3A_1683 = arith.constant 5 : i32
      %parallel_loop3A_1684 = vector.broadcast %parallel_loop3A_1683 : i32 to vector<16xi32>
      %parallel_loop3A_1685 = arith.addi %parallel_loop3A_1649, %parallel_loop3A_1684 : vector<16xi32>
      %parallel_loop3A_1686 = tpu.vector_load_idx %arg14[%parallel_loop3A_1685] : memref<12544xi32, #tpu.memory_space<vmem>>[vector<16xi32>], vector<16xi32>,
      %parallel_loop3A_1687 = arith.constant 20 : i32
      %parallel_loop3A_1688 = vector.broadcast %parallel_loop3A_1687 : i32 to vector<16xi32>
      %parallel_loop3A_1689 = arith.shli %parallel_loop3A_1686, %parallel_loop3A_1688 : vector<16xi32>
      %parallel_loop3A_1690 = arith.ori %parallel_loop3A_1682, %parallel_loop3A_1689 : vector<16xi32>
      %parallel_loop3A_1691 = arith.constant 6 : i32
      %parallel_loop3A_1692 = vector.broadcast %parallel_loop3A_1691 : i32 to vector<16xi32>
      %parallel_loop3A_1693 = arith.addi %parallel_loop3A_1649, %parallel_loop3A_1692 : vector<16xi32>
      %parallel_loop3A_1694 = tpu.vector_load_idx %arg14[%parallel_loop3A_1693] : memref<12544xi32, #tpu.memory_space<vmem>>[vector<16xi32>], vector<16xi32>,
      %parallel_loop3A_1695 = arith.constant 24 : i32
      %parallel_loop3A_1696 = vector.broadcast %parallel_loop3A_1695 : i32 to vector<16xi32>
      %parallel_loop3A_1697 = arith.shli %parallel_loop3A_1694, %parallel_loop3A_1696 : vector<16xi32>
      %parallel_loop3A_1698 = arith.ori %parallel_loop3A_1690, %parallel_loop3A_1697 : vector<16xi32>
      %parallel_loop3A_1699 = arith.constant 7 : i32
      %parallel_loop3A_1700 = vector.broadcast %parallel_loop3A_1699 : i32 to vector<16xi32>
      %parallel_loop3A_1701 = arith.addi %parallel_loop3A_1649, %parallel_loop3A_1700 : vector<16xi32>
      %parallel_loop3A_1702 = tpu.vector_load_idx %arg14[%parallel_loop3A_1701] : memref<12544xi32, #tpu.memory_space<vmem>>[vector<16xi32>], vector<16xi32>,
      %parallel_loop3A_1703 = arith.constant 28 : i32
      %parallel_loop3A_1704 = vector.broadcast %parallel_loop3A_1703 : i32 to vector<16xi32>
      %parallel_loop3A_1705 = arith.shli %parallel_loop3A_1702, %parallel_loop3A_1704 : vector<16xi32>
      %parallel_loop3A_1706 = arith.ori %parallel_loop3A_1698, %parallel_loop3A_1705 : vector<16xi32>
      %parallel_loop3A_1707 = arith.constant 16 : i32
      %parallel_loop3A_1708 = arith.muli %parallel_loop3A_1642, %parallel_loop3A_1707 : i32
      %parallel_loop3A_1709 = arith.index_cast %parallel_loop3A_1708 : i32 to index
      %parallel_loop3A_1710 = tpu.vector_load %arg15[%parallel_loop3A_1709] {strides = array<i32>} : memref<1568xi32, #tpu.memory_space<vmem>>, vector<16xi32>,
      tpu.vector_store %arg15[%parallel_loop3A_1709], %parallel_loop3A_1706 {strides = array<i32>} : memref<1568xi32, #tpu.memory_space<vmem>>, vector<16xi32>,
    } {sc.loop_unroll_factor = 1 : i64, sc.parallel_access}
    %shift_right_logical3A = arith.constant 3 : i32
    %shift_right_logical3A_422 = arith.shrui %multiple_of3A, %shift_right_logical3A : i32
    %multiple_of3A_423 = tpu.assume_multiple %shift_right_logical3A_422, 8 : i32
    "tpu.region"() ({
      %run_scoped3A = tpu.sem_alloc : memref<!tpu.dma_semaphore, #tpu.memory_space<semaphore_mem>>
      %dma_start3A_1642 = tpu.memref_slice %arg24[%multiple_of3A_423] : memref<25088xi32, #tpu.memory_space<vmem_shared>> -> memref<1568xi32, #tpu.memory_space<vmem_shared>>
      %dma_start3A_1643 = tpu.memref_slice %arg24[%multiple_of3A_423] : memref<25088xi32, #tpu.memory_space<vmem_shared>> -> memref<1568xi32, #tpu.memory_space<vmem_shared>>
      tpu.enqueue_dma source(%arg15 : memref<1568xi32, #tpu.memory_space<vmem>>) target(%dma_start3A_1643 : memref<1568xi32, #tpu.memory_space<vmem_shared>>) target_semaphore(%run_scoped3A : memref<!tpu.dma_semaphore, #tpu.memory_space<semaphore_mem>>)
      %dma_wait3A_1644 = tpu.memref_slice %arg24[%multiple_of3A_423] : memref<25088xi32, #tpu.memory_space<vmem_shared>> -> memref<1568xi32, #tpu.memory_space<vmem_shared>>
      %dma_wait3A_1645 = tpu.memref_slice %arg24[%multiple_of3A_423] : memref<25088xi32, #tpu.memory_space<vmem_shared>> -> memref<1568xi32, #tpu.memory_space<vmem_shared>>
      tpu.wait_dma2 semaphore(%run_scoped3A : memref<!tpu.dma_semaphore, #tpu.memory_space<semaphore_mem>>) src(%arg15 : memref<1568xi32, #tpu.memory_space<vmem>>) dst(%dma_wait3A_1645 : memref<1568xi32, #tpu.memory_space<vmem_shared>>)
      tpu.yield
    }) : () -> ()
    %parallel_loop3A_424 = arith.constant 0 : i32
    %parallel_loop3A_425 = arith.constant 128 : i32
    %parallel_loop3A_426 = arith.constant 1 : i32
    scf.for %parallel_loop3A_1642 = %parallel_loop3A_424 to %parallel_loop3A_425 step %parallel_loop3A_426  : i32 {
      %parallel_loop3A_1643 = arith.constant 0.000000e+00 : f32
      %parallel_loop3A_1644 = vector.broadcast %parallel_loop3A_1643 : f32 to vector<16xf32>
      %parallel_loop3A_1645 = arith.index_cast %parallel_loop3A_1642 : i32 to index
      %parallel_loop3A_1646 = arith.constant 0 : index
      %parallel_loop3A_1647 = tpu.vector_load %arg22[%parallel_loop3A_1645, %parallel_loop3A_1646] {strides = array<i32>} : memref<128x16xf32, #tpu.memory_space<vmem>>, vector<16xf32>,
      tpu.vector_store %arg22[%parallel_loop3A_1645, %parallel_loop3A_1646], %parallel_loop3A_1644 {strides = array<i32>} : memref<128x16xf32, #tpu.memory_space<vmem>>, vector<16xf32>,
    } {sc.loop_unroll_factor = 1 : i64, sc.parallel_access}
    %barrier3A = arith.constant 0 : index
    tpu.barrier barrier_id(%barrier3A)
    "tpu.region"() ({
      %run_scoped3A = tpu.sem_alloc : memref<!tpu.dma_semaphore, #tpu.memory_space<semaphore_mem>>
      tpu.enqueue_dma source(%arg24 : memref<25088xi32, #tpu.memory_space<vmem_shared>>) target(%arg13 : memref<25088xi32, #tpu.memory_space<vmem>>) target_semaphore(%run_scoped3A : memref<!tpu.dma_semaphore, #tpu.memory_space<semaphore_mem>>)
      tpu.wait_dma2 semaphore(%run_scoped3A : memref<!tpu.dma_semaphore, #tpu.memory_space<semaphore_mem>>) src(%arg24 : memref<25088xi32, #tpu.memory_space<vmem_shared>>) dst(%arg13 : memref<25088xi32, #tpu.memory_space<vmem>>)
      tpu.yield
    }) : () -> ()
    %dma_wait3A_427 = arith.constant 0 : i32
    %dma_wait3A_428 = tpu.memref_slice %arg18[%dma_wait3A_427] : memref<4096xi32, #tpu.memory_space<vmem>> -> memref<128xi32, #tpu.memory_space<vmem>>
    %dma_wait3A_429 = arith.constant 0 : i32
    %dma_wait3A_430 = tpu.memref_slice %arg16[%dma_wait3A_429] : memref<4096xi32, #tpu.memory_space<vmem>> -> memref<128xi32, #tpu.memory_space<vmem>>
    %dma_wait3A_431 = arith.constant 0 : i32
    %dma_wait3A_432 = tpu.memref_slice %arg5[%dma_wait3A_431] : memref<3200000xi32, #tpu.memory_space<hbm>> -> memref<3200000xi32, #tpu.memory_space<hbm>>
    tpu.wait_indirect_dma semaphore(%arg25 : memref<!tpu.dma_semaphore, #tpu.memory_space<semaphore_mem>>) src(%dma_wait3A_432 : memref<3200000xi32, #tpu.memory_space<hbm>>) dst(%dma_wait3A_428 : memref<128xi32, #tpu.memory_space<vmem>>)
    %dma_wait3A_433 = arith.constant 128 : i32
    %dma_wait3A_434 = tpu.memref_slice %arg18[%dma_wait3A_433] : memref<4096xi32, #tpu.memory_space<vmem>> -> memref<128xi32, #tpu.memory_space<vmem>>
    %dma_wait3A_435 = arith.constant 128 : i32
    %dma_wait3A_436 = tpu.memref_slice %arg16[%dma_wait3A_435] : memref<4096xi32, #tpu.memory_space<vmem>> -> memref<128xi32, #tpu.memory_space<vmem>>
    %dma_wait3A_437 = arith.constant 0 : i32
    %dma_wait3A_438 = tpu.memref_slice %arg5[%dma_wait3A_437] : memref<3200000xi32, #tpu.memory_space<hbm>> -> memref<3200000xi32, #tpu.memory_space<hbm>>
    tpu.wait_indirect_dma semaphore(%arg25 : memref<!tpu.dma_semaphore, #tpu.memory_space<semaphore_mem>>) src(%dma_wait3A_438 : memref<3200000xi32, #tpu.memory_space<hbm>>) dst(%dma_wait3A_434 : memref<128xi32, #tpu.memory_space<vmem>>)
    %dma_wait3A_439 = arith.constant 256 : i32
    %dma_wait3A_440 = tpu.memref_slice %arg18[%dma_wait3A_439] : memref<4096xi32, #tpu.memory_space<vmem>> -> memref<128xi32, #tpu.memory_space<vmem>>
    %dma_wait3A_441 = arith.constant 256 : i32
    %dma_wait3A_442 = tpu.memref_slice %arg16[%dma_wait3A_441] : memref<4096xi32, #tpu.memory_space<vmem>> -> memref<128xi32, #tpu.memory_space<vmem>>
    %dma_wait3A_443 = arith.constant 0 : i32
    %dma_wait3A_444 = tpu.memref_slice %arg5[%dma_wait3A_443] : memref<3200000xi32, #tpu.memory_space<hbm>> -> memref<3200000xi32, #tpu.memory_space<hbm>>
    tpu.wait_indirect_dma semaphore(%arg25 : memref<!tpu.dma_semaphore, #tpu.memory_space<semaphore_mem>>) src(%dma_wait3A_444 : memref<3200000xi32, #tpu.memory_space<hbm>>) dst(%dma_wait3A_440 : memref<128xi32, #tpu.memory_space<vmem>>)
    %dma_wait3A_445 = arith.constant 384 : i32
    %dma_wait3A_446 = tpu.memref_slice %arg18[%dma_wait3A_445] : memref<4096xi32, #tpu.memory_space<vmem>> -> memref<128xi32, #tpu.memory_space<vmem>>
    %dma_wait3A_447 = arith.constant 384 : i32
    %dma_wait3A_448 = tpu.memref_slice %arg16[%dma_wait3A_447] : memref<4096xi32, #tpu.memory_space<vmem>> -> memref<128xi32, #tpu.memory_space<vmem>>
    %dma_wait3A_449 = arith.constant 0 : i32
    %dma_wait3A_450 = tpu.memref_slice %arg5[%dma_wait3A_449] : memref<3200000xi32, #tpu.memory_space<hbm>> -> memref<3200000xi32, #tpu.memory_space<hbm>>
    tpu.wait_indirect_dma semaphore(%arg25 : memref<!tpu.dma_semaphore, #tpu.memory_space<semaphore_mem>>) src(%dma_wait3A_450 : memref<3200000xi32, #tpu.memory_space<hbm>>) dst(%dma_wait3A_446 : memref<128xi32, #tpu.memory_space<vmem>>)
    %dma_wait3A_451 = arith.constant 512 : i32
    %dma_wait3A_452 = tpu.memref_slice %arg18[%dma_wait3A_451] : memref<4096xi32, #tpu.memory_space<vmem>> -> memref<128xi32, #tpu.memory_space<vmem>>
    %dma_wait3A_453 = arith.constant 512 : i32
    %dma_wait3A_454 = tpu.memref_slice %arg16[%dma_wait3A_453] : memref<4096xi32, #tpu.memory_space<vmem>> -> memref<128xi32, #tpu.memory_space<vmem>>
    %dma_wait3A_455 = arith.constant 0 : i32
    %dma_wait3A_456 = tpu.memref_slice %arg5[%dma_wait3A_455] : memref<3200000xi32, #tpu.memory_space<hbm>> -> memref<3200000xi32, #tpu.memory_space<hbm>>
    tpu.wait_indirect_dma semaphore(%arg25 : memref<!tpu.dma_semaphore, #tpu.memory_space<semaphore_mem>>) src(%dma_wait3A_456 : memref<3200000xi32, #tpu.memory_space<hbm>>) dst(%dma_wait3A_452 : memref<128xi32, #tpu.memory_space<vmem>>)
    %dma_wait3A_457 = arith.constant 640 : i32
    %dma_wait3A_458 = tpu.memref_slice %arg18[%dma_wait3A_457] : memref<4096xi32, #tpu.memory_space<vmem>> -> memref<128xi32, #tpu.memory_space<vmem>>
    %dma_wait3A_459 = arith.constant 640 : i32
    %dma_wait3A_460 = tpu.memref_slice %arg16[%dma_wait3A_459] : memref<4096xi32, #tpu.memory_space<vmem>> -> memref<128xi32, #tpu.memory_space<vmem>>
    %dma_wait3A_461 = arith.constant 0 : i32
    %dma_wait3A_462 = tpu.memref_slice %arg5[%dma_wait3A_461] : memref<3200000xi32, #tpu.memory_space<hbm>> -> memref<3200000xi32, #tpu.memory_space<hbm>>
    tpu.wait_indirect_dma semaphore(%arg25 : memref<!tpu.dma_semaphore, #tpu.memory_space<semaphore_mem>>) src(%dma_wait3A_462 : memref<3200000xi32, #tpu.memory_space<hbm>>) dst(%dma_wait3A_458 : memref<128xi32, #tpu.memory_space<vmem>>)
    %dma_wait3A_463 = arith.constant 768 : i32
    %dma_wait3A_464 = tpu.memref_slice %arg18[%dma_wait3A_463] : memref<4096xi32, #tpu.memory_space<vmem>> -> memref<128xi32, #tpu.memory_space<vmem>>
    %dma_wait3A_465 = arith.constant 768 : i32
    %dma_wait3A_466 = tpu.memref_slice %arg16[%dma_wait3A_465] : memref<4096xi32, #tpu.memory_space<vmem>> -> memref<128xi32, #tpu.memory_space<vmem>>
    %dma_wait3A_467 = arith.constant 0 : i32
    %dma_wait3A_468 = tpu.memref_slice %arg5[%dma_wait3A_467] : memref<3200000xi32, #tpu.memory_space<hbm>> -> memref<3200000xi32, #tpu.memory_space<hbm>>
    tpu.wait_indirect_dma semaphore(%arg25 : memref<!tpu.dma_semaphore, #tpu.memory_space<semaphore_mem>>) src(%dma_wait3A_468 : memref<3200000xi32, #tpu.memory_space<hbm>>) dst(%dma_wait3A_464 : memref<128xi32, #tpu.memory_space<vmem>>)
    %dma_wait3A_469 = arith.constant 896 : i32
    %dma_wait3A_470 = tpu.memref_slice %arg18[%dma_wait3A_469] : memref<4096xi32, #tpu.memory_space<vmem>> -> memref<128xi32, #tpu.memory_space<vmem>>
    %dma_wait3A_471 = arith.constant 896 : i32
    %dma_wait3A_472 = tpu.memref_slice %arg16[%dma_wait3A_471] : memref<4096xi32, #tpu.memory_space<vmem>> -> memref<128xi32, #tpu.memory_space<vmem>>
    %dma_wait3A_473 = arith.constant 0 : i32
    %dma_wait3A_474 = tpu.memref_slice %arg5[%dma_wait3A_473] : memref<3200000xi32, #tpu.memory_space<hbm>> -> memref<3200000xi32, #tpu.memory_space<hbm>>
    tpu.wait_indirect_dma semaphore(%arg25 : memref<!tpu.dma_semaphore, #tpu.memory_space<semaphore_mem>>) src(%dma_wait3A_474 : memref<3200000xi32, #tpu.memory_space<hbm>>) dst(%dma_wait3A_470 : memref<128xi32, #tpu.memory_space<vmem>>)
    %dma_wait3A_475 = arith.constant 1024 : i32
    %dma_wait3A_476 = tpu.memref_slice %arg18[%dma_wait3A_475] : memref<4096xi32, #tpu.memory_space<vmem>> -> memref<128xi32, #tpu.memory_space<vmem>>
    %dma_wait3A_477 = arith.constant 1024 : i32
    %dma_wait3A_478 = tpu.memref_slice %arg16[%dma_wait3A_477] : memref<4096xi32, #tpu.memory_space<vmem>> -> memref<128xi32, #tpu.memory_space<vmem>>
    %dma_wait3A_479 = arith.constant 0 : i32
    %dma_wait3A_480 = tpu.memref_slice %arg5[%dma_wait3A_479] : memref<3200000xi32, #tpu.memory_space<hbm>> -> memref<3200000xi32, #tpu.memory_space<hbm>>
    tpu.wait_indirect_dma semaphore(%arg25 : memref<!tpu.dma_semaphore, #tpu.memory_space<semaphore_mem>>) src(%dma_wait3A_480 : memref<3200000xi32, #tpu.memory_space<hbm>>) dst(%dma_wait3A_476 : memref<128xi32, #tpu.memory_space<vmem>>)
    %dma_wait3A_481 = arith.constant 1152 : i32
    %dma_wait3A_482 = tpu.memref_slice %arg18[%dma_wait3A_481] : memref<4096xi32, #tpu.memory_space<vmem>> -> memref<128xi32, #tpu.memory_space<vmem>>
    %dma_wait3A_483 = arith.constant 1152 : i32
    %dma_wait3A_484 = tpu.memref_slice %arg16[%dma_wait3A_483] : memref<4096xi32, #tpu.memory_space<vmem>> -> memref<128xi32, #tpu.memory_space<vmem>>
    %dma_wait3A_485 = arith.constant 0 : i32
    %dma_wait3A_486 = tpu.memref_slice %arg5[%dma_wait3A_485] : memref<3200000xi32, #tpu.memory_space<hbm>> -> memref<3200000xi32, #tpu.memory_space<hbm>>
    tpu.wait_indirect_dma semaphore(%arg25 : memref<!tpu.dma_semaphore, #tpu.memory_space<semaphore_mem>>) src(%dma_wait3A_486 : memref<3200000xi32, #tpu.memory_space<hbm>>) dst(%dma_wait3A_482 : memref<128xi32, #tpu.memory_space<vmem>>)
    %dma_wait3A_487 = arith.constant 1280 : i32
    %dma_wait3A_488 = tpu.memref_slice %arg18[%dma_wait3A_487] : memref<4096xi32, #tpu.memory_space<vmem>> -> memref<128xi32, #tpu.memory_space<vmem>>
    %dma_wait3A_489 = arith.constant 1280 : i32
    %dma_wait3A_490 = tpu.memref_slice %arg16[%dma_wait3A_489] : memref<4096xi32, #tpu.memory_space<vmem>> -> memref<128xi32, #tpu.memory_space<vmem>>
    %dma_wait3A_491 = arith.constant 0 : i32
    %dma_wait3A_492 = tpu.memref_slice %arg5[%dma_wait3A_491] : memref<3200000xi32, #tpu.memory_space<hbm>> -> memref<3200000xi32, #tpu.memory_space<hbm>>
    tpu.wait_indirect_dma semaphore(%arg25 : memref<!tpu.dma_semaphore, #tpu.memory_space<semaphore_mem>>) src(%dma_wait3A_492 : memref<3200000xi32, #tpu.memory_space<hbm>>) dst(%dma_wait3A_488 : memref<128xi32, #tpu.memory_space<vmem>>)
    %dma_wait3A_493 = arith.constant 1408 : i32
    %dma_wait3A_494 = tpu.memref_slice %arg18[%dma_wait3A_493] : memref<4096xi32, #tpu.memory_space<vmem>> -> memref<128xi32, #tpu.memory_space<vmem>>
    %dma_wait3A_495 = arith.constant 1408 : i32
    %dma_wait3A_496 = tpu.memref_slice %arg16[%dma_wait3A_495] : memref<4096xi32, #tpu.memory_space<vmem>> -> memref<128xi32, #tpu.memory_space<vmem>>
    %dma_wait3A_497 = arith.constant 0 : i32
    %dma_wait3A_498 = tpu.memref_slice %arg5[%dma_wait3A_497] : memref<3200000xi32, #tpu.memory_space<hbm>> -> memref<3200000xi32, #tpu.memory_space<hbm>>
    tpu.wait_indirect_dma semaphore(%arg25 : memref<!tpu.dma_semaphore, #tpu.memory_space<semaphore_mem>>) src(%dma_wait3A_498 : memref<3200000xi32, #tpu.memory_space<hbm>>) dst(%dma_wait3A_494 : memref<128xi32, #tpu.memory_space<vmem>>)
    %dma_wait3A_499 = arith.constant 1536 : i32
    %dma_wait3A_500 = tpu.memref_slice %arg18[%dma_wait3A_499] : memref<4096xi32, #tpu.memory_space<vmem>> -> memref<128xi32, #tpu.memory_space<vmem>>
    %dma_wait3A_501 = arith.constant 1536 : i32
    %dma_wait3A_502 = tpu.memref_slice %arg16[%dma_wait3A_501] : memref<4096xi32, #tpu.memory_space<vmem>> -> memref<128xi32, #tpu.memory_space<vmem>>
    %dma_wait3A_503 = arith.constant 0 : i32
    %dma_wait3A_504 = tpu.memref_slice %arg5[%dma_wait3A_503] : memref<3200000xi32, #tpu.memory_space<hbm>> -> memref<3200000xi32, #tpu.memory_space<hbm>>
    tpu.wait_indirect_dma semaphore(%arg25 : memref<!tpu.dma_semaphore, #tpu.memory_space<semaphore_mem>>) src(%dma_wait3A_504 : memref<3200000xi32, #tpu.memory_space<hbm>>) dst(%dma_wait3A_500 : memref<128xi32, #tpu.memory_space<vmem>>)
    %dma_wait3A_505 = arith.constant 1664 : i32
    %dma_wait3A_506 = tpu.memref_slice %arg18[%dma_wait3A_505] : memref<4096xi32, #tpu.memory_space<vmem>> -> memref<128xi32, #tpu.memory_space<vmem>>
    %dma_wait3A_507 = arith.constant 1664 : i32
    %dma_wait3A_508 = tpu.memref_slice %arg16[%dma_wait3A_507] : memref<4096xi32, #tpu.memory_space<vmem>> -> memref<128xi32, #tpu.memory_space<vmem>>
    %dma_wait3A_509 = arith.constant 0 : i32
    %dma_wait3A_510 = tpu.memref_slice %arg5[%dma_wait3A_509] : memref<3200000xi32, #tpu.memory_space<hbm>> -> memref<3200000xi32, #tpu.memory_space<hbm>>
    tpu.wait_indirect_dma semaphore(%arg25 : memref<!tpu.dma_semaphore, #tpu.memory_space<semaphore_mem>>) src(%dma_wait3A_510 : memref<3200000xi32, #tpu.memory_space<hbm>>) dst(%dma_wait3A_506 : memref<128xi32, #tpu.memory_space<vmem>>)
    %dma_wait3A_511 = arith.constant 1792 : i32
    %dma_wait3A_512 = tpu.memref_slice %arg18[%dma_wait3A_511] : memref<4096xi32, #tpu.memory_space<vmem>> -> memref<128xi32, #tpu.memory_space<vmem>>
    %dma_wait3A_513 = arith.constant 1792 : i32
    %dma_wait3A_514 = tpu.memref_slice %arg16[%dma_wait3A_513] : memref<4096xi32, #tpu.memory_space<vmem>> -> memref<128xi32, #tpu.memory_space<vmem>>
    %dma_wait3A_515 = arith.constant 0 : i32
    %dma_wait3A_516 = tpu.memref_slice %arg5[%dma_wait3A_515] : memref<3200000xi32, #tpu.memory_space<hbm>> -> memref<3200000xi32, #tpu.memory_space<hbm>>
    tpu.wait_indirect_dma semaphore(%arg25 : memref<!tpu.dma_semaphore, #tpu.memory_space<semaphore_mem>>) src(%dma_wait3A_516 : memref<3200000xi32, #tpu.memory_space<hbm>>) dst(%dma_wait3A_512 : memref<128xi32, #tpu.memory_space<vmem>>)
    %dma_wait3A_517 = arith.constant 1920 : i32
    %dma_wait3A_518 = tpu.memref_slice %arg18[%dma_wait3A_517] : memref<4096xi32, #tpu.memory_space<vmem>> -> memref<128xi32, #tpu.memory_space<vmem>>
    %dma_wait3A_519 = arith.constant 1920 : i32
    %dma_wait3A_520 = tpu.memref_slice %arg16[%dma_wait3A_519] : memref<4096xi32, #tpu.memory_space<vmem>> -> memref<128xi32, #tpu.memory_space<vmem>>
    %dma_wait3A_521 = arith.constant 0 : i32
    %dma_wait3A_522 = tpu.memref_slice %arg5[%dma_wait3A_521] : memref<3200000xi32, #tpu.memory_space<hbm>> -> memref<3200000xi32, #tpu.memory_space<hbm>>
    tpu.wait_indirect_dma semaphore(%arg25 : memref<!tpu.dma_semaphore, #tpu.memory_space<semaphore_mem>>) src(%dma_wait3A_522 : memref<3200000xi32, #tpu.memory_space<hbm>>) dst(%dma_wait3A_518 : memref<128xi32, #tpu.memory_space<vmem>>)
    %dma_wait3A_523 = arith.constant 2048 : i32
    %dma_wait3A_524 = tpu.memref_slice %arg18[%dma_wait3A_523] : memref<4096xi32, #tpu.memory_space<vmem>> -> memref<128xi32, #tpu.memory_space<vmem>>
    %dma_wait3A_525 = arith.constant 2048 : i32
    %dma_wait3A_526 = tpu.memref_slice %arg16[%dma_wait3A_525] : memref<4096xi32, #tpu.memory_space<vmem>> -> memref<128xi32, #tpu.memory_space<vmem>>
    %dma_wait3A_527 = arith.constant 0 : i32
    %dma_wait3A_528 = tpu.memref_slice %arg5[%dma_wait3A_527] : memref<3200000xi32, #tpu.memory_space<hbm>> -> memref<3200000xi32, #tpu.memory_space<hbm>>
    tpu.wait_indirect_dma semaphore(%arg25 : memref<!tpu.dma_semaphore, #tpu.memory_space<semaphore_mem>>) src(%dma_wait3A_528 : memref<3200000xi32, #tpu.memory_space<hbm>>) dst(%dma_wait3A_524 : memref<128xi32, #tpu.memory_space<vmem>>)
    %dma_wait3A_529 = arith.constant 2176 : i32
    %dma_wait3A_530 = tpu.memref_slice %arg18[%dma_wait3A_529] : memref<4096xi32, #tpu.memory_space<vmem>> -> memref<128xi32, #tpu.memory_space<vmem>>
    %dma_wait3A_531 = arith.constant 2176 : i32
    %dma_wait3A_532 = tpu.memref_slice %arg16[%dma_wait3A_531] : memref<4096xi32, #tpu.memory_space<vmem>> -> memref<128xi32, #tpu.memory_space<vmem>>
    %dma_wait3A_533 = arith.constant 0 : i32
    %dma_wait3A_534 = tpu.memref_slice %arg5[%dma_wait3A_533] : memref<3200000xi32, #tpu.memory_space<hbm>> -> memref<3200000xi32, #tpu.memory_space<hbm>>
    tpu.wait_indirect_dma semaphore(%arg25 : memref<!tpu.dma_semaphore, #tpu.memory_space<semaphore_mem>>) src(%dma_wait3A_534 : memref<3200000xi32, #tpu.memory_space<hbm>>) dst(%dma_wait3A_530 : memref<128xi32, #tpu.memory_space<vmem>>)
    %dma_wait3A_535 = arith.constant 2304 : i32
    %dma_wait3A_536 = tpu.memref_slice %arg18[%dma_wait3A_535] : memref<4096xi32, #tpu.memory_space<vmem>> -> memref<128xi32, #tpu.memory_space<vmem>>
    %dma_wait3A_537 = arith.constant 2304 : i32
    %dma_wait3A_538 = tpu.memref_slice %arg16[%dma_wait3A_537] : memref<4096xi32, #tpu.memory_space<vmem>> -> memref<128xi32, #tpu.memory_space<vmem>>
    %dma_wait3A_539 = arith.constant 0 : i32
    %dma_wait3A_540 = tpu.memref_slice %arg5[%dma_wait3A_539] : memref<3200000xi32, #tpu.memory_space<hbm>> -> memref<3200000xi32, #tpu.memory_space<hbm>>
    tpu.wait_indirect_dma semaphore(%arg25 : memref<!tpu.dma_semaphore, #tpu.memory_space<semaphore_mem>>) src(%dma_wait3A_540 : memref<3200000xi32, #tpu.memory_space<hbm>>) dst(%dma_wait3A_536 : memref<128xi32, #tpu.memory_space<vmem>>)
    %dma_wait3A_541 = arith.constant 2432 : i32
    %dma_wait3A_542 = tpu.memref_slice %arg18[%dma_wait3A_541] : memref<4096xi32, #tpu.memory_space<vmem>> -> memref<128xi32, #tpu.memory_space<vmem>>
    %dma_wait3A_543 = arith.constant 2432 : i32
    %dma_wait3A_544 = tpu.memref_slice %arg16[%dma_wait3A_543] : memref<4096xi32, #tpu.memory_space<vmem>> -> memref<128xi32, #tpu.memory_space<vmem>>
    %dma_wait3A_545 = arith.constant 0 : i32
    %dma_wait3A_546 = tpu.memref_slice %arg5[%dma_wait3A_545] : memref<3200000xi32, #tpu.memory_space<hbm>> -> memref<3200000xi32, #tpu.memory_space<hbm>>
    tpu.wait_indirect_dma semaphore(%arg25 : memref<!tpu.dma_semaphore, #tpu.memory_space<semaphore_mem>>) src(%dma_wait3A_546 : memref<3200000xi32, #tpu.memory_space<hbm>>) dst(%dma_wait3A_542 : memref<128xi32, #tpu.memory_space<vmem>>)
    %dma_wait3A_547 = arith.constant 2560 : i32
    %dma_wait3A_548 = tpu.memref_slice %arg18[%dma_wait3A_547] : memref<4096xi32, #tpu.memory_space<vmem>> -> memref<128xi32, #tpu.memory_space<vmem>>
    %dma_wait3A_549 = arith.constant 2560 : i32
    %dma_wait3A_550 = tpu.memref_slice %arg16[%dma_wait3A_549] : memref<4096xi32, #tpu.memory_space<vmem>> -> memref<128xi32, #tpu.memory_space<vmem>>
    %dma_wait3A_551 = arith.constant 0 : i32
    %dma_wait3A_552 = tpu.memref_slice %arg5[%dma_wait3A_551] : memref<3200000xi32, #tpu.memory_space<hbm>> -> memref<3200000xi32, #tpu.memory_space<hbm>>
    tpu.wait_indirect_dma semaphore(%arg25 : memref<!tpu.dma_semaphore, #tpu.memory_space<semaphore_mem>>) src(%dma_wait3A_552 : memref<3200000xi32, #tpu.memory_space<hbm>>) dst(%dma_wait3A_548 : memref<128xi32, #tpu.memory_space<vmem>>)
    %dma_wait3A_553 = arith.constant 2688 : i32
    %dma_wait3A_554 = tpu.memref_slice %arg18[%dma_wait3A_553] : memref<4096xi32, #tpu.memory_space<vmem>> -> memref<128xi32, #tpu.memory_space<vmem>>
    %dma_wait3A_555 = arith.constant 2688 : i32
    %dma_wait3A_556 = tpu.memref_slice %arg16[%dma_wait3A_555] : memref<4096xi32, #tpu.memory_space<vmem>> -> memref<128xi32, #tpu.memory_space<vmem>>
    %dma_wait3A_557 = arith.constant 0 : i32
    %dma_wait3A_558 = tpu.memref_slice %arg5[%dma_wait3A_557] : memref<3200000xi32, #tpu.memory_space<hbm>> -> memref<3200000xi32, #tpu.memory_space<hbm>>
    tpu.wait_indirect_dma semaphore(%arg25 : memref<!tpu.dma_semaphore, #tpu.memory_space<semaphore_mem>>) src(%dma_wait3A_558 : memref<3200000xi32, #tpu.memory_space<hbm>>) dst(%dma_wait3A_554 : memref<128xi32, #tpu.memory_space<vmem>>)
    %dma_wait3A_559 = arith.constant 2816 : i32
    %dma_wait3A_560 = tpu.memref_slice %arg18[%dma_wait3A_559] : memref<4096xi32, #tpu.memory_space<vmem>> -> memref<128xi32, #tpu.memory_space<vmem>>
    %dma_wait3A_561 = arith.constant 2816 : i32
    %dma_wait3A_562 = tpu.memref_slice %arg16[%dma_wait3A_561] : memref<4096xi32, #tpu.memory_space<vmem>> -> memref<128xi32, #tpu.memory_space<vmem>>
    %dma_wait3A_563 = arith.constant 0 : i32
    %dma_wait3A_564 = tpu.memref_slice %arg5[%dma_wait3A_563] : memref<3200000xi32, #tpu.memory_space<hbm>> -> memref<3200000xi32, #tpu.memory_space<hbm>>
    tpu.wait_indirect_dma semaphore(%arg25 : memref<!tpu.dma_semaphore, #tpu.memory_space<semaphore_mem>>) src(%dma_wait3A_564 : memref<3200000xi32, #tpu.memory_space<hbm>>) dst(%dma_wait3A_560 : memref<128xi32, #tpu.memory_space<vmem>>)
    %dma_wait3A_565 = arith.constant 2944 : i32
    %dma_wait3A_566 = tpu.memref_slice %arg18[%dma_wait3A_565] : memref<4096xi32, #tpu.memory_space<vmem>> -> memref<128xi32, #tpu.memory_space<vmem>>
    %dma_wait3A_567 = arith.constant 2944 : i32
    %dma_wait3A_568 = tpu.memref_slice %arg16[%dma_wait3A_567] : memref<4096xi32, #tpu.memory_space<vmem>> -> memref<128xi32, #tpu.memory_space<vmem>>
    %dma_wait3A_569 = arith.constant 0 : i32
    %dma_wait3A_570 = tpu.memref_slice %arg5[%dma_wait3A_569] : memref<3200000xi32, #tpu.memory_space<hbm>> -> memref<3200000xi32, #tpu.memory_space<hbm>>
    tpu.wait_indirect_dma semaphore(%arg25 : memref<!tpu.dma_semaphore, #tpu.memory_space<semaphore_mem>>) src(%dma_wait3A_570 : memref<3200000xi32, #tpu.memory_space<hbm>>) dst(%dma_wait3A_566 : memref<128xi32, #tpu.memory_space<vmem>>)
    %dma_wait3A_571 = arith.constant 3072 : i32
    %dma_wait3A_572 = tpu.memref_slice %arg18[%dma_wait3A_571] : memref<4096xi32, #tpu.memory_space<vmem>> -> memref<128xi32, #tpu.memory_space<vmem>>
    %dma_wait3A_573 = arith.constant 3072 : i32
    %dma_wait3A_574 = tpu.memref_slice %arg16[%dma_wait3A_573] : memref<4096xi32, #tpu.memory_space<vmem>> -> memref<128xi32, #tpu.memory_space<vmem>>
    %dma_wait3A_575 = arith.constant 0 : i32
    %dma_wait3A_576 = tpu.memref_slice %arg5[%dma_wait3A_575] : memref<3200000xi32, #tpu.memory_space<hbm>> -> memref<3200000xi32, #tpu.memory_space<hbm>>
    tpu.wait_indirect_dma semaphore(%arg25 : memref<!tpu.dma_semaphore, #tpu.memory_space<semaphore_mem>>) src(%dma_wait3A_576 : memref<3200000xi32, #tpu.memory_space<hbm>>) dst(%dma_wait3A_572 : memref<128xi32, #tpu.memory_space<vmem>>)
    %dma_wait3A_577 = arith.constant 3200 : i32
    %dma_wait3A_578 = tpu.memref_slice %arg18[%dma_wait3A_577] : memref<4096xi32, #tpu.memory_space<vmem>> -> memref<128xi32, #tpu.memory_space<vmem>>
    %dma_wait3A_579 = arith.constant 3200 : i32
    %dma_wait3A_580 = tpu.memref_slice %arg16[%dma_wait3A_579] : memref<4096xi32, #tpu.memory_space<vmem>> -> memref<128xi32, #tpu.memory_space<vmem>>
    %dma_wait3A_581 = arith.constant 0 : i32
    %dma_wait3A_582 = tpu.memref_slice %arg5[%dma_wait3A_581] : memref<3200000xi32, #tpu.memory_space<hbm>> -> memref<3200000xi32, #tpu.memory_space<hbm>>
    tpu.wait_indirect_dma semaphore(%arg25 : memref<!tpu.dma_semaphore, #tpu.memory_space<semaphore_mem>>) src(%dma_wait3A_582 : memref<3200000xi32, #tpu.memory_space<hbm>>) dst(%dma_wait3A_578 : memref<128xi32, #tpu.memory_space<vmem>>)
    %dma_wait3A_583 = arith.constant 3328 : i32
    %dma_wait3A_584 = tpu.memref_slice %arg18[%dma_wait3A_583] : memref<4096xi32, #tpu.memory_space<vmem>> -> memref<128xi32, #tpu.memory_space<vmem>>
    %dma_wait3A_585 = arith.constant 3328 : i32
    %dma_wait3A_586 = tpu.memref_slice %arg16[%dma_wait3A_585] : memref<4096xi32, #tpu.memory_space<vmem>> -> memref<128xi32, #tpu.memory_space<vmem>>
    %dma_wait3A_587 = arith.constant 0 : i32
    %dma_wait3A_588 = tpu.memref_slice %arg5[%dma_wait3A_587] : memref<3200000xi32, #tpu.memory_space<hbm>> -> memref<3200000xi32, #tpu.memory_space<hbm>>
    tpu.wait_indirect_dma semaphore(%arg25 : memref<!tpu.dma_semaphore, #tpu.memory_space<semaphore_mem>>) src(%dma_wait3A_588 : memref<3200000xi32, #tpu.memory_space<hbm>>) dst(%dma_wait3A_584 : memref<128xi32, #tpu.memory_space<vmem>>)
    %dma_wait3A_589 = arith.constant 3456 : i32
    %dma_wait3A_590 = tpu.memref_slice %arg18[%dma_wait3A_589] : memref<4096xi32, #tpu.memory_space<vmem>> -> memref<128xi32, #tpu.memory_space<vmem>>
    %dma_wait3A_591 = arith.constant 3456 : i32
    %dma_wait3A_592 = tpu.memref_slice %arg16[%dma_wait3A_591] : memref<4096xi32, #tpu.memory_space<vmem>> -> memref<128xi32, #tpu.memory_space<vmem>>
    %dma_wait3A_593 = arith.constant 0 : i32
    %dma_wait3A_594 = tpu.memref_slice %arg5[%dma_wait3A_593] : memref<3200000xi32, #tpu.memory_space<hbm>> -> memref<3200000xi32, #tpu.memory_space<hbm>>
    tpu.wait_indirect_dma semaphore(%arg25 : memref<!tpu.dma_semaphore, #tpu.memory_space<semaphore_mem>>) src(%dma_wait3A_594 : memref<3200000xi32, #tpu.memory_space<hbm>>) dst(%dma_wait3A_590 : memref<128xi32, #tpu.memory_space<vmem>>)
    %dma_wait3A_595 = arith.constant 3584 : i32
    %dma_wait3A_596 = tpu.memref_slice %arg18[%dma_wait3A_595] : memref<4096xi32, #tpu.memory_space<vmem>> -> memref<128xi32, #tpu.memory_space<vmem>>
    %dma_wait3A_597 = arith.constant 3584 : i32
    %dma_wait3A_598 = tpu.memref_slice %arg16[%dma_wait3A_597] : memref<4096xi32, #tpu.memory_space<vmem>> -> memref<128xi32, #tpu.memory_space<vmem>>
    %dma_wait3A_599 = arith.constant 0 : i32
    %dma_wait3A_600 = tpu.memref_slice %arg5[%dma_wait3A_599] : memref<3200000xi32, #tpu.memory_space<hbm>> -> memref<3200000xi32, #tpu.memory_space<hbm>>
    tpu.wait_indirect_dma semaphore(%arg25 : memref<!tpu.dma_semaphore, #tpu.memory_space<semaphore_mem>>) src(%dma_wait3A_600 : memref<3200000xi32, #tpu.memory_space<hbm>>) dst(%dma_wait3A_596 : memref<128xi32, #tpu.memory_space<vmem>>)
    %dma_wait3A_601 = arith.constant 3712 : i32
    %dma_wait3A_602 = tpu.memref_slice %arg18[%dma_wait3A_601] : memref<4096xi32, #tpu.memory_space<vmem>> -> memref<128xi32, #tpu.memory_space<vmem>>
    %dma_wait3A_603 = arith.constant 3712 : i32
    %dma_wait3A_604 = tpu.memref_slice %arg16[%dma_wait3A_603] : memref<4096xi32, #tpu.memory_space<vmem>> -> memref<128xi32, #tpu.memory_space<vmem>>
    %dma_wait3A_605 = arith.constant 0 : i32
    %dma_wait3A_606 = tpu.memref_slice %arg5[%dma_wait3A_605] : memref<3200000xi32, #tpu.memory_space<hbm>> -> memref<3200000xi32, #tpu.memory_space<hbm>>
    tpu.wait_indirect_dma semaphore(%arg25 : memref<!tpu.dma_semaphore, #tpu.memory_space<semaphore_mem>>) src(%dma_wait3A_606 : memref<3200000xi32, #tpu.memory_space<hbm>>) dst(%dma_wait3A_602 : memref<128xi32, #tpu.memory_space<vmem>>)
    %dma_wait3A_607 = arith.constant 3840 : i32
    %dma_wait3A_608 = tpu.memref_slice %arg18[%dma_wait3A_607] : memref<4096xi32, #tpu.memory_space<vmem>> -> memref<128xi32, #tpu.memory_space<vmem>>
    %dma_wait3A_609 = arith.constant 3840 : i32
    %dma_wait3A_610 = tpu.memref_slice %arg16[%dma_wait3A_609] : memref<4096xi32, #tpu.memory_space<vmem>> -> memref<128xi32, #tpu.memory_space<vmem>>
    %dma_wait3A_611 = arith.constant 0 : i32
    %dma_wait3A_612 = tpu.memref_slice %arg5[%dma_wait3A_611] : memref<3200000xi32, #tpu.memory_space<hbm>> -> memref<3200000xi32, #tpu.memory_space<hbm>>
    tpu.wait_indirect_dma semaphore(%arg25 : memref<!tpu.dma_semaphore, #tpu.memory_space<semaphore_mem>>) src(%dma_wait3A_612 : memref<3200000xi32, #tpu.memory_space<hbm>>) dst(%dma_wait3A_608 : memref<128xi32, #tpu.memory_space<vmem>>)
    %dma_wait3A_613 = arith.constant 3968 : i32
    %dma_wait3A_614 = tpu.memref_slice %arg18[%dma_wait3A_613] : memref<4096xi32, #tpu.memory_space<vmem>> -> memref<128xi32, #tpu.memory_space<vmem>>
    %dma_wait3A_615 = arith.constant 3968 : i32
    %dma_wait3A_616 = tpu.memref_slice %arg16[%dma_wait3A_615] : memref<4096xi32, #tpu.memory_space<vmem>> -> memref<128xi32, #tpu.memory_space<vmem>>
    %dma_wait3A_617 = arith.constant 0 : i32
    %dma_wait3A_618 = tpu.memref_slice %arg5[%dma_wait3A_617] : memref<3200000xi32, #tpu.memory_space<hbm>> -> memref<3200000xi32, #tpu.memory_space<hbm>>
    tpu.wait_indirect_dma semaphore(%arg25 : memref<!tpu.dma_semaphore, #tpu.memory_space<semaphore_mem>>) src(%dma_wait3A_618 : memref<3200000xi32, #tpu.memory_space<hbm>>) dst(%dma_wait3A_614 : memref<128xi32, #tpu.memory_space<vmem>>)
    %parallel_loop3A_619 = arith.constant 0 : i32
    %parallel_loop3A_620 = arith.constant 128 : i32
    %parallel_loop3A_621 = arith.constant 1 : i32
    scf.for %parallel_loop3A_1642 = %parallel_loop3A_619 to %parallel_loop3A_620 step %parallel_loop3A_621  : i32 {
      %parallel_loop3A_1643 = vector.broadcast %parallel_loop3A_1642 : i32 to vector<16xi32>
      %parallel_loop3A_1644 = tpu.vector_load_idx %arg11[%parallel_loop3A_1643] : memref<128xi32, #tpu.memory_space<vmem>>[vector<16xi32>], vector<16xi32>,
      %parallel_loop3A_1645 = arith.constant 32 : i32
      %parallel_loop3A_1646 = arith.muli %parallel_loop3A_1642, %parallel_loop3A_1645 : i32
      %parallel_loop3A_1647 = arith.constant 0 : i32
      %parallel_loop3A_1648 = arith.addi %parallel_loop3A_1646, %parallel_loop3A_1647 : i32
      %parallel_loop3A_1649 = arith.index_cast %parallel_loop3A_1648 : i32 to index
      %parallel_loop3A_1650 = tpu.vector_load %arg18[%parallel_loop3A_1649] {strides = array<i32>} : memref<4096xi32, #tpu.memory_space<vmem>>, vector<16xi32>,
      %parallel_loop3A_1651 = arith.constant 3 : i32
      %parallel_loop3A_1652 = vector.broadcast %parallel_loop3A_1651 : i32 to vector<16xi32>
      %parallel_loop3A_1653 = arith.shrui %parallel_loop3A_1650, %parallel_loop3A_1652 : vector<16xi32>
      %parallel_loop3A_1654 = tpu.vector_load_idx %arg13[%parallel_loop3A_1653] : memref<25088xi32, #tpu.memory_space<vmem>>[vector<16xi32>], vector<16xi32>,
      %parallel_loop3A_1655 = arith.constant 7 : i32
      %parallel_loop3A_1656 = vector.broadcast %parallel_loop3A_1655 : i32 to vector<16xi32>
      %parallel_loop3A_1657 = arith.andi %parallel_loop3A_1650, %parallel_loop3A_1656 : vector<16xi32>
      %parallel_loop3A_1658 = arith.constant 2 : i32
      %parallel_loop3A_1659 = vector.broadcast %parallel_loop3A_1658 : i32 to vector<16xi32>
      %parallel_loop3A_1660 = arith.shli %parallel_loop3A_1657, %parallel_loop3A_1659 : vector<16xi32>
      %parallel_loop3A_1661 = arith.shrui %parallel_loop3A_1654, %parallel_loop3A_1660 : vector<16xi32>
      %parallel_loop3A_1662 = arith.constant 15 : i32
      %parallel_loop3A_1663 = vector.broadcast %parallel_loop3A_1662 : i32 to vector<16xi32>
      %parallel_loop3A_1664 = arith.andi %parallel_loop3A_1661, %parallel_loop3A_1663 : vector<16xi32>
      %parallel_loop3A_1665 = arith.cmpi ne, %parallel_loop3A_1650, %parallel_loop3A_1644 : vector<16xi32>
      tpu.vector_store_idx %arg22[%parallel_loop3A_1643, %parallel_loop3A_1664], %broadcast_in_dim3A_3 masked %parallel_loop3A_1665 {add = true} : memref<128x16xf32, #tpu.memory_space<vmem>>[vector<16xi32>, vector<16xi32>], vector<16xf32>, vector<16xi1>
      %parallel_loop3A_1666 = arith.constant 32 : i32
      %parallel_loop3A_1667 = arith.muli %parallel_loop3A_1642, %parallel_loop3A_1666 : i32
      %parallel_loop3A_1668 = arith.constant 16 : i32
      %parallel_loop3A_1669 = arith.addi %parallel_loop3A_1667, %parallel_loop3A_1668 : i32
      %parallel_loop3A_1670 = arith.index_cast %parallel_loop3A_1669 : i32 to index
      %parallel_loop3A_1671 = tpu.vector_load %arg18[%parallel_loop3A_1670] {strides = array<i32>} : memref<4096xi32, #tpu.memory_space<vmem>>, vector<16xi32>,
      %parallel_loop3A_1672 = arith.constant 3 : i32
      %parallel_loop3A_1673 = vector.broadcast %parallel_loop3A_1672 : i32 to vector<16xi32>
      %parallel_loop3A_1674 = arith.shrui %parallel_loop3A_1671, %parallel_loop3A_1673 : vector<16xi32>
      %parallel_loop3A_1675 = tpu.vector_load_idx %arg13[%parallel_loop3A_1674] : memref<25088xi32, #tpu.memory_space<vmem>>[vector<16xi32>], vector<16xi32>,
      %parallel_loop3A_1676 = arith.constant 7 : i32
      %parallel_loop3A_1677 = vector.broadcast %parallel_loop3A_1676 : i32 to vector<16xi32>
      %parallel_loop3A_1678 = arith.andi %parallel_loop3A_1671, %parallel_loop3A_1677 : vector<16xi32>
      %parallel_loop3A_1679 = arith.constant 2 : i32
      %parallel_loop3A_1680 = vector.broadcast %parallel_loop3A_1679 : i32 to vector<16xi32>
      %parallel_loop3A_1681 = arith.shli %parallel_loop3A_1678, %parallel_loop3A_1680 : vector<16xi32>
      %parallel_loop3A_1682 = arith.shrui %parallel_loop3A_1675, %parallel_loop3A_1681 : vector<16xi32>
      %parallel_loop3A_1683 = arith.constant 15 : i32
      %parallel_loop3A_1684 = vector.broadcast %parallel_loop3A_1683 : i32 to vector<16xi32>
      %parallel_loop3A_1685 = arith.andi %parallel_loop3A_1682, %parallel_loop3A_1684 : vector<16xi32>
      %parallel_loop3A_1686 = arith.cmpi ne, %parallel_loop3A_1671, %parallel_loop3A_1644 : vector<16xi32>
      tpu.vector_store_idx %arg22[%parallel_loop3A_1643, %parallel_loop3A_1685], %broadcast_in_dim3A_3 masked %parallel_loop3A_1686 {add = true} : memref<128x16xf32, #tpu.memory_space<vmem>>[vector<16xi32>, vector<16xi32>], vector<16xf32>, vector<16xi1>
    } {sc.loop_unroll_factor = 1 : i64, sc.parallel_access}
    %parallel_loop3A_622 = arith.constant 0 : i32
    %parallel_loop3A_623 = arith.constant 128 : i32
    %parallel_loop3A_624 = arith.constant 1 : i32
    scf.for %parallel_loop3A_1642 = %parallel_loop3A_622 to %parallel_loop3A_623 step %parallel_loop3A_624  : i32 {
      %parallel_loop3A_1643 = arith.constant 256 : i32
      %parallel_loop3A_1644 = arith.addi %parallel_loop3A_1643, %parallel_loop3A_1642 : i32
      %parallel_loop3A_1645 = vector.broadcast %parallel_loop3A_1644 : i32 to vector<16xi32>
      %parallel_loop3A_1646 = tpu.vector_load_idx %arg10[%parallel_loop3A_1645] : memref<512xi32, #tpu.memory_space<vmem>>[vector<16xi32>], vector<16xi32>,
      %parallel_loop3A_1647 = arith.constant 0 : i32
      %parallel_loop3A_1648 = vector.broadcast %parallel_loop3A_1647 : i32 to vector<16xi32>
      %parallel_loop3A_1649 = arith.addi %mul3A_18, %parallel_loop3A_1648 : vector<16xi32>
      %parallel_loop3A_1650 = arith.addi %parallel_loop3A_1646, %parallel_loop3A_1649 : vector<16xi32>
      %parallel_loop3A_1651 = arith.constant 32 : i32
      %parallel_loop3A_1652 = arith.muli %parallel_loop3A_1642, %parallel_loop3A_1651 : i32
      %parallel_loop3A_1653 = arith.constant 0 : i32
      %parallel_loop3A_1654 = arith.addi %parallel_loop3A_1652, %parallel_loop3A_1653 : i32
      %parallel_loop3A_1655 = arith.index_cast %parallel_loop3A_1654 : i32 to index
      %parallel_loop3A_1656 = tpu.vector_load %arg16[%parallel_loop3A_1655] {strides = array<i32>} : memref<4096xi32, #tpu.memory_space<vmem>>, vector<16xi32>,
      tpu.vector_store %arg16[%parallel_loop3A_1655], %parallel_loop3A_1650 {strides = array<i32>} : memref<4096xi32, #tpu.memory_space<vmem>>, vector<16xi32>,
      %parallel_loop3A_1657 = arith.constant 1600000 : i32
      %parallel_loop3A_1658 = vector.broadcast %parallel_loop3A_1657 : i32 to vector<16xi32>
      %parallel_loop3A_1659 = arith.addi %mul3A_18, %parallel_loop3A_1658 : vector<16xi32>
      %parallel_loop3A_1660 = arith.addi %parallel_loop3A_1646, %parallel_loop3A_1659 : vector<16xi32>
      %parallel_loop3A_1661 = arith.constant 32 : i32
      %parallel_loop3A_1662 = arith.muli %parallel_loop3A_1642, %parallel_loop3A_1661 : i32
      %parallel_loop3A_1663 = arith.constant 16 : i32
      %parallel_loop3A_1664 = arith.addi %parallel_loop3A_1662, %parallel_loop3A_1663 : i32
      %parallel_loop3A_1665 = arith.index_cast %parallel_loop3A_1664 : i32 to index
      %parallel_loop3A_1666 = tpu.vector_load %arg16[%parallel_loop3A_1665] {strides = array<i32>} : memref<4096xi32, #tpu.memory_space<vmem>>, vector<16xi32>,
      tpu.vector_store %arg16[%parallel_loop3A_1665], %parallel_loop3A_1660 {strides = array<i32>} : memref<4096xi32, #tpu.memory_space<vmem>>, vector<16xi32>,
    } {sc.loop_unroll_factor = 1 : i64, sc.parallel_access}
    %dma_start3A_625 = arith.constant 0 : i32
    %dma_start3A_626 = tpu.memref_slice %arg18[%dma_start3A_625] : memref<4096xi32, #tpu.memory_space<vmem>> -> memref<128xi32, #tpu.memory_space<vmem>>
    %dma_start3A_627 = arith.constant 0 : i32
    %dma_start3A_628 = tpu.memref_slice %arg16[%dma_start3A_627] : memref<4096xi32, #tpu.memory_space<vmem>> -> memref<128xi32, #tpu.memory_space<vmem>>
    %dma_start3A_629 = arith.constant 0 : i32
    %dma_start3A_630 = tpu.memref_slice %arg5[%dma_start3A_629] : memref<3200000xi32, #tpu.memory_space<hbm>> -> memref<3200000xi32, #tpu.memory_space<hbm>>
    tpu.enqueue_indirect_dma source(%dma_start3A_630 : memref<3200000xi32, #tpu.memory_space<hbm>>) target(%dma_start3A_626 : memref<128xi32, #tpu.memory_space<vmem>>) offsets(%dma_start3A_628 : memref<128xi32, #tpu.memory_space<vmem>>) semaphore(%arg25 : memref<!tpu.dma_semaphore, #tpu.memory_space<semaphore_mem>>)
    %dma_start3A_631 = arith.constant 128 : i32
    %dma_start3A_632 = tpu.memref_slice %arg18[%dma_start3A_631] : memref<4096xi32, #tpu.memory_space<vmem>> -> memref<128xi32, #tpu.memory_space<vmem>>
    %dma_start3A_633 = arith.constant 128 : i32
    %dma_start3A_634 = tpu.memref_slice %arg16[%dma_start3A_633] : memref<4096xi32, #tpu.memory_space<vmem>> -> memref<128xi32, #tpu.memory_space<vmem>>
    %dma_start3A_635 = arith.constant 0 : i32
    %dma_start3A_636 = tpu.memref_slice %arg5[%dma_start3A_635] : memref<3200000xi32, #tpu.memory_space<hbm>> -> memref<3200000xi32, #tpu.memory_space<hbm>>
    tpu.enqueue_indirect_dma source(%dma_start3A_636 : memref<3200000xi32, #tpu.memory_space<hbm>>) target(%dma_start3A_632 : memref<128xi32, #tpu.memory_space<vmem>>) offsets(%dma_start3A_634 : memref<128xi32, #tpu.memory_space<vmem>>) semaphore(%arg25 : memref<!tpu.dma_semaphore, #tpu.memory_space<semaphore_mem>>)
    %dma_start3A_637 = arith.constant 256 : i32
    %dma_start3A_638 = tpu.memref_slice %arg18[%dma_start3A_637] : memref<4096xi32, #tpu.memory_space<vmem>> -> memref<128xi32, #tpu.memory_space<vmem>>
    %dma_start3A_639 = arith.constant 256 : i32
    %dma_start3A_640 = tpu.memref_slice %arg16[%dma_start3A_639] : memref<4096xi32, #tpu.memory_space<vmem>> -> memref<128xi32, #tpu.memory_space<vmem>>
    %dma_start3A_641 = arith.constant 0 : i32
    %dma_start3A_642 = tpu.memref_slice %arg5[%dma_start3A_641] : memref<3200000xi32, #tpu.memory_space<hbm>> -> memref<3200000xi32, #tpu.memory_space<hbm>>
    tpu.enqueue_indirect_dma source(%dma_start3A_642 : memref<3200000xi32, #tpu.memory_space<hbm>>) target(%dma_start3A_638 : memref<128xi32, #tpu.memory_space<vmem>>) offsets(%dma_start3A_640 : memref<128xi32, #tpu.memory_space<vmem>>) semaphore(%arg25 : memref<!tpu.dma_semaphore, #tpu.memory_space<semaphore_mem>>)
    %dma_start3A_643 = arith.constant 384 : i32
    %dma_start3A_644 = tpu.memref_slice %arg18[%dma_start3A_643] : memref<4096xi32, #tpu.memory_space<vmem>> -> memref<128xi32, #tpu.memory_space<vmem>>
    %dma_start3A_645 = arith.constant 384 : i32
    %dma_start3A_646 = tpu.memref_slice %arg16[%dma_start3A_645] : memref<4096xi32, #tpu.memory_space<vmem>> -> memref<128xi32, #tpu.memory_space<vmem>>
    %dma_start3A_647 = arith.constant 0 : i32
    %dma_start3A_648 = tpu.memref_slice %arg5[%dma_start3A_647] : memref<3200000xi32, #tpu.memory_space<hbm>> -> memref<3200000xi32, #tpu.memory_space<hbm>>
    tpu.enqueue_indirect_dma source(%dma_start3A_648 : memref<3200000xi32, #tpu.memory_space<hbm>>) target(%dma_start3A_644 : memref<128xi32, #tpu.memory_space<vmem>>) offsets(%dma_start3A_646 : memref<128xi32, #tpu.memory_space<vmem>>) semaphore(%arg25 : memref<!tpu.dma_semaphore, #tpu.memory_space<semaphore_mem>>)
    %dma_start3A_649 = arith.constant 512 : i32
    %dma_start3A_650 = tpu.memref_slice %arg18[%dma_start3A_649] : memref<4096xi32, #tpu.memory_space<vmem>> -> memref<128xi32, #tpu.memory_space<vmem>>
    %dma_start3A_651 = arith.constant 512 : i32
    %dma_start3A_652 = tpu.memref_slice %arg16[%dma_start3A_651] : memref<4096xi32, #tpu.memory_space<vmem>> -> memref<128xi32, #tpu.memory_space<vmem>>
    %dma_start3A_653 = arith.constant 0 : i32
    %dma_start3A_654 = tpu.memref_slice %arg5[%dma_start3A_653] : memref<3200000xi32, #tpu.memory_space<hbm>> -> memref<3200000xi32, #tpu.memory_space<hbm>>
    tpu.enqueue_indirect_dma source(%dma_start3A_654 : memref<3200000xi32, #tpu.memory_space<hbm>>) target(%dma_start3A_650 : memref<128xi32, #tpu.memory_space<vmem>>) offsets(%dma_start3A_652 : memref<128xi32, #tpu.memory_space<vmem>>) semaphore(%arg25 : memref<!tpu.dma_semaphore, #tpu.memory_space<semaphore_mem>>)
    %dma_start3A_655 = arith.constant 640 : i32
    %dma_start3A_656 = tpu.memref_slice %arg18[%dma_start3A_655] : memref<4096xi32, #tpu.memory_space<vmem>> -> memref<128xi32, #tpu.memory_space<vmem>>
    %dma_start3A_657 = arith.constant 640 : i32
    %dma_start3A_658 = tpu.memref_slice %arg16[%dma_start3A_657] : memref<4096xi32, #tpu.memory_space<vmem>> -> memref<128xi32, #tpu.memory_space<vmem>>
    %dma_start3A_659 = arith.constant 0 : i32
    %dma_start3A_660 = tpu.memref_slice %arg5[%dma_start3A_659] : memref<3200000xi32, #tpu.memory_space<hbm>> -> memref<3200000xi32, #tpu.memory_space<hbm>>
    tpu.enqueue_indirect_dma source(%dma_start3A_660 : memref<3200000xi32, #tpu.memory_space<hbm>>) target(%dma_start3A_656 : memref<128xi32, #tpu.memory_space<vmem>>) offsets(%dma_start3A_658 : memref<128xi32, #tpu.memory_space<vmem>>) semaphore(%arg25 : memref<!tpu.dma_semaphore, #tpu.memory_space<semaphore_mem>>)
    %dma_start3A_661 = arith.constant 768 : i32
    %dma_start3A_662 = tpu.memref_slice %arg18[%dma_start3A_661] : memref<4096xi32, #tpu.memory_space<vmem>> -> memref<128xi32, #tpu.memory_space<vmem>>
    %dma_start3A_663 = arith.constant 768 : i32
    %dma_start3A_664 = tpu.memref_slice %arg16[%dma_start3A_663] : memref<4096xi32, #tpu.memory_space<vmem>> -> memref<128xi32, #tpu.memory_space<vmem>>
    %dma_start3A_665 = arith.constant 0 : i32
    %dma_start3A_666 = tpu.memref_slice %arg5[%dma_start3A_665] : memref<3200000xi32, #tpu.memory_space<hbm>> -> memref<3200000xi32, #tpu.memory_space<hbm>>
    tpu.enqueue_indirect_dma source(%dma_start3A_666 : memref<3200000xi32, #tpu.memory_space<hbm>>) target(%dma_start3A_662 : memref<128xi32, #tpu.memory_space<vmem>>) offsets(%dma_start3A_664 : memref<128xi32, #tpu.memory_space<vmem>>) semaphore(%arg25 : memref<!tpu.dma_semaphore, #tpu.memory_space<semaphore_mem>>)
    %dma_start3A_667 = arith.constant 896 : i32
    %dma_start3A_668 = tpu.memref_slice %arg18[%dma_start3A_667] : memref<4096xi32, #tpu.memory_space<vmem>> -> memref<128xi32, #tpu.memory_space<vmem>>
    %dma_start3A_669 = arith.constant 896 : i32
    %dma_start3A_670 = tpu.memref_slice %arg16[%dma_start3A_669] : memref<4096xi32, #tpu.memory_space<vmem>> -> memref<128xi32, #tpu.memory_space<vmem>>
    %dma_start3A_671 = arith.constant 0 : i32
    %dma_start3A_672 = tpu.memref_slice %arg5[%dma_start3A_671] : memref<3200000xi32, #tpu.memory_space<hbm>> -> memref<3200000xi32, #tpu.memory_space<hbm>>
    tpu.enqueue_indirect_dma source(%dma_start3A_672 : memref<3200000xi32, #tpu.memory_space<hbm>>) target(%dma_start3A_668 : memref<128xi32, #tpu.memory_space<vmem>>) offsets(%dma_start3A_670 : memref<128xi32, #tpu.memory_space<vmem>>) semaphore(%arg25 : memref<!tpu.dma_semaphore, #tpu.memory_space<semaphore_mem>>)
    %dma_start3A_673 = arith.constant 1024 : i32
    %dma_start3A_674 = tpu.memref_slice %arg18[%dma_start3A_673] : memref<4096xi32, #tpu.memory_space<vmem>> -> memref<128xi32, #tpu.memory_space<vmem>>
    %dma_start3A_675 = arith.constant 1024 : i32
    %dma_start3A_676 = tpu.memref_slice %arg16[%dma_start3A_675] : memref<4096xi32, #tpu.memory_space<vmem>> -> memref<128xi32, #tpu.memory_space<vmem>>
    %dma_start3A_677 = arith.constant 0 : i32
    %dma_start3A_678 = tpu.memref_slice %arg5[%dma_start3A_677] : memref<3200000xi32, #tpu.memory_space<hbm>> -> memref<3200000xi32, #tpu.memory_space<hbm>>
    tpu.enqueue_indirect_dma source(%dma_start3A_678 : memref<3200000xi32, #tpu.memory_space<hbm>>) target(%dma_start3A_674 : memref<128xi32, #tpu.memory_space<vmem>>) offsets(%dma_start3A_676 : memref<128xi32, #tpu.memory_space<vmem>>) semaphore(%arg25 : memref<!tpu.dma_semaphore, #tpu.memory_space<semaphore_mem>>)
    %dma_start3A_679 = arith.constant 1152 : i32
    %dma_start3A_680 = tpu.memref_slice %arg18[%dma_start3A_679] : memref<4096xi32, #tpu.memory_space<vmem>> -> memref<128xi32, #tpu.memory_space<vmem>>
    %dma_start3A_681 = arith.constant 1152 : i32
    %dma_start3A_682 = tpu.memref_slice %arg16[%dma_start3A_681] : memref<4096xi32, #tpu.memory_space<vmem>> -> memref<128xi32, #tpu.memory_space<vmem>>
    %dma_start3A_683 = arith.constant 0 : i32
    %dma_start3A_684 = tpu.memref_slice %arg5[%dma_start3A_683] : memref<3200000xi32, #tpu.memory_space<hbm>> -> memref<3200000xi32, #tpu.memory_space<hbm>>
    tpu.enqueue_indirect_dma source(%dma_start3A_684 : memref<3200000xi32, #tpu.memory_space<hbm>>) target(%dma_start3A_680 : memref<128xi32, #tpu.memory_space<vmem>>) offsets(%dma_start3A_682 : memref<128xi32, #tpu.memory_space<vmem>>) semaphore(%arg25 : memref<!tpu.dma_semaphore, #tpu.memory_space<semaphore_mem>>)
    %dma_start3A_685 = arith.constant 1280 : i32
    %dma_start3A_686 = tpu.memref_slice %arg18[%dma_start3A_685] : memref<4096xi32, #tpu.memory_space<vmem>> -> memref<128xi32, #tpu.memory_space<vmem>>
    %dma_start3A_687 = arith.constant 1280 : i32
    %dma_start3A_688 = tpu.memref_slice %arg16[%dma_start3A_687] : memref<4096xi32, #tpu.memory_space<vmem>> -> memref<128xi32, #tpu.memory_space<vmem>>
    %dma_start3A_689 = arith.constant 0 : i32
    %dma_start3A_690 = tpu.memref_slice %arg5[%dma_start3A_689] : memref<3200000xi32, #tpu.memory_space<hbm>> -> memref<3200000xi32, #tpu.memory_space<hbm>>
    tpu.enqueue_indirect_dma source(%dma_start3A_690 : memref<3200000xi32, #tpu.memory_space<hbm>>) target(%dma_start3A_686 : memref<128xi32, #tpu.memory_space<vmem>>) offsets(%dma_start3A_688 : memref<128xi32, #tpu.memory_space<vmem>>) semaphore(%arg25 : memref<!tpu.dma_semaphore, #tpu.memory_space<semaphore_mem>>)
    %dma_start3A_691 = arith.constant 1408 : i32
    %dma_start3A_692 = tpu.memref_slice %arg18[%dma_start3A_691] : memref<4096xi32, #tpu.memory_space<vmem>> -> memref<128xi32, #tpu.memory_space<vmem>>
    %dma_start3A_693 = arith.constant 1408 : i32
    %dma_start3A_694 = tpu.memref_slice %arg16[%dma_start3A_693] : memref<4096xi32, #tpu.memory_space<vmem>> -> memref<128xi32, #tpu.memory_space<vmem>>
    %dma_start3A_695 = arith.constant 0 : i32
    %dma_start3A_696 = tpu.memref_slice %arg5[%dma_start3A_695] : memref<3200000xi32, #tpu.memory_space<hbm>> -> memref<3200000xi32, #tpu.memory_space<hbm>>
    tpu.enqueue_indirect_dma source(%dma_start3A_696 : memref<3200000xi32, #tpu.memory_space<hbm>>) target(%dma_start3A_692 : memref<128xi32, #tpu.memory_space<vmem>>) offsets(%dma_start3A_694 : memref<128xi32, #tpu.memory_space<vmem>>) semaphore(%arg25 : memref<!tpu.dma_semaphore, #tpu.memory_space<semaphore_mem>>)
    %dma_start3A_697 = arith.constant 1536 : i32
    %dma_start3A_698 = tpu.memref_slice %arg18[%dma_start3A_697] : memref<4096xi32, #tpu.memory_space<vmem>> -> memref<128xi32, #tpu.memory_space<vmem>>
    %dma_start3A_699 = arith.constant 1536 : i32
    %dma_start3A_700 = tpu.memref_slice %arg16[%dma_start3A_699] : memref<4096xi32, #tpu.memory_space<vmem>> -> memref<128xi32, #tpu.memory_space<vmem>>
    %dma_start3A_701 = arith.constant 0 : i32
    %dma_start3A_702 = tpu.memref_slice %arg5[%dma_start3A_701] : memref<3200000xi32, #tpu.memory_space<hbm>> -> memref<3200000xi32, #tpu.memory_space<hbm>>
    tpu.enqueue_indirect_dma source(%dma_start3A_702 : memref<3200000xi32, #tpu.memory_space<hbm>>) target(%dma_start3A_698 : memref<128xi32, #tpu.memory_space<vmem>>) offsets(%dma_start3A_700 : memref<128xi32, #tpu.memory_space<vmem>>) semaphore(%arg25 : memref<!tpu.dma_semaphore, #tpu.memory_space<semaphore_mem>>)
    %dma_start3A_703 = arith.constant 1664 : i32
    %dma_start3A_704 = tpu.memref_slice %arg18[%dma_start3A_703] : memref<4096xi32, #tpu.memory_space<vmem>> -> memref<128xi32, #tpu.memory_space<vmem>>
    %dma_start3A_705 = arith.constant 1664 : i32
    %dma_start3A_706 = tpu.memref_slice %arg16[%dma_start3A_705] : memref<4096xi32, #tpu.memory_space<vmem>> -> memref<128xi32, #tpu.memory_space<vmem>>
    %dma_start3A_707 = arith.constant 0 : i32
    %dma_start3A_708 = tpu.memref_slice %arg5[%dma_start3A_707] : memref<3200000xi32, #tpu.memory_space<hbm>> -> memref<3200000xi32, #tpu.memory_space<hbm>>
    tpu.enqueue_indirect_dma source(%dma_start3A_708 : memref<3200000xi32, #tpu.memory_space<hbm>>) target(%dma_start3A_704 : memref<128xi32, #tpu.memory_space<vmem>>) offsets(%dma_start3A_706 : memref<128xi32, #tpu.memory_space<vmem>>) semaphore(%arg25 : memref<!tpu.dma_semaphore, #tpu.memory_space<semaphore_mem>>)
    %dma_start3A_709 = arith.constant 1792 : i32
    %dma_start3A_710 = tpu.memref_slice %arg18[%dma_start3A_709] : memref<4096xi32, #tpu.memory_space<vmem>> -> memref<128xi32, #tpu.memory_space<vmem>>
    %dma_start3A_711 = arith.constant 1792 : i32
    %dma_start3A_712 = tpu.memref_slice %arg16[%dma_start3A_711] : memref<4096xi32, #tpu.memory_space<vmem>> -> memref<128xi32, #tpu.memory_space<vmem>>
    %dma_start3A_713 = arith.constant 0 : i32
    %dma_start3A_714 = tpu.memref_slice %arg5[%dma_start3A_713] : memref<3200000xi32, #tpu.memory_space<hbm>> -> memref<3200000xi32, #tpu.memory_space<hbm>>
    tpu.enqueue_indirect_dma source(%dma_start3A_714 : memref<3200000xi32, #tpu.memory_space<hbm>>) target(%dma_start3A_710 : memref<128xi32, #tpu.memory_space<vmem>>) offsets(%dma_start3A_712 : memref<128xi32, #tpu.memory_space<vmem>>) semaphore(%arg25 : memref<!tpu.dma_semaphore, #tpu.memory_space<semaphore_mem>>)
    %dma_start3A_715 = arith.constant 1920 : i32
    %dma_start3A_716 = tpu.memref_slice %arg18[%dma_start3A_715] : memref<4096xi32, #tpu.memory_space<vmem>> -> memref<128xi32, #tpu.memory_space<vmem>>
    %dma_start3A_717 = arith.constant 1920 : i32
    %dma_start3A_718 = tpu.memref_slice %arg16[%dma_start3A_717] : memref<4096xi32, #tpu.memory_space<vmem>> -> memref<128xi32, #tpu.memory_space<vmem>>
    %dma_start3A_719 = arith.constant 0 : i32
    %dma_start3A_720 = tpu.memref_slice %arg5[%dma_start3A_719] : memref<3200000xi32, #tpu.memory_space<hbm>> -> memref<3200000xi32, #tpu.memory_space<hbm>>
    tpu.enqueue_indirect_dma source(%dma_start3A_720 : memref<3200000xi32, #tpu.memory_space<hbm>>) target(%dma_start3A_716 : memref<128xi32, #tpu.memory_space<vmem>>) offsets(%dma_start3A_718 : memref<128xi32, #tpu.memory_space<vmem>>) semaphore(%arg25 : memref<!tpu.dma_semaphore, #tpu.memory_space<semaphore_mem>>)
    %dma_start3A_721 = arith.constant 2048 : i32
    %dma_start3A_722 = tpu.memref_slice %arg18[%dma_start3A_721] : memref<4096xi32, #tpu.memory_space<vmem>> -> memref<128xi32, #tpu.memory_space<vmem>>
    %dma_start3A_723 = arith.constant 2048 : i32
    %dma_start3A_724 = tpu.memref_slice %arg16[%dma_start3A_723] : memref<4096xi32, #tpu.memory_space<vmem>> -> memref<128xi32, #tpu.memory_space<vmem>>
    %dma_start3A_725 = arith.constant 0 : i32
    %dma_start3A_726 = tpu.memref_slice %arg5[%dma_start3A_725] : memref<3200000xi32, #tpu.memory_space<hbm>> -> memref<3200000xi32, #tpu.memory_space<hbm>>
    tpu.enqueue_indirect_dma source(%dma_start3A_726 : memref<3200000xi32, #tpu.memory_space<hbm>>) target(%dma_start3A_722 : memref<128xi32, #tpu.memory_space<vmem>>) offsets(%dma_start3A_724 : memref<128xi32, #tpu.memory_space<vmem>>) semaphore(%arg25 : memref<!tpu.dma_semaphore, #tpu.memory_space<semaphore_mem>>)
    %dma_start3A_727 = arith.constant 2176 : i32
    %dma_start3A_728 = tpu.memref_slice %arg18[%dma_start3A_727] : memref<4096xi32, #tpu.memory_space<vmem>> -> memref<128xi32, #tpu.memory_space<vmem>>
    %dma_start3A_729 = arith.constant 2176 : i32
    %dma_start3A_730 = tpu.memref_slice %arg16[%dma_start3A_729] : memref<4096xi32, #tpu.memory_space<vmem>> -> memref<128xi32, #tpu.memory_space<vmem>>
    %dma_start3A_731 = arith.constant 0 : i32
    %dma_start3A_732 = tpu.memref_slice %arg5[%dma_start3A_731] : memref<3200000xi32, #tpu.memory_space<hbm>> -> memref<3200000xi32, #tpu.memory_space<hbm>>
    tpu.enqueue_indirect_dma source(%dma_start3A_732 : memref<3200000xi32, #tpu.memory_space<hbm>>) target(%dma_start3A_728 : memref<128xi32, #tpu.memory_space<vmem>>) offsets(%dma_start3A_730 : memref<128xi32, #tpu.memory_space<vmem>>) semaphore(%arg25 : memref<!tpu.dma_semaphore, #tpu.memory_space<semaphore_mem>>)
    %dma_start3A_733 = arith.constant 2304 : i32
    %dma_start3A_734 = tpu.memref_slice %arg18[%dma_start3A_733] : memref<4096xi32, #tpu.memory_space<vmem>> -> memref<128xi32, #tpu.memory_space<vmem>>
    %dma_start3A_735 = arith.constant 2304 : i32
    %dma_start3A_736 = tpu.memref_slice %arg16[%dma_start3A_735] : memref<4096xi32, #tpu.memory_space<vmem>> -> memref<128xi32, #tpu.memory_space<vmem>>
    %dma_start3A_737 = arith.constant 0 : i32
    %dma_start3A_738 = tpu.memref_slice %arg5[%dma_start3A_737] : memref<3200000xi32, #tpu.memory_space<hbm>> -> memref<3200000xi32, #tpu.memory_space<hbm>>
    tpu.enqueue_indirect_dma source(%dma_start3A_738 : memref<3200000xi32, #tpu.memory_space<hbm>>) target(%dma_start3A_734 : memref<128xi32, #tpu.memory_space<vmem>>) offsets(%dma_start3A_736 : memref<128xi32, #tpu.memory_space<vmem>>) semaphore(%arg25 : memref<!tpu.dma_semaphore, #tpu.memory_space<semaphore_mem>>)
    %dma_start3A_739 = arith.constant 2432 : i32
    %dma_start3A_740 = tpu.memref_slice %arg18[%dma_start3A_739] : memref<4096xi32, #tpu.memory_space<vmem>> -> memref<128xi32, #tpu.memory_space<vmem>>
    %dma_start3A_741 = arith.constant 2432 : i32
    %dma_start3A_742 = tpu.memref_slice %arg16[%dma_start3A_741] : memref<4096xi32, #tpu.memory_space<vmem>> -> memref<128xi32, #tpu.memory_space<vmem>>
    %dma_start3A_743 = arith.constant 0 : i32
    %dma_start3A_744 = tpu.memref_slice %arg5[%dma_start3A_743] : memref<3200000xi32, #tpu.memory_space<hbm>> -> memref<3200000xi32, #tpu.memory_space<hbm>>
    tpu.enqueue_indirect_dma source(%dma_start3A_744 : memref<3200000xi32, #tpu.memory_space<hbm>>) target(%dma_start3A_740 : memref<128xi32, #tpu.memory_space<vmem>>) offsets(%dma_start3A_742 : memref<128xi32, #tpu.memory_space<vmem>>) semaphore(%arg25 : memref<!tpu.dma_semaphore, #tpu.memory_space<semaphore_mem>>)
    %dma_start3A_745 = arith.constant 2560 : i32
    %dma_start3A_746 = tpu.memref_slice %arg18[%dma_start3A_745] : memref<4096xi32, #tpu.memory_space<vmem>> -> memref<128xi32, #tpu.memory_space<vmem>>
    %dma_start3A_747 = arith.constant 2560 : i32
    %dma_start3A_748 = tpu.memref_slice %arg16[%dma_start3A_747] : memref<4096xi32, #tpu.memory_space<vmem>> -> memref<128xi32, #tpu.memory_space<vmem>>
    %dma_start3A_749 = arith.constant 0 : i32
    %dma_start3A_750 = tpu.memref_slice %arg5[%dma_start3A_749] : memref<3200000xi32, #tpu.memory_space<hbm>> -> memref<3200000xi32, #tpu.memory_space<hbm>>
    tpu.enqueue_indirect_dma source(%dma_start3A_750 : memref<3200000xi32, #tpu.memory_space<hbm>>) target(%dma_start3A_746 : memref<128xi32, #tpu.memory_space<vmem>>) offsets(%dma_start3A_748 : memref<128xi32, #tpu.memory_space<vmem>>) semaphore(%arg25 : memref<!tpu.dma_semaphore, #tpu.memory_space<semaphore_mem>>)
    %dma_start3A_751 = arith.constant 2688 : i32
    %dma_start3A_752 = tpu.memref_slice %arg18[%dma_start3A_751] : memref<4096xi32, #tpu.memory_space<vmem>> -> memref<128xi32, #tpu.memory_space<vmem>>
    %dma_start3A_753 = arith.constant 2688 : i32
    %dma_start3A_754 = tpu.memref_slice %arg16[%dma_start3A_753] : memref<4096xi32, #tpu.memory_space<vmem>> -> memref<128xi32, #tpu.memory_space<vmem>>
    %dma_start3A_755 = arith.constant 0 : i32
    %dma_start3A_756 = tpu.memref_slice %arg5[%dma_start3A_755] : memref<3200000xi32, #tpu.memory_space<hbm>> -> memref<3200000xi32, #tpu.memory_space<hbm>>
    tpu.enqueue_indirect_dma source(%dma_start3A_756 : memref<3200000xi32, #tpu.memory_space<hbm>>) target(%dma_start3A_752 : memref<128xi32, #tpu.memory_space<vmem>>) offsets(%dma_start3A_754 : memref<128xi32, #tpu.memory_space<vmem>>) semaphore(%arg25 : memref<!tpu.dma_semaphore, #tpu.memory_space<semaphore_mem>>)
    %dma_start3A_757 = arith.constant 2816 : i32
    %dma_start3A_758 = tpu.memref_slice %arg18[%dma_start3A_757] : memref<4096xi32, #tpu.memory_space<vmem>> -> memref<128xi32, #tpu.memory_space<vmem>>
    %dma_start3A_759 = arith.constant 2816 : i32
    %dma_start3A_760 = tpu.memref_slice %arg16[%dma_start3A_759] : memref<4096xi32, #tpu.memory_space<vmem>> -> memref<128xi32, #tpu.memory_space<vmem>>
    %dma_start3A_761 = arith.constant 0 : i32
    %dma_start3A_762 = tpu.memref_slice %arg5[%dma_start3A_761] : memref<3200000xi32, #tpu.memory_space<hbm>> -> memref<3200000xi32, #tpu.memory_space<hbm>>
    tpu.enqueue_indirect_dma source(%dma_start3A_762 : memref<3200000xi32, #tpu.memory_space<hbm>>) target(%dma_start3A_758 : memref<128xi32, #tpu.memory_space<vmem>>) offsets(%dma_start3A_760 : memref<128xi32, #tpu.memory_space<vmem>>) semaphore(%arg25 : memref<!tpu.dma_semaphore, #tpu.memory_space<semaphore_mem>>)
    %dma_start3A_763 = arith.constant 2944 : i32
    %dma_start3A_764 = tpu.memref_slice %arg18[%dma_start3A_763] : memref<4096xi32, #tpu.memory_space<vmem>> -> memref<128xi32, #tpu.memory_space<vmem>>
    %dma_start3A_765 = arith.constant 2944 : i32
    %dma_start3A_766 = tpu.memref_slice %arg16[%dma_start3A_765] : memref<4096xi32, #tpu.memory_space<vmem>> -> memref<128xi32, #tpu.memory_space<vmem>>
    %dma_start3A_767 = arith.constant 0 : i32
    %dma_start3A_768 = tpu.memref_slice %arg5[%dma_start3A_767] : memref<3200000xi32, #tpu.memory_space<hbm>> -> memref<3200000xi32, #tpu.memory_space<hbm>>
    tpu.enqueue_indirect_dma source(%dma_start3A_768 : memref<3200000xi32, #tpu.memory_space<hbm>>) target(%dma_start3A_764 : memref<128xi32, #tpu.memory_space<vmem>>) offsets(%dma_start3A_766 : memref<128xi32, #tpu.memory_space<vmem>>) semaphore(%arg25 : memref<!tpu.dma_semaphore, #tpu.memory_space<semaphore_mem>>)
    %dma_start3A_769 = arith.constant 3072 : i32
    %dma_start3A_770 = tpu.memref_slice %arg18[%dma_start3A_769] : memref<4096xi32, #tpu.memory_space<vmem>> -> memref<128xi32, #tpu.memory_space<vmem>>
    %dma_start3A_771 = arith.constant 3072 : i32
    %dma_start3A_772 = tpu.memref_slice %arg16[%dma_start3A_771] : memref<4096xi32, #tpu.memory_space<vmem>> -> memref<128xi32, #tpu.memory_space<vmem>>
    %dma_start3A_773 = arith.constant 0 : i32
    %dma_start3A_774 = tpu.memref_slice %arg5[%dma_start3A_773] : memref<3200000xi32, #tpu.memory_space<hbm>> -> memref<3200000xi32, #tpu.memory_space<hbm>>
    tpu.enqueue_indirect_dma source(%dma_start3A_774 : memref<3200000xi32, #tpu.memory_space<hbm>>) target(%dma_start3A_770 : memref<128xi32, #tpu.memory_space<vmem>>) offsets(%dma_start3A_772 : memref<128xi32, #tpu.memory_space<vmem>>) semaphore(%arg25 : memref<!tpu.dma_semaphore, #tpu.memory_space<semaphore_mem>>)
    %dma_start3A_775 = arith.constant 3200 : i32
    %dma_start3A_776 = tpu.memref_slice %arg18[%dma_start3A_775] : memref<4096xi32, #tpu.memory_space<vmem>> -> memref<128xi32, #tpu.memory_space<vmem>>
    %dma_start3A_777 = arith.constant 3200 : i32
    %dma_start3A_778 = tpu.memref_slice %arg16[%dma_start3A_777] : memref<4096xi32, #tpu.memory_space<vmem>> -> memref<128xi32, #tpu.memory_space<vmem>>
    %dma_start3A_779 = arith.constant 0 : i32
    %dma_start3A_780 = tpu.memref_slice %arg5[%dma_start3A_779] : memref<3200000xi32, #tpu.memory_space<hbm>> -> memref<3200000xi32, #tpu.memory_space<hbm>>
    tpu.enqueue_indirect_dma source(%dma_start3A_780 : memref<3200000xi32, #tpu.memory_space<hbm>>) target(%dma_start3A_776 : memref<128xi32, #tpu.memory_space<vmem>>) offsets(%dma_start3A_778 : memref<128xi32, #tpu.memory_space<vmem>>) semaphore(%arg25 : memref<!tpu.dma_semaphore, #tpu.memory_space<semaphore_mem>>)
    %dma_start3A_781 = arith.constant 3328 : i32
    %dma_start3A_782 = tpu.memref_slice %arg18[%dma_start3A_781] : memref<4096xi32, #tpu.memory_space<vmem>> -> memref<128xi32, #tpu.memory_space<vmem>>
    %dma_start3A_783 = arith.constant 3328 : i32
    %dma_start3A_784 = tpu.memref_slice %arg16[%dma_start3A_783] : memref<4096xi32, #tpu.memory_space<vmem>> -> memref<128xi32, #tpu.memory_space<vmem>>
    %dma_start3A_785 = arith.constant 0 : i32
    %dma_start3A_786 = tpu.memref_slice %arg5[%dma_start3A_785] : memref<3200000xi32, #tpu.memory_space<hbm>> -> memref<3200000xi32, #tpu.memory_space<hbm>>
    tpu.enqueue_indirect_dma source(%dma_start3A_786 : memref<3200000xi32, #tpu.memory_space<hbm>>) target(%dma_start3A_782 : memref<128xi32, #tpu.memory_space<vmem>>) offsets(%dma_start3A_784 : memref<128xi32, #tpu.memory_space<vmem>>) semaphore(%arg25 : memref<!tpu.dma_semaphore, #tpu.memory_space<semaphore_mem>>)
    %dma_start3A_787 = arith.constant 3456 : i32
    %dma_start3A_788 = tpu.memref_slice %arg18[%dma_start3A_787] : memref<4096xi32, #tpu.memory_space<vmem>> -> memref<128xi32, #tpu.memory_space<vmem>>
    %dma_start3A_789 = arith.constant 3456 : i32
    %dma_start3A_790 = tpu.memref_slice %arg16[%dma_start3A_789] : memref<4096xi32, #tpu.memory_space<vmem>> -> memref<128xi32, #tpu.memory_space<vmem>>
    %dma_start3A_791 = arith.constant 0 : i32
    %dma_start3A_792 = tpu.memref_slice %arg5[%dma_start3A_791] : memref<3200000xi32, #tpu.memory_space<hbm>> -> memref<3200000xi32, #tpu.memory_space<hbm>>
    tpu.enqueue_indirect_dma source(%dma_start3A_792 : memref<3200000xi32, #tpu.memory_space<hbm>>) target(%dma_start3A_788 : memref<128xi32, #tpu.memory_space<vmem>>) offsets(%dma_start3A_790 : memref<128xi32, #tpu.memory_space<vmem>>) semaphore(%arg25 : memref<!tpu.dma_semaphore, #tpu.memory_space<semaphore_mem>>)
    %dma_start3A_793 = arith.constant 3584 : i32
    %dma_start3A_794 = tpu.memref_slice %arg18[%dma_start3A_793] : memref<4096xi32, #tpu.memory_space<vmem>> -> memref<128xi32, #tpu.memory_space<vmem>>
    %dma_start3A_795 = arith.constant 3584 : i32
    %dma_start3A_796 = tpu.memref_slice %arg16[%dma_start3A_795] : memref<4096xi32, #tpu.memory_space<vmem>> -> memref<128xi32, #tpu.memory_space<vmem>>
    %dma_start3A_797 = arith.constant 0 : i32
    %dma_start3A_798 = tpu.memref_slice %arg5[%dma_start3A_797] : memref<3200000xi32, #tpu.memory_space<hbm>> -> memref<3200000xi32, #tpu.memory_space<hbm>>
    tpu.enqueue_indirect_dma source(%dma_start3A_798 : memref<3200000xi32, #tpu.memory_space<hbm>>) target(%dma_start3A_794 : memref<128xi32, #tpu.memory_space<vmem>>) offsets(%dma_start3A_796 : memref<128xi32, #tpu.memory_space<vmem>>) semaphore(%arg25 : memref<!tpu.dma_semaphore, #tpu.memory_space<semaphore_mem>>)
    %dma_start3A_799 = arith.constant 3712 : i32
    %dma_start3A_800 = tpu.memref_slice %arg18[%dma_start3A_799] : memref<4096xi32, #tpu.memory_space<vmem>> -> memref<128xi32, #tpu.memory_space<vmem>>
    %dma_start3A_801 = arith.constant 3712 : i32
    %dma_start3A_802 = tpu.memref_slice %arg16[%dma_start3A_801] : memref<4096xi32, #tpu.memory_space<vmem>> -> memref<128xi32, #tpu.memory_space<vmem>>
    %dma_start3A_803 = arith.constant 0 : i32
    %dma_start3A_804 = tpu.memref_slice %arg5[%dma_start3A_803] : memref<3200000xi32, #tpu.memory_space<hbm>> -> memref<3200000xi32, #tpu.memory_space<hbm>>
    tpu.enqueue_indirect_dma source(%dma_start3A_804 : memref<3200000xi32, #tpu.memory_space<hbm>>) target(%dma_start3A_800 : memref<128xi32, #tpu.memory_space<vmem>>) offsets(%dma_start3A_802 : memref<128xi32, #tpu.memory_space<vmem>>) semaphore(%arg25 : memref<!tpu.dma_semaphore, #tpu.memory_space<semaphore_mem>>)
    %dma_start3A_805 = arith.constant 3840 : i32
    %dma_start3A_806 = tpu.memref_slice %arg18[%dma_start3A_805] : memref<4096xi32, #tpu.memory_space<vmem>> -> memref<128xi32, #tpu.memory_space<vmem>>
    %dma_start3A_807 = arith.constant 3840 : i32
    %dma_start3A_808 = tpu.memref_slice %arg16[%dma_start3A_807] : memref<4096xi32, #tpu.memory_space<vmem>> -> memref<128xi32, #tpu.memory_space<vmem>>
    %dma_start3A_809 = arith.constant 0 : i32
    %dma_start3A_810 = tpu.memref_slice %arg5[%dma_start3A_809] : memref<3200000xi32, #tpu.memory_space<hbm>> -> memref<3200000xi32, #tpu.memory_space<hbm>>
    tpu.enqueue_indirect_dma source(%dma_start3A_810 : memref<3200000xi32, #tpu.memory_space<hbm>>) target(%dma_start3A_806 : memref<128xi32, #tpu.memory_space<vmem>>) offsets(%dma_start3A_808 : memref<128xi32, #tpu.memory_space<vmem>>) semaphore(%arg25 : memref<!tpu.dma_semaphore, #tpu.memory_space<semaphore_mem>>)
    %dma_start3A_811 = arith.constant 3968 : i32
    %dma_start3A_812 = tpu.memref_slice %arg18[%dma_start3A_811] : memref<4096xi32, #tpu.memory_space<vmem>> -> memref<128xi32, #tpu.memory_space<vmem>>
    %dma_start3A_813 = arith.constant 3968 : i32
    %dma_start3A_814 = tpu.memref_slice %arg16[%dma_start3A_813] : memref<4096xi32, #tpu.memory_space<vmem>> -> memref<128xi32, #tpu.memory_space<vmem>>
    %dma_start3A_815 = arith.constant 0 : i32
    %dma_start3A_816 = tpu.memref_slice %arg5[%dma_start3A_815] : memref<3200000xi32, #tpu.memory_space<hbm>> -> memref<3200000xi32, #tpu.memory_space<hbm>>
    tpu.enqueue_indirect_dma source(%dma_start3A_816 : memref<3200000xi32, #tpu.memory_space<hbm>>) target(%dma_start3A_812 : memref<128xi32, #tpu.memory_space<vmem>>) offsets(%dma_start3A_814 : memref<128xi32, #tpu.memory_space<vmem>>) semaphore(%arg25 : memref<!tpu.dma_semaphore, #tpu.memory_space<semaphore_mem>>)
    %dma_wait3A_817 = arith.constant 0 : i32
    %dma_wait3A_818 = tpu.memref_slice %arg19[%dma_wait3A_817] : memref<4096xi32, #tpu.memory_space<vmem>> -> memref<128xi32, #tpu.memory_space<vmem>>
    %dma_wait3A_819 = arith.constant 0 : i32
    %dma_wait3A_820 = tpu.memref_slice %arg17[%dma_wait3A_819] : memref<4096xi32, #tpu.memory_space<vmem>> -> memref<128xi32, #tpu.memory_space<vmem>>
    %dma_wait3A_821 = arith.constant 0 : i32
    %dma_wait3A_822 = tpu.memref_slice %arg5[%dma_wait3A_821] : memref<3200000xi32, #tpu.memory_space<hbm>> -> memref<3200000xi32, #tpu.memory_space<hbm>>
    tpu.wait_indirect_dma semaphore(%arg25 : memref<!tpu.dma_semaphore, #tpu.memory_space<semaphore_mem>>) src(%dma_wait3A_822 : memref<3200000xi32, #tpu.memory_space<hbm>>) dst(%dma_wait3A_818 : memref<128xi32, #tpu.memory_space<vmem>>)
    %dma_wait3A_823 = arith.constant 128 : i32
    %dma_wait3A_824 = tpu.memref_slice %arg19[%dma_wait3A_823] : memref<4096xi32, #tpu.memory_space<vmem>> -> memref<128xi32, #tpu.memory_space<vmem>>
    %dma_wait3A_825 = arith.constant 128 : i32
    %dma_wait3A_826 = tpu.memref_slice %arg17[%dma_wait3A_825] : memref<4096xi32, #tpu.memory_space<vmem>> -> memref<128xi32, #tpu.memory_space<vmem>>
    %dma_wait3A_827 = arith.constant 0 : i32
    %dma_wait3A_828 = tpu.memref_slice %arg5[%dma_wait3A_827] : memref<3200000xi32, #tpu.memory_space<hbm>> -> memref<3200000xi32, #tpu.memory_space<hbm>>
    tpu.wait_indirect_dma semaphore(%arg25 : memref<!tpu.dma_semaphore, #tpu.memory_space<semaphore_mem>>) src(%dma_wait3A_828 : memref<3200000xi32, #tpu.memory_space<hbm>>) dst(%dma_wait3A_824 : memref<128xi32, #tpu.memory_space<vmem>>)
    %dma_wait3A_829 = arith.constant 256 : i32
    %dma_wait3A_830 = tpu.memref_slice %arg19[%dma_wait3A_829] : memref<4096xi32, #tpu.memory_space<vmem>> -> memref<128xi32, #tpu.memory_space<vmem>>
    %dma_wait3A_831 = arith.constant 256 : i32
    %dma_wait3A_832 = tpu.memref_slice %arg17[%dma_wait3A_831] : memref<4096xi32, #tpu.memory_space<vmem>> -> memref<128xi32, #tpu.memory_space<vmem>>
    %dma_wait3A_833 = arith.constant 0 : i32
    %dma_wait3A_834 = tpu.memref_slice %arg5[%dma_wait3A_833] : memref<3200000xi32, #tpu.memory_space<hbm>> -> memref<3200000xi32, #tpu.memory_space<hbm>>
    tpu.wait_indirect_dma semaphore(%arg25 : memref<!tpu.dma_semaphore, #tpu.memory_space<semaphore_mem>>) src(%dma_wait3A_834 : memref<3200000xi32, #tpu.memory_space<hbm>>) dst(%dma_wait3A_830 : memref<128xi32, #tpu.memory_space<vmem>>)
    %dma_wait3A_835 = arith.constant 384 : i32
    %dma_wait3A_836 = tpu.memref_slice %arg19[%dma_wait3A_835] : memref<4096xi32, #tpu.memory_space<vmem>> -> memref<128xi32, #tpu.memory_space<vmem>>
    %dma_wait3A_837 = arith.constant 384 : i32
    %dma_wait3A_838 = tpu.memref_slice %arg17[%dma_wait3A_837] : memref<4096xi32, #tpu.memory_space<vmem>> -> memref<128xi32, #tpu.memory_space<vmem>>
    %dma_wait3A_839 = arith.constant 0 : i32
    %dma_wait3A_840 = tpu.memref_slice %arg5[%dma_wait3A_839] : memref<3200000xi32, #tpu.memory_space<hbm>> -> memref<3200000xi32, #tpu.memory_space<hbm>>
    tpu.wait_indirect_dma semaphore(%arg25 : memref<!tpu.dma_semaphore, #tpu.memory_space<semaphore_mem>>) src(%dma_wait3A_840 : memref<3200000xi32, #tpu.memory_space<hbm>>) dst(%dma_wait3A_836 : memref<128xi32, #tpu.memory_space<vmem>>)
    %dma_wait3A_841 = arith.constant 512 : i32
    %dma_wait3A_842 = tpu.memref_slice %arg19[%dma_wait3A_841] : memref<4096xi32, #tpu.memory_space<vmem>> -> memref<128xi32, #tpu.memory_space<vmem>>
    %dma_wait3A_843 = arith.constant 512 : i32
    %dma_wait3A_844 = tpu.memref_slice %arg17[%dma_wait3A_843] : memref<4096xi32, #tpu.memory_space<vmem>> -> memref<128xi32, #tpu.memory_space<vmem>>
    %dma_wait3A_845 = arith.constant 0 : i32
    %dma_wait3A_846 = tpu.memref_slice %arg5[%dma_wait3A_845] : memref<3200000xi32, #tpu.memory_space<hbm>> -> memref<3200000xi32, #tpu.memory_space<hbm>>
    tpu.wait_indirect_dma semaphore(%arg25 : memref<!tpu.dma_semaphore, #tpu.memory_space<semaphore_mem>>) src(%dma_wait3A_846 : memref<3200000xi32, #tpu.memory_space<hbm>>) dst(%dma_wait3A_842 : memref<128xi32, #tpu.memory_space<vmem>>)
    %dma_wait3A_847 = arith.constant 640 : i32
    %dma_wait3A_848 = tpu.memref_slice %arg19[%dma_wait3A_847] : memref<4096xi32, #tpu.memory_space<vmem>> -> memref<128xi32, #tpu.memory_space<vmem>>
    %dma_wait3A_849 = arith.constant 640 : i32
    %dma_wait3A_850 = tpu.memref_slice %arg17[%dma_wait3A_849] : memref<4096xi32, #tpu.memory_space<vmem>> -> memref<128xi32, #tpu.memory_space<vmem>>
    %dma_wait3A_851 = arith.constant 0 : i32
    %dma_wait3A_852 = tpu.memref_slice %arg5[%dma_wait3A_851] : memref<3200000xi32, #tpu.memory_space<hbm>> -> memref<3200000xi32, #tpu.memory_space<hbm>>
    tpu.wait_indirect_dma semaphore(%arg25 : memref<!tpu.dma_semaphore, #tpu.memory_space<semaphore_mem>>) src(%dma_wait3A_852 : memref<3200000xi32, #tpu.memory_space<hbm>>) dst(%dma_wait3A_848 : memref<128xi32, #tpu.memory_space<vmem>>)
    %dma_wait3A_853 = arith.constant 768 : i32
    %dma_wait3A_854 = tpu.memref_slice %arg19[%dma_wait3A_853] : memref<4096xi32, #tpu.memory_space<vmem>> -> memref<128xi32, #tpu.memory_space<vmem>>
    %dma_wait3A_855 = arith.constant 768 : i32
    %dma_wait3A_856 = tpu.memref_slice %arg17[%dma_wait3A_855] : memref<4096xi32, #tpu.memory_space<vmem>> -> memref<128xi32, #tpu.memory_space<vmem>>
    %dma_wait3A_857 = arith.constant 0 : i32
    %dma_wait3A_858 = tpu.memref_slice %arg5[%dma_wait3A_857] : memref<3200000xi32, #tpu.memory_space<hbm>> -> memref<3200000xi32, #tpu.memory_space<hbm>>
    tpu.wait_indirect_dma semaphore(%arg25 : memref<!tpu.dma_semaphore, #tpu.memory_space<semaphore_mem>>) src(%dma_wait3A_858 : memref<3200000xi32, #tpu.memory_space<hbm>>) dst(%dma_wait3A_854 : memref<128xi32, #tpu.memory_space<vmem>>)
    %dma_wait3A_859 = arith.constant 896 : i32
    %dma_wait3A_860 = tpu.memref_slice %arg19[%dma_wait3A_859] : memref<4096xi32, #tpu.memory_space<vmem>> -> memref<128xi32, #tpu.memory_space<vmem>>
    %dma_wait3A_861 = arith.constant 896 : i32
    %dma_wait3A_862 = tpu.memref_slice %arg17[%dma_wait3A_861] : memref<4096xi32, #tpu.memory_space<vmem>> -> memref<128xi32, #tpu.memory_space<vmem>>
    %dma_wait3A_863 = arith.constant 0 : i32
    %dma_wait3A_864 = tpu.memref_slice %arg5[%dma_wait3A_863] : memref<3200000xi32, #tpu.memory_space<hbm>> -> memref<3200000xi32, #tpu.memory_space<hbm>>
    tpu.wait_indirect_dma semaphore(%arg25 : memref<!tpu.dma_semaphore, #tpu.memory_space<semaphore_mem>>) src(%dma_wait3A_864 : memref<3200000xi32, #tpu.memory_space<hbm>>) dst(%dma_wait3A_860 : memref<128xi32, #tpu.memory_space<vmem>>)
    %dma_wait3A_865 = arith.constant 1024 : i32
    %dma_wait3A_866 = tpu.memref_slice %arg19[%dma_wait3A_865] : memref<4096xi32, #tpu.memory_space<vmem>> -> memref<128xi32, #tpu.memory_space<vmem>>
    %dma_wait3A_867 = arith.constant 1024 : i32
    %dma_wait3A_868 = tpu.memref_slice %arg17[%dma_wait3A_867] : memref<4096xi32, #tpu.memory_space<vmem>> -> memref<128xi32, #tpu.memory_space<vmem>>
    %dma_wait3A_869 = arith.constant 0 : i32
    %dma_wait3A_870 = tpu.memref_slice %arg5[%dma_wait3A_869] : memref<3200000xi32, #tpu.memory_space<hbm>> -> memref<3200000xi32, #tpu.memory_space<hbm>>
    tpu.wait_indirect_dma semaphore(%arg25 : memref<!tpu.dma_semaphore, #tpu.memory_space<semaphore_mem>>) src(%dma_wait3A_870 : memref<3200000xi32, #tpu.memory_space<hbm>>) dst(%dma_wait3A_866 : memref<128xi32, #tpu.memory_space<vmem>>)
    %dma_wait3A_871 = arith.constant 1152 : i32
    %dma_wait3A_872 = tpu.memref_slice %arg19[%dma_wait3A_871] : memref<4096xi32, #tpu.memory_space<vmem>> -> memref<128xi32, #tpu.memory_space<vmem>>
    %dma_wait3A_873 = arith.constant 1152 : i32
    %dma_wait3A_874 = tpu.memref_slice %arg17[%dma_wait3A_873] : memref<4096xi32, #tpu.memory_space<vmem>> -> memref<128xi32, #tpu.memory_space<vmem>>
    %dma_wait3A_875 = arith.constant 0 : i32
    %dma_wait3A_876 = tpu.memref_slice %arg5[%dma_wait3A_875] : memref<3200000xi32, #tpu.memory_space<hbm>> -> memref<3200000xi32, #tpu.memory_space<hbm>>
    tpu.wait_indirect_dma semaphore(%arg25 : memref<!tpu.dma_semaphore, #tpu.memory_space<semaphore_mem>>) src(%dma_wait3A_876 : memref<3200000xi32, #tpu.memory_space<hbm>>) dst(%dma_wait3A_872 : memref<128xi32, #tpu.memory_space<vmem>>)
    %dma_wait3A_877 = arith.constant 1280 : i32
    %dma_wait3A_878 = tpu.memref_slice %arg19[%dma_wait3A_877] : memref<4096xi32, #tpu.memory_space<vmem>> -> memref<128xi32, #tpu.memory_space<vmem>>
    %dma_wait3A_879 = arith.constant 1280 : i32
    %dma_wait3A_880 = tpu.memref_slice %arg17[%dma_wait3A_879] : memref<4096xi32, #tpu.memory_space<vmem>> -> memref<128xi32, #tpu.memory_space<vmem>>
    %dma_wait3A_881 = arith.constant 0 : i32
    %dma_wait3A_882 = tpu.memref_slice %arg5[%dma_wait3A_881] : memref<3200000xi32, #tpu.memory_space<hbm>> -> memref<3200000xi32, #tpu.memory_space<hbm>>
    tpu.wait_indirect_dma semaphore(%arg25 : memref<!tpu.dma_semaphore, #tpu.memory_space<semaphore_mem>>) src(%dma_wait3A_882 : memref<3200000xi32, #tpu.memory_space<hbm>>) dst(%dma_wait3A_878 : memref<128xi32, #tpu.memory_space<vmem>>)
    %dma_wait3A_883 = arith.constant 1408 : i32
    %dma_wait3A_884 = tpu.memref_slice %arg19[%dma_wait3A_883] : memref<4096xi32, #tpu.memory_space<vmem>> -> memref<128xi32, #tpu.memory_space<vmem>>
    %dma_wait3A_885 = arith.constant 1408 : i32
    %dma_wait3A_886 = tpu.memref_slice %arg17[%dma_wait3A_885] : memref<4096xi32, #tpu.memory_space<vmem>> -> memref<128xi32, #tpu.memory_space<vmem>>
    %dma_wait3A_887 = arith.constant 0 : i32
    %dma_wait3A_888 = tpu.memref_slice %arg5[%dma_wait3A_887] : memref<3200000xi32, #tpu.memory_space<hbm>> -> memref<3200000xi32, #tpu.memory_space<hbm>>
    tpu.wait_indirect_dma semaphore(%arg25 : memref<!tpu.dma_semaphore, #tpu.memory_space<semaphore_mem>>) src(%dma_wait3A_888 : memref<3200000xi32, #tpu.memory_space<hbm>>) dst(%dma_wait3A_884 : memref<128xi32, #tpu.memory_space<vmem>>)
    %dma_wait3A_889 = arith.constant 1536 : i32
    %dma_wait3A_890 = tpu.memref_slice %arg19[%dma_wait3A_889] : memref<4096xi32, #tpu.memory_space<vmem>> -> memref<128xi32, #tpu.memory_space<vmem>>
    %dma_wait3A_891 = arith.constant 1536 : i32
    %dma_wait3A_892 = tpu.memref_slice %arg17[%dma_wait3A_891] : memref<4096xi32, #tpu.memory_space<vmem>> -> memref<128xi32, #tpu.memory_space<vmem>>
    %dma_wait3A_893 = arith.constant 0 : i32
    %dma_wait3A_894 = tpu.memref_slice %arg5[%dma_wait3A_893] : memref<3200000xi32, #tpu.memory_space<hbm>> -> memref<3200000xi32, #tpu.memory_space<hbm>>
    tpu.wait_indirect_dma semaphore(%arg25 : memref<!tpu.dma_semaphore, #tpu.memory_space<semaphore_mem>>) src(%dma_wait3A_894 : memref<3200000xi32, #tpu.memory_space<hbm>>) dst(%dma_wait3A_890 : memref<128xi32, #tpu.memory_space<vmem>>)
    %dma_wait3A_895 = arith.constant 1664 : i32
    %dma_wait3A_896 = tpu.memref_slice %arg19[%dma_wait3A_895] : memref<4096xi32, #tpu.memory_space<vmem>> -> memref<128xi32, #tpu.memory_space<vmem>>
    %dma_wait3A_897 = arith.constant 1664 : i32
    %dma_wait3A_898 = tpu.memref_slice %arg17[%dma_wait3A_897] : memref<4096xi32, #tpu.memory_space<vmem>> -> memref<128xi32, #tpu.memory_space<vmem>>
    %dma_wait3A_899 = arith.constant 0 : i32
    %dma_wait3A_900 = tpu.memref_slice %arg5[%dma_wait3A_899] : memref<3200000xi32, #tpu.memory_space<hbm>> -> memref<3200000xi32, #tpu.memory_space<hbm>>
    tpu.wait_indirect_dma semaphore(%arg25 : memref<!tpu.dma_semaphore, #tpu.memory_space<semaphore_mem>>) src(%dma_wait3A_900 : memref<3200000xi32, #tpu.memory_space<hbm>>) dst(%dma_wait3A_896 : memref<128xi32, #tpu.memory_space<vmem>>)
    %dma_wait3A_901 = arith.constant 1792 : i32
    %dma_wait3A_902 = tpu.memref_slice %arg19[%dma_wait3A_901] : memref<4096xi32, #tpu.memory_space<vmem>> -> memref<128xi32, #tpu.memory_space<vmem>>
    %dma_wait3A_903 = arith.constant 1792 : i32
    %dma_wait3A_904 = tpu.memref_slice %arg17[%dma_wait3A_903] : memref<4096xi32, #tpu.memory_space<vmem>> -> memref<128xi32, #tpu.memory_space<vmem>>
    %dma_wait3A_905 = arith.constant 0 : i32
    %dma_wait3A_906 = tpu.memref_slice %arg5[%dma_wait3A_905] : memref<3200000xi32, #tpu.memory_space<hbm>> -> memref<3200000xi32, #tpu.memory_space<hbm>>
    tpu.wait_indirect_dma semaphore(%arg25 : memref<!tpu.dma_semaphore, #tpu.memory_space<semaphore_mem>>) src(%dma_wait3A_906 : memref<3200000xi32, #tpu.memory_space<hbm>>) dst(%dma_wait3A_902 : memref<128xi32, #tpu.memory_space<vmem>>)
    %dma_wait3A_907 = arith.constant 1920 : i32
    %dma_wait3A_908 = tpu.memref_slice %arg19[%dma_wait3A_907] : memref<4096xi32, #tpu.memory_space<vmem>> -> memref<128xi32, #tpu.memory_space<vmem>>
    %dma_wait3A_909 = arith.constant 1920 : i32
    %dma_wait3A_910 = tpu.memref_slice %arg17[%dma_wait3A_909] : memref<4096xi32, #tpu.memory_space<vmem>> -> memref<128xi32, #tpu.memory_space<vmem>>
    %dma_wait3A_911 = arith.constant 0 : i32
    %dma_wait3A_912 = tpu.memref_slice %arg5[%dma_wait3A_911] : memref<3200000xi32, #tpu.memory_space<hbm>> -> memref<3200000xi32, #tpu.memory_space<hbm>>
    tpu.wait_indirect_dma semaphore(%arg25 : memref<!tpu.dma_semaphore, #tpu.memory_space<semaphore_mem>>) src(%dma_wait3A_912 : memref<3200000xi32, #tpu.memory_space<hbm>>) dst(%dma_wait3A_908 : memref<128xi32, #tpu.memory_space<vmem>>)
    %dma_wait3A_913 = arith.constant 2048 : i32
    %dma_wait3A_914 = tpu.memref_slice %arg19[%dma_wait3A_913] : memref<4096xi32, #tpu.memory_space<vmem>> -> memref<128xi32, #tpu.memory_space<vmem>>
    %dma_wait3A_915 = arith.constant 2048 : i32
    %dma_wait3A_916 = tpu.memref_slice %arg17[%dma_wait3A_915] : memref<4096xi32, #tpu.memory_space<vmem>> -> memref<128xi32, #tpu.memory_space<vmem>>
    %dma_wait3A_917 = arith.constant 0 : i32
    %dma_wait3A_918 = tpu.memref_slice %arg5[%dma_wait3A_917] : memref<3200000xi32, #tpu.memory_space<hbm>> -> memref<3200000xi32, #tpu.memory_space<hbm>>
    tpu.wait_indirect_dma semaphore(%arg25 : memref<!tpu.dma_semaphore, #tpu.memory_space<semaphore_mem>>) src(%dma_wait3A_918 : memref<3200000xi32, #tpu.memory_space<hbm>>) dst(%dma_wait3A_914 : memref<128xi32, #tpu.memory_space<vmem>>)
    %dma_wait3A_919 = arith.constant 2176 : i32
    %dma_wait3A_920 = tpu.memref_slice %arg19[%dma_wait3A_919] : memref<4096xi32, #tpu.memory_space<vmem>> -> memref<128xi32, #tpu.memory_space<vmem>>
    %dma_wait3A_921 = arith.constant 2176 : i32
    %dma_wait3A_922 = tpu.memref_slice %arg17[%dma_wait3A_921] : memref<4096xi32, #tpu.memory_space<vmem>> -> memref<128xi32, #tpu.memory_space<vmem>>
    %dma_wait3A_923 = arith.constant 0 : i32
    %dma_wait3A_924 = tpu.memref_slice %arg5[%dma_wait3A_923] : memref<3200000xi32, #tpu.memory_space<hbm>> -> memref<3200000xi32, #tpu.memory_space<hbm>>
    tpu.wait_indirect_dma semaphore(%arg25 : memref<!tpu.dma_semaphore, #tpu.memory_space<semaphore_mem>>) src(%dma_wait3A_924 : memref<3200000xi32, #tpu.memory_space<hbm>>) dst(%dma_wait3A_920 : memref<128xi32, #tpu.memory_space<vmem>>)
    %dma_wait3A_925 = arith.constant 2304 : i32
    %dma_wait3A_926 = tpu.memref_slice %arg19[%dma_wait3A_925] : memref<4096xi32, #tpu.memory_space<vmem>> -> memref<128xi32, #tpu.memory_space<vmem>>
    %dma_wait3A_927 = arith.constant 2304 : i32
    %dma_wait3A_928 = tpu.memref_slice %arg17[%dma_wait3A_927] : memref<4096xi32, #tpu.memory_space<vmem>> -> memref<128xi32, #tpu.memory_space<vmem>>
    %dma_wait3A_929 = arith.constant 0 : i32
    %dma_wait3A_930 = tpu.memref_slice %arg5[%dma_wait3A_929] : memref<3200000xi32, #tpu.memory_space<hbm>> -> memref<3200000xi32, #tpu.memory_space<hbm>>
    tpu.wait_indirect_dma semaphore(%arg25 : memref<!tpu.dma_semaphore, #tpu.memory_space<semaphore_mem>>) src(%dma_wait3A_930 : memref<3200000xi32, #tpu.memory_space<hbm>>) dst(%dma_wait3A_926 : memref<128xi32, #tpu.memory_space<vmem>>)
    %dma_wait3A_931 = arith.constant 2432 : i32
    %dma_wait3A_932 = tpu.memref_slice %arg19[%dma_wait3A_931] : memref<4096xi32, #tpu.memory_space<vmem>> -> memref<128xi32, #tpu.memory_space<vmem>>
    %dma_wait3A_933 = arith.constant 2432 : i32
    %dma_wait3A_934 = tpu.memref_slice %arg17[%dma_wait3A_933] : memref<4096xi32, #tpu.memory_space<vmem>> -> memref<128xi32, #tpu.memory_space<vmem>>
    %dma_wait3A_935 = arith.constant 0 : i32
    %dma_wait3A_936 = tpu.memref_slice %arg5[%dma_wait3A_935] : memref<3200000xi32, #tpu.memory_space<hbm>> -> memref<3200000xi32, #tpu.memory_space<hbm>>
    tpu.wait_indirect_dma semaphore(%arg25 : memref<!tpu.dma_semaphore, #tpu.memory_space<semaphore_mem>>) src(%dma_wait3A_936 : memref<3200000xi32, #tpu.memory_space<hbm>>) dst(%dma_wait3A_932 : memref<128xi32, #tpu.memory_space<vmem>>)
    %dma_wait3A_937 = arith.constant 2560 : i32
    %dma_wait3A_938 = tpu.memref_slice %arg19[%dma_wait3A_937] : memref<4096xi32, #tpu.memory_space<vmem>> -> memref<128xi32, #tpu.memory_space<vmem>>
    %dma_wait3A_939 = arith.constant 2560 : i32
    %dma_wait3A_940 = tpu.memref_slice %arg17[%dma_wait3A_939] : memref<4096xi32, #tpu.memory_space<vmem>> -> memref<128xi32, #tpu.memory_space<vmem>>
    %dma_wait3A_941 = arith.constant 0 : i32
    %dma_wait3A_942 = tpu.memref_slice %arg5[%dma_wait3A_941] : memref<3200000xi32, #tpu.memory_space<hbm>> -> memref<3200000xi32, #tpu.memory_space<hbm>>
    tpu.wait_indirect_dma semaphore(%arg25 : memref<!tpu.dma_semaphore, #tpu.memory_space<semaphore_mem>>) src(%dma_wait3A_942 : memref<3200000xi32, #tpu.memory_space<hbm>>) dst(%dma_wait3A_938 : memref<128xi32, #tpu.memory_space<vmem>>)
    %dma_wait3A_943 = arith.constant 2688 : i32
    %dma_wait3A_944 = tpu.memref_slice %arg19[%dma_wait3A_943] : memref<4096xi32, #tpu.memory_space<vmem>> -> memref<128xi32, #tpu.memory_space<vmem>>
    %dma_wait3A_945 = arith.constant 2688 : i32
    %dma_wait3A_946 = tpu.memref_slice %arg17[%dma_wait3A_945] : memref<4096xi32, #tpu.memory_space<vmem>> -> memref<128xi32, #tpu.memory_space<vmem>>
    %dma_wait3A_947 = arith.constant 0 : i32
    %dma_wait3A_948 = tpu.memref_slice %arg5[%dma_wait3A_947] : memref<3200000xi32, #tpu.memory_space<hbm>> -> memref<3200000xi32, #tpu.memory_space<hbm>>
    tpu.wait_indirect_dma semaphore(%arg25 : memref<!tpu.dma_semaphore, #tpu.memory_space<semaphore_mem>>) src(%dma_wait3A_948 : memref<3200000xi32, #tpu.memory_space<hbm>>) dst(%dma_wait3A_944 : memref<128xi32, #tpu.memory_space<vmem>>)
    %dma_wait3A_949 = arith.constant 2816 : i32
    %dma_wait3A_950 = tpu.memref_slice %arg19[%dma_wait3A_949] : memref<4096xi32, #tpu.memory_space<vmem>> -> memref<128xi32, #tpu.memory_space<vmem>>
    %dma_wait3A_951 = arith.constant 2816 : i32
    %dma_wait3A_952 = tpu.memref_slice %arg17[%dma_wait3A_951] : memref<4096xi32, #tpu.memory_space<vmem>> -> memref<128xi32, #tpu.memory_space<vmem>>
    %dma_wait3A_953 = arith.constant 0 : i32
    %dma_wait3A_954 = tpu.memref_slice %arg5[%dma_wait3A_953] : memref<3200000xi32, #tpu.memory_space<hbm>> -> memref<3200000xi32, #tpu.memory_space<hbm>>
    tpu.wait_indirect_dma semaphore(%arg25 : memref<!tpu.dma_semaphore, #tpu.memory_space<semaphore_mem>>) src(%dma_wait3A_954 : memref<3200000xi32, #tpu.memory_space<hbm>>) dst(%dma_wait3A_950 : memref<128xi32, #tpu.memory_space<vmem>>)
    %dma_wait3A_955 = arith.constant 2944 : i32
    %dma_wait3A_956 = tpu.memref_slice %arg19[%dma_wait3A_955] : memref<4096xi32, #tpu.memory_space<vmem>> -> memref<128xi32, #tpu.memory_space<vmem>>
    %dma_wait3A_957 = arith.constant 2944 : i32
    %dma_wait3A_958 = tpu.memref_slice %arg17[%dma_wait3A_957] : memref<4096xi32, #tpu.memory_space<vmem>> -> memref<128xi32, #tpu.memory_space<vmem>>
    %dma_wait3A_959 = arith.constant 0 : i32
    %dma_wait3A_960 = tpu.memref_slice %arg5[%dma_wait3A_959] : memref<3200000xi32, #tpu.memory_space<hbm>> -> memref<3200000xi32, #tpu.memory_space<hbm>>
    tpu.wait_indirect_dma semaphore(%arg25 : memref<!tpu.dma_semaphore, #tpu.memory_space<semaphore_mem>>) src(%dma_wait3A_960 : memref<3200000xi32, #tpu.memory_space<hbm>>) dst(%dma_wait3A_956 : memref<128xi32, #tpu.memory_space<vmem>>)
    %dma_wait3A_961 = arith.constant 3072 : i32
    %dma_wait3A_962 = tpu.memref_slice %arg19[%dma_wait3A_961] : memref<4096xi32, #tpu.memory_space<vmem>> -> memref<128xi32, #tpu.memory_space<vmem>>
    %dma_wait3A_963 = arith.constant 3072 : i32
    %dma_wait3A_964 = tpu.memref_slice %arg17[%dma_wait3A_963] : memref<4096xi32, #tpu.memory_space<vmem>> -> memref<128xi32, #tpu.memory_space<vmem>>
    %dma_wait3A_965 = arith.constant 0 : i32
    %dma_wait3A_966 = tpu.memref_slice %arg5[%dma_wait3A_965] : memref<3200000xi32, #tpu.memory_space<hbm>> -> memref<3200000xi32, #tpu.memory_space<hbm>>
    tpu.wait_indirect_dma semaphore(%arg25 : memref<!tpu.dma_semaphore, #tpu.memory_space<semaphore_mem>>) src(%dma_wait3A_966 : memref<3200000xi32, #tpu.memory_space<hbm>>) dst(%dma_wait3A_962 : memref<128xi32, #tpu.memory_space<vmem>>)
    %dma_wait3A_967 = arith.constant 3200 : i32
    %dma_wait3A_968 = tpu.memref_slice %arg19[%dma_wait3A_967] : memref<4096xi32, #tpu.memory_space<vmem>> -> memref<128xi32, #tpu.memory_space<vmem>>
    %dma_wait3A_969 = arith.constant 3200 : i32
    %dma_wait3A_970 = tpu.memref_slice %arg17[%dma_wait3A_969] : memref<4096xi32, #tpu.memory_space<vmem>> -> memref<128xi32, #tpu.memory_space<vmem>>
    %dma_wait3A_971 = arith.constant 0 : i32
    %dma_wait3A_972 = tpu.memref_slice %arg5[%dma_wait3A_971] : memref<3200000xi32, #tpu.memory_space<hbm>> -> memref<3200000xi32, #tpu.memory_space<hbm>>
    tpu.wait_indirect_dma semaphore(%arg25 : memref<!tpu.dma_semaphore, #tpu.memory_space<semaphore_mem>>) src(%dma_wait3A_972 : memref<3200000xi32, #tpu.memory_space<hbm>>) dst(%dma_wait3A_968 : memref<128xi32, #tpu.memory_space<vmem>>)
    %dma_wait3A_973 = arith.constant 3328 : i32
    %dma_wait3A_974 = tpu.memref_slice %arg19[%dma_wait3A_973] : memref<4096xi32, #tpu.memory_space<vmem>> -> memref<128xi32, #tpu.memory_space<vmem>>
    %dma_wait3A_975 = arith.constant 3328 : i32
    %dma_wait3A_976 = tpu.memref_slice %arg17[%dma_wait3A_975] : memref<4096xi32, #tpu.memory_space<vmem>> -> memref<128xi32, #tpu.memory_space<vmem>>
    %dma_wait3A_977 = arith.constant 0 : i32
    %dma_wait3A_978 = tpu.memref_slice %arg5[%dma_wait3A_977] : memref<3200000xi32, #tpu.memory_space<hbm>> -> memref<3200000xi32, #tpu.memory_space<hbm>>
    tpu.wait_indirect_dma semaphore(%arg25 : memref<!tpu.dma_semaphore, #tpu.memory_space<semaphore_mem>>) src(%dma_wait3A_978 : memref<3200000xi32, #tpu.memory_space<hbm>>) dst(%dma_wait3A_974 : memref<128xi32, #tpu.memory_space<vmem>>)
    %dma_wait3A_979 = arith.constant 3456 : i32
    %dma_wait3A_980 = tpu.memref_slice %arg19[%dma_wait3A_979] : memref<4096xi32, #tpu.memory_space<vmem>> -> memref<128xi32, #tpu.memory_space<vmem>>
    %dma_wait3A_981 = arith.constant 3456 : i32
    %dma_wait3A_982 = tpu.memref_slice %arg17[%dma_wait3A_981] : memref<4096xi32, #tpu.memory_space<vmem>> -> memref<128xi32, #tpu.memory_space<vmem>>
    %dma_wait3A_983 = arith.constant 0 : i32
    %dma_wait3A_984 = tpu.memref_slice %arg5[%dma_wait3A_983] : memref<3200000xi32, #tpu.memory_space<hbm>> -> memref<3200000xi32, #tpu.memory_space<hbm>>
    tpu.wait_indirect_dma semaphore(%arg25 : memref<!tpu.dma_semaphore, #tpu.memory_space<semaphore_mem>>) src(%dma_wait3A_984 : memref<3200000xi32, #tpu.memory_space<hbm>>) dst(%dma_wait3A_980 : memref<128xi32, #tpu.memory_space<vmem>>)
    %dma_wait3A_985 = arith.constant 3584 : i32
    %dma_wait3A_986 = tpu.memref_slice %arg19[%dma_wait3A_985] : memref<4096xi32, #tpu.memory_space<vmem>> -> memref<128xi32, #tpu.memory_space<vmem>>
    %dma_wait3A_987 = arith.constant 3584 : i32
    %dma_wait3A_988 = tpu.memref_slice %arg17[%dma_wait3A_987] : memref<4096xi32, #tpu.memory_space<vmem>> -> memref<128xi32, #tpu.memory_space<vmem>>
    %dma_wait3A_989 = arith.constant 0 : i32
    %dma_wait3A_990 = tpu.memref_slice %arg5[%dma_wait3A_989] : memref<3200000xi32, #tpu.memory_space<hbm>> -> memref<3200000xi32, #tpu.memory_space<hbm>>
    tpu.wait_indirect_dma semaphore(%arg25 : memref<!tpu.dma_semaphore, #tpu.memory_space<semaphore_mem>>) src(%dma_wait3A_990 : memref<3200000xi32, #tpu.memory_space<hbm>>) dst(%dma_wait3A_986 : memref<128xi32, #tpu.memory_space<vmem>>)
    %dma_wait3A_991 = arith.constant 3712 : i32
    %dma_wait3A_992 = tpu.memref_slice %arg19[%dma_wait3A_991] : memref<4096xi32, #tpu.memory_space<vmem>> -> memref<128xi32, #tpu.memory_space<vmem>>
    %dma_wait3A_993 = arith.constant 3712 : i32
    %dma_wait3A_994 = tpu.memref_slice %arg17[%dma_wait3A_993] : memref<4096xi32, #tpu.memory_space<vmem>> -> memref<128xi32, #tpu.memory_space<vmem>>
    %dma_wait3A_995 = arith.constant 0 : i32
    %dma_wait3A_996 = tpu.memref_slice %arg5[%dma_wait3A_995] : memref<3200000xi32, #tpu.memory_space<hbm>> -> memref<3200000xi32, #tpu.memory_space<hbm>>
    tpu.wait_indirect_dma semaphore(%arg25 : memref<!tpu.dma_semaphore, #tpu.memory_space<semaphore_mem>>) src(%dma_wait3A_996 : memref<3200000xi32, #tpu.memory_space<hbm>>) dst(%dma_wait3A_992 : memref<128xi32, #tpu.memory_space<vmem>>)
    %dma_wait3A_997 = arith.constant 3840 : i32
    %dma_wait3A_998 = tpu.memref_slice %arg19[%dma_wait3A_997] : memref<4096xi32, #tpu.memory_space<vmem>> -> memref<128xi32, #tpu.memory_space<vmem>>
    %dma_wait3A_999 = arith.constant 3840 : i32
    %dma_wait3A_1000 = tpu.memref_slice %arg17[%dma_wait3A_999] : memref<4096xi32, #tpu.memory_space<vmem>> -> memref<128xi32, #tpu.memory_space<vmem>>
    %dma_wait3A_1001 = arith.constant 0 : i32
    %dma_wait3A_1002 = tpu.memref_slice %arg5[%dma_wait3A_1001] : memref<3200000xi32, #tpu.memory_space<hbm>> -> memref<3200000xi32, #tpu.memory_space<hbm>>
    tpu.wait_indirect_dma semaphore(%arg25 : memref<!tpu.dma_semaphore, #tpu.memory_space<semaphore_mem>>) src(%dma_wait3A_1002 : memref<3200000xi32, #tpu.memory_space<hbm>>) dst(%dma_wait3A_998 : memref<128xi32, #tpu.memory_space<vmem>>)
    %dma_wait3A_1003 = arith.constant 3968 : i32
    %dma_wait3A_1004 = tpu.memref_slice %arg19[%dma_wait3A_1003] : memref<4096xi32, #tpu.memory_space<vmem>> -> memref<128xi32, #tpu.memory_space<vmem>>
    %dma_wait3A_1005 = arith.constant 3968 : i32
    %dma_wait3A_1006 = tpu.memref_slice %arg17[%dma_wait3A_1005] : memref<4096xi32, #tpu.memory_space<vmem>> -> memref<128xi32, #tpu.memory_space<vmem>>
    %dma_wait3A_1007 = arith.constant 0 : i32
    %dma_wait3A_1008 = tpu.memref_slice %arg5[%dma_wait3A_1007] : memref<3200000xi32, #tpu.memory_space<hbm>> -> memref<3200000xi32, #tpu.memory_space<hbm>>
    tpu.wait_indirect_dma semaphore(%arg25 : memref<!tpu.dma_semaphore, #tpu.memory_space<semaphore_mem>>) src(%dma_wait3A_1008 : memref<3200000xi32, #tpu.memory_space<hbm>>) dst(%dma_wait3A_1004 : memref<128xi32, #tpu.memory_space<vmem>>)
    %parallel_loop3A_1009 = arith.constant 0 : i32
    %parallel_loop3A_1010 = arith.constant 128 : i32
    %parallel_loop3A_1011 = arith.constant 1 : i32
    scf.for %parallel_loop3A_1642 = %parallel_loop3A_1009 to %parallel_loop3A_1010 step %parallel_loop3A_1011  : i32 {
      %parallel_loop3A_1643 = vector.broadcast %parallel_loop3A_1642 : i32 to vector<16xi32>
      %parallel_loop3A_1644 = tpu.vector_load_idx %arg11[%parallel_loop3A_1643] : memref<128xi32, #tpu.memory_space<vmem>>[vector<16xi32>], vector<16xi32>,
      %parallel_loop3A_1645 = arith.constant 32 : i32
      %parallel_loop3A_1646 = arith.muli %parallel_loop3A_1642, %parallel_loop3A_1645 : i32
      %parallel_loop3A_1647 = arith.constant 0 : i32
      %parallel_loop3A_1648 = arith.addi %parallel_loop3A_1646, %parallel_loop3A_1647 : i32
      %parallel_loop3A_1649 = arith.index_cast %parallel_loop3A_1648 : i32 to index
      %parallel_loop3A_1650 = tpu.vector_load %arg19[%parallel_loop3A_1649] {strides = array<i32>} : memref<4096xi32, #tpu.memory_space<vmem>>, vector<16xi32>,
      %parallel_loop3A_1651 = arith.constant 3 : i32
      %parallel_loop3A_1652 = vector.broadcast %parallel_loop3A_1651 : i32 to vector<16xi32>
      %parallel_loop3A_1653 = arith.shrui %parallel_loop3A_1650, %parallel_loop3A_1652 : vector<16xi32>
      %parallel_loop3A_1654 = tpu.vector_load_idx %arg13[%parallel_loop3A_1653] : memref<25088xi32, #tpu.memory_space<vmem>>[vector<16xi32>], vector<16xi32>,
      %parallel_loop3A_1655 = arith.constant 7 : i32
      %parallel_loop3A_1656 = vector.broadcast %parallel_loop3A_1655 : i32 to vector<16xi32>
      %parallel_loop3A_1657 = arith.andi %parallel_loop3A_1650, %parallel_loop3A_1656 : vector<16xi32>
      %parallel_loop3A_1658 = arith.constant 2 : i32
      %parallel_loop3A_1659 = vector.broadcast %parallel_loop3A_1658 : i32 to vector<16xi32>
      %parallel_loop3A_1660 = arith.shli %parallel_loop3A_1657, %parallel_loop3A_1659 : vector<16xi32>
      %parallel_loop3A_1661 = arith.shrui %parallel_loop3A_1654, %parallel_loop3A_1660 : vector<16xi32>
      %parallel_loop3A_1662 = arith.constant 15 : i32
      %parallel_loop3A_1663 = vector.broadcast %parallel_loop3A_1662 : i32 to vector<16xi32>
      %parallel_loop3A_1664 = arith.andi %parallel_loop3A_1661, %parallel_loop3A_1663 : vector<16xi32>
      %parallel_loop3A_1665 = arith.cmpi ne, %parallel_loop3A_1650, %parallel_loop3A_1644 : vector<16xi32>
      tpu.vector_store_idx %arg22[%parallel_loop3A_1643, %parallel_loop3A_1664], %broadcast_in_dim3A_3 masked %parallel_loop3A_1665 {add = true} : memref<128x16xf32, #tpu.memory_space<vmem>>[vector<16xi32>, vector<16xi32>], vector<16xf32>, vector<16xi1>
      %parallel_loop3A_1666 = arith.constant 32 : i32
      %parallel_loop3A_1667 = arith.muli %parallel_loop3A_1642, %parallel_loop3A_1666 : i32
      %parallel_loop3A_1668 = arith.constant 16 : i32
      %parallel_loop3A_1669 = arith.addi %parallel_loop3A_1667, %parallel_loop3A_1668 : i32
      %parallel_loop3A_1670 = arith.index_cast %parallel_loop3A_1669 : i32 to index
      %parallel_loop3A_1671 = tpu.vector_load %arg19[%parallel_loop3A_1670] {strides = array<i32>} : memref<4096xi32, #tpu.memory_space<vmem>>, vector<16xi32>,
      %parallel_loop3A_1672 = arith.constant 3 : i32
      %parallel_loop3A_1673 = vector.broadcast %parallel_loop3A_1672 : i32 to vector<16xi32>
      %parallel_loop3A_1674 = arith.shrui %parallel_loop3A_1671, %parallel_loop3A_1673 : vector<16xi32>
      %parallel_loop3A_1675 = tpu.vector_load_idx %arg13[%parallel_loop3A_1674] : memref<25088xi32, #tpu.memory_space<vmem>>[vector<16xi32>], vector<16xi32>,
      %parallel_loop3A_1676 = arith.constant 7 : i32
      %parallel_loop3A_1677 = vector.broadcast %parallel_loop3A_1676 : i32 to vector<16xi32>
      %parallel_loop3A_1678 = arith.andi %parallel_loop3A_1671, %parallel_loop3A_1677 : vector<16xi32>
      %parallel_loop3A_1679 = arith.constant 2 : i32
      %parallel_loop3A_1680 = vector.broadcast %parallel_loop3A_1679 : i32 to vector<16xi32>
      %parallel_loop3A_1681 = arith.shli %parallel_loop3A_1678, %parallel_loop3A_1680 : vector<16xi32>
      %parallel_loop3A_1682 = arith.shrui %parallel_loop3A_1675, %parallel_loop3A_1681 : vector<16xi32>
      %parallel_loop3A_1683 = arith.constant 15 : i32
      %parallel_loop3A_1684 = vector.broadcast %parallel_loop3A_1683 : i32 to vector<16xi32>
      %parallel_loop3A_1685 = arith.andi %parallel_loop3A_1682, %parallel_loop3A_1684 : vector<16xi32>
      %parallel_loop3A_1686 = arith.cmpi ne, %parallel_loop3A_1671, %parallel_loop3A_1644 : vector<16xi32>
      tpu.vector_store_idx %arg22[%parallel_loop3A_1643, %parallel_loop3A_1685], %broadcast_in_dim3A_3 masked %parallel_loop3A_1686 {add = true} : memref<128x16xf32, #tpu.memory_space<vmem>>[vector<16xi32>, vector<16xi32>], vector<16xf32>, vector<16xi1>
    } {sc.loop_unroll_factor = 1 : i64, sc.parallel_access}
    %parallel_loop3A_1012 = arith.constant 0 : i32
    %parallel_loop3A_1013 = arith.constant 128 : i32
    %parallel_loop3A_1014 = arith.constant 1 : i32
    scf.for %parallel_loop3A_1642 = %parallel_loop3A_1012 to %parallel_loop3A_1013 step %parallel_loop3A_1014  : i32 {
      %parallel_loop3A_1643 = arith.constant 384 : i32
      %parallel_loop3A_1644 = arith.addi %parallel_loop3A_1643, %parallel_loop3A_1642 : i32
      %parallel_loop3A_1645 = vector.broadcast %parallel_loop3A_1644 : i32 to vector<16xi32>
      %parallel_loop3A_1646 = tpu.vector_load_idx %arg10[%parallel_loop3A_1645] : memref<512xi32, #tpu.memory_space<vmem>>[vector<16xi32>], vector<16xi32>,
      %parallel_loop3A_1647 = arith.constant 0 : i32
      %parallel_loop3A_1648 = vector.broadcast %parallel_loop3A_1647 : i32 to vector<16xi32>
      %parallel_loop3A_1649 = arith.addi %mul3A_18, %parallel_loop3A_1648 : vector<16xi32>
      %parallel_loop3A_1650 = arith.addi %parallel_loop3A_1646, %parallel_loop3A_1649 : vector<16xi32>
      %parallel_loop3A_1651 = arith.constant 32 : i32
      %parallel_loop3A_1652 = arith.muli %parallel_loop3A_1642, %parallel_loop3A_1651 : i32
      %parallel_loop3A_1653 = arith.constant 0 : i32
      %parallel_loop3A_1654 = arith.addi %parallel_loop3A_1652, %parallel_loop3A_1653 : i32
      %parallel_loop3A_1655 = arith.index_cast %parallel_loop3A_1654 : i32 to index
      %parallel_loop3A_1656 = tpu.vector_load %arg17[%parallel_loop3A_1655] {strides = array<i32>} : memref<4096xi32, #tpu.memory_space<vmem>>, vector<16xi32>,
      tpu.vector_store %arg17[%parallel_loop3A_1655], %parallel_loop3A_1650 {strides = array<i32>} : memref<4096xi32, #tpu.memory_space<vmem>>, vector<16xi32>,
      %parallel_loop3A_1657 = arith.constant 1600000 : i32
      %parallel_loop3A_1658 = vector.broadcast %parallel_loop3A_1657 : i32 to vector<16xi32>
      %parallel_loop3A_1659 = arith.addi %mul3A_18, %parallel_loop3A_1658 : vector<16xi32>
      %parallel_loop3A_1660 = arith.addi %parallel_loop3A_1646, %parallel_loop3A_1659 : vector<16xi32>
      %parallel_loop3A_1661 = arith.constant 32 : i32
      %parallel_loop3A_1662 = arith.muli %parallel_loop3A_1642, %parallel_loop3A_1661 : i32
      %parallel_loop3A_1663 = arith.constant 16 : i32
      %parallel_loop3A_1664 = arith.addi %parallel_loop3A_1662, %parallel_loop3A_1663 : i32
      %parallel_loop3A_1665 = arith.index_cast %parallel_loop3A_1664 : i32 to index
      %parallel_loop3A_1666 = tpu.vector_load %arg17[%parallel_loop3A_1665] {strides = array<i32>} : memref<4096xi32, #tpu.memory_space<vmem>>, vector<16xi32>,
      tpu.vector_store %arg17[%parallel_loop3A_1665], %parallel_loop3A_1660 {strides = array<i32>} : memref<4096xi32, #tpu.memory_space<vmem>>, vector<16xi32>,
    } {sc.loop_unroll_factor = 1 : i64, sc.parallel_access}
    %dma_start3A_1015 = arith.constant 0 : i32
    %dma_start3A_1016 = tpu.memref_slice %arg19[%dma_start3A_1015] : memref<4096xi32, #tpu.memory_space<vmem>> -> memref<128xi32, #tpu.memory_space<vmem>>
    %dma_start3A_1017 = arith.constant 0 : i32
    %dma_start3A_1018 = tpu.memref_slice %arg17[%dma_start3A_1017] : memref<4096xi32, #tpu.memory_space<vmem>> -> memref<128xi32, #tpu.memory_space<vmem>>
    %dma_start3A_1019 = arith.constant 0 : i32
    %dma_start3A_1020 = tpu.memref_slice %arg5[%dma_start3A_1019] : memref<3200000xi32, #tpu.memory_space<hbm>> -> memref<3200000xi32, #tpu.memory_space<hbm>>
    tpu.enqueue_indirect_dma source(%dma_start3A_1020 : memref<3200000xi32, #tpu.memory_space<hbm>>) target(%dma_start3A_1016 : memref<128xi32, #tpu.memory_space<vmem>>) offsets(%dma_start3A_1018 : memref<128xi32, #tpu.memory_space<vmem>>) semaphore(%arg25 : memref<!tpu.dma_semaphore, #tpu.memory_space<semaphore_mem>>)
    %dma_start3A_1021 = arith.constant 128 : i32
    %dma_start3A_1022 = tpu.memref_slice %arg19[%dma_start3A_1021] : memref<4096xi32, #tpu.memory_space<vmem>> -> memref<128xi32, #tpu.memory_space<vmem>>
    %dma_start3A_1023 = arith.constant 128 : i32
    %dma_start3A_1024 = tpu.memref_slice %arg17[%dma_start3A_1023] : memref<4096xi32, #tpu.memory_space<vmem>> -> memref<128xi32, #tpu.memory_space<vmem>>
    %dma_start3A_1025 = arith.constant 0 : i32
    %dma_start3A_1026 = tpu.memref_slice %arg5[%dma_start3A_1025] : memref<3200000xi32, #tpu.memory_space<hbm>> -> memref<3200000xi32, #tpu.memory_space<hbm>>
    tpu.enqueue_indirect_dma source(%dma_start3A_1026 : memref<3200000xi32, #tpu.memory_space<hbm>>) target(%dma_start3A_1022 : memref<128xi32, #tpu.memory_space<vmem>>) offsets(%dma_start3A_1024 : memref<128xi32, #tpu.memory_space<vmem>>) semaphore(%arg25 : memref<!tpu.dma_semaphore, #tpu.memory_space<semaphore_mem>>)
    %dma_start3A_1027 = arith.constant 256 : i32
    %dma_start3A_1028 = tpu.memref_slice %arg19[%dma_start3A_1027] : memref<4096xi32, #tpu.memory_space<vmem>> -> memref<128xi32, #tpu.memory_space<vmem>>
    %dma_start3A_1029 = arith.constant 256 : i32
    %dma_start3A_1030 = tpu.memref_slice %arg17[%dma_start3A_1029] : memref<4096xi32, #tpu.memory_space<vmem>> -> memref<128xi32, #tpu.memory_space<vmem>>
    %dma_start3A_1031 = arith.constant 0 : i32
    %dma_start3A_1032 = tpu.memref_slice %arg5[%dma_start3A_1031] : memref<3200000xi32, #tpu.memory_space<hbm>> -> memref<3200000xi32, #tpu.memory_space<hbm>>
    tpu.enqueue_indirect_dma source(%dma_start3A_1032 : memref<3200000xi32, #tpu.memory_space<hbm>>) target(%dma_start3A_1028 : memref<128xi32, #tpu.memory_space<vmem>>) offsets(%dma_start3A_1030 : memref<128xi32, #tpu.memory_space<vmem>>) semaphore(%arg25 : memref<!tpu.dma_semaphore, #tpu.memory_space<semaphore_mem>>)
    %dma_start3A_1033 = arith.constant 384 : i32
    %dma_start3A_1034 = tpu.memref_slice %arg19[%dma_start3A_1033] : memref<4096xi32, #tpu.memory_space<vmem>> -> memref<128xi32, #tpu.memory_space<vmem>>
    %dma_start3A_1035 = arith.constant 384 : i32
    %dma_start3A_1036 = tpu.memref_slice %arg17[%dma_start3A_1035] : memref<4096xi32, #tpu.memory_space<vmem>> -> memref<128xi32, #tpu.memory_space<vmem>>
    %dma_start3A_1037 = arith.constant 0 : i32
    %dma_start3A_1038 = tpu.memref_slice %arg5[%dma_start3A_1037] : memref<3200000xi32, #tpu.memory_space<hbm>> -> memref<3200000xi32, #tpu.memory_space<hbm>>
    tpu.enqueue_indirect_dma source(%dma_start3A_1038 : memref<3200000xi32, #tpu.memory_space<hbm>>) target(%dma_start3A_1034 : memref<128xi32, #tpu.memory_space<vmem>>) offsets(%dma_start3A_1036 : memref<128xi32, #tpu.memory_space<vmem>>) semaphore(%arg25 : memref<!tpu.dma_semaphore, #tpu.memory_space<semaphore_mem>>)
    %dma_start3A_1039 = arith.constant 512 : i32
    %dma_start3A_1040 = tpu.memref_slice %arg19[%dma_start3A_1039] : memref<4096xi32, #tpu.memory_space<vmem>> -> memref<128xi32, #tpu.memory_space<vmem>>
    %dma_start3A_1041 = arith.constant 512 : i32
    %dma_start3A_1042 = tpu.memref_slice %arg17[%dma_start3A_1041] : memref<4096xi32, #tpu.memory_space<vmem>> -> memref<128xi32, #tpu.memory_space<vmem>>
    %dma_start3A_1043 = arith.constant 0 : i32
    %dma_start3A_1044 = tpu.memref_slice %arg5[%dma_start3A_1043] : memref<3200000xi32, #tpu.memory_space<hbm>> -> memref<3200000xi32, #tpu.memory_space<hbm>>
    tpu.enqueue_indirect_dma source(%dma_start3A_1044 : memref<3200000xi32, #tpu.memory_space<hbm>>) target(%dma_start3A_1040 : memref<128xi32, #tpu.memory_space<vmem>>) offsets(%dma_start3A_1042 : memref<128xi32, #tpu.memory_space<vmem>>) semaphore(%arg25 : memref<!tpu.dma_semaphore, #tpu.memory_space<semaphore_mem>>)
    %dma_start3A_1045 = arith.constant 640 : i32
    %dma_start3A_1046 = tpu.memref_slice %arg19[%dma_start3A_1045] : memref<4096xi32, #tpu.memory_space<vmem>> -> memref<128xi32, #tpu.memory_space<vmem>>
    %dma_start3A_1047 = arith.constant 640 : i32
    %dma_start3A_1048 = tpu.memref_slice %arg17[%dma_start3A_1047] : memref<4096xi32, #tpu.memory_space<vmem>> -> memref<128xi32, #tpu.memory_space<vmem>>
    %dma_start3A_1049 = arith.constant 0 : i32
    %dma_start3A_1050 = tpu.memref_slice %arg5[%dma_start3A_1049] : memref<3200000xi32, #tpu.memory_space<hbm>> -> memref<3200000xi32, #tpu.memory_space<hbm>>
    tpu.enqueue_indirect_dma source(%dma_start3A_1050 : memref<3200000xi32, #tpu.memory_space<hbm>>) target(%dma_start3A_1046 : memref<128xi32, #tpu.memory_space<vmem>>) offsets(%dma_start3A_1048 : memref<128xi32, #tpu.memory_space<vmem>>) semaphore(%arg25 : memref<!tpu.dma_semaphore, #tpu.memory_space<semaphore_mem>>)
    %dma_start3A_1051 = arith.constant 768 : i32
    %dma_start3A_1052 = tpu.memref_slice %arg19[%dma_start3A_1051] : memref<4096xi32, #tpu.memory_space<vmem>> -> memref<128xi32, #tpu.memory_space<vmem>>
    %dma_start3A_1053 = arith.constant 768 : i32
    %dma_start3A_1054 = tpu.memref_slice %arg17[%dma_start3A_1053] : memref<4096xi32, #tpu.memory_space<vmem>> -> memref<128xi32, #tpu.memory_space<vmem>>
    %dma_start3A_1055 = arith.constant 0 : i32
    %dma_start3A_1056 = tpu.memref_slice %arg5[%dma_start3A_1055] : memref<3200000xi32, #tpu.memory_space<hbm>> -> memref<3200000xi32, #tpu.memory_space<hbm>>
    tpu.enqueue_indirect_dma source(%dma_start3A_1056 : memref<3200000xi32, #tpu.memory_space<hbm>>) target(%dma_start3A_1052 : memref<128xi32, #tpu.memory_space<vmem>>) offsets(%dma_start3A_1054 : memref<128xi32, #tpu.memory_space<vmem>>) semaphore(%arg25 : memref<!tpu.dma_semaphore, #tpu.memory_space<semaphore_mem>>)
    %dma_start3A_1057 = arith.constant 896 : i32
    %dma_start3A_1058 = tpu.memref_slice %arg19[%dma_start3A_1057] : memref<4096xi32, #tpu.memory_space<vmem>> -> memref<128xi32, #tpu.memory_space<vmem>>
    %dma_start3A_1059 = arith.constant 896 : i32
    %dma_start3A_1060 = tpu.memref_slice %arg17[%dma_start3A_1059] : memref<4096xi32, #tpu.memory_space<vmem>> -> memref<128xi32, #tpu.memory_space<vmem>>
    %dma_start3A_1061 = arith.constant 0 : i32
    %dma_start3A_1062 = tpu.memref_slice %arg5[%dma_start3A_1061] : memref<3200000xi32, #tpu.memory_space<hbm>> -> memref<3200000xi32, #tpu.memory_space<hbm>>
    tpu.enqueue_indirect_dma source(%dma_start3A_1062 : memref<3200000xi32, #tpu.memory_space<hbm>>) target(%dma_start3A_1058 : memref<128xi32, #tpu.memory_space<vmem>>) offsets(%dma_start3A_1060 : memref<128xi32, #tpu.memory_space<vmem>>) semaphore(%arg25 : memref<!tpu.dma_semaphore, #tpu.memory_space<semaphore_mem>>)
    %dma_start3A_1063 = arith.constant 1024 : i32
    %dma_start3A_1064 = tpu.memref_slice %arg19[%dma_start3A_1063] : memref<4096xi32, #tpu.memory_space<vmem>> -> memref<128xi32, #tpu.memory_space<vmem>>
    %dma_start3A_1065 = arith.constant 1024 : i32
    %dma_start3A_1066 = tpu.memref_slice %arg17[%dma_start3A_1065] : memref<4096xi32, #tpu.memory_space<vmem>> -> memref<128xi32, #tpu.memory_space<vmem>>
    %dma_start3A_1067 = arith.constant 0 : i32
    %dma_start3A_1068 = tpu.memref_slice %arg5[%dma_start3A_1067] : memref<3200000xi32, #tpu.memory_space<hbm>> -> memref<3200000xi32, #tpu.memory_space<hbm>>
    tpu.enqueue_indirect_dma source(%dma_start3A_1068 : memref<3200000xi32, #tpu.memory_space<hbm>>) target(%dma_start3A_1064 : memref<128xi32, #tpu.memory_space<vmem>>) offsets(%dma_start3A_1066 : memref<128xi32, #tpu.memory_space<vmem>>) semaphore(%arg25 : memref<!tpu.dma_semaphore, #tpu.memory_space<semaphore_mem>>)
    %dma_start3A_1069 = arith.constant 1152 : i32
    %dma_start3A_1070 = tpu.memref_slice %arg19[%dma_start3A_1069] : memref<4096xi32, #tpu.memory_space<vmem>> -> memref<128xi32, #tpu.memory_space<vmem>>
    %dma_start3A_1071 = arith.constant 1152 : i32
    %dma_start3A_1072 = tpu.memref_slice %arg17[%dma_start3A_1071] : memref<4096xi32, #tpu.memory_space<vmem>> -> memref<128xi32, #tpu.memory_space<vmem>>
    %dma_start3A_1073 = arith.constant 0 : i32
    %dma_start3A_1074 = tpu.memref_slice %arg5[%dma_start3A_1073] : memref<3200000xi32, #tpu.memory_space<hbm>> -> memref<3200000xi32, #tpu.memory_space<hbm>>
    tpu.enqueue_indirect_dma source(%dma_start3A_1074 : memref<3200000xi32, #tpu.memory_space<hbm>>) target(%dma_start3A_1070 : memref<128xi32, #tpu.memory_space<vmem>>) offsets(%dma_start3A_1072 : memref<128xi32, #tpu.memory_space<vmem>>) semaphore(%arg25 : memref<!tpu.dma_semaphore, #tpu.memory_space<semaphore_mem>>)
    %dma_start3A_1075 = arith.constant 1280 : i32
    %dma_start3A_1076 = tpu.memref_slice %arg19[%dma_start3A_1075] : memref<4096xi32, #tpu.memory_space<vmem>> -> memref<128xi32, #tpu.memory_space<vmem>>
    %dma_start3A_1077 = arith.constant 1280 : i32
    %dma_start3A_1078 = tpu.memref_slice %arg17[%dma_start3A_1077] : memref<4096xi32, #tpu.memory_space<vmem>> -> memref<128xi32, #tpu.memory_space<vmem>>
    %dma_start3A_1079 = arith.constant 0 : i32
    %dma_start3A_1080 = tpu.memref_slice %arg5[%dma_start3A_1079] : memref<3200000xi32, #tpu.memory_space<hbm>> -> memref<3200000xi32, #tpu.memory_space<hbm>>
    tpu.enqueue_indirect_dma source(%dma_start3A_1080 : memref<3200000xi32, #tpu.memory_space<hbm>>) target(%dma_start3A_1076 : memref<128xi32, #tpu.memory_space<vmem>>) offsets(%dma_start3A_1078 : memref<128xi32, #tpu.memory_space<vmem>>) semaphore(%arg25 : memref<!tpu.dma_semaphore, #tpu.memory_space<semaphore_mem>>)
    %dma_start3A_1081 = arith.constant 1408 : i32
    %dma_start3A_1082 = tpu.memref_slice %arg19[%dma_start3A_1081] : memref<4096xi32, #tpu.memory_space<vmem>> -> memref<128xi32, #tpu.memory_space<vmem>>
    %dma_start3A_1083 = arith.constant 1408 : i32
    %dma_start3A_1084 = tpu.memref_slice %arg17[%dma_start3A_1083] : memref<4096xi32, #tpu.memory_space<vmem>> -> memref<128xi32, #tpu.memory_space<vmem>>
    %dma_start3A_1085 = arith.constant 0 : i32
    %dma_start3A_1086 = tpu.memref_slice %arg5[%dma_start3A_1085] : memref<3200000xi32, #tpu.memory_space<hbm>> -> memref<3200000xi32, #tpu.memory_space<hbm>>
    tpu.enqueue_indirect_dma source(%dma_start3A_1086 : memref<3200000xi32, #tpu.memory_space<hbm>>) target(%dma_start3A_1082 : memref<128xi32, #tpu.memory_space<vmem>>) offsets(%dma_start3A_1084 : memref<128xi32, #tpu.memory_space<vmem>>) semaphore(%arg25 : memref<!tpu.dma_semaphore, #tpu.memory_space<semaphore_mem>>)
    %dma_start3A_1087 = arith.constant 1536 : i32
    %dma_start3A_1088 = tpu.memref_slice %arg19[%dma_start3A_1087] : memref<4096xi32, #tpu.memory_space<vmem>> -> memref<128xi32, #tpu.memory_space<vmem>>
    %dma_start3A_1089 = arith.constant 1536 : i32
    %dma_start3A_1090 = tpu.memref_slice %arg17[%dma_start3A_1089] : memref<4096xi32, #tpu.memory_space<vmem>> -> memref<128xi32, #tpu.memory_space<vmem>>
    %dma_start3A_1091 = arith.constant 0 : i32
    %dma_start3A_1092 = tpu.memref_slice %arg5[%dma_start3A_1091] : memref<3200000xi32, #tpu.memory_space<hbm>> -> memref<3200000xi32, #tpu.memory_space<hbm>>
    tpu.enqueue_indirect_dma source(%dma_start3A_1092 : memref<3200000xi32, #tpu.memory_space<hbm>>) target(%dma_start3A_1088 : memref<128xi32, #tpu.memory_space<vmem>>) offsets(%dma_start3A_1090 : memref<128xi32, #tpu.memory_space<vmem>>) semaphore(%arg25 : memref<!tpu.dma_semaphore, #tpu.memory_space<semaphore_mem>>)
    %dma_start3A_1093 = arith.constant 1664 : i32
    %dma_start3A_1094 = tpu.memref_slice %arg19[%dma_start3A_1093] : memref<4096xi32, #tpu.memory_space<vmem>> -> memref<128xi32, #tpu.memory_space<vmem>>
    %dma_start3A_1095 = arith.constant 1664 : i32
    %dma_start3A_1096 = tpu.memref_slice %arg17[%dma_start3A_1095] : memref<4096xi32, #tpu.memory_space<vmem>> -> memref<128xi32, #tpu.memory_space<vmem>>
    %dma_start3A_1097 = arith.constant 0 : i32
    %dma_start3A_1098 = tpu.memref_slice %arg5[%dma_start3A_1097] : memref<3200000xi32, #tpu.memory_space<hbm>> -> memref<3200000xi32, #tpu.memory_space<hbm>>
    tpu.enqueue_indirect_dma source(%dma_start3A_1098 : memref<3200000xi32, #tpu.memory_space<hbm>>) target(%dma_start3A_1094 : memref<128xi32, #tpu.memory_space<vmem>>) offsets(%dma_start3A_1096 : memref<128xi32, #tpu.memory_space<vmem>>) semaphore(%arg25 : memref<!tpu.dma_semaphore, #tpu.memory_space<semaphore_mem>>)
    %dma_start3A_1099 = arith.constant 1792 : i32
    %dma_start3A_1100 = tpu.memref_slice %arg19[%dma_start3A_1099] : memref<4096xi32, #tpu.memory_space<vmem>> -> memref<128xi32, #tpu.memory_space<vmem>>
    %dma_start3A_1101 = arith.constant 1792 : i32
    %dma_start3A_1102 = tpu.memref_slice %arg17[%dma_start3A_1101] : memref<4096xi32, #tpu.memory_space<vmem>> -> memref<128xi32, #tpu.memory_space<vmem>>
    %dma_start3A_1103 = arith.constant 0 : i32
    %dma_start3A_1104 = tpu.memref_slice %arg5[%dma_start3A_1103] : memref<3200000xi32, #tpu.memory_space<hbm>> -> memref<3200000xi32, #tpu.memory_space<hbm>>
    tpu.enqueue_indirect_dma source(%dma_start3A_1104 : memref<3200000xi32, #tpu.memory_space<hbm>>) target(%dma_start3A_1100 : memref<128xi32, #tpu.memory_space<vmem>>) offsets(%dma_start3A_1102 : memref<128xi32, #tpu.memory_space<vmem>>) semaphore(%arg25 : memref<!tpu.dma_semaphore, #tpu.memory_space<semaphore_mem>>)
    %dma_start3A_1105 = arith.constant 1920 : i32
    %dma_start3A_1106 = tpu.memref_slice %arg19[%dma_start3A_1105] : memref<4096xi32, #tpu.memory_space<vmem>> -> memref<128xi32, #tpu.memory_space<vmem>>
    %dma_start3A_1107 = arith.constant 1920 : i32
    %dma_start3A_1108 = tpu.memref_slice %arg17[%dma_start3A_1107] : memref<4096xi32, #tpu.memory_space<vmem>> -> memref<128xi32, #tpu.memory_space<vmem>>
    %dma_start3A_1109 = arith.constant 0 : i32
    %dma_start3A_1110 = tpu.memref_slice %arg5[%dma_start3A_1109] : memref<3200000xi32, #tpu.memory_space<hbm>> -> memref<3200000xi32, #tpu.memory_space<hbm>>
    tpu.enqueue_indirect_dma source(%dma_start3A_1110 : memref<3200000xi32, #tpu.memory_space<hbm>>) target(%dma_start3A_1106 : memref<128xi32, #tpu.memory_space<vmem>>) offsets(%dma_start3A_1108 : memref<128xi32, #tpu.memory_space<vmem>>) semaphore(%arg25 : memref<!tpu.dma_semaphore, #tpu.memory_space<semaphore_mem>>)
    %dma_start3A_1111 = arith.constant 2048 : i32
    %dma_start3A_1112 = tpu.memref_slice %arg19[%dma_start3A_1111] : memref<4096xi32, #tpu.memory_space<vmem>> -> memref<128xi32, #tpu.memory_space<vmem>>
    %dma_start3A_1113 = arith.constant 2048 : i32
    %dma_start3A_1114 = tpu.memref_slice %arg17[%dma_start3A_1113] : memref<4096xi32, #tpu.memory_space<vmem>> -> memref<128xi32, #tpu.memory_space<vmem>>
    %dma_start3A_1115 = arith.constant 0 : i32
    %dma_start3A_1116 = tpu.memref_slice %arg5[%dma_start3A_1115] : memref<3200000xi32, #tpu.memory_space<hbm>> -> memref<3200000xi32, #tpu.memory_space<hbm>>
    tpu.enqueue_indirect_dma source(%dma_start3A_1116 : memref<3200000xi32, #tpu.memory_space<hbm>>) target(%dma_start3A_1112 : memref<128xi32, #tpu.memory_space<vmem>>) offsets(%dma_start3A_1114 : memref<128xi32, #tpu.memory_space<vmem>>) semaphore(%arg25 : memref<!tpu.dma_semaphore, #tpu.memory_space<semaphore_mem>>)
    %dma_start3A_1117 = arith.constant 2176 : i32
    %dma_start3A_1118 = tpu.memref_slice %arg19[%dma_start3A_1117] : memref<4096xi32, #tpu.memory_space<vmem>> -> memref<128xi32, #tpu.memory_space<vmem>>
    %dma_start3A_1119 = arith.constant 2176 : i32
    %dma_start3A_1120 = tpu.memref_slice %arg17[%dma_start3A_1119] : memref<4096xi32, #tpu.memory_space<vmem>> -> memref<128xi32, #tpu.memory_space<vmem>>
    %dma_start3A_1121 = arith.constant 0 : i32
    %dma_start3A_1122 = tpu.memref_slice %arg5[%dma_start3A_1121] : memref<3200000xi32, #tpu.memory_space<hbm>> -> memref<3200000xi32, #tpu.memory_space<hbm>>
    tpu.enqueue_indirect_dma source(%dma_start3A_1122 : memref<3200000xi32, #tpu.memory_space<hbm>>) target(%dma_start3A_1118 : memref<128xi32, #tpu.memory_space<vmem>>) offsets(%dma_start3A_1120 : memref<128xi32, #tpu.memory_space<vmem>>) semaphore(%arg25 : memref<!tpu.dma_semaphore, #tpu.memory_space<semaphore_mem>>)
    %dma_start3A_1123 = arith.constant 2304 : i32
    %dma_start3A_1124 = tpu.memref_slice %arg19[%dma_start3A_1123] : memref<4096xi32, #tpu.memory_space<vmem>> -> memref<128xi32, #tpu.memory_space<vmem>>
    %dma_start3A_1125 = arith.constant 2304 : i32
    %dma_start3A_1126 = tpu.memref_slice %arg17[%dma_start3A_1125] : memref<4096xi32, #tpu.memory_space<vmem>> -> memref<128xi32, #tpu.memory_space<vmem>>
    %dma_start3A_1127 = arith.constant 0 : i32
    %dma_start3A_1128 = tpu.memref_slice %arg5[%dma_start3A_1127] : memref<3200000xi32, #tpu.memory_space<hbm>> -> memref<3200000xi32, #tpu.memory_space<hbm>>
    tpu.enqueue_indirect_dma source(%dma_start3A_1128 : memref<3200000xi32, #tpu.memory_space<hbm>>) target(%dma_start3A_1124 : memref<128xi32, #tpu.memory_space<vmem>>) offsets(%dma_start3A_1126 : memref<128xi32, #tpu.memory_space<vmem>>) semaphore(%arg25 : memref<!tpu.dma_semaphore, #tpu.memory_space<semaphore_mem>>)
    %dma_start3A_1129 = arith.constant 2432 : i32
    %dma_start3A_1130 = tpu.memref_slice %arg19[%dma_start3A_1129] : memref<4096xi32, #tpu.memory_space<vmem>> -> memref<128xi32, #tpu.memory_space<vmem>>
    %dma_start3A_1131 = arith.constant 2432 : i32
    %dma_start3A_1132 = tpu.memref_slice %arg17[%dma_start3A_1131] : memref<4096xi32, #tpu.memory_space<vmem>> -> memref<128xi32, #tpu.memory_space<vmem>>
    %dma_start3A_1133 = arith.constant 0 : i32
    %dma_start3A_1134 = tpu.memref_slice %arg5[%dma_start3A_1133] : memref<3200000xi32, #tpu.memory_space<hbm>> -> memref<3200000xi32, #tpu.memory_space<hbm>>
    tpu.enqueue_indirect_dma source(%dma_start3A_1134 : memref<3200000xi32, #tpu.memory_space<hbm>>) target(%dma_start3A_1130 : memref<128xi32, #tpu.memory_space<vmem>>) offsets(%dma_start3A_1132 : memref<128xi32, #tpu.memory_space<vmem>>) semaphore(%arg25 : memref<!tpu.dma_semaphore, #tpu.memory_space<semaphore_mem>>)
    %dma_start3A_1135 = arith.constant 2560 : i32
    %dma_start3A_1136 = tpu.memref_slice %arg19[%dma_start3A_1135] : memref<4096xi32, #tpu.memory_space<vmem>> -> memref<128xi32, #tpu.memory_space<vmem>>
    %dma_start3A_1137 = arith.constant 2560 : i32
    %dma_start3A_1138 = tpu.memref_slice %arg17[%dma_start3A_1137] : memref<4096xi32, #tpu.memory_space<vmem>> -> memref<128xi32, #tpu.memory_space<vmem>>
    %dma_start3A_1139 = arith.constant 0 : i32
    %dma_start3A_1140 = tpu.memref_slice %arg5[%dma_start3A_1139] : memref<3200000xi32, #tpu.memory_space<hbm>> -> memref<3200000xi32, #tpu.memory_space<hbm>>
    tpu.enqueue_indirect_dma source(%dma_start3A_1140 : memref<3200000xi32, #tpu.memory_space<hbm>>) target(%dma_start3A_1136 : memref<128xi32, #tpu.memory_space<vmem>>) offsets(%dma_start3A_1138 : memref<128xi32, #tpu.memory_space<vmem>>) semaphore(%arg25 : memref<!tpu.dma_semaphore, #tpu.memory_space<semaphore_mem>>)
    %dma_start3A_1141 = arith.constant 2688 : i32
    %dma_start3A_1142 = tpu.memref_slice %arg19[%dma_start3A_1141] : memref<4096xi32, #tpu.memory_space<vmem>> -> memref<128xi32, #tpu.memory_space<vmem>>
    %dma_start3A_1143 = arith.constant 2688 : i32
    %dma_start3A_1144 = tpu.memref_slice %arg17[%dma_start3A_1143] : memref<4096xi32, #tpu.memory_space<vmem>> -> memref<128xi32, #tpu.memory_space<vmem>>
    %dma_start3A_1145 = arith.constant 0 : i32
    %dma_start3A_1146 = tpu.memref_slice %arg5[%dma_start3A_1145] : memref<3200000xi32, #tpu.memory_space<hbm>> -> memref<3200000xi32, #tpu.memory_space<hbm>>
    tpu.enqueue_indirect_dma source(%dma_start3A_1146 : memref<3200000xi32, #tpu.memory_space<hbm>>) target(%dma_start3A_1142 : memref<128xi32, #tpu.memory_space<vmem>>) offsets(%dma_start3A_1144 : memref<128xi32, #tpu.memory_space<vmem>>) semaphore(%arg25 : memref<!tpu.dma_semaphore, #tpu.memory_space<semaphore_mem>>)
    %dma_start3A_1147 = arith.constant 2816 : i32
    %dma_start3A_1148 = tpu.memref_slice %arg19[%dma_start3A_1147] : memref<4096xi32, #tpu.memory_space<vmem>> -> memref<128xi32, #tpu.memory_space<vmem>>
    %dma_start3A_1149 = arith.constant 2816 : i32
    %dma_start3A_1150 = tpu.memref_slice %arg17[%dma_start3A_1149] : memref<4096xi32, #tpu.memory_space<vmem>> -> memref<128xi32, #tpu.memory_space<vmem>>
    %dma_start3A_1151 = arith.constant 0 : i32
    %dma_start3A_1152 = tpu.memref_slice %arg5[%dma_start3A_1151] : memref<3200000xi32, #tpu.memory_space<hbm>> -> memref<3200000xi32, #tpu.memory_space<hbm>>
    tpu.enqueue_indirect_dma source(%dma_start3A_1152 : memref<3200000xi32, #tpu.memory_space<hbm>>) target(%dma_start3A_1148 : memref<128xi32, #tpu.memory_space<vmem>>) offsets(%dma_start3A_1150 : memref<128xi32, #tpu.memory_space<vmem>>) semaphore(%arg25 : memref<!tpu.dma_semaphore, #tpu.memory_space<semaphore_mem>>)
    %dma_start3A_1153 = arith.constant 2944 : i32
    %dma_start3A_1154 = tpu.memref_slice %arg19[%dma_start3A_1153] : memref<4096xi32, #tpu.memory_space<vmem>> -> memref<128xi32, #tpu.memory_space<vmem>>
    %dma_start3A_1155 = arith.constant 2944 : i32
    %dma_start3A_1156 = tpu.memref_slice %arg17[%dma_start3A_1155] : memref<4096xi32, #tpu.memory_space<vmem>> -> memref<128xi32, #tpu.memory_space<vmem>>
    %dma_start3A_1157 = arith.constant 0 : i32
    %dma_start3A_1158 = tpu.memref_slice %arg5[%dma_start3A_1157] : memref<3200000xi32, #tpu.memory_space<hbm>> -> memref<3200000xi32, #tpu.memory_space<hbm>>
    tpu.enqueue_indirect_dma source(%dma_start3A_1158 : memref<3200000xi32, #tpu.memory_space<hbm>>) target(%dma_start3A_1154 : memref<128xi32, #tpu.memory_space<vmem>>) offsets(%dma_start3A_1156 : memref<128xi32, #tpu.memory_space<vmem>>) semaphore(%arg25 : memref<!tpu.dma_semaphore, #tpu.memory_space<semaphore_mem>>)
    %dma_start3A_1159 = arith.constant 3072 : i32
    %dma_start3A_1160 = tpu.memref_slice %arg19[%dma_start3A_1159] : memref<4096xi32, #tpu.memory_space<vmem>> -> memref<128xi32, #tpu.memory_space<vmem>>
    %dma_start3A_1161 = arith.constant 3072 : i32
    %dma_start3A_1162 = tpu.memref_slice %arg17[%dma_start3A_1161] : memref<4096xi32, #tpu.memory_space<vmem>> -> memref<128xi32, #tpu.memory_space<vmem>>
    %dma_start3A_1163 = arith.constant 0 : i32
    %dma_start3A_1164 = tpu.memref_slice %arg5[%dma_start3A_1163] : memref<3200000xi32, #tpu.memory_space<hbm>> -> memref<3200000xi32, #tpu.memory_space<hbm>>
    tpu.enqueue_indirect_dma source(%dma_start3A_1164 : memref<3200000xi32, #tpu.memory_space<hbm>>) target(%dma_start3A_1160 : memref<128xi32, #tpu.memory_space<vmem>>) offsets(%dma_start3A_1162 : memref<128xi32, #tpu.memory_space<vmem>>) semaphore(%arg25 : memref<!tpu.dma_semaphore, #tpu.memory_space<semaphore_mem>>)
    %dma_start3A_1165 = arith.constant 3200 : i32
    %dma_start3A_1166 = tpu.memref_slice %arg19[%dma_start3A_1165] : memref<4096xi32, #tpu.memory_space<vmem>> -> memref<128xi32, #tpu.memory_space<vmem>>
    %dma_start3A_1167 = arith.constant 3200 : i32
    %dma_start3A_1168 = tpu.memref_slice %arg17[%dma_start3A_1167] : memref<4096xi32, #tpu.memory_space<vmem>> -> memref<128xi32, #tpu.memory_space<vmem>>
    %dma_start3A_1169 = arith.constant 0 : i32
    %dma_start3A_1170 = tpu.memref_slice %arg5[%dma_start3A_1169] : memref<3200000xi32, #tpu.memory_space<hbm>> -> memref<3200000xi32, #tpu.memory_space<hbm>>
    tpu.enqueue_indirect_dma source(%dma_start3A_1170 : memref<3200000xi32, #tpu.memory_space<hbm>>) target(%dma_start3A_1166 : memref<128xi32, #tpu.memory_space<vmem>>) offsets(%dma_start3A_1168 : memref<128xi32, #tpu.memory_space<vmem>>) semaphore(%arg25 : memref<!tpu.dma_semaphore, #tpu.memory_space<semaphore_mem>>)
    %dma_start3A_1171 = arith.constant 3328 : i32
    %dma_start3A_1172 = tpu.memref_slice %arg19[%dma_start3A_1171] : memref<4096xi32, #tpu.memory_space<vmem>> -> memref<128xi32, #tpu.memory_space<vmem>>
    %dma_start3A_1173 = arith.constant 3328 : i32
    %dma_start3A_1174 = tpu.memref_slice %arg17[%dma_start3A_1173] : memref<4096xi32, #tpu.memory_space<vmem>> -> memref<128xi32, #tpu.memory_space<vmem>>
    %dma_start3A_1175 = arith.constant 0 : i32
    %dma_start3A_1176 = tpu.memref_slice %arg5[%dma_start3A_1175] : memref<3200000xi32, #tpu.memory_space<hbm>> -> memref<3200000xi32, #tpu.memory_space<hbm>>
    tpu.enqueue_indirect_dma source(%dma_start3A_1176 : memref<3200000xi32, #tpu.memory_space<hbm>>) target(%dma_start3A_1172 : memref<128xi32, #tpu.memory_space<vmem>>) offsets(%dma_start3A_1174 : memref<128xi32, #tpu.memory_space<vmem>>) semaphore(%arg25 : memref<!tpu.dma_semaphore, #tpu.memory_space<semaphore_mem>>)
    %dma_start3A_1177 = arith.constant 3456 : i32
    %dma_start3A_1178 = tpu.memref_slice %arg19[%dma_start3A_1177] : memref<4096xi32, #tpu.memory_space<vmem>> -> memref<128xi32, #tpu.memory_space<vmem>>
    %dma_start3A_1179 = arith.constant 3456 : i32
    %dma_start3A_1180 = tpu.memref_slice %arg17[%dma_start3A_1179] : memref<4096xi32, #tpu.memory_space<vmem>> -> memref<128xi32, #tpu.memory_space<vmem>>
    %dma_start3A_1181 = arith.constant 0 : i32
    %dma_start3A_1182 = tpu.memref_slice %arg5[%dma_start3A_1181] : memref<3200000xi32, #tpu.memory_space<hbm>> -> memref<3200000xi32, #tpu.memory_space<hbm>>
    tpu.enqueue_indirect_dma source(%dma_start3A_1182 : memref<3200000xi32, #tpu.memory_space<hbm>>) target(%dma_start3A_1178 : memref<128xi32, #tpu.memory_space<vmem>>) offsets(%dma_start3A_1180 : memref<128xi32, #tpu.memory_space<vmem>>) semaphore(%arg25 : memref<!tpu.dma_semaphore, #tpu.memory_space<semaphore_mem>>)
    %dma_start3A_1183 = arith.constant 3584 : i32
    %dma_start3A_1184 = tpu.memref_slice %arg19[%dma_start3A_1183] : memref<4096xi32, #tpu.memory_space<vmem>> -> memref<128xi32, #tpu.memory_space<vmem>>
    %dma_start3A_1185 = arith.constant 3584 : i32
    %dma_start3A_1186 = tpu.memref_slice %arg17[%dma_start3A_1185] : memref<4096xi32, #tpu.memory_space<vmem>> -> memref<128xi32, #tpu.memory_space<vmem>>
    %dma_start3A_1187 = arith.constant 0 : i32
    %dma_start3A_1188 = tpu.memref_slice %arg5[%dma_start3A_1187] : memref<3200000xi32, #tpu.memory_space<hbm>> -> memref<3200000xi32, #tpu.memory_space<hbm>>
    tpu.enqueue_indirect_dma source(%dma_start3A_1188 : memref<3200000xi32, #tpu.memory_space<hbm>>) target(%dma_start3A_1184 : memref<128xi32, #tpu.memory_space<vmem>>) offsets(%dma_start3A_1186 : memref<128xi32, #tpu.memory_space<vmem>>) semaphore(%arg25 : memref<!tpu.dma_semaphore, #tpu.memory_space<semaphore_mem>>)
    %dma_start3A_1189 = arith.constant 3712 : i32
    %dma_start3A_1190 = tpu.memref_slice %arg19[%dma_start3A_1189] : memref<4096xi32, #tpu.memory_space<vmem>> -> memref<128xi32, #tpu.memory_space<vmem>>
    %dma_start3A_1191 = arith.constant 3712 : i32
    %dma_start3A_1192 = tpu.memref_slice %arg17[%dma_start3A_1191] : memref<4096xi32, #tpu.memory_space<vmem>> -> memref<128xi32, #tpu.memory_space<vmem>>
    %dma_start3A_1193 = arith.constant 0 : i32
    %dma_start3A_1194 = tpu.memref_slice %arg5[%dma_start3A_1193] : memref<3200000xi32, #tpu.memory_space<hbm>> -> memref<3200000xi32, #tpu.memory_space<hbm>>
    tpu.enqueue_indirect_dma source(%dma_start3A_1194 : memref<3200000xi32, #tpu.memory_space<hbm>>) target(%dma_start3A_1190 : memref<128xi32, #tpu.memory_space<vmem>>) offsets(%dma_start3A_1192 : memref<128xi32, #tpu.memory_space<vmem>>) semaphore(%arg25 : memref<!tpu.dma_semaphore, #tpu.memory_space<semaphore_mem>>)
    %dma_start3A_1195 = arith.constant 3840 : i32
    %dma_start3A_1196 = tpu.memref_slice %arg19[%dma_start3A_1195] : memref<4096xi32, #tpu.memory_space<vmem>> -> memref<128xi32, #tpu.memory_space<vmem>>
    %dma_start3A_1197 = arith.constant 3840 : i32
    %dma_start3A_1198 = tpu.memref_slice %arg17[%dma_start3A_1197] : memref<4096xi32, #tpu.memory_space<vmem>> -> memref<128xi32, #tpu.memory_space<vmem>>
    %dma_start3A_1199 = arith.constant 0 : i32
    %dma_start3A_1200 = tpu.memref_slice %arg5[%dma_start3A_1199] : memref<3200000xi32, #tpu.memory_space<hbm>> -> memref<3200000xi32, #tpu.memory_space<hbm>>
    tpu.enqueue_indirect_dma source(%dma_start3A_1200 : memref<3200000xi32, #tpu.memory_space<hbm>>) target(%dma_start3A_1196 : memref<128xi32, #tpu.memory_space<vmem>>) offsets(%dma_start3A_1198 : memref<128xi32, #tpu.memory_space<vmem>>) semaphore(%arg25 : memref<!tpu.dma_semaphore, #tpu.memory_space<semaphore_mem>>)
    %dma_start3A_1201 = arith.constant 3968 : i32
    %dma_start3A_1202 = tpu.memref_slice %arg19[%dma_start3A_1201] : memref<4096xi32, #tpu.memory_space<vmem>> -> memref<128xi32, #tpu.memory_space<vmem>>
    %dma_start3A_1203 = arith.constant 3968 : i32
    %dma_start3A_1204 = tpu.memref_slice %arg17[%dma_start3A_1203] : memref<4096xi32, #tpu.memory_space<vmem>> -> memref<128xi32, #tpu.memory_space<vmem>>
    %dma_start3A_1205 = arith.constant 0 : i32
    %dma_start3A_1206 = tpu.memref_slice %arg5[%dma_start3A_1205] : memref<3200000xi32, #tpu.memory_space<hbm>> -> memref<3200000xi32, #tpu.memory_space<hbm>>
    tpu.enqueue_indirect_dma source(%dma_start3A_1206 : memref<3200000xi32, #tpu.memory_space<hbm>>) target(%dma_start3A_1202 : memref<128xi32, #tpu.memory_space<vmem>>) offsets(%dma_start3A_1204 : memref<128xi32, #tpu.memory_space<vmem>>) semaphore(%arg25 : memref<!tpu.dma_semaphore, #tpu.memory_space<semaphore_mem>>)
    %dma_wait3A_1207 = arith.constant 0 : i32
    %dma_wait3A_1208 = tpu.memref_slice %arg18[%dma_wait3A_1207] : memref<4096xi32, #tpu.memory_space<vmem>> -> memref<128xi32, #tpu.memory_space<vmem>>
    %dma_wait3A_1209 = arith.constant 0 : i32
    %dma_wait3A_1210 = tpu.memref_slice %arg16[%dma_wait3A_1209] : memref<4096xi32, #tpu.memory_space<vmem>> -> memref<128xi32, #tpu.memory_space<vmem>>
    %dma_wait3A_1211 = arith.constant 0 : i32
    %dma_wait3A_1212 = tpu.memref_slice %arg5[%dma_wait3A_1211] : memref<3200000xi32, #tpu.memory_space<hbm>> -> memref<3200000xi32, #tpu.memory_space<hbm>>
    tpu.wait_indirect_dma semaphore(%arg25 : memref<!tpu.dma_semaphore, #tpu.memory_space<semaphore_mem>>) src(%dma_wait3A_1212 : memref<3200000xi32, #tpu.memory_space<hbm>>) dst(%dma_wait3A_1208 : memref<128xi32, #tpu.memory_space<vmem>>)
    %dma_wait3A_1213 = arith.constant 128 : i32
    %dma_wait3A_1214 = tpu.memref_slice %arg18[%dma_wait3A_1213] : memref<4096xi32, #tpu.memory_space<vmem>> -> memref<128xi32, #tpu.memory_space<vmem>>
    %dma_wait3A_1215 = arith.constant 128 : i32
    %dma_wait3A_1216 = tpu.memref_slice %arg16[%dma_wait3A_1215] : memref<4096xi32, #tpu.memory_space<vmem>> -> memref<128xi32, #tpu.memory_space<vmem>>
    %dma_wait3A_1217 = arith.constant 0 : i32
    %dma_wait3A_1218 = tpu.memref_slice %arg5[%dma_wait3A_1217] : memref<3200000xi32, #tpu.memory_space<hbm>> -> memref<3200000xi32, #tpu.memory_space<hbm>>
    tpu.wait_indirect_dma semaphore(%arg25 : memref<!tpu.dma_semaphore, #tpu.memory_space<semaphore_mem>>) src(%dma_wait3A_1218 : memref<3200000xi32, #tpu.memory_space<hbm>>) dst(%dma_wait3A_1214 : memref<128xi32, #tpu.memory_space<vmem>>)
    %dma_wait3A_1219 = arith.constant 256 : i32
    %dma_wait3A_1220 = tpu.memref_slice %arg18[%dma_wait3A_1219] : memref<4096xi32, #tpu.memory_space<vmem>> -> memref<128xi32, #tpu.memory_space<vmem>>
    %dma_wait3A_1221 = arith.constant 256 : i32
    %dma_wait3A_1222 = tpu.memref_slice %arg16[%dma_wait3A_1221] : memref<4096xi32, #tpu.memory_space<vmem>> -> memref<128xi32, #tpu.memory_space<vmem>>
    %dma_wait3A_1223 = arith.constant 0 : i32
    %dma_wait3A_1224 = tpu.memref_slice %arg5[%dma_wait3A_1223] : memref<3200000xi32, #tpu.memory_space<hbm>> -> memref<3200000xi32, #tpu.memory_space<hbm>>
    tpu.wait_indirect_dma semaphore(%arg25 : memref<!tpu.dma_semaphore, #tpu.memory_space<semaphore_mem>>) src(%dma_wait3A_1224 : memref<3200000xi32, #tpu.memory_space<hbm>>) dst(%dma_wait3A_1220 : memref<128xi32, #tpu.memory_space<vmem>>)
    %dma_wait3A_1225 = arith.constant 384 : i32
    %dma_wait3A_1226 = tpu.memref_slice %arg18[%dma_wait3A_1225] : memref<4096xi32, #tpu.memory_space<vmem>> -> memref<128xi32, #tpu.memory_space<vmem>>
    %dma_wait3A_1227 = arith.constant 384 : i32
    %dma_wait3A_1228 = tpu.memref_slice %arg16[%dma_wait3A_1227] : memref<4096xi32, #tpu.memory_space<vmem>> -> memref<128xi32, #tpu.memory_space<vmem>>
    %dma_wait3A_1229 = arith.constant 0 : i32
    %dma_wait3A_1230 = tpu.memref_slice %arg5[%dma_wait3A_1229] : memref<3200000xi32, #tpu.memory_space<hbm>> -> memref<3200000xi32, #tpu.memory_space<hbm>>
    tpu.wait_indirect_dma semaphore(%arg25 : memref<!tpu.dma_semaphore, #tpu.memory_space<semaphore_mem>>) src(%dma_wait3A_1230 : memref<3200000xi32, #tpu.memory_space<hbm>>) dst(%dma_wait3A_1226 : memref<128xi32, #tpu.memory_space<vmem>>)
    %dma_wait3A_1231 = arith.constant 512 : i32
    %dma_wait3A_1232 = tpu.memref_slice %arg18[%dma_wait3A_1231] : memref<4096xi32, #tpu.memory_space<vmem>> -> memref<128xi32, #tpu.memory_space<vmem>>
    %dma_wait3A_1233 = arith.constant 512 : i32
    %dma_wait3A_1234 = tpu.memref_slice %arg16[%dma_wait3A_1233] : memref<4096xi32, #tpu.memory_space<vmem>> -> memref<128xi32, #tpu.memory_space<vmem>>
    %dma_wait3A_1235 = arith.constant 0 : i32
    %dma_wait3A_1236 = tpu.memref_slice %arg5[%dma_wait3A_1235] : memref<3200000xi32, #tpu.memory_space<hbm>> -> memref<3200000xi32, #tpu.memory_space<hbm>>
    tpu.wait_indirect_dma semaphore(%arg25 : memref<!tpu.dma_semaphore, #tpu.memory_space<semaphore_mem>>) src(%dma_wait3A_1236 : memref<3200000xi32, #tpu.memory_space<hbm>>) dst(%dma_wait3A_1232 : memref<128xi32, #tpu.memory_space<vmem>>)
    %dma_wait3A_1237 = arith.constant 640 : i32
    %dma_wait3A_1238 = tpu.memref_slice %arg18[%dma_wait3A_1237] : memref<4096xi32, #tpu.memory_space<vmem>> -> memref<128xi32, #tpu.memory_space<vmem>>
    %dma_wait3A_1239 = arith.constant 640 : i32
    %dma_wait3A_1240 = tpu.memref_slice %arg16[%dma_wait3A_1239] : memref<4096xi32, #tpu.memory_space<vmem>> -> memref<128xi32, #tpu.memory_space<vmem>>
    %dma_wait3A_1241 = arith.constant 0 : i32
    %dma_wait3A_1242 = tpu.memref_slice %arg5[%dma_wait3A_1241] : memref<3200000xi32, #tpu.memory_space<hbm>> -> memref<3200000xi32, #tpu.memory_space<hbm>>
    tpu.wait_indirect_dma semaphore(%arg25 : memref<!tpu.dma_semaphore, #tpu.memory_space<semaphore_mem>>) src(%dma_wait3A_1242 : memref<3200000xi32, #tpu.memory_space<hbm>>) dst(%dma_wait3A_1238 : memref<128xi32, #tpu.memory_space<vmem>>)
    %dma_wait3A_1243 = arith.constant 768 : i32
    %dma_wait3A_1244 = tpu.memref_slice %arg18[%dma_wait3A_1243] : memref<4096xi32, #tpu.memory_space<vmem>> -> memref<128xi32, #tpu.memory_space<vmem>>
    %dma_wait3A_1245 = arith.constant 768 : i32
    %dma_wait3A_1246 = tpu.memref_slice %arg16[%dma_wait3A_1245] : memref<4096xi32, #tpu.memory_space<vmem>> -> memref<128xi32, #tpu.memory_space<vmem>>
    %dma_wait3A_1247 = arith.constant 0 : i32
    %dma_wait3A_1248 = tpu.memref_slice %arg5[%dma_wait3A_1247] : memref<3200000xi32, #tpu.memory_space<hbm>> -> memref<3200000xi32, #tpu.memory_space<hbm>>
    tpu.wait_indirect_dma semaphore(%arg25 : memref<!tpu.dma_semaphore, #tpu.memory_space<semaphore_mem>>) src(%dma_wait3A_1248 : memref<3200000xi32, #tpu.memory_space<hbm>>) dst(%dma_wait3A_1244 : memref<128xi32, #tpu.memory_space<vmem>>)
    %dma_wait3A_1249 = arith.constant 896 : i32
    %dma_wait3A_1250 = tpu.memref_slice %arg18[%dma_wait3A_1249] : memref<4096xi32, #tpu.memory_space<vmem>> -> memref<128xi32, #tpu.memory_space<vmem>>
    %dma_wait3A_1251 = arith.constant 896 : i32
    %dma_wait3A_1252 = tpu.memref_slice %arg16[%dma_wait3A_1251] : memref<4096xi32, #tpu.memory_space<vmem>> -> memref<128xi32, #tpu.memory_space<vmem>>
    %dma_wait3A_1253 = arith.constant 0 : i32
    %dma_wait3A_1254 = tpu.memref_slice %arg5[%dma_wait3A_1253] : memref<3200000xi32, #tpu.memory_space<hbm>> -> memref<3200000xi32, #tpu.memory_space<hbm>>
    tpu.wait_indirect_dma semaphore(%arg25 : memref<!tpu.dma_semaphore, #tpu.memory_space<semaphore_mem>>) src(%dma_wait3A_1254 : memref<3200000xi32, #tpu.memory_space<hbm>>) dst(%dma_wait3A_1250 : memref<128xi32, #tpu.memory_space<vmem>>)
    %dma_wait3A_1255 = arith.constant 1024 : i32
    %dma_wait3A_1256 = tpu.memref_slice %arg18[%dma_wait3A_1255] : memref<4096xi32, #tpu.memory_space<vmem>> -> memref<128xi32, #tpu.memory_space<vmem>>
    %dma_wait3A_1257 = arith.constant 1024 : i32
    %dma_wait3A_1258 = tpu.memref_slice %arg16[%dma_wait3A_1257] : memref<4096xi32, #tpu.memory_space<vmem>> -> memref<128xi32, #tpu.memory_space<vmem>>
    %dma_wait3A_1259 = arith.constant 0 : i32
    %dma_wait3A_1260 = tpu.memref_slice %arg5[%dma_wait3A_1259] : memref<3200000xi32, #tpu.memory_space<hbm>> -> memref<3200000xi32, #tpu.memory_space<hbm>>
    tpu.wait_indirect_dma semaphore(%arg25 : memref<!tpu.dma_semaphore, #tpu.memory_space<semaphore_mem>>) src(%dma_wait3A_1260 : memref<3200000xi32, #tpu.memory_space<hbm>>) dst(%dma_wait3A_1256 : memref<128xi32, #tpu.memory_space<vmem>>)
    %dma_wait3A_1261 = arith.constant 1152 : i32
    %dma_wait3A_1262 = tpu.memref_slice %arg18[%dma_wait3A_1261] : memref<4096xi32, #tpu.memory_space<vmem>> -> memref<128xi32, #tpu.memory_space<vmem>>
    %dma_wait3A_1263 = arith.constant 1152 : i32
    %dma_wait3A_1264 = tpu.memref_slice %arg16[%dma_wait3A_1263] : memref<4096xi32, #tpu.memory_space<vmem>> -> memref<128xi32, #tpu.memory_space<vmem>>
    %dma_wait3A_1265 = arith.constant 0 : i32
    %dma_wait3A_1266 = tpu.memref_slice %arg5[%dma_wait3A_1265] : memref<3200000xi32, #tpu.memory_space<hbm>> -> memref<3200000xi32, #tpu.memory_space<hbm>>
    tpu.wait_indirect_dma semaphore(%arg25 : memref<!tpu.dma_semaphore, #tpu.memory_space<semaphore_mem>>) src(%dma_wait3A_1266 : memref<3200000xi32, #tpu.memory_space<hbm>>) dst(%dma_wait3A_1262 : memref<128xi32, #tpu.memory_space<vmem>>)
    %dma_wait3A_1267 = arith.constant 1280 : i32
    %dma_wait3A_1268 = tpu.memref_slice %arg18[%dma_wait3A_1267] : memref<4096xi32, #tpu.memory_space<vmem>> -> memref<128xi32, #tpu.memory_space<vmem>>
    %dma_wait3A_1269 = arith.constant 1280 : i32
    %dma_wait3A_1270 = tpu.memref_slice %arg16[%dma_wait3A_1269] : memref<4096xi32, #tpu.memory_space<vmem>> -> memref<128xi32, #tpu.memory_space<vmem>>
    %dma_wait3A_1271 = arith.constant 0 : i32
    %dma_wait3A_1272 = tpu.memref_slice %arg5[%dma_wait3A_1271] : memref<3200000xi32, #tpu.memory_space<hbm>> -> memref<3200000xi32, #tpu.memory_space<hbm>>
    tpu.wait_indirect_dma semaphore(%arg25 : memref<!tpu.dma_semaphore, #tpu.memory_space<semaphore_mem>>) src(%dma_wait3A_1272 : memref<3200000xi32, #tpu.memory_space<hbm>>) dst(%dma_wait3A_1268 : memref<128xi32, #tpu.memory_space<vmem>>)
    %dma_wait3A_1273 = arith.constant 1408 : i32
    %dma_wait3A_1274 = tpu.memref_slice %arg18[%dma_wait3A_1273] : memref<4096xi32, #tpu.memory_space<vmem>> -> memref<128xi32, #tpu.memory_space<vmem>>
    %dma_wait3A_1275 = arith.constant 1408 : i32
    %dma_wait3A_1276 = tpu.memref_slice %arg16[%dma_wait3A_1275] : memref<4096xi32, #tpu.memory_space<vmem>> -> memref<128xi32, #tpu.memory_space<vmem>>
    %dma_wait3A_1277 = arith.constant 0 : i32
    %dma_wait3A_1278 = tpu.memref_slice %arg5[%dma_wait3A_1277] : memref<3200000xi32, #tpu.memory_space<hbm>> -> memref<3200000xi32, #tpu.memory_space<hbm>>
    tpu.wait_indirect_dma semaphore(%arg25 : memref<!tpu.dma_semaphore, #tpu.memory_space<semaphore_mem>>) src(%dma_wait3A_1278 : memref<3200000xi32, #tpu.memory_space<hbm>>) dst(%dma_wait3A_1274 : memref<128xi32, #tpu.memory_space<vmem>>)
    %dma_wait3A_1279 = arith.constant 1536 : i32
    %dma_wait3A_1280 = tpu.memref_slice %arg18[%dma_wait3A_1279] : memref<4096xi32, #tpu.memory_space<vmem>> -> memref<128xi32, #tpu.memory_space<vmem>>
    %dma_wait3A_1281 = arith.constant 1536 : i32
    %dma_wait3A_1282 = tpu.memref_slice %arg16[%dma_wait3A_1281] : memref<4096xi32, #tpu.memory_space<vmem>> -> memref<128xi32, #tpu.memory_space<vmem>>
    %dma_wait3A_1283 = arith.constant 0 : i32
    %dma_wait3A_1284 = tpu.memref_slice %arg5[%dma_wait3A_1283] : memref<3200000xi32, #tpu.memory_space<hbm>> -> memref<3200000xi32, #tpu.memory_space<hbm>>
    tpu.wait_indirect_dma semaphore(%arg25 : memref<!tpu.dma_semaphore, #tpu.memory_space<semaphore_mem>>) src(%dma_wait3A_1284 : memref<3200000xi32, #tpu.memory_space<hbm>>) dst(%dma_wait3A_1280 : memref<128xi32, #tpu.memory_space<vmem>>)
    %dma_wait3A_1285 = arith.constant 1664 : i32
    %dma_wait3A_1286 = tpu.memref_slice %arg18[%dma_wait3A_1285] : memref<4096xi32, #tpu.memory_space<vmem>> -> memref<128xi32, #tpu.memory_space<vmem>>
    %dma_wait3A_1287 = arith.constant 1664 : i32
    %dma_wait3A_1288 = tpu.memref_slice %arg16[%dma_wait3A_1287] : memref<4096xi32, #tpu.memory_space<vmem>> -> memref<128xi32, #tpu.memory_space<vmem>>
    %dma_wait3A_1289 = arith.constant 0 : i32
    %dma_wait3A_1290 = tpu.memref_slice %arg5[%dma_wait3A_1289] : memref<3200000xi32, #tpu.memory_space<hbm>> -> memref<3200000xi32, #tpu.memory_space<hbm>>
    tpu.wait_indirect_dma semaphore(%arg25 : memref<!tpu.dma_semaphore, #tpu.memory_space<semaphore_mem>>) src(%dma_wait3A_1290 : memref<3200000xi32, #tpu.memory_space<hbm>>) dst(%dma_wait3A_1286 : memref<128xi32, #tpu.memory_space<vmem>>)
    %dma_wait3A_1291 = arith.constant 1792 : i32
    %dma_wait3A_1292 = tpu.memref_slice %arg18[%dma_wait3A_1291] : memref<4096xi32, #tpu.memory_space<vmem>> -> memref<128xi32, #tpu.memory_space<vmem>>
    %dma_wait3A_1293 = arith.constant 1792 : i32
    %dma_wait3A_1294 = tpu.memref_slice %arg16[%dma_wait3A_1293] : memref<4096xi32, #tpu.memory_space<vmem>> -> memref<128xi32, #tpu.memory_space<vmem>>
    %dma_wait3A_1295 = arith.constant 0 : i32
    %dma_wait3A_1296 = tpu.memref_slice %arg5[%dma_wait3A_1295] : memref<3200000xi32, #tpu.memory_space<hbm>> -> memref<3200000xi32, #tpu.memory_space<hbm>>
    tpu.wait_indirect_dma semaphore(%arg25 : memref<!tpu.dma_semaphore, #tpu.memory_space<semaphore_mem>>) src(%dma_wait3A_1296 : memref<3200000xi32, #tpu.memory_space<hbm>>) dst(%dma_wait3A_1292 : memref<128xi32, #tpu.memory_space<vmem>>)
    %dma_wait3A_1297 = arith.constant 1920 : i32
    %dma_wait3A_1298 = tpu.memref_slice %arg18[%dma_wait3A_1297] : memref<4096xi32, #tpu.memory_space<vmem>> -> memref<128xi32, #tpu.memory_space<vmem>>
    %dma_wait3A_1299 = arith.constant 1920 : i32
    %dma_wait3A_1300 = tpu.memref_slice %arg16[%dma_wait3A_1299] : memref<4096xi32, #tpu.memory_space<vmem>> -> memref<128xi32, #tpu.memory_space<vmem>>
    %dma_wait3A_1301 = arith.constant 0 : i32
    %dma_wait3A_1302 = tpu.memref_slice %arg5[%dma_wait3A_1301] : memref<3200000xi32, #tpu.memory_space<hbm>> -> memref<3200000xi32, #tpu.memory_space<hbm>>
    tpu.wait_indirect_dma semaphore(%arg25 : memref<!tpu.dma_semaphore, #tpu.memory_space<semaphore_mem>>) src(%dma_wait3A_1302 : memref<3200000xi32, #tpu.memory_space<hbm>>) dst(%dma_wait3A_1298 : memref<128xi32, #tpu.memory_space<vmem>>)
    %dma_wait3A_1303 = arith.constant 2048 : i32
    %dma_wait3A_1304 = tpu.memref_slice %arg18[%dma_wait3A_1303] : memref<4096xi32, #tpu.memory_space<vmem>> -> memref<128xi32, #tpu.memory_space<vmem>>
    %dma_wait3A_1305 = arith.constant 2048 : i32
    %dma_wait3A_1306 = tpu.memref_slice %arg16[%dma_wait3A_1305] : memref<4096xi32, #tpu.memory_space<vmem>> -> memref<128xi32, #tpu.memory_space<vmem>>
    %dma_wait3A_1307 = arith.constant 0 : i32
    %dma_wait3A_1308 = tpu.memref_slice %arg5[%dma_wait3A_1307] : memref<3200000xi32, #tpu.memory_space<hbm>> -> memref<3200000xi32, #tpu.memory_space<hbm>>
    tpu.wait_indirect_dma semaphore(%arg25 : memref<!tpu.dma_semaphore, #tpu.memory_space<semaphore_mem>>) src(%dma_wait3A_1308 : memref<3200000xi32, #tpu.memory_space<hbm>>) dst(%dma_wait3A_1304 : memref<128xi32, #tpu.memory_space<vmem>>)
    %dma_wait3A_1309 = arith.constant 2176 : i32
    %dma_wait3A_1310 = tpu.memref_slice %arg18[%dma_wait3A_1309] : memref<4096xi32, #tpu.memory_space<vmem>> -> memref<128xi32, #tpu.memory_space<vmem>>
    %dma_wait3A_1311 = arith.constant 2176 : i32
    %dma_wait3A_1312 = tpu.memref_slice %arg16[%dma_wait3A_1311] : memref<4096xi32, #tpu.memory_space<vmem>> -> memref<128xi32, #tpu.memory_space<vmem>>
    %dma_wait3A_1313 = arith.constant 0 : i32
    %dma_wait3A_1314 = tpu.memref_slice %arg5[%dma_wait3A_1313] : memref<3200000xi32, #tpu.memory_space<hbm>> -> memref<3200000xi32, #tpu.memory_space<hbm>>
    tpu.wait_indirect_dma semaphore(%arg25 : memref<!tpu.dma_semaphore, #tpu.memory_space<semaphore_mem>>) src(%dma_wait3A_1314 : memref<3200000xi32, #tpu.memory_space<hbm>>) dst(%dma_wait3A_1310 : memref<128xi32, #tpu.memory_space<vmem>>)
    %dma_wait3A_1315 = arith.constant 2304 : i32
    %dma_wait3A_1316 = tpu.memref_slice %arg18[%dma_wait3A_1315] : memref<4096xi32, #tpu.memory_space<vmem>> -> memref<128xi32, #tpu.memory_space<vmem>>
    %dma_wait3A_1317 = arith.constant 2304 : i32
    %dma_wait3A_1318 = tpu.memref_slice %arg16[%dma_wait3A_1317] : memref<4096xi32, #tpu.memory_space<vmem>> -> memref<128xi32, #tpu.memory_space<vmem>>
    %dma_wait3A_1319 = arith.constant 0 : i32
    %dma_wait3A_1320 = tpu.memref_slice %arg5[%dma_wait3A_1319] : memref<3200000xi32, #tpu.memory_space<hbm>> -> memref<3200000xi32, #tpu.memory_space<hbm>>
    tpu.wait_indirect_dma semaphore(%arg25 : memref<!tpu.dma_semaphore, #tpu.memory_space<semaphore_mem>>) src(%dma_wait3A_1320 : memref<3200000xi32, #tpu.memory_space<hbm>>) dst(%dma_wait3A_1316 : memref<128xi32, #tpu.memory_space<vmem>>)
    %dma_wait3A_1321 = arith.constant 2432 : i32
    %dma_wait3A_1322 = tpu.memref_slice %arg18[%dma_wait3A_1321] : memref<4096xi32, #tpu.memory_space<vmem>> -> memref<128xi32, #tpu.memory_space<vmem>>
    %dma_wait3A_1323 = arith.constant 2432 : i32
    %dma_wait3A_1324 = tpu.memref_slice %arg16[%dma_wait3A_1323] : memref<4096xi32, #tpu.memory_space<vmem>> -> memref<128xi32, #tpu.memory_space<vmem>>
    %dma_wait3A_1325 = arith.constant 0 : i32
    %dma_wait3A_1326 = tpu.memref_slice %arg5[%dma_wait3A_1325] : memref<3200000xi32, #tpu.memory_space<hbm>> -> memref<3200000xi32, #tpu.memory_space<hbm>>
    tpu.wait_indirect_dma semaphore(%arg25 : memref<!tpu.dma_semaphore, #tpu.memory_space<semaphore_mem>>) src(%dma_wait3A_1326 : memref<3200000xi32, #tpu.memory_space<hbm>>) dst(%dma_wait3A_1322 : memref<128xi32, #tpu.memory_space<vmem>>)
    %dma_wait3A_1327 = arith.constant 2560 : i32
    %dma_wait3A_1328 = tpu.memref_slice %arg18[%dma_wait3A_1327] : memref<4096xi32, #tpu.memory_space<vmem>> -> memref<128xi32, #tpu.memory_space<vmem>>
    %dma_wait3A_1329 = arith.constant 2560 : i32
    %dma_wait3A_1330 = tpu.memref_slice %arg16[%dma_wait3A_1329] : memref<4096xi32, #tpu.memory_space<vmem>> -> memref<128xi32, #tpu.memory_space<vmem>>
    %dma_wait3A_1331 = arith.constant 0 : i32
    %dma_wait3A_1332 = tpu.memref_slice %arg5[%dma_wait3A_1331] : memref<3200000xi32, #tpu.memory_space<hbm>> -> memref<3200000xi32, #tpu.memory_space<hbm>>
    tpu.wait_indirect_dma semaphore(%arg25 : memref<!tpu.dma_semaphore, #tpu.memory_space<semaphore_mem>>) src(%dma_wait3A_1332 : memref<3200000xi32, #tpu.memory_space<hbm>>) dst(%dma_wait3A_1328 : memref<128xi32, #tpu.memory_space<vmem>>)
    %dma_wait3A_1333 = arith.constant 2688 : i32
    %dma_wait3A_1334 = tpu.memref_slice %arg18[%dma_wait3A_1333] : memref<4096xi32, #tpu.memory_space<vmem>> -> memref<128xi32, #tpu.memory_space<vmem>>
    %dma_wait3A_1335 = arith.constant 2688 : i32
    %dma_wait3A_1336 = tpu.memref_slice %arg16[%dma_wait3A_1335] : memref<4096xi32, #tpu.memory_space<vmem>> -> memref<128xi32, #tpu.memory_space<vmem>>
    %dma_wait3A_1337 = arith.constant 0 : i32
    %dma_wait3A_1338 = tpu.memref_slice %arg5[%dma_wait3A_1337] : memref<3200000xi32, #tpu.memory_space<hbm>> -> memref<3200000xi32, #tpu.memory_space<hbm>>
    tpu.wait_indirect_dma semaphore(%arg25 : memref<!tpu.dma_semaphore, #tpu.memory_space<semaphore_mem>>) src(%dma_wait3A_1338 : memref<3200000xi32, #tpu.memory_space<hbm>>) dst(%dma_wait3A_1334 : memref<128xi32, #tpu.memory_space<vmem>>)
    %dma_wait3A_1339 = arith.constant 2816 : i32
    %dma_wait3A_1340 = tpu.memref_slice %arg18[%dma_wait3A_1339] : memref<4096xi32, #tpu.memory_space<vmem>> -> memref<128xi32, #tpu.memory_space<vmem>>
    %dma_wait3A_1341 = arith.constant 2816 : i32
    %dma_wait3A_1342 = tpu.memref_slice %arg16[%dma_wait3A_1341] : memref<4096xi32, #tpu.memory_space<vmem>> -> memref<128xi32, #tpu.memory_space<vmem>>
    %dma_wait3A_1343 = arith.constant 0 : i32
    %dma_wait3A_1344 = tpu.memref_slice %arg5[%dma_wait3A_1343] : memref<3200000xi32, #tpu.memory_space<hbm>> -> memref<3200000xi32, #tpu.memory_space<hbm>>
    tpu.wait_indirect_dma semaphore(%arg25 : memref<!tpu.dma_semaphore, #tpu.memory_space<semaphore_mem>>) src(%dma_wait3A_1344 : memref<3200000xi32, #tpu.memory_space<hbm>>) dst(%dma_wait3A_1340 : memref<128xi32, #tpu.memory_space<vmem>>)
    %dma_wait3A_1345 = arith.constant 2944 : i32
    %dma_wait3A_1346 = tpu.memref_slice %arg18[%dma_wait3A_1345] : memref<4096xi32, #tpu.memory_space<vmem>> -> memref<128xi32, #tpu.memory_space<vmem>>
    %dma_wait3A_1347 = arith.constant 2944 : i32
    %dma_wait3A_1348 = tpu.memref_slice %arg16[%dma_wait3A_1347] : memref<4096xi32, #tpu.memory_space<vmem>> -> memref<128xi32, #tpu.memory_space<vmem>>
    %dma_wait3A_1349 = arith.constant 0 : i32
    %dma_wait3A_1350 = tpu.memref_slice %arg5[%dma_wait3A_1349] : memref<3200000xi32, #tpu.memory_space<hbm>> -> memref<3200000xi32, #tpu.memory_space<hbm>>
    tpu.wait_indirect_dma semaphore(%arg25 : memref<!tpu.dma_semaphore, #tpu.memory_space<semaphore_mem>>) src(%dma_wait3A_1350 : memref<3200000xi32, #tpu.memory_space<hbm>>) dst(%dma_wait3A_1346 : memref<128xi32, #tpu.memory_space<vmem>>)
    %dma_wait3A_1351 = arith.constant 3072 : i32
    %dma_wait3A_1352 = tpu.memref_slice %arg18[%dma_wait3A_1351] : memref<4096xi32, #tpu.memory_space<vmem>> -> memref<128xi32, #tpu.memory_space<vmem>>
    %dma_wait3A_1353 = arith.constant 3072 : i32
    %dma_wait3A_1354 = tpu.memref_slice %arg16[%dma_wait3A_1353] : memref<4096xi32, #tpu.memory_space<vmem>> -> memref<128xi32, #tpu.memory_space<vmem>>
    %dma_wait3A_1355 = arith.constant 0 : i32
    %dma_wait3A_1356 = tpu.memref_slice %arg5[%dma_wait3A_1355] : memref<3200000xi32, #tpu.memory_space<hbm>> -> memref<3200000xi32, #tpu.memory_space<hbm>>
    tpu.wait_indirect_dma semaphore(%arg25 : memref<!tpu.dma_semaphore, #tpu.memory_space<semaphore_mem>>) src(%dma_wait3A_1356 : memref<3200000xi32, #tpu.memory_space<hbm>>) dst(%dma_wait3A_1352 : memref<128xi32, #tpu.memory_space<vmem>>)
    %dma_wait3A_1357 = arith.constant 3200 : i32
    %dma_wait3A_1358 = tpu.memref_slice %arg18[%dma_wait3A_1357] : memref<4096xi32, #tpu.memory_space<vmem>> -> memref<128xi32, #tpu.memory_space<vmem>>
    %dma_wait3A_1359 = arith.constant 3200 : i32
    %dma_wait3A_1360 = tpu.memref_slice %arg16[%dma_wait3A_1359] : memref<4096xi32, #tpu.memory_space<vmem>> -> memref<128xi32, #tpu.memory_space<vmem>>
    %dma_wait3A_1361 = arith.constant 0 : i32
    %dma_wait3A_1362 = tpu.memref_slice %arg5[%dma_wait3A_1361] : memref<3200000xi32, #tpu.memory_space<hbm>> -> memref<3200000xi32, #tpu.memory_space<hbm>>
    tpu.wait_indirect_dma semaphore(%arg25 : memref<!tpu.dma_semaphore, #tpu.memory_space<semaphore_mem>>) src(%dma_wait3A_1362 : memref<3200000xi32, #tpu.memory_space<hbm>>) dst(%dma_wait3A_1358 : memref<128xi32, #tpu.memory_space<vmem>>)
    %dma_wait3A_1363 = arith.constant 3328 : i32
    %dma_wait3A_1364 = tpu.memref_slice %arg18[%dma_wait3A_1363] : memref<4096xi32, #tpu.memory_space<vmem>> -> memref<128xi32, #tpu.memory_space<vmem>>
    %dma_wait3A_1365 = arith.constant 3328 : i32
    %dma_wait3A_1366 = tpu.memref_slice %arg16[%dma_wait3A_1365] : memref<4096xi32, #tpu.memory_space<vmem>> -> memref<128xi32, #tpu.memory_space<vmem>>
    %dma_wait3A_1367 = arith.constant 0 : i32
    %dma_wait3A_1368 = tpu.memref_slice %arg5[%dma_wait3A_1367] : memref<3200000xi32, #tpu.memory_space<hbm>> -> memref<3200000xi32, #tpu.memory_space<hbm>>
    tpu.wait_indirect_dma semaphore(%arg25 : memref<!tpu.dma_semaphore, #tpu.memory_space<semaphore_mem>>) src(%dma_wait3A_1368 : memref<3200000xi32, #tpu.memory_space<hbm>>) dst(%dma_wait3A_1364 : memref<128xi32, #tpu.memory_space<vmem>>)
    %dma_wait3A_1369 = arith.constant 3456 : i32
    %dma_wait3A_1370 = tpu.memref_slice %arg18[%dma_wait3A_1369] : memref<4096xi32, #tpu.memory_space<vmem>> -> memref<128xi32, #tpu.memory_space<vmem>>
    %dma_wait3A_1371 = arith.constant 3456 : i32
    %dma_wait3A_1372 = tpu.memref_slice %arg16[%dma_wait3A_1371] : memref<4096xi32, #tpu.memory_space<vmem>> -> memref<128xi32, #tpu.memory_space<vmem>>
    %dma_wait3A_1373 = arith.constant 0 : i32
    %dma_wait3A_1374 = tpu.memref_slice %arg5[%dma_wait3A_1373] : memref<3200000xi32, #tpu.memory_space<hbm>> -> memref<3200000xi32, #tpu.memory_space<hbm>>
    tpu.wait_indirect_dma semaphore(%arg25 : memref<!tpu.dma_semaphore, #tpu.memory_space<semaphore_mem>>) src(%dma_wait3A_1374 : memref<3200000xi32, #tpu.memory_space<hbm>>) dst(%dma_wait3A_1370 : memref<128xi32, #tpu.memory_space<vmem>>)
    %dma_wait3A_1375 = arith.constant 3584 : i32
    %dma_wait3A_1376 = tpu.memref_slice %arg18[%dma_wait3A_1375] : memref<4096xi32, #tpu.memory_space<vmem>> -> memref<128xi32, #tpu.memory_space<vmem>>
    %dma_wait3A_1377 = arith.constant 3584 : i32
    %dma_wait3A_1378 = tpu.memref_slice %arg16[%dma_wait3A_1377] : memref<4096xi32, #tpu.memory_space<vmem>> -> memref<128xi32, #tpu.memory_space<vmem>>
    %dma_wait3A_1379 = arith.constant 0 : i32
    %dma_wait3A_1380 = tpu.memref_slice %arg5[%dma_wait3A_1379] : memref<3200000xi32, #tpu.memory_space<hbm>> -> memref<3200000xi32, #tpu.memory_space<hbm>>
    tpu.wait_indirect_dma semaphore(%arg25 : memref<!tpu.dma_semaphore, #tpu.memory_space<semaphore_mem>>) src(%dma_wait3A_1380 : memref<3200000xi32, #tpu.memory_space<hbm>>) dst(%dma_wait3A_1376 : memref<128xi32, #tpu.memory_space<vmem>>)
    %dma_wait3A_1381 = arith.constant 3712 : i32
    %dma_wait3A_1382 = tpu.memref_slice %arg18[%dma_wait3A_1381] : memref<4096xi32, #tpu.memory_space<vmem>> -> memref<128xi32, #tpu.memory_space<vmem>>
    %dma_wait3A_1383 = arith.constant 3712 : i32
    %dma_wait3A_1384 = tpu.memref_slice %arg16[%dma_wait3A_1383] : memref<4096xi32, #tpu.memory_space<vmem>> -> memref<128xi32, #tpu.memory_space<vmem>>
    %dma_wait3A_1385 = arith.constant 0 : i32
    %dma_wait3A_1386 = tpu.memref_slice %arg5[%dma_wait3A_1385] : memref<3200000xi32, #tpu.memory_space<hbm>> -> memref<3200000xi32, #tpu.memory_space<hbm>>
    tpu.wait_indirect_dma semaphore(%arg25 : memref<!tpu.dma_semaphore, #tpu.memory_space<semaphore_mem>>) src(%dma_wait3A_1386 : memref<3200000xi32, #tpu.memory_space<hbm>>) dst(%dma_wait3A_1382 : memref<128xi32, #tpu.memory_space<vmem>>)
    %dma_wait3A_1387 = arith.constant 3840 : i32
    %dma_wait3A_1388 = tpu.memref_slice %arg18[%dma_wait3A_1387] : memref<4096xi32, #tpu.memory_space<vmem>> -> memref<128xi32, #tpu.memory_space<vmem>>
    %dma_wait3A_1389 = arith.constant 3840 : i32
    %dma_wait3A_1390 = tpu.memref_slice %arg16[%dma_wait3A_1389] : memref<4096xi32, #tpu.memory_space<vmem>> -> memref<128xi32, #tpu.memory_space<vmem>>
    %dma_wait3A_1391 = arith.constant 0 : i32
    %dma_wait3A_1392 = tpu.memref_slice %arg5[%dma_wait3A_1391] : memref<3200000xi32, #tpu.memory_space<hbm>> -> memref<3200000xi32, #tpu.memory_space<hbm>>
    tpu.wait_indirect_dma semaphore(%arg25 : memref<!tpu.dma_semaphore, #tpu.memory_space<semaphore_mem>>) src(%dma_wait3A_1392 : memref<3200000xi32, #tpu.memory_space<hbm>>) dst(%dma_wait3A_1388 : memref<128xi32, #tpu.memory_space<vmem>>)
    %dma_wait3A_1393 = arith.constant 3968 : i32
    %dma_wait3A_1394 = tpu.memref_slice %arg18[%dma_wait3A_1393] : memref<4096xi32, #tpu.memory_space<vmem>> -> memref<128xi32, #tpu.memory_space<vmem>>
    %dma_wait3A_1395 = arith.constant 3968 : i32
    %dma_wait3A_1396 = tpu.memref_slice %arg16[%dma_wait3A_1395] : memref<4096xi32, #tpu.memory_space<vmem>> -> memref<128xi32, #tpu.memory_space<vmem>>
    %dma_wait3A_1397 = arith.constant 0 : i32
    %dma_wait3A_1398 = tpu.memref_slice %arg5[%dma_wait3A_1397] : memref<3200000xi32, #tpu.memory_space<hbm>> -> memref<3200000xi32, #tpu.memory_space<hbm>>
    tpu.wait_indirect_dma semaphore(%arg25 : memref<!tpu.dma_semaphore, #tpu.memory_space<semaphore_mem>>) src(%dma_wait3A_1398 : memref<3200000xi32, #tpu.memory_space<hbm>>) dst(%dma_wait3A_1394 : memref<128xi32, #tpu.memory_space<vmem>>)
    %parallel_loop3A_1399 = arith.constant 0 : i32
    %parallel_loop3A_1400 = arith.constant 128 : i32
    %parallel_loop3A_1401 = arith.constant 1 : i32
    scf.for %parallel_loop3A_1642 = %parallel_loop3A_1399 to %parallel_loop3A_1400 step %parallel_loop3A_1401  : i32 {
      %parallel_loop3A_1643 = vector.broadcast %parallel_loop3A_1642 : i32 to vector<16xi32>
      %parallel_loop3A_1644 = tpu.vector_load_idx %arg11[%parallel_loop3A_1643] : memref<128xi32, #tpu.memory_space<vmem>>[vector<16xi32>], vector<16xi32>,
      %parallel_loop3A_1645 = arith.constant 32 : i32
      %parallel_loop3A_1646 = arith.muli %parallel_loop3A_1642, %parallel_loop3A_1645 : i32
      %parallel_loop3A_1647 = arith.constant 0 : i32
      %parallel_loop3A_1648 = arith.addi %parallel_loop3A_1646, %parallel_loop3A_1647 : i32
      %parallel_loop3A_1649 = arith.index_cast %parallel_loop3A_1648 : i32 to index
      %parallel_loop3A_1650 = tpu.vector_load %arg18[%parallel_loop3A_1649] {strides = array<i32>} : memref<4096xi32, #tpu.memory_space<vmem>>, vector<16xi32>,
      %parallel_loop3A_1651 = arith.constant 3 : i32
      %parallel_loop3A_1652 = vector.broadcast %parallel_loop3A_1651 : i32 to vector<16xi32>
      %parallel_loop3A_1653 = arith.shrui %parallel_loop3A_1650, %parallel_loop3A_1652 : vector<16xi32>
      %parallel_loop3A_1654 = tpu.vector_load_idx %arg13[%parallel_loop3A_1653] : memref<25088xi32, #tpu.memory_space<vmem>>[vector<16xi32>], vector<16xi32>,
      %parallel_loop3A_1655 = arith.constant 7 : i32
      %parallel_loop3A_1656 = vector.broadcast %parallel_loop3A_1655 : i32 to vector<16xi32>
      %parallel_loop3A_1657 = arith.andi %parallel_loop3A_1650, %parallel_loop3A_1656 : vector<16xi32>
      %parallel_loop3A_1658 = arith.constant 2 : i32
      %parallel_loop3A_1659 = vector.broadcast %parallel_loop3A_1658 : i32 to vector<16xi32>
      %parallel_loop3A_1660 = arith.shli %parallel_loop3A_1657, %parallel_loop3A_1659 : vector<16xi32>
      %parallel_loop3A_1661 = arith.shrui %parallel_loop3A_1654, %parallel_loop3A_1660 : vector<16xi32>
      %parallel_loop3A_1662 = arith.constant 15 : i32
      %parallel_loop3A_1663 = vector.broadcast %parallel_loop3A_1662 : i32 to vector<16xi32>
      %parallel_loop3A_1664 = arith.andi %parallel_loop3A_1661, %parallel_loop3A_1663 : vector<16xi32>
      %parallel_loop3A_1665 = arith.cmpi ne, %parallel_loop3A_1650, %parallel_loop3A_1644 : vector<16xi32>
      tpu.vector_store_idx %arg22[%parallel_loop3A_1643, %parallel_loop3A_1664], %broadcast_in_dim3A_3 masked %parallel_loop3A_1665 {add = true} : memref<128x16xf32, #tpu.memory_space<vmem>>[vector<16xi32>, vector<16xi32>], vector<16xf32>, vector<16xi1>
      %parallel_loop3A_1666 = arith.constant 32 : i32
      %parallel_loop3A_1667 = arith.muli %parallel_loop3A_1642, %parallel_loop3A_1666 : i32
      %parallel_loop3A_1668 = arith.constant 16 : i32
      %parallel_loop3A_1669 = arith.addi %parallel_loop3A_1667, %parallel_loop3A_1668 : i32
      %parallel_loop3A_1670 = arith.index_cast %parallel_loop3A_1669 : i32 to index
      %parallel_loop3A_1671 = tpu.vector_load %arg18[%parallel_loop3A_1670] {strides = array<i32>} : memref<4096xi32, #tpu.memory_space<vmem>>, vector<16xi32>,
      %parallel_loop3A_1672 = arith.constant 3 : i32
      %parallel_loop3A_1673 = vector.broadcast %parallel_loop3A_1672 : i32 to vector<16xi32>
      %parallel_loop3A_1674 = arith.shrui %parallel_loop3A_1671, %parallel_loop3A_1673 : vector<16xi32>
      %parallel_loop3A_1675 = tpu.vector_load_idx %arg13[%parallel_loop3A_1674] : memref<25088xi32, #tpu.memory_space<vmem>>[vector<16xi32>], vector<16xi32>,
      %parallel_loop3A_1676 = arith.constant 7 : i32
      %parallel_loop3A_1677 = vector.broadcast %parallel_loop3A_1676 : i32 to vector<16xi32>
      %parallel_loop3A_1678 = arith.andi %parallel_loop3A_1671, %parallel_loop3A_1677 : vector<16xi32>
      %parallel_loop3A_1679 = arith.constant 2 : i32
      %parallel_loop3A_1680 = vector.broadcast %parallel_loop3A_1679 : i32 to vector<16xi32>
      %parallel_loop3A_1681 = arith.shli %parallel_loop3A_1678, %parallel_loop3A_1680 : vector<16xi32>
      %parallel_loop3A_1682 = arith.shrui %parallel_loop3A_1675, %parallel_loop3A_1681 : vector<16xi32>
      %parallel_loop3A_1683 = arith.constant 15 : i32
      %parallel_loop3A_1684 = vector.broadcast %parallel_loop3A_1683 : i32 to vector<16xi32>
      %parallel_loop3A_1685 = arith.andi %parallel_loop3A_1682, %parallel_loop3A_1684 : vector<16xi32>
      %parallel_loop3A_1686 = arith.cmpi ne, %parallel_loop3A_1671, %parallel_loop3A_1644 : vector<16xi32>
      tpu.vector_store_idx %arg22[%parallel_loop3A_1643, %parallel_loop3A_1685], %broadcast_in_dim3A_3 masked %parallel_loop3A_1686 {add = true} : memref<128x16xf32, #tpu.memory_space<vmem>>[vector<16xi32>, vector<16xi32>], vector<16xf32>, vector<16xi1>
    } {sc.loop_unroll_factor = 1 : i64, sc.parallel_access}
    %dma_wait3A_1402 = arith.constant 0 : i32
    %dma_wait3A_1403 = tpu.memref_slice %arg19[%dma_wait3A_1402] : memref<4096xi32, #tpu.memory_space<vmem>> -> memref<128xi32, #tpu.memory_space<vmem>>
    %dma_wait3A_1404 = arith.constant 0 : i32
    %dma_wait3A_1405 = tpu.memref_slice %arg17[%dma_wait3A_1404] : memref<4096xi32, #tpu.memory_space<vmem>> -> memref<128xi32, #tpu.memory_space<vmem>>
    %dma_wait3A_1406 = arith.constant 0 : i32
    %dma_wait3A_1407 = tpu.memref_slice %arg5[%dma_wait3A_1406] : memref<3200000xi32, #tpu.memory_space<hbm>> -> memref<3200000xi32, #tpu.memory_space<hbm>>
    tpu.wait_indirect_dma semaphore(%arg25 : memref<!tpu.dma_semaphore, #tpu.memory_space<semaphore_mem>>) src(%dma_wait3A_1407 : memref<3200000xi32, #tpu.memory_space<hbm>>) dst(%dma_wait3A_1403 : memref<128xi32, #tpu.memory_space<vmem>>)
    %dma_wait3A_1408 = arith.constant 128 : i32
    %dma_wait3A_1409 = tpu.memref_slice %arg19[%dma_wait3A_1408] : memref<4096xi32, #tpu.memory_space<vmem>> -> memref<128xi32, #tpu.memory_space<vmem>>
    %dma_wait3A_1410 = arith.constant 128 : i32
    %dma_wait3A_1411 = tpu.memref_slice %arg17[%dma_wait3A_1410] : memref<4096xi32, #tpu.memory_space<vmem>> -> memref<128xi32, #tpu.memory_space<vmem>>
    %dma_wait3A_1412 = arith.constant 0 : i32
    %dma_wait3A_1413 = tpu.memref_slice %arg5[%dma_wait3A_1412] : memref<3200000xi32, #tpu.memory_space<hbm>> -> memref<3200000xi32, #tpu.memory_space<hbm>>
    tpu.wait_indirect_dma semaphore(%arg25 : memref<!tpu.dma_semaphore, #tpu.memory_space<semaphore_mem>>) src(%dma_wait3A_1413 : memref<3200000xi32, #tpu.memory_space<hbm>>) dst(%dma_wait3A_1409 : memref<128xi32, #tpu.memory_space<vmem>>)
    %dma_wait3A_1414 = arith.constant 256 : i32
    %dma_wait3A_1415 = tpu.memref_slice %arg19[%dma_wait3A_1414] : memref<4096xi32, #tpu.memory_space<vmem>> -> memref<128xi32, #tpu.memory_space<vmem>>
    %dma_wait3A_1416 = arith.constant 256 : i32
    %dma_wait3A_1417 = tpu.memref_slice %arg17[%dma_wait3A_1416] : memref<4096xi32, #tpu.memory_space<vmem>> -> memref<128xi32, #tpu.memory_space<vmem>>
    %dma_wait3A_1418 = arith.constant 0 : i32
    %dma_wait3A_1419 = tpu.memref_slice %arg5[%dma_wait3A_1418] : memref<3200000xi32, #tpu.memory_space<hbm>> -> memref<3200000xi32, #tpu.memory_space<hbm>>
    tpu.wait_indirect_dma semaphore(%arg25 : memref<!tpu.dma_semaphore, #tpu.memory_space<semaphore_mem>>) src(%dma_wait3A_1419 : memref<3200000xi32, #tpu.memory_space<hbm>>) dst(%dma_wait3A_1415 : memref<128xi32, #tpu.memory_space<vmem>>)
    %dma_wait3A_1420 = arith.constant 384 : i32
    %dma_wait3A_1421 = tpu.memref_slice %arg19[%dma_wait3A_1420] : memref<4096xi32, #tpu.memory_space<vmem>> -> memref<128xi32, #tpu.memory_space<vmem>>
    %dma_wait3A_1422 = arith.constant 384 : i32
    %dma_wait3A_1423 = tpu.memref_slice %arg17[%dma_wait3A_1422] : memref<4096xi32, #tpu.memory_space<vmem>> -> memref<128xi32, #tpu.memory_space<vmem>>
    %dma_wait3A_1424 = arith.constant 0 : i32
    %dma_wait3A_1425 = tpu.memref_slice %arg5[%dma_wait3A_1424] : memref<3200000xi32, #tpu.memory_space<hbm>> -> memref<3200000xi32, #tpu.memory_space<hbm>>
    tpu.wait_indirect_dma semaphore(%arg25 : memref<!tpu.dma_semaphore, #tpu.memory_space<semaphore_mem>>) src(%dma_wait3A_1425 : memref<3200000xi32, #tpu.memory_space<hbm>>) dst(%dma_wait3A_1421 : memref<128xi32, #tpu.memory_space<vmem>>)
    %dma_wait3A_1426 = arith.constant 512 : i32
    %dma_wait3A_1427 = tpu.memref_slice %arg19[%dma_wait3A_1426] : memref<4096xi32, #tpu.memory_space<vmem>> -> memref<128xi32, #tpu.memory_space<vmem>>
    %dma_wait3A_1428 = arith.constant 512 : i32
    %dma_wait3A_1429 = tpu.memref_slice %arg17[%dma_wait3A_1428] : memref<4096xi32, #tpu.memory_space<vmem>> -> memref<128xi32, #tpu.memory_space<vmem>>
    %dma_wait3A_1430 = arith.constant 0 : i32
    %dma_wait3A_1431 = tpu.memref_slice %arg5[%dma_wait3A_1430] : memref<3200000xi32, #tpu.memory_space<hbm>> -> memref<3200000xi32, #tpu.memory_space<hbm>>
    tpu.wait_indirect_dma semaphore(%arg25 : memref<!tpu.dma_semaphore, #tpu.memory_space<semaphore_mem>>) src(%dma_wait3A_1431 : memref<3200000xi32, #tpu.memory_space<hbm>>) dst(%dma_wait3A_1427 : memref<128xi32, #tpu.memory_space<vmem>>)
    %dma_wait3A_1432 = arith.constant 640 : i32
    %dma_wait3A_1433 = tpu.memref_slice %arg19[%dma_wait3A_1432] : memref<4096xi32, #tpu.memory_space<vmem>> -> memref<128xi32, #tpu.memory_space<vmem>>
    %dma_wait3A_1434 = arith.constant 640 : i32
    %dma_wait3A_1435 = tpu.memref_slice %arg17[%dma_wait3A_1434] : memref<4096xi32, #tpu.memory_space<vmem>> -> memref<128xi32, #tpu.memory_space<vmem>>
    %dma_wait3A_1436 = arith.constant 0 : i32
    %dma_wait3A_1437 = tpu.memref_slice %arg5[%dma_wait3A_1436] : memref<3200000xi32, #tpu.memory_space<hbm>> -> memref<3200000xi32, #tpu.memory_space<hbm>>
    tpu.wait_indirect_dma semaphore(%arg25 : memref<!tpu.dma_semaphore, #tpu.memory_space<semaphore_mem>>) src(%dma_wait3A_1437 : memref<3200000xi32, #tpu.memory_space<hbm>>) dst(%dma_wait3A_1433 : memref<128xi32, #tpu.memory_space<vmem>>)
    %dma_wait3A_1438 = arith.constant 768 : i32
    %dma_wait3A_1439 = tpu.memref_slice %arg19[%dma_wait3A_1438] : memref<4096xi32, #tpu.memory_space<vmem>> -> memref<128xi32, #tpu.memory_space<vmem>>
    %dma_wait3A_1440 = arith.constant 768 : i32
    %dma_wait3A_1441 = tpu.memref_slice %arg17[%dma_wait3A_1440] : memref<4096xi32, #tpu.memory_space<vmem>> -> memref<128xi32, #tpu.memory_space<vmem>>
    %dma_wait3A_1442 = arith.constant 0 : i32
    %dma_wait3A_1443 = tpu.memref_slice %arg5[%dma_wait3A_1442] : memref<3200000xi32, #tpu.memory_space<hbm>> -> memref<3200000xi32, #tpu.memory_space<hbm>>
    tpu.wait_indirect_dma semaphore(%arg25 : memref<!tpu.dma_semaphore, #tpu.memory_space<semaphore_mem>>) src(%dma_wait3A_1443 : memref<3200000xi32, #tpu.memory_space<hbm>>) dst(%dma_wait3A_1439 : memref<128xi32, #tpu.memory_space<vmem>>)
    %dma_wait3A_1444 = arith.constant 896 : i32
    %dma_wait3A_1445 = tpu.memref_slice %arg19[%dma_wait3A_1444] : memref<4096xi32, #tpu.memory_space<vmem>> -> memref<128xi32, #tpu.memory_space<vmem>>
    %dma_wait3A_1446 = arith.constant 896 : i32
    %dma_wait3A_1447 = tpu.memref_slice %arg17[%dma_wait3A_1446] : memref<4096xi32, #tpu.memory_space<vmem>> -> memref<128xi32, #tpu.memory_space<vmem>>
    %dma_wait3A_1448 = arith.constant 0 : i32
    %dma_wait3A_1449 = tpu.memref_slice %arg5[%dma_wait3A_1448] : memref<3200000xi32, #tpu.memory_space<hbm>> -> memref<3200000xi32, #tpu.memory_space<hbm>>
    tpu.wait_indirect_dma semaphore(%arg25 : memref<!tpu.dma_semaphore, #tpu.memory_space<semaphore_mem>>) src(%dma_wait3A_1449 : memref<3200000xi32, #tpu.memory_space<hbm>>) dst(%dma_wait3A_1445 : memref<128xi32, #tpu.memory_space<vmem>>)
    %dma_wait3A_1450 = arith.constant 1024 : i32
    %dma_wait3A_1451 = tpu.memref_slice %arg19[%dma_wait3A_1450] : memref<4096xi32, #tpu.memory_space<vmem>> -> memref<128xi32, #tpu.memory_space<vmem>>
    %dma_wait3A_1452 = arith.constant 1024 : i32
    %dma_wait3A_1453 = tpu.memref_slice %arg17[%dma_wait3A_1452] : memref<4096xi32, #tpu.memory_space<vmem>> -> memref<128xi32, #tpu.memory_space<vmem>>
    %dma_wait3A_1454 = arith.constant 0 : i32
    %dma_wait3A_1455 = tpu.memref_slice %arg5[%dma_wait3A_1454] : memref<3200000xi32, #tpu.memory_space<hbm>> -> memref<3200000xi32, #tpu.memory_space<hbm>>
    tpu.wait_indirect_dma semaphore(%arg25 : memref<!tpu.dma_semaphore, #tpu.memory_space<semaphore_mem>>) src(%dma_wait3A_1455 : memref<3200000xi32, #tpu.memory_space<hbm>>) dst(%dma_wait3A_1451 : memref<128xi32, #tpu.memory_space<vmem>>)
    %dma_wait3A_1456 = arith.constant 1152 : i32
    %dma_wait3A_1457 = tpu.memref_slice %arg19[%dma_wait3A_1456] : memref<4096xi32, #tpu.memory_space<vmem>> -> memref<128xi32, #tpu.memory_space<vmem>>
    %dma_wait3A_1458 = arith.constant 1152 : i32
    %dma_wait3A_1459 = tpu.memref_slice %arg17[%dma_wait3A_1458] : memref<4096xi32, #tpu.memory_space<vmem>> -> memref<128xi32, #tpu.memory_space<vmem>>
    %dma_wait3A_1460 = arith.constant 0 : i32
    %dma_wait3A_1461 = tpu.memref_slice %arg5[%dma_wait3A_1460] : memref<3200000xi32, #tpu.memory_space<hbm>> -> memref<3200000xi32, #tpu.memory_space<hbm>>
    tpu.wait_indirect_dma semaphore(%arg25 : memref<!tpu.dma_semaphore, #tpu.memory_space<semaphore_mem>>) src(%dma_wait3A_1461 : memref<3200000xi32, #tpu.memory_space<hbm>>) dst(%dma_wait3A_1457 : memref<128xi32, #tpu.memory_space<vmem>>)
    %dma_wait3A_1462 = arith.constant 1280 : i32
    %dma_wait3A_1463 = tpu.memref_slice %arg19[%dma_wait3A_1462] : memref<4096xi32, #tpu.memory_space<vmem>> -> memref<128xi32, #tpu.memory_space<vmem>>
    %dma_wait3A_1464 = arith.constant 1280 : i32
    %dma_wait3A_1465 = tpu.memref_slice %arg17[%dma_wait3A_1464] : memref<4096xi32, #tpu.memory_space<vmem>> -> memref<128xi32, #tpu.memory_space<vmem>>
    %dma_wait3A_1466 = arith.constant 0 : i32
    %dma_wait3A_1467 = tpu.memref_slice %arg5[%dma_wait3A_1466] : memref<3200000xi32, #tpu.memory_space<hbm>> -> memref<3200000xi32, #tpu.memory_space<hbm>>
    tpu.wait_indirect_dma semaphore(%arg25 : memref<!tpu.dma_semaphore, #tpu.memory_space<semaphore_mem>>) src(%dma_wait3A_1467 : memref<3200000xi32, #tpu.memory_space<hbm>>) dst(%dma_wait3A_1463 : memref<128xi32, #tpu.memory_space<vmem>>)
    %dma_wait3A_1468 = arith.constant 1408 : i32
    %dma_wait3A_1469 = tpu.memref_slice %arg19[%dma_wait3A_1468] : memref<4096xi32, #tpu.memory_space<vmem>> -> memref<128xi32, #tpu.memory_space<vmem>>
    %dma_wait3A_1470 = arith.constant 1408 : i32
    %dma_wait3A_1471 = tpu.memref_slice %arg17[%dma_wait3A_1470] : memref<4096xi32, #tpu.memory_space<vmem>> -> memref<128xi32, #tpu.memory_space<vmem>>
    %dma_wait3A_1472 = arith.constant 0 : i32
    %dma_wait3A_1473 = tpu.memref_slice %arg5[%dma_wait3A_1472] : memref<3200000xi32, #tpu.memory_space<hbm>> -> memref<3200000xi32, #tpu.memory_space<hbm>>
    tpu.wait_indirect_dma semaphore(%arg25 : memref<!tpu.dma_semaphore, #tpu.memory_space<semaphore_mem>>) src(%dma_wait3A_1473 : memref<3200000xi32, #tpu.memory_space<hbm>>) dst(%dma_wait3A_1469 : memref<128xi32, #tpu.memory_space<vmem>>)
    %dma_wait3A_1474 = arith.constant 1536 : i32
    %dma_wait3A_1475 = tpu.memref_slice %arg19[%dma_wait3A_1474] : memref<4096xi32, #tpu.memory_space<vmem>> -> memref<128xi32, #tpu.memory_space<vmem>>
    %dma_wait3A_1476 = arith.constant 1536 : i32
    %dma_wait3A_1477 = tpu.memref_slice %arg17[%dma_wait3A_1476] : memref<4096xi32, #tpu.memory_space<vmem>> -> memref<128xi32, #tpu.memory_space<vmem>>
    %dma_wait3A_1478 = arith.constant 0 : i32
    %dma_wait3A_1479 = tpu.memref_slice %arg5[%dma_wait3A_1478] : memref<3200000xi32, #tpu.memory_space<hbm>> -> memref<3200000xi32, #tpu.memory_space<hbm>>
    tpu.wait_indirect_dma semaphore(%arg25 : memref<!tpu.dma_semaphore, #tpu.memory_space<semaphore_mem>>) src(%dma_wait3A_1479 : memref<3200000xi32, #tpu.memory_space<hbm>>) dst(%dma_wait3A_1475 : memref<128xi32, #tpu.memory_space<vmem>>)
    %dma_wait3A_1480 = arith.constant 1664 : i32
    %dma_wait3A_1481 = tpu.memref_slice %arg19[%dma_wait3A_1480] : memref<4096xi32, #tpu.memory_space<vmem>> -> memref<128xi32, #tpu.memory_space<vmem>>
    %dma_wait3A_1482 = arith.constant 1664 : i32
    %dma_wait3A_1483 = tpu.memref_slice %arg17[%dma_wait3A_1482] : memref<4096xi32, #tpu.memory_space<vmem>> -> memref<128xi32, #tpu.memory_space<vmem>>
    %dma_wait3A_1484 = arith.constant 0 : i32
    %dma_wait3A_1485 = tpu.memref_slice %arg5[%dma_wait3A_1484] : memref<3200000xi32, #tpu.memory_space<hbm>> -> memref<3200000xi32, #tpu.memory_space<hbm>>
    tpu.wait_indirect_dma semaphore(%arg25 : memref<!tpu.dma_semaphore, #tpu.memory_space<semaphore_mem>>) src(%dma_wait3A_1485 : memref<3200000xi32, #tpu.memory_space<hbm>>) dst(%dma_wait3A_1481 : memref<128xi32, #tpu.memory_space<vmem>>)
    %dma_wait3A_1486 = arith.constant 1792 : i32
    %dma_wait3A_1487 = tpu.memref_slice %arg19[%dma_wait3A_1486] : memref<4096xi32, #tpu.memory_space<vmem>> -> memref<128xi32, #tpu.memory_space<vmem>>
    %dma_wait3A_1488 = arith.constant 1792 : i32
    %dma_wait3A_1489 = tpu.memref_slice %arg17[%dma_wait3A_1488] : memref<4096xi32, #tpu.memory_space<vmem>> -> memref<128xi32, #tpu.memory_space<vmem>>
    %dma_wait3A_1490 = arith.constant 0 : i32
    %dma_wait3A_1491 = tpu.memref_slice %arg5[%dma_wait3A_1490] : memref<3200000xi32, #tpu.memory_space<hbm>> -> memref<3200000xi32, #tpu.memory_space<hbm>>
    tpu.wait_indirect_dma semaphore(%arg25 : memref<!tpu.dma_semaphore, #tpu.memory_space<semaphore_mem>>) src(%dma_wait3A_1491 : memref<3200000xi32, #tpu.memory_space<hbm>>) dst(%dma_wait3A_1487 : memref<128xi32, #tpu.memory_space<vmem>>)
    %dma_wait3A_1492 = arith.constant 1920 : i32
    %dma_wait3A_1493 = tpu.memref_slice %arg19[%dma_wait3A_1492] : memref<4096xi32, #tpu.memory_space<vmem>> -> memref<128xi32, #tpu.memory_space<vmem>>
    %dma_wait3A_1494 = arith.constant 1920 : i32
    %dma_wait3A_1495 = tpu.memref_slice %arg17[%dma_wait3A_1494] : memref<4096xi32, #tpu.memory_space<vmem>> -> memref<128xi32, #tpu.memory_space<vmem>>
    %dma_wait3A_1496 = arith.constant 0 : i32
    %dma_wait3A_1497 = tpu.memref_slice %arg5[%dma_wait3A_1496] : memref<3200000xi32, #tpu.memory_space<hbm>> -> memref<3200000xi32, #tpu.memory_space<hbm>>
    tpu.wait_indirect_dma semaphore(%arg25 : memref<!tpu.dma_semaphore, #tpu.memory_space<semaphore_mem>>) src(%dma_wait3A_1497 : memref<3200000xi32, #tpu.memory_space<hbm>>) dst(%dma_wait3A_1493 : memref<128xi32, #tpu.memory_space<vmem>>)
    %dma_wait3A_1498 = arith.constant 2048 : i32
    %dma_wait3A_1499 = tpu.memref_slice %arg19[%dma_wait3A_1498] : memref<4096xi32, #tpu.memory_space<vmem>> -> memref<128xi32, #tpu.memory_space<vmem>>
    %dma_wait3A_1500 = arith.constant 2048 : i32
    %dma_wait3A_1501 = tpu.memref_slice %arg17[%dma_wait3A_1500] : memref<4096xi32, #tpu.memory_space<vmem>> -> memref<128xi32, #tpu.memory_space<vmem>>
    %dma_wait3A_1502 = arith.constant 0 : i32
    %dma_wait3A_1503 = tpu.memref_slice %arg5[%dma_wait3A_1502] : memref<3200000xi32, #tpu.memory_space<hbm>> -> memref<3200000xi32, #tpu.memory_space<hbm>>
    tpu.wait_indirect_dma semaphore(%arg25 : memref<!tpu.dma_semaphore, #tpu.memory_space<semaphore_mem>>) src(%dma_wait3A_1503 : memref<3200000xi32, #tpu.memory_space<hbm>>) dst(%dma_wait3A_1499 : memref<128xi32, #tpu.memory_space<vmem>>)
    %dma_wait3A_1504 = arith.constant 2176 : i32
    %dma_wait3A_1505 = tpu.memref_slice %arg19[%dma_wait3A_1504] : memref<4096xi32, #tpu.memory_space<vmem>> -> memref<128xi32, #tpu.memory_space<vmem>>
    %dma_wait3A_1506 = arith.constant 2176 : i32
    %dma_wait3A_1507 = tpu.memref_slice %arg17[%dma_wait3A_1506] : memref<4096xi32, #tpu.memory_space<vmem>> -> memref<128xi32, #tpu.memory_space<vmem>>
    %dma_wait3A_1508 = arith.constant 0 : i32
    %dma_wait3A_1509 = tpu.memref_slice %arg5[%dma_wait3A_1508] : memref<3200000xi32, #tpu.memory_space<hbm>> -> memref<3200000xi32, #tpu.memory_space<hbm>>
    tpu.wait_indirect_dma semaphore(%arg25 : memref<!tpu.dma_semaphore, #tpu.memory_space<semaphore_mem>>) src(%dma_wait3A_1509 : memref<3200000xi32, #tpu.memory_space<hbm>>) dst(%dma_wait3A_1505 : memref<128xi32, #tpu.memory_space<vmem>>)
    %dma_wait3A_1510 = arith.constant 2304 : i32
    %dma_wait3A_1511 = tpu.memref_slice %arg19[%dma_wait3A_1510] : memref<4096xi32, #tpu.memory_space<vmem>> -> memref<128xi32, #tpu.memory_space<vmem>>
    %dma_wait3A_1512 = arith.constant 2304 : i32
    %dma_wait3A_1513 = tpu.memref_slice %arg17[%dma_wait3A_1512] : memref<4096xi32, #tpu.memory_space<vmem>> -> memref<128xi32, #tpu.memory_space<vmem>>
    %dma_wait3A_1514 = arith.constant 0 : i32
    %dma_wait3A_1515 = tpu.memref_slice %arg5[%dma_wait3A_1514] : memref<3200000xi32, #tpu.memory_space<hbm>> -> memref<3200000xi32, #tpu.memory_space<hbm>>
    tpu.wait_indirect_dma semaphore(%arg25 : memref<!tpu.dma_semaphore, #tpu.memory_space<semaphore_mem>>) src(%dma_wait3A_1515 : memref<3200000xi32, #tpu.memory_space<hbm>>) dst(%dma_wait3A_1511 : memref<128xi32, #tpu.memory_space<vmem>>)
    %dma_wait3A_1516 = arith.constant 2432 : i32
    %dma_wait3A_1517 = tpu.memref_slice %arg19[%dma_wait3A_1516] : memref<4096xi32, #tpu.memory_space<vmem>> -> memref<128xi32, #tpu.memory_space<vmem>>
    %dma_wait3A_1518 = arith.constant 2432 : i32
    %dma_wait3A_1519 = tpu.memref_slice %arg17[%dma_wait3A_1518] : memref<4096xi32, #tpu.memory_space<vmem>> -> memref<128xi32, #tpu.memory_space<vmem>>
    %dma_wait3A_1520 = arith.constant 0 : i32
    %dma_wait3A_1521 = tpu.memref_slice %arg5[%dma_wait3A_1520] : memref<3200000xi32, #tpu.memory_space<hbm>> -> memref<3200000xi32, #tpu.memory_space<hbm>>
    tpu.wait_indirect_dma semaphore(%arg25 : memref<!tpu.dma_semaphore, #tpu.memory_space<semaphore_mem>>) src(%dma_wait3A_1521 : memref<3200000xi32, #tpu.memory_space<hbm>>) dst(%dma_wait3A_1517 : memref<128xi32, #tpu.memory_space<vmem>>)
    %dma_wait3A_1522 = arith.constant 2560 : i32
    %dma_wait3A_1523 = tpu.memref_slice %arg19[%dma_wait3A_1522] : memref<4096xi32, #tpu.memory_space<vmem>> -> memref<128xi32, #tpu.memory_space<vmem>>
    %dma_wait3A_1524 = arith.constant 2560 : i32
    %dma_wait3A_1525 = tpu.memref_slice %arg17[%dma_wait3A_1524] : memref<4096xi32, #tpu.memory_space<vmem>> -> memref<128xi32, #tpu.memory_space<vmem>>
    %dma_wait3A_1526 = arith.constant 0 : i32
    %dma_wait3A_1527 = tpu.memref_slice %arg5[%dma_wait3A_1526] : memref<3200000xi32, #tpu.memory_space<hbm>> -> memref<3200000xi32, #tpu.memory_space<hbm>>
    tpu.wait_indirect_dma semaphore(%arg25 : memref<!tpu.dma_semaphore, #tpu.memory_space<semaphore_mem>>) src(%dma_wait3A_1527 : memref<3200000xi32, #tpu.memory_space<hbm>>) dst(%dma_wait3A_1523 : memref<128xi32, #tpu.memory_space<vmem>>)
    %dma_wait3A_1528 = arith.constant 2688 : i32
    %dma_wait3A_1529 = tpu.memref_slice %arg19[%dma_wait3A_1528] : memref<4096xi32, #tpu.memory_space<vmem>> -> memref<128xi32, #tpu.memory_space<vmem>>
    %dma_wait3A_1530 = arith.constant 2688 : i32
    %dma_wait3A_1531 = tpu.memref_slice %arg17[%dma_wait3A_1530] : memref<4096xi32, #tpu.memory_space<vmem>> -> memref<128xi32, #tpu.memory_space<vmem>>
    %dma_wait3A_1532 = arith.constant 0 : i32
    %dma_wait3A_1533 = tpu.memref_slice %arg5[%dma_wait3A_1532] : memref<3200000xi32, #tpu.memory_space<hbm>> -> memref<3200000xi32, #tpu.memory_space<hbm>>
    tpu.wait_indirect_dma semaphore(%arg25 : memref<!tpu.dma_semaphore, #tpu.memory_space<semaphore_mem>>) src(%dma_wait3A_1533 : memref<3200000xi32, #tpu.memory_space<hbm>>) dst(%dma_wait3A_1529 : memref<128xi32, #tpu.memory_space<vmem>>)
    %dma_wait3A_1534 = arith.constant 2816 : i32
    %dma_wait3A_1535 = tpu.memref_slice %arg19[%dma_wait3A_1534] : memref<4096xi32, #tpu.memory_space<vmem>> -> memref<128xi32, #tpu.memory_space<vmem>>
    %dma_wait3A_1536 = arith.constant 2816 : i32
    %dma_wait3A_1537 = tpu.memref_slice %arg17[%dma_wait3A_1536] : memref<4096xi32, #tpu.memory_space<vmem>> -> memref<128xi32, #tpu.memory_space<vmem>>
    %dma_wait3A_1538 = arith.constant 0 : i32
    %dma_wait3A_1539 = tpu.memref_slice %arg5[%dma_wait3A_1538] : memref<3200000xi32, #tpu.memory_space<hbm>> -> memref<3200000xi32, #tpu.memory_space<hbm>>
    tpu.wait_indirect_dma semaphore(%arg25 : memref<!tpu.dma_semaphore, #tpu.memory_space<semaphore_mem>>) src(%dma_wait3A_1539 : memref<3200000xi32, #tpu.memory_space<hbm>>) dst(%dma_wait3A_1535 : memref<128xi32, #tpu.memory_space<vmem>>)
    %dma_wait3A_1540 = arith.constant 2944 : i32
    %dma_wait3A_1541 = tpu.memref_slice %arg19[%dma_wait3A_1540] : memref<4096xi32, #tpu.memory_space<vmem>> -> memref<128xi32, #tpu.memory_space<vmem>>
    %dma_wait3A_1542 = arith.constant 2944 : i32
    %dma_wait3A_1543 = tpu.memref_slice %arg17[%dma_wait3A_1542] : memref<4096xi32, #tpu.memory_space<vmem>> -> memref<128xi32, #tpu.memory_space<vmem>>
    %dma_wait3A_1544 = arith.constant 0 : i32
    %dma_wait3A_1545 = tpu.memref_slice %arg5[%dma_wait3A_1544] : memref<3200000xi32, #tpu.memory_space<hbm>> -> memref<3200000xi32, #tpu.memory_space<hbm>>
    tpu.wait_indirect_dma semaphore(%arg25 : memref<!tpu.dma_semaphore, #tpu.memory_space<semaphore_mem>>) src(%dma_wait3A_1545 : memref<3200000xi32, #tpu.memory_space<hbm>>) dst(%dma_wait3A_1541 : memref<128xi32, #tpu.memory_space<vmem>>)
    %dma_wait3A_1546 = arith.constant 3072 : i32
    %dma_wait3A_1547 = tpu.memref_slice %arg19[%dma_wait3A_1546] : memref<4096xi32, #tpu.memory_space<vmem>> -> memref<128xi32, #tpu.memory_space<vmem>>
    %dma_wait3A_1548 = arith.constant 3072 : i32
    %dma_wait3A_1549 = tpu.memref_slice %arg17[%dma_wait3A_1548] : memref<4096xi32, #tpu.memory_space<vmem>> -> memref<128xi32, #tpu.memory_space<vmem>>
    %dma_wait3A_1550 = arith.constant 0 : i32
    %dma_wait3A_1551 = tpu.memref_slice %arg5[%dma_wait3A_1550] : memref<3200000xi32, #tpu.memory_space<hbm>> -> memref<3200000xi32, #tpu.memory_space<hbm>>
    tpu.wait_indirect_dma semaphore(%arg25 : memref<!tpu.dma_semaphore, #tpu.memory_space<semaphore_mem>>) src(%dma_wait3A_1551 : memref<3200000xi32, #tpu.memory_space<hbm>>) dst(%dma_wait3A_1547 : memref<128xi32, #tpu.memory_space<vmem>>)
    %dma_wait3A_1552 = arith.constant 3200 : i32
    %dma_wait3A_1553 = tpu.memref_slice %arg19[%dma_wait3A_1552] : memref<4096xi32, #tpu.memory_space<vmem>> -> memref<128xi32, #tpu.memory_space<vmem>>
    %dma_wait3A_1554 = arith.constant 3200 : i32
    %dma_wait3A_1555 = tpu.memref_slice %arg17[%dma_wait3A_1554] : memref<4096xi32, #tpu.memory_space<vmem>> -> memref<128xi32, #tpu.memory_space<vmem>>
    %dma_wait3A_1556 = arith.constant 0 : i32
    %dma_wait3A_1557 = tpu.memref_slice %arg5[%dma_wait3A_1556] : memref<3200000xi32, #tpu.memory_space<hbm>> -> memref<3200000xi32, #tpu.memory_space<hbm>>
    tpu.wait_indirect_dma semaphore(%arg25 : memref<!tpu.dma_semaphore, #tpu.memory_space<semaphore_mem>>) src(%dma_wait3A_1557 : memref<3200000xi32, #tpu.memory_space<hbm>>) dst(%dma_wait3A_1553 : memref<128xi32, #tpu.memory_space<vmem>>)
    %dma_wait3A_1558 = arith.constant 3328 : i32
    %dma_wait3A_1559 = tpu.memref_slice %arg19[%dma_wait3A_1558] : memref<4096xi32, #tpu.memory_space<vmem>> -> memref<128xi32, #tpu.memory_space<vmem>>
    %dma_wait3A_1560 = arith.constant 3328 : i32
    %dma_wait3A_1561 = tpu.memref_slice %arg17[%dma_wait3A_1560] : memref<4096xi32, #tpu.memory_space<vmem>> -> memref<128xi32, #tpu.memory_space<vmem>>
    %dma_wait3A_1562 = arith.constant 0 : i32
    %dma_wait3A_1563 = tpu.memref_slice %arg5[%dma_wait3A_1562] : memref<3200000xi32, #tpu.memory_space<hbm>> -> memref<3200000xi32, #tpu.memory_space<hbm>>
    tpu.wait_indirect_dma semaphore(%arg25 : memref<!tpu.dma_semaphore, #tpu.memory_space<semaphore_mem>>) src(%dma_wait3A_1563 : memref<3200000xi32, #tpu.memory_space<hbm>>) dst(%dma_wait3A_1559 : memref<128xi32, #tpu.memory_space<vmem>>)
    %dma_wait3A_1564 = arith.constant 3456 : i32
    %dma_wait3A_1565 = tpu.memref_slice %arg19[%dma_wait3A_1564] : memref<4096xi32, #tpu.memory_space<vmem>> -> memref<128xi32, #tpu.memory_space<vmem>>
    %dma_wait3A_1566 = arith.constant 3456 : i32
    %dma_wait3A_1567 = tpu.memref_slice %arg17[%dma_wait3A_1566] : memref<4096xi32, #tpu.memory_space<vmem>> -> memref<128xi32, #tpu.memory_space<vmem>>
    %dma_wait3A_1568 = arith.constant 0 : i32
    %dma_wait3A_1569 = tpu.memref_slice %arg5[%dma_wait3A_1568] : memref<3200000xi32, #tpu.memory_space<hbm>> -> memref<3200000xi32, #tpu.memory_space<hbm>>
    tpu.wait_indirect_dma semaphore(%arg25 : memref<!tpu.dma_semaphore, #tpu.memory_space<semaphore_mem>>) src(%dma_wait3A_1569 : memref<3200000xi32, #tpu.memory_space<hbm>>) dst(%dma_wait3A_1565 : memref<128xi32, #tpu.memory_space<vmem>>)
    %dma_wait3A_1570 = arith.constant 3584 : i32
    %dma_wait3A_1571 = tpu.memref_slice %arg19[%dma_wait3A_1570] : memref<4096xi32, #tpu.memory_space<vmem>> -> memref<128xi32, #tpu.memory_space<vmem>>
    %dma_wait3A_1572 = arith.constant 3584 : i32
    %dma_wait3A_1573 = tpu.memref_slice %arg17[%dma_wait3A_1572] : memref<4096xi32, #tpu.memory_space<vmem>> -> memref<128xi32, #tpu.memory_space<vmem>>
    %dma_wait3A_1574 = arith.constant 0 : i32
    %dma_wait3A_1575 = tpu.memref_slice %arg5[%dma_wait3A_1574] : memref<3200000xi32, #tpu.memory_space<hbm>> -> memref<3200000xi32, #tpu.memory_space<hbm>>
    tpu.wait_indirect_dma semaphore(%arg25 : memref<!tpu.dma_semaphore, #tpu.memory_space<semaphore_mem>>) src(%dma_wait3A_1575 : memref<3200000xi32, #tpu.memory_space<hbm>>) dst(%dma_wait3A_1571 : memref<128xi32, #tpu.memory_space<vmem>>)
    %dma_wait3A_1576 = arith.constant 3712 : i32
    %dma_wait3A_1577 = tpu.memref_slice %arg19[%dma_wait3A_1576] : memref<4096xi32, #tpu.memory_space<vmem>> -> memref<128xi32, #tpu.memory_space<vmem>>
    %dma_wait3A_1578 = arith.constant 3712 : i32
    %dma_wait3A_1579 = tpu.memref_slice %arg17[%dma_wait3A_1578] : memref<4096xi32, #tpu.memory_space<vmem>> -> memref<128xi32, #tpu.memory_space<vmem>>
    %dma_wait3A_1580 = arith.constant 0 : i32
    %dma_wait3A_1581 = tpu.memref_slice %arg5[%dma_wait3A_1580] : memref<3200000xi32, #tpu.memory_space<hbm>> -> memref<3200000xi32, #tpu.memory_space<hbm>>
    tpu.wait_indirect_dma semaphore(%arg25 : memref<!tpu.dma_semaphore, #tpu.memory_space<semaphore_mem>>) src(%dma_wait3A_1581 : memref<3200000xi32, #tpu.memory_space<hbm>>) dst(%dma_wait3A_1577 : memref<128xi32, #tpu.memory_space<vmem>>)
    %dma_wait3A_1582 = arith.constant 3840 : i32
    %dma_wait3A_1583 = tpu.memref_slice %arg19[%dma_wait3A_1582] : memref<4096xi32, #tpu.memory_space<vmem>> -> memref<128xi32, #tpu.memory_space<vmem>>
    %dma_wait3A_1584 = arith.constant 3840 : i32
    %dma_wait3A_1585 = tpu.memref_slice %arg17[%dma_wait3A_1584] : memref<4096xi32, #tpu.memory_space<vmem>> -> memref<128xi32, #tpu.memory_space<vmem>>
    %dma_wait3A_1586 = arith.constant 0 : i32
    %dma_wait3A_1587 = tpu.memref_slice %arg5[%dma_wait3A_1586] : memref<3200000xi32, #tpu.memory_space<hbm>> -> memref<3200000xi32, #tpu.memory_space<hbm>>
    tpu.wait_indirect_dma semaphore(%arg25 : memref<!tpu.dma_semaphore, #tpu.memory_space<semaphore_mem>>) src(%dma_wait3A_1587 : memref<3200000xi32, #tpu.memory_space<hbm>>) dst(%dma_wait3A_1583 : memref<128xi32, #tpu.memory_space<vmem>>)
    %dma_wait3A_1588 = arith.constant 3968 : i32
    %dma_wait3A_1589 = tpu.memref_slice %arg19[%dma_wait3A_1588] : memref<4096xi32, #tpu.memory_space<vmem>> -> memref<128xi32, #tpu.memory_space<vmem>>
    %dma_wait3A_1590 = arith.constant 3968 : i32
    %dma_wait3A_1591 = tpu.memref_slice %arg17[%dma_wait3A_1590] : memref<4096xi32, #tpu.memory_space<vmem>> -> memref<128xi32, #tpu.memory_space<vmem>>
    %dma_wait3A_1592 = arith.constant 0 : i32
    %dma_wait3A_1593 = tpu.memref_slice %arg5[%dma_wait3A_1592] : memref<3200000xi32, #tpu.memory_space<hbm>> -> memref<3200000xi32, #tpu.memory_space<hbm>>
    tpu.wait_indirect_dma semaphore(%arg25 : memref<!tpu.dma_semaphore, #tpu.memory_space<semaphore_mem>>) src(%dma_wait3A_1593 : memref<3200000xi32, #tpu.memory_space<hbm>>) dst(%dma_wait3A_1589 : memref<128xi32, #tpu.memory_space<vmem>>)
    %parallel_loop3A_1594 = arith.constant 0 : i32
    %parallel_loop3A_1595 = arith.constant 128 : i32
    %parallel_loop3A_1596 = arith.constant 1 : i32
    scf.for %parallel_loop3A_1642 = %parallel_loop3A_1594 to %parallel_loop3A_1595 step %parallel_loop3A_1596  : i32 {
      %parallel_loop3A_1643 = vector.broadcast %parallel_loop3A_1642 : i32 to vector<16xi32>
      %parallel_loop3A_1644 = tpu.vector_load_idx %arg11[%parallel_loop3A_1643] : memref<128xi32, #tpu.memory_space<vmem>>[vector<16xi32>], vector<16xi32>,
      %parallel_loop3A_1645 = arith.constant 32 : i32
      %parallel_loop3A_1646 = arith.muli %parallel_loop3A_1642, %parallel_loop3A_1645 : i32
      %parallel_loop3A_1647 = arith.constant 0 : i32
      %parallel_loop3A_1648 = arith.addi %parallel_loop3A_1646, %parallel_loop3A_1647 : i32
      %parallel_loop3A_1649 = arith.index_cast %parallel_loop3A_1648 : i32 to index
      %parallel_loop3A_1650 = tpu.vector_load %arg19[%parallel_loop3A_1649] {strides = array<i32>} : memref<4096xi32, #tpu.memory_space<vmem>>, vector<16xi32>,
      %parallel_loop3A_1651 = arith.constant 3 : i32
      %parallel_loop3A_1652 = vector.broadcast %parallel_loop3A_1651 : i32 to vector<16xi32>
      %parallel_loop3A_1653 = arith.shrui %parallel_loop3A_1650, %parallel_loop3A_1652 : vector<16xi32>
      %parallel_loop3A_1654 = tpu.vector_load_idx %arg13[%parallel_loop3A_1653] : memref<25088xi32, #tpu.memory_space<vmem>>[vector<16xi32>], vector<16xi32>,
      %parallel_loop3A_1655 = arith.constant 7 : i32
      %parallel_loop3A_1656 = vector.broadcast %parallel_loop3A_1655 : i32 to vector<16xi32>
      %parallel_loop3A_1657 = arith.andi %parallel_loop3A_1650, %parallel_loop3A_1656 : vector<16xi32>
      %parallel_loop3A_1658 = arith.constant 2 : i32
      %parallel_loop3A_1659 = vector.broadcast %parallel_loop3A_1658 : i32 to vector<16xi32>
      %parallel_loop3A_1660 = arith.shli %parallel_loop3A_1657, %parallel_loop3A_1659 : vector<16xi32>
      %parallel_loop3A_1661 = arith.shrui %parallel_loop3A_1654, %parallel_loop3A_1660 : vector<16xi32>
      %parallel_loop3A_1662 = arith.constant 15 : i32
      %parallel_loop3A_1663 = vector.broadcast %parallel_loop3A_1662 : i32 to vector<16xi32>
      %parallel_loop3A_1664 = arith.andi %parallel_loop3A_1661, %parallel_loop3A_1663 : vector<16xi32>
      %parallel_loop3A_1665 = arith.cmpi ne, %parallel_loop3A_1650, %parallel_loop3A_1644 : vector<16xi32>
      tpu.vector_store_idx %arg22[%parallel_loop3A_1643, %parallel_loop3A_1664], %broadcast_in_dim3A_3 masked %parallel_loop3A_1665 {add = true} : memref<128x16xf32, #tpu.memory_space<vmem>>[vector<16xi32>, vector<16xi32>], vector<16xf32>, vector<16xi1>
      %parallel_loop3A_1666 = arith.constant 32 : i32
      %parallel_loop3A_1667 = arith.muli %parallel_loop3A_1642, %parallel_loop3A_1666 : i32
      %parallel_loop3A_1668 = arith.constant 16 : i32
      %parallel_loop3A_1669 = arith.addi %parallel_loop3A_1667, %parallel_loop3A_1668 : i32
      %parallel_loop3A_1670 = arith.index_cast %parallel_loop3A_1669 : i32 to index
      %parallel_loop3A_1671 = tpu.vector_load %arg19[%parallel_loop3A_1670] {strides = array<i32>} : memref<4096xi32, #tpu.memory_space<vmem>>, vector<16xi32>,
      %parallel_loop3A_1672 = arith.constant 3 : i32
      %parallel_loop3A_1673 = vector.broadcast %parallel_loop3A_1672 : i32 to vector<16xi32>
      %parallel_loop3A_1674 = arith.shrui %parallel_loop3A_1671, %parallel_loop3A_1673 : vector<16xi32>
      %parallel_loop3A_1675 = tpu.vector_load_idx %arg13[%parallel_loop3A_1674] : memref<25088xi32, #tpu.memory_space<vmem>>[vector<16xi32>], vector<16xi32>,
      %parallel_loop3A_1676 = arith.constant 7 : i32
      %parallel_loop3A_1677 = vector.broadcast %parallel_loop3A_1676 : i32 to vector<16xi32>
      %parallel_loop3A_1678 = arith.andi %parallel_loop3A_1671, %parallel_loop3A_1677 : vector<16xi32>
      %parallel_loop3A_1679 = arith.constant 2 : i32
      %parallel_loop3A_1680 = vector.broadcast %parallel_loop3A_1679 : i32 to vector<16xi32>
      %parallel_loop3A_1681 = arith.shli %parallel_loop3A_1678, %parallel_loop3A_1680 : vector<16xi32>
      %parallel_loop3A_1682 = arith.shrui %parallel_loop3A_1675, %parallel_loop3A_1681 : vector<16xi32>
      %parallel_loop3A_1683 = arith.constant 15 : i32
      %parallel_loop3A_1684 = vector.broadcast %parallel_loop3A_1683 : i32 to vector<16xi32>
      %parallel_loop3A_1685 = arith.andi %parallel_loop3A_1682, %parallel_loop3A_1684 : vector<16xi32>
      %parallel_loop3A_1686 = arith.cmpi ne, %parallel_loop3A_1671, %parallel_loop3A_1644 : vector<16xi32>
      tpu.vector_store_idx %arg22[%parallel_loop3A_1643, %parallel_loop3A_1685], %broadcast_in_dim3A_3 masked %parallel_loop3A_1686 {add = true} : memref<128x16xf32, #tpu.memory_space<vmem>>[vector<16xi32>, vector<16xi32>], vector<16xf32>, vector<16xi1>
    } {sc.loop_unroll_factor = 1 : i64, sc.parallel_access}
    %parallel_loop3A_1597 = arith.constant 0 : i32
    %parallel_loop3A_1598 = arith.constant 128 : i32
    %parallel_loop3A_1599 = arith.constant 1 : i32
    scf.for %parallel_loop3A_1642 = %parallel_loop3A_1597 to %parallel_loop3A_1598 step %parallel_loop3A_1599  : i32 {
      %parallel_loop3A_1643 = arith.index_cast %parallel_loop3A_1642 : i32 to index
      %parallel_loop3A_1644 = arith.constant 0 : index
      %parallel_loop3A_1645 = tpu.vector_load %arg22[%parallel_loop3A_1643, %parallel_loop3A_1644] {strides = array<i32>} : memref<128x16xf32, #tpu.memory_space<vmem>>, vector<16xf32>,
      %parallel_loop3A_1646 = vector.broadcast %parallel_loop3A_1642 : i32 to vector<16xi32>
      %parallel_loop3A_1647 = tpu.vector_load_idx %arg12[%parallel_loop3A_1646] : memref<128xi32, #tpu.memory_space<vmem>>[vector<16xi32>], vector<16xi32>,
      %parallel_loop3A_1648 = arith.cmpi eq, %iota3A, %parallel_loop3A_1647 : vector<16xi32>
      %parallel_loop3A_1649 = arith.constant 1.000000e+00 : f32
      %parallel_loop3A_1650 = arith.constant 0.000000e+00 : f32
      %parallel_loop3A_1651 = vector.broadcast %parallel_loop3A_1649 : f32 to vector<16xf32>
      %parallel_loop3A_1652 = vector.broadcast %parallel_loop3A_1650 : f32 to vector<16xf32>
      %parallel_loop3A_1653 = arith.select %parallel_loop3A_1648, %parallel_loop3A_1651, %parallel_loop3A_1652 : vector<16xi1>, vector<16xf32>
      %parallel_loop3A_1654 = arith.constant 7.812500e-03 : f32
      %parallel_loop3A_1655 = vector.broadcast %parallel_loop3A_1654 : f32 to vector<16xf32>
      %parallel_loop3A_1656 = arith.mulf %parallel_loop3A_1645, %parallel_loop3A_1655 : vector<16xf32>
      %parallel_loop3A_1657 = arith.addf %parallel_loop3A_1656, %parallel_loop3A_1653 : vector<16xf32>
      %parallel_loop3A_1658 = arith.index_cast %parallel_loop3A_1642 : i32 to index
      %parallel_loop3A_1659 = arith.constant 0 : index
      %parallel_loop3A_1660 = tpu.vector_load %arg22[%parallel_loop3A_1658, %parallel_loop3A_1659] {strides = array<i32>} : memref<128x16xf32, #tpu.memory_space<vmem>>, vector<16xf32>,
      tpu.vector_store %arg22[%parallel_loop3A_1658, %parallel_loop3A_1659], %parallel_loop3A_1657 {strides = array<i32>} : memref<128x16xf32, #tpu.memory_space<vmem>>, vector<16xf32>,
    } {sc.loop_unroll_factor = 1 : i64, sc.parallel_access}
    "tpu.region"() ({
      %run_scoped3A = tpu.sem_alloc : memref<!tpu.dma_semaphore, #tpu.memory_space<semaphore_mem>>
      %dma_start3A_1642 = arith.constant 0 : i32
      %dma_start3A_1643 = tpu.memref_slice %arg8[%mul3A_2, %dma_start3A_1642] : memref<4096x128xf32, #tpu.memory_space<hbm>> -> memref<128x16xf32, #tpu.memory_space<hbm>>
      %dma_start3A_1644 = arith.constant 0 : i32
      %dma_start3A_1645 = tpu.memref_slice %arg8[%mul3A_2, %dma_start3A_1644] : memref<4096x128xf32, #tpu.memory_space<hbm>> -> memref<128x16xf32, #tpu.memory_space<hbm>>
      tpu.enqueue_dma source(%arg22 : memref<128x16xf32, #tpu.memory_space<vmem>>) target(%dma_start3A_1645 : memref<128x16xf32, #tpu.memory_space<hbm>>) target_semaphore(%run_scoped3A : memref<!tpu.dma_semaphore, #tpu.memory_space<semaphore_mem>>)
      %dma_wait3A_1646 = arith.constant 0 : i32
      %dma_wait3A_1647 = tpu.memref_slice %arg8[%mul3A_2, %dma_wait3A_1646] : memref<4096x128xf32, #tpu.memory_space<hbm>> -> memref<128x16xf32, #tpu.memory_space<hbm>>
      %dma_wait3A_1648 = arith.constant 0 : i32
      %dma_wait3A_1649 = tpu.memref_slice %arg8[%mul3A_2, %dma_wait3A_1648] : memref<4096x128xf32, #tpu.memory_space<hbm>> -> memref<128x16xf32, #tpu.memory_space<hbm>>
      tpu.wait_dma2 semaphore(%run_scoped3A : memref<!tpu.dma_semaphore, #tpu.memory_space<semaphore_mem>>) src(%arg22 : memref<128x16xf32, #tpu.memory_space<vmem>>) dst(%dma_wait3A_1649 : memref<128x16xf32, #tpu.memory_space<hbm>>)
      tpu.yield
    }) : () -> ()
    %dma_wait3A_1600 = arith.constant 0 : i32
    %dma_wait3A_1601 = tpu.memref_slice %arg10[%dma_wait3A_1600] : memref<512xi32, #tpu.memory_space<vmem>> -> memref<128xi32, #tpu.memory_space<vmem>>
    %dma_wait3A_1602 = arith.constant 0 : i32
    %dma_wait3A_1603 = arith.constant 0 : i32
    %dma_wait3A_1604 = tpu.memref_slice %arg7[%dma_wait3A_1602, %dma_wait3A_1603] : memref<100000x128xf32, #tpu.memory_space<hbm>> -> memref<100000x128xf32, #tpu.memory_space<hbm>>
    tpu.wait_indirect_dma semaphore(%arg26 : memref<!tpu.dma_semaphore, #tpu.memory_space<semaphore_mem>>) src(%dma_wait3A_1604 : memref<100000x128xf32, #tpu.memory_space<hbm>>) dst(%arg20 : memref<128x128xf32, #tpu.memory_space<vmem>>)
    %parallel_loop3A_1605 = arith.constant 0 : i32
    %parallel_loop3A_1606 = arith.constant 128 : i32
    %parallel_loop3A_1607 = arith.constant 1 : i32
    scf.for %parallel_loop3A_1642 = %parallel_loop3A_1605 to %parallel_loop3A_1606 step %parallel_loop3A_1607  : i32 {
      %parallel_loop3A_1643 = arith.index_cast %parallel_loop3A_1642 : i32 to index
      %parallel_loop3A_1644 = arith.constant 0 : index
      %parallel_loop3A_1645 = tpu.vector_load %arg20[%parallel_loop3A_1643, %parallel_loop3A_1644] {strides = array<i32>} : memref<128x128xf32, #tpu.memory_space<vmem>>, vector<16xf32>,
      %parallel_loop3A_1646 = arith.index_cast %parallel_loop3A_1642 : i32 to index
      %parallel_loop3A_1647 = arith.constant 0 : index
      %parallel_loop3A_1648 = tpu.vector_load %arg23[%parallel_loop3A_1646, %parallel_loop3A_1647] {strides = array<i32>} : memref<128x128xf32, #tpu.memory_space<vmem>>, vector<16xf32>,
      tpu.vector_store %arg23[%parallel_loop3A_1646, %parallel_loop3A_1647], %parallel_loop3A_1645 {strides = array<i32>} : memref<128x128xf32, #tpu.memory_space<vmem>>, vector<16xf32>,
      %parallel_loop3A_1649 = arith.index_cast %parallel_loop3A_1642 : i32 to index
      %parallel_loop3A_1650 = arith.constant 16 : index
      %parallel_loop3A_1651 = tpu.vector_load %arg20[%parallel_loop3A_1649, %parallel_loop3A_1650] {strides = array<i32>} : memref<128x128xf32, #tpu.memory_space<vmem>>, vector<16xf32>,
      %parallel_loop3A_1652 = arith.index_cast %parallel_loop3A_1642 : i32 to index
      %parallel_loop3A_1653 = arith.constant 16 : index
      %parallel_loop3A_1654 = tpu.vector_load %arg23[%parallel_loop3A_1652, %parallel_loop3A_1653] {strides = array<i32>} : memref<128x128xf32, #tpu.memory_space<vmem>>, vector<16xf32>,
      tpu.vector_store %arg23[%parallel_loop3A_1652, %parallel_loop3A_1653], %parallel_loop3A_1651 {strides = array<i32>} : memref<128x128xf32, #tpu.memory_space<vmem>>, vector<16xf32>,
      %parallel_loop3A_1655 = arith.index_cast %parallel_loop3A_1642 : i32 to index
      %parallel_loop3A_1656 = arith.constant 32 : index
      %parallel_loop3A_1657 = tpu.vector_load %arg20[%parallel_loop3A_1655, %parallel_loop3A_1656] {strides = array<i32>} : memref<128x128xf32, #tpu.memory_space<vmem>>, vector<16xf32>,
      %parallel_loop3A_1658 = arith.index_cast %parallel_loop3A_1642 : i32 to index
      %parallel_loop3A_1659 = arith.constant 32 : index
      %parallel_loop3A_1660 = tpu.vector_load %arg23[%parallel_loop3A_1658, %parallel_loop3A_1659] {strides = array<i32>} : memref<128x128xf32, #tpu.memory_space<vmem>>, vector<16xf32>,
      tpu.vector_store %arg23[%parallel_loop3A_1658, %parallel_loop3A_1659], %parallel_loop3A_1657 {strides = array<i32>} : memref<128x128xf32, #tpu.memory_space<vmem>>, vector<16xf32>,
      %parallel_loop3A_1661 = arith.index_cast %parallel_loop3A_1642 : i32 to index
      %parallel_loop3A_1662 = arith.constant 48 : index
      %parallel_loop3A_1663 = tpu.vector_load %arg20[%parallel_loop3A_1661, %parallel_loop3A_1662] {strides = array<i32>} : memref<128x128xf32, #tpu.memory_space<vmem>>, vector<16xf32>,
      %parallel_loop3A_1664 = arith.index_cast %parallel_loop3A_1642 : i32 to index
      %parallel_loop3A_1665 = arith.constant 48 : index
      %parallel_loop3A_1666 = tpu.vector_load %arg23[%parallel_loop3A_1664, %parallel_loop3A_1665] {strides = array<i32>} : memref<128x128xf32, #tpu.memory_space<vmem>>, vector<16xf32>,
      tpu.vector_store %arg23[%parallel_loop3A_1664, %parallel_loop3A_1665], %parallel_loop3A_1663 {strides = array<i32>} : memref<128x128xf32, #tpu.memory_space<vmem>>, vector<16xf32>,
      %parallel_loop3A_1667 = arith.index_cast %parallel_loop3A_1642 : i32 to index
      %parallel_loop3A_1668 = arith.constant 64 : index
      %parallel_loop3A_1669 = tpu.vector_load %arg20[%parallel_loop3A_1667, %parallel_loop3A_1668] {strides = array<i32>} : memref<128x128xf32, #tpu.memory_space<vmem>>, vector<16xf32>,
      %parallel_loop3A_1670 = arith.index_cast %parallel_loop3A_1642 : i32 to index
      %parallel_loop3A_1671 = arith.constant 64 : index
      %parallel_loop3A_1672 = tpu.vector_load %arg23[%parallel_loop3A_1670, %parallel_loop3A_1671] {strides = array<i32>} : memref<128x128xf32, #tpu.memory_space<vmem>>, vector<16xf32>,
      tpu.vector_store %arg23[%parallel_loop3A_1670, %parallel_loop3A_1671], %parallel_loop3A_1669 {strides = array<i32>} : memref<128x128xf32, #tpu.memory_space<vmem>>, vector<16xf32>,
      %parallel_loop3A_1673 = arith.index_cast %parallel_loop3A_1642 : i32 to index
      %parallel_loop3A_1674 = arith.constant 80 : index
      %parallel_loop3A_1675 = tpu.vector_load %arg20[%parallel_loop3A_1673, %parallel_loop3A_1674] {strides = array<i32>} : memref<128x128xf32, #tpu.memory_space<vmem>>, vector<16xf32>,
      %parallel_loop3A_1676 = arith.index_cast %parallel_loop3A_1642 : i32 to index
      %parallel_loop3A_1677 = arith.constant 80 : index
      %parallel_loop3A_1678 = tpu.vector_load %arg23[%parallel_loop3A_1676, %parallel_loop3A_1677] {strides = array<i32>} : memref<128x128xf32, #tpu.memory_space<vmem>>, vector<16xf32>,
      tpu.vector_store %arg23[%parallel_loop3A_1676, %parallel_loop3A_1677], %parallel_loop3A_1675 {strides = array<i32>} : memref<128x128xf32, #tpu.memory_space<vmem>>, vector<16xf32>,
      %parallel_loop3A_1679 = arith.index_cast %parallel_loop3A_1642 : i32 to index
      %parallel_loop3A_1680 = arith.constant 96 : index
      %parallel_loop3A_1681 = tpu.vector_load %arg20[%parallel_loop3A_1679, %parallel_loop3A_1680] {strides = array<i32>} : memref<128x128xf32, #tpu.memory_space<vmem>>, vector<16xf32>,
      %parallel_loop3A_1682 = arith.index_cast %parallel_loop3A_1642 : i32 to index
      %parallel_loop3A_1683 = arith.constant 96 : index
      %parallel_loop3A_1684 = tpu.vector_load %arg23[%parallel_loop3A_1682, %parallel_loop3A_1683] {strides = array<i32>} : memref<128x128xf32, #tpu.memory_space<vmem>>, vector<16xf32>,
      tpu.vector_store %arg23[%parallel_loop3A_1682, %parallel_loop3A_1683], %parallel_loop3A_1681 {strides = array<i32>} : memref<128x128xf32, #tpu.memory_space<vmem>>, vector<16xf32>,
      %parallel_loop3A_1685 = arith.index_cast %parallel_loop3A_1642 : i32 to index
      %parallel_loop3A_1686 = arith.constant 112 : index
      %parallel_loop3A_1687 = tpu.vector_load %arg20[%parallel_loop3A_1685, %parallel_loop3A_1686] {strides = array<i32>} : memref<128x128xf32, #tpu.memory_space<vmem>>, vector<16xf32>,
      %parallel_loop3A_1688 = arith.index_cast %parallel_loop3A_1642 : i32 to index
      %parallel_loop3A_1689 = arith.constant 112 : index
      %parallel_loop3A_1690 = tpu.vector_load %arg23[%parallel_loop3A_1688, %parallel_loop3A_1689] {strides = array<i32>} : memref<128x128xf32, #tpu.memory_space<vmem>>, vector<16xf32>,
      tpu.vector_store %arg23[%parallel_loop3A_1688, %parallel_loop3A_1689], %parallel_loop3A_1687 {strides = array<i32>} : memref<128x128xf32, #tpu.memory_space<vmem>>, vector<16xf32>,
    } {sc.loop_unroll_factor = 1 : i64, sc.parallel_access}
    %dma_start3A_1608 = arith.constant 256 : i32
    %dma_start3A_1609 = tpu.memref_slice %arg10[%dma_start3A_1608] : memref<512xi32, #tpu.memory_space<vmem>> -> memref<128xi32, #tpu.memory_space<vmem>>
    %dma_start3A_1610 = arith.constant 0 : i32
    %dma_start3A_1611 = arith.constant 0 : i32
    %dma_start3A_1612 = tpu.memref_slice %arg7[%dma_start3A_1610, %dma_start3A_1611] : memref<100000x128xf32, #tpu.memory_space<hbm>> -> memref<100000x128xf32, #tpu.memory_space<hbm>>
    tpu.enqueue_indirect_dma source(%dma_start3A_1612 : memref<100000x128xf32, #tpu.memory_space<hbm>>) target(%arg20 : memref<128x128xf32, #tpu.memory_space<vmem>>) offsets(%dma_start3A_1609 : memref<128xi32, #tpu.memory_space<vmem>>) semaphore(%arg26 : memref<!tpu.dma_semaphore, #tpu.memory_space<semaphore_mem>>)
    %dma_wait3A_1613 = arith.constant 128 : i32
    %dma_wait3A_1614 = tpu.memref_slice %arg10[%dma_wait3A_1613] : memref<512xi32, #tpu.memory_space<vmem>> -> memref<128xi32, #tpu.memory_space<vmem>>
    %dma_wait3A_1615 = arith.constant 0 : i32
    %dma_wait3A_1616 = arith.constant 0 : i32
    %dma_wait3A_1617 = tpu.memref_slice %arg7[%dma_wait3A_1615, %dma_wait3A_1616] : memref<100000x128xf32, #tpu.memory_space<hbm>> -> memref<100000x128xf32, #tpu.memory_space<hbm>>
    tpu.wait_indirect_dma semaphore(%arg26 : memref<!tpu.dma_semaphore, #tpu.memory_space<semaphore_mem>>) src(%dma_wait3A_1617 : memref<100000x128xf32, #tpu.memory_space<hbm>>) dst(%arg21 : memref<128x128xf32, #tpu.memory_space<vmem>>)
    %parallel_loop3A_1618 = arith.constant 0 : i32
    %parallel_loop3A_1619 = arith.constant 128 : i32
    %parallel_loop3A_1620 = arith.constant 1 : i32
    scf.for %parallel_loop3A_1642 = %parallel_loop3A_1618 to %parallel_loop3A_1619 step %parallel_loop3A_1620  : i32 {
      %parallel_loop3A_1643 = arith.index_cast %parallel_loop3A_1642 : i32 to index
      %parallel_loop3A_1644 = arith.constant 0 : index
      %parallel_loop3A_1645 = tpu.vector_load %arg21[%parallel_loop3A_1643, %parallel_loop3A_1644] {strides = array<i32>} : memref<128x128xf32, #tpu.memory_space<vmem>>, vector<16xf32>,
      %parallel_loop3A_1646 = arith.index_cast %parallel_loop3A_1642 : i32 to index
      %parallel_loop3A_1647 = arith.constant 0 : index
      %parallel_loop3A_1648 = tpu.vector_load %arg23[%parallel_loop3A_1646, %parallel_loop3A_1647] {strides = array<i32>} : memref<128x128xf32, #tpu.memory_space<vmem>>, vector<16xf32>,
      %parallel_loop3A_1649 = arith.addf %parallel_loop3A_1648, %parallel_loop3A_1645 : vector<16xf32>
      %parallel_loop3A_1650 = arith.index_cast %parallel_loop3A_1642 : i32 to index
      %parallel_loop3A_1651 = arith.constant 0 : index
      %parallel_loop3A_1652 = tpu.vector_load %arg23[%parallel_loop3A_1650, %parallel_loop3A_1651] {strides = array<i32>} : memref<128x128xf32, #tpu.memory_space<vmem>>, vector<16xf32>,
      tpu.vector_store %arg23[%parallel_loop3A_1650, %parallel_loop3A_1651], %parallel_loop3A_1649 {strides = array<i32>} : memref<128x128xf32, #tpu.memory_space<vmem>>, vector<16xf32>,
      %parallel_loop3A_1653 = arith.index_cast %parallel_loop3A_1642 : i32 to index
      %parallel_loop3A_1654 = arith.constant 16 : index
      %parallel_loop3A_1655 = tpu.vector_load %arg21[%parallel_loop3A_1653, %parallel_loop3A_1654] {strides = array<i32>} : memref<128x128xf32, #tpu.memory_space<vmem>>, vector<16xf32>,
      %parallel_loop3A_1656 = arith.index_cast %parallel_loop3A_1642 : i32 to index
      %parallel_loop3A_1657 = arith.constant 16 : index
      %parallel_loop3A_1658 = tpu.vector_load %arg23[%parallel_loop3A_1656, %parallel_loop3A_1657] {strides = array<i32>} : memref<128x128xf32, #tpu.memory_space<vmem>>, vector<16xf32>,
      %parallel_loop3A_1659 = arith.addf %parallel_loop3A_1658, %parallel_loop3A_1655 : vector<16xf32>
      %parallel_loop3A_1660 = arith.index_cast %parallel_loop3A_1642 : i32 to index
      %parallel_loop3A_1661 = arith.constant 16 : index
      %parallel_loop3A_1662 = tpu.vector_load %arg23[%parallel_loop3A_1660, %parallel_loop3A_1661] {strides = array<i32>} : memref<128x128xf32, #tpu.memory_space<vmem>>, vector<16xf32>,
      tpu.vector_store %arg23[%parallel_loop3A_1660, %parallel_loop3A_1661], %parallel_loop3A_1659 {strides = array<i32>} : memref<128x128xf32, #tpu.memory_space<vmem>>, vector<16xf32>,
      %parallel_loop3A_1663 = arith.index_cast %parallel_loop3A_1642 : i32 to index
      %parallel_loop3A_1664 = arith.constant 32 : index
      %parallel_loop3A_1665 = tpu.vector_load %arg21[%parallel_loop3A_1663, %parallel_loop3A_1664] {strides = array<i32>} : memref<128x128xf32, #tpu.memory_space<vmem>>, vector<16xf32>,
      %parallel_loop3A_1666 = arith.index_cast %parallel_loop3A_1642 : i32 to index
      %parallel_loop3A_1667 = arith.constant 32 : index
      %parallel_loop3A_1668 = tpu.vector_load %arg23[%parallel_loop3A_1666, %parallel_loop3A_1667] {strides = array<i32>} : memref<128x128xf32, #tpu.memory_space<vmem>>, vector<16xf32>,
      %parallel_loop3A_1669 = arith.addf %parallel_loop3A_1668, %parallel_loop3A_1665 : vector<16xf32>
      %parallel_loop3A_1670 = arith.index_cast %parallel_loop3A_1642 : i32 to index
      %parallel_loop3A_1671 = arith.constant 32 : index
      %parallel_loop3A_1672 = tpu.vector_load %arg23[%parallel_loop3A_1670, %parallel_loop3A_1671] {strides = array<i32>} : memref<128x128xf32, #tpu.memory_space<vmem>>, vector<16xf32>,
      tpu.vector_store %arg23[%parallel_loop3A_1670, %parallel_loop3A_1671], %parallel_loop3A_1669 {strides = array<i32>} : memref<128x128xf32, #tpu.memory_space<vmem>>, vector<16xf32>,
      %parallel_loop3A_1673 = arith.index_cast %parallel_loop3A_1642 : i32 to index
      %parallel_loop3A_1674 = arith.constant 48 : index
      %parallel_loop3A_1675 = tpu.vector_load %arg21[%parallel_loop3A_1673, %parallel_loop3A_1674] {strides = array<i32>} : memref<128x128xf32, #tpu.memory_space<vmem>>, vector<16xf32>,
      %parallel_loop3A_1676 = arith.index_cast %parallel_loop3A_1642 : i32 to index
      %parallel_loop3A_1677 = arith.constant 48 : index
      %parallel_loop3A_1678 = tpu.vector_load %arg23[%parallel_loop3A_1676, %parallel_loop3A_1677] {strides = array<i32>} : memref<128x128xf32, #tpu.memory_space<vmem>>, vector<16xf32>,
      %parallel_loop3A_1679 = arith.addf %parallel_loop3A_1678, %parallel_loop3A_1675 : vector<16xf32>
      %parallel_loop3A_1680 = arith.index_cast %parallel_loop3A_1642 : i32 to index
      %parallel_loop3A_1681 = arith.constant 48 : index
      %parallel_loop3A_1682 = tpu.vector_load %arg23[%parallel_loop3A_1680, %parallel_loop3A_1681] {strides = array<i32>} : memref<128x128xf32, #tpu.memory_space<vmem>>, vector<16xf32>,
      tpu.vector_store %arg23[%parallel_loop3A_1680, %parallel_loop3A_1681], %parallel_loop3A_1679 {strides = array<i32>} : memref<128x128xf32, #tpu.memory_space<vmem>>, vector<16xf32>,
      %parallel_loop3A_1683 = arith.index_cast %parallel_loop3A_1642 : i32 to index
      %parallel_loop3A_1684 = arith.constant 64 : index
      %parallel_loop3A_1685 = tpu.vector_load %arg21[%parallel_loop3A_1683, %parallel_loop3A_1684] {strides = array<i32>} : memref<128x128xf32, #tpu.memory_space<vmem>>, vector<16xf32>,
      %parallel_loop3A_1686 = arith.index_cast %parallel_loop3A_1642 : i32 to index
      %parallel_loop3A_1687 = arith.constant 64 : index
      %parallel_loop3A_1688 = tpu.vector_load %arg23[%parallel_loop3A_1686, %parallel_loop3A_1687] {strides = array<i32>} : memref<128x128xf32, #tpu.memory_space<vmem>>, vector<16xf32>,
      %parallel_loop3A_1689 = arith.addf %parallel_loop3A_1688, %parallel_loop3A_1685 : vector<16xf32>
      %parallel_loop3A_1690 = arith.index_cast %parallel_loop3A_1642 : i32 to index
      %parallel_loop3A_1691 = arith.constant 64 : index
      %parallel_loop3A_1692 = tpu.vector_load %arg23[%parallel_loop3A_1690, %parallel_loop3A_1691] {strides = array<i32>} : memref<128x128xf32, #tpu.memory_space<vmem>>, vector<16xf32>,
      tpu.vector_store %arg23[%parallel_loop3A_1690, %parallel_loop3A_1691], %parallel_loop3A_1689 {strides = array<i32>} : memref<128x128xf32, #tpu.memory_space<vmem>>, vector<16xf32>,
      %parallel_loop3A_1693 = arith.index_cast %parallel_loop3A_1642 : i32 to index
      %parallel_loop3A_1694 = arith.constant 80 : index
      %parallel_loop3A_1695 = tpu.vector_load %arg21[%parallel_loop3A_1693, %parallel_loop3A_1694] {strides = array<i32>} : memref<128x128xf32, #tpu.memory_space<vmem>>, vector<16xf32>,
      %parallel_loop3A_1696 = arith.index_cast %parallel_loop3A_1642 : i32 to index
      %parallel_loop3A_1697 = arith.constant 80 : index
      %parallel_loop3A_1698 = tpu.vector_load %arg23[%parallel_loop3A_1696, %parallel_loop3A_1697] {strides = array<i32>} : memref<128x128xf32, #tpu.memory_space<vmem>>, vector<16xf32>,
      %parallel_loop3A_1699 = arith.addf %parallel_loop3A_1698, %parallel_loop3A_1695 : vector<16xf32>
      %parallel_loop3A_1700 = arith.index_cast %parallel_loop3A_1642 : i32 to index
      %parallel_loop3A_1701 = arith.constant 80 : index
      %parallel_loop3A_1702 = tpu.vector_load %arg23[%parallel_loop3A_1700, %parallel_loop3A_1701] {strides = array<i32>} : memref<128x128xf32, #tpu.memory_space<vmem>>, vector<16xf32>,
      tpu.vector_store %arg23[%parallel_loop3A_1700, %parallel_loop3A_1701], %parallel_loop3A_1699 {strides = array<i32>} : memref<128x128xf32, #tpu.memory_space<vmem>>, vector<16xf32>,
      %parallel_loop3A_1703 = arith.index_cast %parallel_loop3A_1642 : i32 to index
      %parallel_loop3A_1704 = arith.constant 96 : index
      %parallel_loop3A_1705 = tpu.vector_load %arg21[%parallel_loop3A_1703, %parallel_loop3A_1704] {strides = array<i32>} : memref<128x128xf32, #tpu.memory_space<vmem>>, vector<16xf32>,
      %parallel_loop3A_1706 = arith.index_cast %parallel_loop3A_1642 : i32 to index
      %parallel_loop3A_1707 = arith.constant 96 : index
      %parallel_loop3A_1708 = tpu.vector_load %arg23[%parallel_loop3A_1706, %parallel_loop3A_1707] {strides = array<i32>} : memref<128x128xf32, #tpu.memory_space<vmem>>, vector<16xf32>,
      %parallel_loop3A_1709 = arith.addf %parallel_loop3A_1708, %parallel_loop3A_1705 : vector<16xf32>
      %parallel_loop3A_1710 = arith.index_cast %parallel_loop3A_1642 : i32 to index
      %parallel_loop3A_1711 = arith.constant 96 : index
      %parallel_loop3A_1712 = tpu.vector_load %arg23[%parallel_loop3A_1710, %parallel_loop3A_1711] {strides = array<i32>} : memref<128x128xf32, #tpu.memory_space<vmem>>, vector<16xf32>,
      tpu.vector_store %arg23[%parallel_loop3A_1710, %parallel_loop3A_1711], %parallel_loop3A_1709 {strides = array<i32>} : memref<128x128xf32, #tpu.memory_space<vmem>>, vector<16xf32>,
      %parallel_loop3A_1713 = arith.index_cast %parallel_loop3A_1642 : i32 to index
      %parallel_loop3A_1714 = arith.constant 112 : index
      %parallel_loop3A_1715 = tpu.vector_load %arg21[%parallel_loop3A_1713, %parallel_loop3A_1714] {strides = array<i32>} : memref<128x128xf32, #tpu.memory_space<vmem>>, vector<16xf32>,
      %parallel_loop3A_1716 = arith.index_cast %parallel_loop3A_1642 : i32 to index
      %parallel_loop3A_1717 = arith.constant 112 : index
      %parallel_loop3A_1718 = tpu.vector_load %arg23[%parallel_loop3A_1716, %parallel_loop3A_1717] {strides = array<i32>} : memref<128x128xf32, #tpu.memory_space<vmem>>, vector<16xf32>,
      %parallel_loop3A_1719 = arith.addf %parallel_loop3A_1718, %parallel_loop3A_1715 : vector<16xf32>
      %parallel_loop3A_1720 = arith.index_cast %parallel_loop3A_1642 : i32 to index
      %parallel_loop3A_1721 = arith.constant 112 : index
      %parallel_loop3A_1722 = tpu.vector_load %arg23[%parallel_loop3A_1720, %parallel_loop3A_1721] {strides = array<i32>} : memref<128x128xf32, #tpu.memory_space<vmem>>, vector<16xf32>,
      tpu.vector_store %arg23[%parallel_loop3A_1720, %parallel_loop3A_1721], %parallel_loop3A_1719 {strides = array<i32>} : memref<128x128xf32, #tpu.memory_space<vmem>>, vector<16xf32>,
    } {sc.loop_unroll_factor = 1 : i64, sc.parallel_access}
    %dma_start3A_1621 = arith.constant 384 : i32
    %dma_start3A_1622 = tpu.memref_slice %arg10[%dma_start3A_1621] : memref<512xi32, #tpu.memory_space<vmem>> -> memref<128xi32, #tpu.memory_space<vmem>>
    %dma_start3A_1623 = arith.constant 0 : i32
    %dma_start3A_1624 = arith.constant 0 : i32
    %dma_start3A_1625 = tpu.memref_slice %arg7[%dma_start3A_1623, %dma_start3A_1624] : memref<100000x128xf32, #tpu.memory_space<hbm>> -> memref<100000x128xf32, #tpu.memory_space<hbm>>
    tpu.enqueue_indirect_dma source(%dma_start3A_1625 : memref<100000x128xf32, #tpu.memory_space<hbm>>) target(%arg21 : memref<128x128xf32, #tpu.memory_space<vmem>>) offsets(%dma_start3A_1622 : memref<128xi32, #tpu.memory_space<vmem>>) semaphore(%arg26 : memref<!tpu.dma_semaphore, #tpu.memory_space<semaphore_mem>>)
    %dma_wait3A_1626 = arith.constant 256 : i32
    %dma_wait3A_1627 = tpu.memref_slice %arg10[%dma_wait3A_1626] : memref<512xi32, #tpu.memory_space<vmem>> -> memref<128xi32, #tpu.memory_space<vmem>>
    %dma_wait3A_1628 = arith.constant 0 : i32
    %dma_wait3A_1629 = arith.constant 0 : i32
    %dma_wait3A_1630 = tpu.memref_slice %arg7[%dma_wait3A_1628, %dma_wait3A_1629] : memref<100000x128xf32, #tpu.memory_space<hbm>> -> memref<100000x128xf32, #tpu.memory_space<hbm>>
    tpu.wait_indirect_dma semaphore(%arg26 : memref<!tpu.dma_semaphore, #tpu.memory_space<semaphore_mem>>) src(%dma_wait3A_1630 : memref<100000x128xf32, #tpu.memory_space<hbm>>) dst(%arg20 : memref<128x128xf32, #tpu.memory_space<vmem>>)
    %parallel_loop3A_1631 = arith.constant 0 : i32
    %parallel_loop3A_1632 = arith.constant 128 : i32
    %parallel_loop3A_1633 = arith.constant 1 : i32
    scf.for %parallel_loop3A_1642 = %parallel_loop3A_1631 to %parallel_loop3A_1632 step %parallel_loop3A_1633  : i32 {
      %parallel_loop3A_1643 = arith.index_cast %parallel_loop3A_1642 : i32 to index
      %parallel_loop3A_1644 = arith.constant 0 : index
      %parallel_loop3A_1645 = tpu.vector_load %arg20[%parallel_loop3A_1643, %parallel_loop3A_1644] {strides = array<i32>} : memref<128x128xf32, #tpu.memory_space<vmem>>, vector<16xf32>,
      %parallel_loop3A_1646 = arith.index_cast %parallel_loop3A_1642 : i32 to index
      %parallel_loop3A_1647 = arith.constant 0 : index
      %parallel_loop3A_1648 = tpu.vector_load %arg23[%parallel_loop3A_1646, %parallel_loop3A_1647] {strides = array<i32>} : memref<128x128xf32, #tpu.memory_space<vmem>>, vector<16xf32>,
      %parallel_loop3A_1649 = arith.addf %parallel_loop3A_1648, %parallel_loop3A_1645 : vector<16xf32>
      %parallel_loop3A_1650 = arith.index_cast %parallel_loop3A_1642 : i32 to index
      %parallel_loop3A_1651 = arith.constant 0 : index
      %parallel_loop3A_1652 = tpu.vector_load %arg23[%parallel_loop3A_1650, %parallel_loop3A_1651] {strides = array<i32>} : memref<128x128xf32, #tpu.memory_space<vmem>>, vector<16xf32>,
      tpu.vector_store %arg23[%parallel_loop3A_1650, %parallel_loop3A_1651], %parallel_loop3A_1649 {strides = array<i32>} : memref<128x128xf32, #tpu.memory_space<vmem>>, vector<16xf32>,
      %parallel_loop3A_1653 = arith.index_cast %parallel_loop3A_1642 : i32 to index
      %parallel_loop3A_1654 = arith.constant 16 : index
      %parallel_loop3A_1655 = tpu.vector_load %arg20[%parallel_loop3A_1653, %parallel_loop3A_1654] {strides = array<i32>} : memref<128x128xf32, #tpu.memory_space<vmem>>, vector<16xf32>,
      %parallel_loop3A_1656 = arith.index_cast %parallel_loop3A_1642 : i32 to index
      %parallel_loop3A_1657 = arith.constant 16 : index
      %parallel_loop3A_1658 = tpu.vector_load %arg23[%parallel_loop3A_1656, %parallel_loop3A_1657] {strides = array<i32>} : memref<128x128xf32, #tpu.memory_space<vmem>>, vector<16xf32>,
      %parallel_loop3A_1659 = arith.addf %parallel_loop3A_1658, %parallel_loop3A_1655 : vector<16xf32>
      %parallel_loop3A_1660 = arith.index_cast %parallel_loop3A_1642 : i32 to index
      %parallel_loop3A_1661 = arith.constant 16 : index
      %parallel_loop3A_1662 = tpu.vector_load %arg23[%parallel_loop3A_1660, %parallel_loop3A_1661] {strides = array<i32>} : memref<128x128xf32, #tpu.memory_space<vmem>>, vector<16xf32>,
      tpu.vector_store %arg23[%parallel_loop3A_1660, %parallel_loop3A_1661], %parallel_loop3A_1659 {strides = array<i32>} : memref<128x128xf32, #tpu.memory_space<vmem>>, vector<16xf32>,
      %parallel_loop3A_1663 = arith.index_cast %parallel_loop3A_1642 : i32 to index
      %parallel_loop3A_1664 = arith.constant 32 : index
      %parallel_loop3A_1665 = tpu.vector_load %arg20[%parallel_loop3A_1663, %parallel_loop3A_1664] {strides = array<i32>} : memref<128x128xf32, #tpu.memory_space<vmem>>, vector<16xf32>,
      %parallel_loop3A_1666 = arith.index_cast %parallel_loop3A_1642 : i32 to index
      %parallel_loop3A_1667 = arith.constant 32 : index
      %parallel_loop3A_1668 = tpu.vector_load %arg23[%parallel_loop3A_1666, %parallel_loop3A_1667] {strides = array<i32>} : memref<128x128xf32, #tpu.memory_space<vmem>>, vector<16xf32>,
      %parallel_loop3A_1669 = arith.addf %parallel_loop3A_1668, %parallel_loop3A_1665 : vector<16xf32>
      %parallel_loop3A_1670 = arith.index_cast %parallel_loop3A_1642 : i32 to index
      %parallel_loop3A_1671 = arith.constant 32 : index
      %parallel_loop3A_1672 = tpu.vector_load %arg23[%parallel_loop3A_1670, %parallel_loop3A_1671] {strides = array<i32>} : memref<128x128xf32, #tpu.memory_space<vmem>>, vector<16xf32>,
      tpu.vector_store %arg23[%parallel_loop3A_1670, %parallel_loop3A_1671], %parallel_loop3A_1669 {strides = array<i32>} : memref<128x128xf32, #tpu.memory_space<vmem>>, vector<16xf32>,
      %parallel_loop3A_1673 = arith.index_cast %parallel_loop3A_1642 : i32 to index
      %parallel_loop3A_1674 = arith.constant 48 : index
      %parallel_loop3A_1675 = tpu.vector_load %arg20[%parallel_loop3A_1673, %parallel_loop3A_1674] {strides = array<i32>} : memref<128x128xf32, #tpu.memory_space<vmem>>, vector<16xf32>,
      %parallel_loop3A_1676 = arith.index_cast %parallel_loop3A_1642 : i32 to index
      %parallel_loop3A_1677 = arith.constant 48 : index
      %parallel_loop3A_1678 = tpu.vector_load %arg23[%parallel_loop3A_1676, %parallel_loop3A_1677] {strides = array<i32>} : memref<128x128xf32, #tpu.memory_space<vmem>>, vector<16xf32>,
      %parallel_loop3A_1679 = arith.addf %parallel_loop3A_1678, %parallel_loop3A_1675 : vector<16xf32>
      %parallel_loop3A_1680 = arith.index_cast %parallel_loop3A_1642 : i32 to index
      %parallel_loop3A_1681 = arith.constant 48 : index
      %parallel_loop3A_1682 = tpu.vector_load %arg23[%parallel_loop3A_1680, %parallel_loop3A_1681] {strides = array<i32>} : memref<128x128xf32, #tpu.memory_space<vmem>>, vector<16xf32>,
      tpu.vector_store %arg23[%parallel_loop3A_1680, %parallel_loop3A_1681], %parallel_loop3A_1679 {strides = array<i32>} : memref<128x128xf32, #tpu.memory_space<vmem>>, vector<16xf32>,
      %parallel_loop3A_1683 = arith.index_cast %parallel_loop3A_1642 : i32 to index
      %parallel_loop3A_1684 = arith.constant 64 : index
      %parallel_loop3A_1685 = tpu.vector_load %arg20[%parallel_loop3A_1683, %parallel_loop3A_1684] {strides = array<i32>} : memref<128x128xf32, #tpu.memory_space<vmem>>, vector<16xf32>,
      %parallel_loop3A_1686 = arith.index_cast %parallel_loop3A_1642 : i32 to index
      %parallel_loop3A_1687 = arith.constant 64 : index
      %parallel_loop3A_1688 = tpu.vector_load %arg23[%parallel_loop3A_1686, %parallel_loop3A_1687] {strides = array<i32>} : memref<128x128xf32, #tpu.memory_space<vmem>>, vector<16xf32>,
      %parallel_loop3A_1689 = arith.addf %parallel_loop3A_1688, %parallel_loop3A_1685 : vector<16xf32>
      %parallel_loop3A_1690 = arith.index_cast %parallel_loop3A_1642 : i32 to index
      %parallel_loop3A_1691 = arith.constant 64 : index
      %parallel_loop3A_1692 = tpu.vector_load %arg23[%parallel_loop3A_1690, %parallel_loop3A_1691] {strides = array<i32>} : memref<128x128xf32, #tpu.memory_space<vmem>>, vector<16xf32>,
      tpu.vector_store %arg23[%parallel_loop3A_1690, %parallel_loop3A_1691], %parallel_loop3A_1689 {strides = array<i32>} : memref<128x128xf32, #tpu.memory_space<vmem>>, vector<16xf32>,
      %parallel_loop3A_1693 = arith.index_cast %parallel_loop3A_1642 : i32 to index
      %parallel_loop3A_1694 = arith.constant 80 : index
      %parallel_loop3A_1695 = tpu.vector_load %arg20[%parallel_loop3A_1693, %parallel_loop3A_1694] {strides = array<i32>} : memref<128x128xf32, #tpu.memory_space<vmem>>, vector<16xf32>,
      %parallel_loop3A_1696 = arith.index_cast %parallel_loop3A_1642 : i32 to index
      %parallel_loop3A_1697 = arith.constant 80 : index
      %parallel_loop3A_1698 = tpu.vector_load %arg23[%parallel_loop3A_1696, %parallel_loop3A_1697] {strides = array<i32>} : memref<128x128xf32, #tpu.memory_space<vmem>>, vector<16xf32>,
      %parallel_loop3A_1699 = arith.addf %parallel_loop3A_1698, %parallel_loop3A_1695 : vector<16xf32>
      %parallel_loop3A_1700 = arith.index_cast %parallel_loop3A_1642 : i32 to index
      %parallel_loop3A_1701 = arith.constant 80 : index
      %parallel_loop3A_1702 = tpu.vector_load %arg23[%parallel_loop3A_1700, %parallel_loop3A_1701] {strides = array<i32>} : memref<128x128xf32, #tpu.memory_space<vmem>>, vector<16xf32>,
      tpu.vector_store %arg23[%parallel_loop3A_1700, %parallel_loop3A_1701], %parallel_loop3A_1699 {strides = array<i32>} : memref<128x128xf32, #tpu.memory_space<vmem>>, vector<16xf32>,
      %parallel_loop3A_1703 = arith.index_cast %parallel_loop3A_1642 : i32 to index
      %parallel_loop3A_1704 = arith.constant 96 : index
      %parallel_loop3A_1705 = tpu.vector_load %arg20[%parallel_loop3A_1703, %parallel_loop3A_1704] {strides = array<i32>} : memref<128x128xf32, #tpu.memory_space<vmem>>, vector<16xf32>,
      %parallel_loop3A_1706 = arith.index_cast %parallel_loop3A_1642 : i32 to index
      %parallel_loop3A_1707 = arith.constant 96 : index
      %parallel_loop3A_1708 = tpu.vector_load %arg23[%parallel_loop3A_1706, %parallel_loop3A_1707] {strides = array<i32>} : memref<128x128xf32, #tpu.memory_space<vmem>>, vector<16xf32>,
      %parallel_loop3A_1709 = arith.addf %parallel_loop3A_1708, %parallel_loop3A_1705 : vector<16xf32>
      %parallel_loop3A_1710 = arith.index_cast %parallel_loop3A_1642 : i32 to index
      %parallel_loop3A_1711 = arith.constant 96 : index
      %parallel_loop3A_1712 = tpu.vector_load %arg23[%parallel_loop3A_1710, %parallel_loop3A_1711] {strides = array<i32>} : memref<128x128xf32, #tpu.memory_space<vmem>>, vector<16xf32>,
      tpu.vector_store %arg23[%parallel_loop3A_1710, %parallel_loop3A_1711], %parallel_loop3A_1709 {strides = array<i32>} : memref<128x128xf32, #tpu.memory_space<vmem>>, vector<16xf32>,
      %parallel_loop3A_1713 = arith.index_cast %parallel_loop3A_1642 : i32 to index
      %parallel_loop3A_1714 = arith.constant 112 : index
      %parallel_loop3A_1715 = tpu.vector_load %arg20[%parallel_loop3A_1713, %parallel_loop3A_1714] {strides = array<i32>} : memref<128x128xf32, #tpu.memory_space<vmem>>, vector<16xf32>,
      %parallel_loop3A_1716 = arith.index_cast %parallel_loop3A_1642 : i32 to index
      %parallel_loop3A_1717 = arith.constant 112 : index
      %parallel_loop3A_1718 = tpu.vector_load %arg23[%parallel_loop3A_1716, %parallel_loop3A_1717] {strides = array<i32>} : memref<128x128xf32, #tpu.memory_space<vmem>>, vector<16xf32>,
      %parallel_loop3A_1719 = arith.addf %parallel_loop3A_1718, %parallel_loop3A_1715 : vector<16xf32>
      %parallel_loop3A_1720 = arith.index_cast %parallel_loop3A_1642 : i32 to index
      %parallel_loop3A_1721 = arith.constant 112 : index
      %parallel_loop3A_1722 = tpu.vector_load %arg23[%parallel_loop3A_1720, %parallel_loop3A_1721] {strides = array<i32>} : memref<128x128xf32, #tpu.memory_space<vmem>>, vector<16xf32>,
      tpu.vector_store %arg23[%parallel_loop3A_1720, %parallel_loop3A_1721], %parallel_loop3A_1719 {strides = array<i32>} : memref<128x128xf32, #tpu.memory_space<vmem>>, vector<16xf32>,
    } {sc.loop_unroll_factor = 1 : i64, sc.parallel_access}
    %dma_wait3A_1634 = arith.constant 384 : i32
    %dma_wait3A_1635 = tpu.memref_slice %arg10[%dma_wait3A_1634] : memref<512xi32, #tpu.memory_space<vmem>> -> memref<128xi32, #tpu.memory_space<vmem>>
    %dma_wait3A_1636 = arith.constant 0 : i32
    %dma_wait3A_1637 = arith.constant 0 : i32
    %dma_wait3A_1638 = tpu.memref_slice %arg7[%dma_wait3A_1636, %dma_wait3A_1637] : memref<100000x128xf32, #tpu.memory_space<hbm>> -> memref<100000x128xf32, #tpu.memory_space<hbm>>
    tpu.wait_indirect_dma semaphore(%arg26 : memref<!tpu.dma_semaphore, #tpu.memory_space<semaphore_mem>>) src(%dma_wait3A_1638 : memref<100000x128xf32, #tpu.memory_space<hbm>>) dst(%arg21 : memref<128x128xf32, #tpu.memory_space<vmem>>)
    %parallel_loop3A_1639 = arith.constant 0 : i32
    %parallel_loop3A_1640 = arith.constant 128 : i32
    %parallel_loop3A_1641 = arith.constant 1 : i32
    scf.for %parallel_loop3A_1642 = %parallel_loop3A_1639 to %parallel_loop3A_1640 step %parallel_loop3A_1641  : i32 {
      %parallel_loop3A_1643 = arith.index_cast %parallel_loop3A_1642 : i32 to index
      %parallel_loop3A_1644 = arith.constant 0 : index
      %parallel_loop3A_1645 = tpu.vector_load %arg21[%parallel_loop3A_1643, %parallel_loop3A_1644] {strides = array<i32>} : memref<128x128xf32, #tpu.memory_space<vmem>>, vector<16xf32>,
      %parallel_loop3A_1646 = arith.index_cast %parallel_loop3A_1642 : i32 to index
      %parallel_loop3A_1647 = arith.constant 0 : index
      %parallel_loop3A_1648 = tpu.vector_load %arg23[%parallel_loop3A_1646, %parallel_loop3A_1647] {strides = array<i32>} : memref<128x128xf32, #tpu.memory_space<vmem>>, vector<16xf32>,
      %parallel_loop3A_1649 = arith.addf %parallel_loop3A_1648, %parallel_loop3A_1645 : vector<16xf32>
      %parallel_loop3A_1650 = arith.index_cast %parallel_loop3A_1642 : i32 to index
      %parallel_loop3A_1651 = arith.constant 0 : index
      %parallel_loop3A_1652 = tpu.vector_load %arg23[%parallel_loop3A_1650, %parallel_loop3A_1651] {strides = array<i32>} : memref<128x128xf32, #tpu.memory_space<vmem>>, vector<16xf32>,
      tpu.vector_store %arg23[%parallel_loop3A_1650, %parallel_loop3A_1651], %parallel_loop3A_1649 {strides = array<i32>} : memref<128x128xf32, #tpu.memory_space<vmem>>, vector<16xf32>,
      %parallel_loop3A_1653 = arith.index_cast %parallel_loop3A_1642 : i32 to index
      %parallel_loop3A_1654 = arith.constant 16 : index
      %parallel_loop3A_1655 = tpu.vector_load %arg21[%parallel_loop3A_1653, %parallel_loop3A_1654] {strides = array<i32>} : memref<128x128xf32, #tpu.memory_space<vmem>>, vector<16xf32>,
      %parallel_loop3A_1656 = arith.index_cast %parallel_loop3A_1642 : i32 to index
      %parallel_loop3A_1657 = arith.constant 16 : index
      %parallel_loop3A_1658 = tpu.vector_load %arg23[%parallel_loop3A_1656, %parallel_loop3A_1657] {strides = array<i32>} : memref<128x128xf32, #tpu.memory_space<vmem>>, vector<16xf32>,
      %parallel_loop3A_1659 = arith.addf %parallel_loop3A_1658, %parallel_loop3A_1655 : vector<16xf32>
      %parallel_loop3A_1660 = arith.index_cast %parallel_loop3A_1642 : i32 to index
      %parallel_loop3A_1661 = arith.constant 16 : index
      %parallel_loop3A_1662 = tpu.vector_load %arg23[%parallel_loop3A_1660, %parallel_loop3A_1661] {strides = array<i32>} : memref<128x128xf32, #tpu.memory_space<vmem>>, vector<16xf32>,
      tpu.vector_store %arg23[%parallel_loop3A_1660, %parallel_loop3A_1661], %parallel_loop3A_1659 {strides = array<i32>} : memref<128x128xf32, #tpu.memory_space<vmem>>, vector<16xf32>,
      %parallel_loop3A_1663 = arith.index_cast %parallel_loop3A_1642 : i32 to index
      %parallel_loop3A_1664 = arith.constant 32 : index
      %parallel_loop3A_1665 = tpu.vector_load %arg21[%parallel_loop3A_1663, %parallel_loop3A_1664] {strides = array<i32>} : memref<128x128xf32, #tpu.memory_space<vmem>>, vector<16xf32>,
      %parallel_loop3A_1666 = arith.index_cast %parallel_loop3A_1642 : i32 to index
      %parallel_loop3A_1667 = arith.constant 32 : index
      %parallel_loop3A_1668 = tpu.vector_load %arg23[%parallel_loop3A_1666, %parallel_loop3A_1667] {strides = array<i32>} : memref<128x128xf32, #tpu.memory_space<vmem>>, vector<16xf32>,
      %parallel_loop3A_1669 = arith.addf %parallel_loop3A_1668, %parallel_loop3A_1665 : vector<16xf32>
      %parallel_loop3A_1670 = arith.index_cast %parallel_loop3A_1642 : i32 to index
      %parallel_loop3A_1671 = arith.constant 32 : index
      %parallel_loop3A_1672 = tpu.vector_load %arg23[%parallel_loop3A_1670, %parallel_loop3A_1671] {strides = array<i32>} : memref<128x128xf32, #tpu.memory_space<vmem>>, vector<16xf32>,
      tpu.vector_store %arg23[%parallel_loop3A_1670, %parallel_loop3A_1671], %parallel_loop3A_1669 {strides = array<i32>} : memref<128x128xf32, #tpu.memory_space<vmem>>, vector<16xf32>,
      %parallel_loop3A_1673 = arith.index_cast %parallel_loop3A_1642 : i32 to index
      %parallel_loop3A_1674 = arith.constant 48 : index
      %parallel_loop3A_1675 = tpu.vector_load %arg21[%parallel_loop3A_1673, %parallel_loop3A_1674] {strides = array<i32>} : memref<128x128xf32, #tpu.memory_space<vmem>>, vector<16xf32>,
      %parallel_loop3A_1676 = arith.index_cast %parallel_loop3A_1642 : i32 to index
      %parallel_loop3A_1677 = arith.constant 48 : index
      %parallel_loop3A_1678 = tpu.vector_load %arg23[%parallel_loop3A_1676, %parallel_loop3A_1677] {strides = array<i32>} : memref<128x128xf32, #tpu.memory_space<vmem>>, vector<16xf32>,
      %parallel_loop3A_1679 = arith.addf %parallel_loop3A_1678, %parallel_loop3A_1675 : vector<16xf32>
      %parallel_loop3A_1680 = arith.index_cast %parallel_loop3A_1642 : i32 to index
      %parallel_loop3A_1681 = arith.constant 48 : index
      %parallel_loop3A_1682 = tpu.vector_load %arg23[%parallel_loop3A_1680, %parallel_loop3A_1681] {strides = array<i32>} : memref<128x128xf32, #tpu.memory_space<vmem>>, vector<16xf32>,
      tpu.vector_store %arg23[%parallel_loop3A_1680, %parallel_loop3A_1681], %parallel_loop3A_1679 {strides = array<i32>} : memref<128x128xf32, #tpu.memory_space<vmem>>, vector<16xf32>,
      %parallel_loop3A_1683 = arith.index_cast %parallel_loop3A_1642 : i32 to index
      %parallel_loop3A_1684 = arith.constant 64 : index
      %parallel_loop3A_1685 = tpu.vector_load %arg21[%parallel_loop3A_1683, %parallel_loop3A_1684] {strides = array<i32>} : memref<128x128xf32, #tpu.memory_space<vmem>>, vector<16xf32>,
      %parallel_loop3A_1686 = arith.index_cast %parallel_loop3A_1642 : i32 to index
      %parallel_loop3A_1687 = arith.constant 64 : index
      %parallel_loop3A_1688 = tpu.vector_load %arg23[%parallel_loop3A_1686, %parallel_loop3A_1687] {strides = array<i32>} : memref<128x128xf32, #tpu.memory_space<vmem>>, vector<16xf32>,
      %parallel_loop3A_1689 = arith.addf %parallel_loop3A_1688, %parallel_loop3A_1685 : vector<16xf32>
      %parallel_loop3A_1690 = arith.index_cast %parallel_loop3A_1642 : i32 to index
      %parallel_loop3A_1691 = arith.constant 64 : index
      %parallel_loop3A_1692 = tpu.vector_load %arg23[%parallel_loop3A_1690, %parallel_loop3A_1691] {strides = array<i32>} : memref<128x128xf32, #tpu.memory_space<vmem>>, vector<16xf32>,
      tpu.vector_store %arg23[%parallel_loop3A_1690, %parallel_loop3A_1691], %parallel_loop3A_1689 {strides = array<i32>} : memref<128x128xf32, #tpu.memory_space<vmem>>, vector<16xf32>,
      %parallel_loop3A_1693 = arith.index_cast %parallel_loop3A_1642 : i32 to index
      %parallel_loop3A_1694 = arith.constant 80 : index
      %parallel_loop3A_1695 = tpu.vector_load %arg21[%parallel_loop3A_1693, %parallel_loop3A_1694] {strides = array<i32>} : memref<128x128xf32, #tpu.memory_space<vmem>>, vector<16xf32>,
      %parallel_loop3A_1696 = arith.index_cast %parallel_loop3A_1642 : i32 to index
      %parallel_loop3A_1697 = arith.constant 80 : index
      %parallel_loop3A_1698 = tpu.vector_load %arg23[%parallel_loop3A_1696, %parallel_loop3A_1697] {strides = array<i32>} : memref<128x128xf32, #tpu.memory_space<vmem>>, vector<16xf32>,
      %parallel_loop3A_1699 = arith.addf %parallel_loop3A_1698, %parallel_loop3A_1695 : vector<16xf32>
      %parallel_loop3A_1700 = arith.index_cast %parallel_loop3A_1642 : i32 to index
      %parallel_loop3A_1701 = arith.constant 80 : index
      %parallel_loop3A_1702 = tpu.vector_load %arg23[%parallel_loop3A_1700, %parallel_loop3A_1701] {strides = array<i32>} : memref<128x128xf32, #tpu.memory_space<vmem>>, vector<16xf32>,
      tpu.vector_store %arg23[%parallel_loop3A_1700, %parallel_loop3A_1701], %parallel_loop3A_1699 {strides = array<i32>} : memref<128x128xf32, #tpu.memory_space<vmem>>, vector<16xf32>,
      %parallel_loop3A_1703 = arith.index_cast %parallel_loop3A_1642 : i32 to index
      %parallel_loop3A_1704 = arith.constant 96 : index
      %parallel_loop3A_1705 = tpu.vector_load %arg21[%parallel_loop3A_1703, %parallel_loop3A_1704] {strides = array<i32>} : memref<128x128xf32, #tpu.memory_space<vmem>>, vector<16xf32>,
      %parallel_loop3A_1706 = arith.index_cast %parallel_loop3A_1642 : i32 to index
      %parallel_loop3A_1707 = arith.constant 96 : index
      %parallel_loop3A_1708 = tpu.vector_load %arg23[%parallel_loop3A_1706, %parallel_loop3A_1707] {strides = array<i32>} : memref<128x128xf32, #tpu.memory_space<vmem>>, vector<16xf32>,
      %parallel_loop3A_1709 = arith.addf %parallel_loop3A_1708, %parallel_loop3A_1705 : vector<16xf32>
      %parallel_loop3A_1710 = arith.index_cast %parallel_loop3A_1642 : i32 to index
      %parallel_loop3A_1711 = arith.constant 96 : index
      %parallel_loop3A_1712 = tpu.vector_load %arg23[%parallel_loop3A_1710, %parallel_loop3A_1711] {strides = array<i32>} : memref<128x128xf32, #tpu.memory_space<vmem>>, vector<16xf32>,
      tpu.vector_store %arg23[%parallel_loop3A_1710, %parallel_loop3A_1711], %parallel_loop3A_1709 {strides = array<i32>} : memref<128x128xf32, #tpu.memory_space<vmem>>, vector<16xf32>,
      %parallel_loop3A_1713 = arith.index_cast %parallel_loop3A_1642 : i32 to index
      %parallel_loop3A_1714 = arith.constant 112 : index
      %parallel_loop3A_1715 = tpu.vector_load %arg21[%parallel_loop3A_1713, %parallel_loop3A_1714] {strides = array<i32>} : memref<128x128xf32, #tpu.memory_space<vmem>>, vector<16xf32>,
      %parallel_loop3A_1716 = arith.index_cast %parallel_loop3A_1642 : i32 to index
      %parallel_loop3A_1717 = arith.constant 112 : index
      %parallel_loop3A_1718 = tpu.vector_load %arg23[%parallel_loop3A_1716, %parallel_loop3A_1717] {strides = array<i32>} : memref<128x128xf32, #tpu.memory_space<vmem>>, vector<16xf32>,
      %parallel_loop3A_1719 = arith.addf %parallel_loop3A_1718, %parallel_loop3A_1715 : vector<16xf32>
      %parallel_loop3A_1720 = arith.index_cast %parallel_loop3A_1642 : i32 to index
      %parallel_loop3A_1721 = arith.constant 112 : index
      %parallel_loop3A_1722 = tpu.vector_load %arg23[%parallel_loop3A_1720, %parallel_loop3A_1721] {strides = array<i32>} : memref<128x128xf32, #tpu.memory_space<vmem>>, vector<16xf32>,
      tpu.vector_store %arg23[%parallel_loop3A_1720, %parallel_loop3A_1721], %parallel_loop3A_1719 {strides = array<i32>} : memref<128x128xf32, #tpu.memory_space<vmem>>, vector<16xf32>,
    } {sc.loop_unroll_factor = 1 : i64, sc.parallel_access}
    "tpu.region"() ({
      %run_scoped3A = tpu.sem_alloc : memref<!tpu.dma_semaphore, #tpu.memory_space<semaphore_mem>>
      %dma_start3A_1642 = arith.constant 0 : i32
      %dma_start3A_1643 = tpu.memref_slice %arg9[%mul3A_2, %dma_start3A_1642] : memref<4096x128xf32, #tpu.memory_space<hbm>> -> memref<128x128xf32, #tpu.memory_space<hbm>>
      %dma_start3A_1644 = arith.constant 0 : i32
      %dma_start3A_1645 = tpu.memref_slice %arg9[%mul3A_2, %dma_start3A_1644] : memref<4096x128xf32, #tpu.memory_space<hbm>> -> memref<128x128xf32, #tpu.memory_space<hbm>>
      tpu.enqueue_dma source(%arg23 : memref<128x128xf32, #tpu.memory_space<vmem>>) target(%dma_start3A_1645 : memref<128x128xf32, #tpu.memory_space<hbm>>) target_semaphore(%run_scoped3A : memref<!tpu.dma_semaphore, #tpu.memory_space<semaphore_mem>>)
      %dma_wait3A_1646 = arith.constant 0 : i32
      %dma_wait3A_1647 = tpu.memref_slice %arg9[%mul3A_2, %dma_wait3A_1646] : memref<4096x128xf32, #tpu.memory_space<hbm>> -> memref<128x128xf32, #tpu.memory_space<hbm>>
      %dma_wait3A_1648 = arith.constant 0 : i32
      %dma_wait3A_1649 = tpu.memref_slice %arg9[%mul3A_2, %dma_wait3A_1648] : memref<4096x128xf32, #tpu.memory_space<hbm>> -> memref<128x128xf32, #tpu.memory_space<hbm>>
      tpu.wait_dma2 semaphore(%run_scoped3A : memref<!tpu.dma_semaphore, #tpu.memory_space<semaphore_mem>>) src(%arg23 : memref<128x128xf32, #tpu.memory_space<vmem>>) dst(%dma_wait3A_1649 : memref<128x128xf32, #tpu.memory_space<hbm>>)
      tpu.yield
    }) : () -> ()
    return
  }
}

module attributes {stable_mosaic.version = 14 : i64} {
  func.func @_tc_body(%arg0: memref<4096x128xf32, #tpu.memory_space<vmem>>, %arg1: memref<4096x128xf32, #tpu.memory_space<vmem>>, %arg2: memref<16x16xf32, #tpu.memory_space<vmem>>, %arg3: memref<1x16xf32, #tpu.memory_space<vmem>>, %arg4: memref<128x16xf32, #tpu.memory_space<vmem>>, %arg5: memref<1x16xf32, #tpu.memory_space<vmem>>, %arg6: memref<4096x16xf32, #tpu.memory_space<vmem>>, %arg7: memref<4096x32xf32, #tpu.memory_space<vmem>>) attributes {dimension_semantics = [], scalar_prefetch = 0 : i64, scratch_operands = 0 : i64, tpu.core_type = #tpu.core_type<tc>} {
    %get3A = arith.constant 0 : index
    %get3A_0 = arith.constant 0 : index
    %get3A_1 = vector.load %arg0[%get3A, %get3A_0] : memref<4096x128xf32, #tpu.memory_space<vmem>>, vector<4096x16xf32>
    %get3A_2 = arith.constant 0 : index
    %get3A_3 = arith.constant 0 : index
    %get3A_4 = vector.load %arg2[%get3A_2, %get3A_3] : memref<16x16xf32, #tpu.memory_space<vmem>>, vector<16x16xf32>
    %dot_general3A = arith.constant dense<0.000000e+00> : vector<4096x16xf32>
    %dot_general3A_5 = tpu.matmul %get3A_1, %get3A_4, %dot_general3A {dimension_numbers = #tpu.dot_dimension_numbers<[1], [0], [0], [1], [0, 0, 1, 1], [], []>, transpose_lhs_hint = false} : vector<4096x16xf32>, vector<16x16xf32>, vector<4096x16xf32> -> vector<4096x16xf32>
    %get3A_6 = arith.constant 0 : index
    %get3A_7 = arith.constant 0 : index
    %get3A_8 = vector.load %arg3[%get3A_6, %get3A_7] : memref<1x16xf32, #tpu.memory_space<vmem>>, vector<1x16xf32>
    %add3A = vector.broadcast %get3A_8 : vector<1x16xf32> to vector<4096x16xf32>
    %add3A_9 = arith.addf %dot_general3A_5, %add3A : vector<4096x16xf32>
    %logistic3A = arith.negf %add3A_9 : vector<4096x16xf32>
    %logistic3A_10 = math.exp %logistic3A : vector<4096x16xf32>
    %logistic3A_11 = arith.constant 1.000000e+00 : f32
    %logistic3A_12 = vector.broadcast %logistic3A_11 : f32 to vector<4096x16xf32>
    %logistic3A_13 = arith.addf %logistic3A_12, %logistic3A_10 : vector<4096x16xf32>
    %logistic3A_14 = arith.divf %logistic3A_12, %logistic3A_13 : vector<4096x16xf32>
    %swap3A = arith.constant 0 : index
    %swap3A_15 = arith.constant 0 : index
    %swap3A_16 = vector.load %arg6[%swap3A, %swap3A_15] : memref<4096x16xf32, #tpu.memory_space<vmem>>, vector<4096x16xf32>
    tpu.vector_store %arg6[%swap3A, %swap3A_15], %logistic3A_14 {strides = array<i32>} : memref<4096x16xf32, #tpu.memory_space<vmem>>, vector<4096x16xf32>,
    %get3A_17 = arith.constant 0 : index
    %get3A_18 = arith.constant 0 : index
    %get3A_19 = vector.load %arg1[%get3A_17, %get3A_18] : memref<4096x128xf32, #tpu.memory_space<vmem>>, vector<4096x128xf32>
    %get3A_20 = arith.constant 0 : index
    %get3A_21 = arith.constant 0 : index
    %get3A_22 = vector.load %arg4[%get3A_20, %get3A_21] : memref<128x16xf32, #tpu.memory_space<vmem>>, vector<128x16xf32>
    %mul3A = arith.constant 2.500000e-01 : f32
    %mul3A_23 = vector.broadcast %mul3A : f32 to vector<128x16xf32>
    %mul3A_24 = arith.mulf %get3A_22, %mul3A_23 : vector<128x16xf32>
    %dot_general3A_25 = arith.constant dense<0.000000e+00> : vector<4096x16xf32>
    %dot_general3A_26 = tpu.matmul %get3A_19, %mul3A_24, %dot_general3A_25 {dimension_numbers = #tpu.dot_dimension_numbers<[1], [0], [0], [1], [0, 0, 1, 1], [], []>, transpose_lhs_hint = false} : vector<4096x128xf32>, vector<128x16xf32>, vector<4096x16xf32> -> vector<4096x16xf32>
    %get3A_27 = arith.constant 0 : index
    %get3A_28 = arith.constant 0 : index
    %get3A_29 = vector.load %arg5[%get3A_27, %get3A_28] : memref<1x16xf32, #tpu.memory_space<vmem>>, vector<1x16xf32>
    %add3A_30 = vector.broadcast %get3A_29 : vector<1x16xf32> to vector<4096x16xf32>
    %add3A_31 = arith.addf %dot_general3A_26, %add3A_30 : vector<4096x16xf32>
    %concatenate3A = tpu.concatenate %add3A_9, %add3A_31 in 1 : vector<4096x16xf32>, vector<4096x16xf32> -> vector<4096x32xf32>
    %swap3A_32 = arith.constant 0 : index
    %swap3A_33 = arith.constant 0 : index
    %swap3A_34 = vector.load %arg7[%swap3A_32, %swap3A_33] : memref<4096x32xf32, #tpu.memory_space<vmem>>, vector<4096x32xf32>
    tpu.vector_store %arg7[%swap3A_32, %swap3A_33], %concatenate3A {strides = array<i32>} : memref<4096x32xf32, #tpu.memory_space<vmem>>, vector<4096x32xf32>,
    return
  }
}

</mosaic_0001>

<sc_bundles>
// kernel: kernel.4.cloned.1.call-start
scs
__scs_entry_jumppad:
0x0: {  	(pc) =	sbr.rel $0x88, $3  }
0x1: {  	(tag) =	ssettag $0x0;
	lr =	simm.s32 $0x1  }
0x2: {  	[smem:$0x3F97] =	sst lr;
	_ =	strace $0xD0000000  }
0x3: {  	_ = 	snop  }
0x4: {  	_ = 	snop  }
0x5: {  	_ = 	snop  }
0x6: {  	_ = 	snop  }
0x7: {  	_ = 	snop  }
__scs_overlays_trampoline_lowered:
0x8: {  	[smem:$0x3FA6] =	sst s0  }
0x9: {  	[smem:$0x3FA7] =	sst s1  }
0xa: {  	[smem:$0x3FA8] =	sst s2  }
0xb: {  	[smem:$0x3FA9] =	sst s3  }
0xc: {  	[smem:$0x3FAA] =	sst s4  }
0xd: {  	[smem:$0x3FAB] =	sst s5  }
0xe: {  	[smem:$0x3FAC] =	sst s6  }
0xf: {  	[smem:$0x3FAD] =	sst s7  }
0x10: {  	[smem:$0x3FAE] =	sst s8  }
0x11: {  	[smem:$0x3FAF] =	sst s9;
	s0 =	simm.s32 @!p0 $0x0  }
0x12: {  	s1 =	sld [smem:$0x3F95];
	s0 =	simm.s32 @p0 $0x1  }
0x13: {  	[smem:$0x3FB0] =	sst s0;
	s0 =	simm.s32 @!p1 $0x0  }
0x14: {  	s2 =	sld [smem:$0x3F94];
	s0 =	simm.s32 @p1 $0x1  }
0x15: {  	[smem:$0x3FB1] =	sst s0;
	s0 =	simm.s32 @!p2 $0x0  }
0x16: {  	s3 =	sld [smem:$0x3FDB];
	s0 =	simm.s32 @p2 $0x1  }
0x17: {  	s4 =	simm.s32 $0x1BF5;
	[smem:$0x3FB3] =	sst s0  }
0x18: {  	s0 =	sld [smem:$0x3F96];
	_ =	swait.ge [sflag:s4], $0x0  }
0x19: {  	s7 =	sld [smem:$0x3F97]  }
0x1a: {  	s8 =	sadd.s32 $0xFFFFE003, lr  }
0x1b: {  	s9 =	sadd.s32 $0xFFFFFEF7, lr;
	s5 =	simm.s32 $0xFFFFFFFF;
	p2 =	slt.u32 s8, $0xFFFFF086  }
0x1c: {  	p1 =	slt.u32 s9, $0xF7A;
	s5 =	simm.s32 @!p2 $0x0  }
0x1d: {  	s5 =	simm.s32 @p1 $0x1;
	p0 =	seq.s32 s7, s2  }
0x1e: {  	s7 =	smul.u32 @!p0 $0xF7A, s2;
	p2 =	seq.s32 @!p0 s5, $0x0  }
0x1f: {  	s9 =	smul.u32 $0xF7A, s1;
	s8 =	simm.s32 @!p0 $0x1BF5;
	p2 =	por !p2, p0  }
0x20: {  	[sflag:s8] =	ssyncset.s32 @!p0 $0xFFFFF086;
	s6 =	sadd.s32 @!p0 s3, s7;
	s7 =	simm.s32 @!p0 $0x108  }
0x21: {  	s3 =	sadd.s32 s3, s9;
	s6 =	sadd.s32 @!p0 $0x88, s6;
	s7 =	simm.s32 @p2 $0x1082  }
0x22: {  	[simem:s7], [sflag:s8] =	dma.local @!p0 [hbm:s6], $0xF7A  }
0x23: {  	s9 =	sor.u32 $0xD0000000, s2;
	s6 =	simm.s32 $0x108;
	_ =	swait.ge @!p0 [sflag:s8], $0x0  }
0x24: {  	s3 =	sadd.s32 $0x88, s3;
	s6 =	simm.s32 @!p1 $0x1082;
	[sflag:s4] =	ssyncset.s32 $0xFFFFF086  }
0x25: {  	[simem:s6], [sflag:s4] =	dma.local [hbm:s3], $0xF7A  }
0x26: {  	[smem:$0x3F97] =	sst s1;
	(tag) =	ssettag s2;
	_ =	strace s9  }
0x27: {  	s1 =	sld [smem:$0x3FA7]  }
0x28: {  	s2 =	sld [smem:$0x3FA8]  }
0x29: {  	s4 =	sld [smem:$0x3FAA]  }
0x2a: {  	p0 =	seq.s32 s5, $0x0;
	s5 =	sld [smem:$0x3FAB]  }
0x2b: {  	s6 =	sld [smem:$0x3FAC]  }
0x2c: {  	s7 =	sld [smem:$0x3FAD]  }
0x2d: {  	s3 =	simm.s32 $0x108;
	s8 =	sld [smem:$0x3FAE]  }
0x2e: {  	s3 =	simm.s32 @!p0 $0x1082;
	s9 =	sld [smem:$0x3FAF]  }
0x2f: {  	lr =	sadd.s32 s0, s3;
	s0 =	sld [smem:$0x3FA6]  }
0x30: {  	s3 =	sld [smem:$0x3FA9]  }
0x31: {  	[smem:$0x3FB2] =	sst s10  }
0x32: {  	s10 =	sld [smem:$0x3FB0];
	_ =	sdelay $0x3  }
0x33: {  	p0 =	seq.s32 s10, $0x1;
	s10 =	sld [smem:$0x3FB2];
	_ =	sdelay $0x3  }
0x34: {  	[smem:$0x3FB2] =	sst s10  }
0x35: {  	s10 =	sld [smem:$0x3FB1];
	_ =	sdelay $0x3  }
0x36: {  	p1 =	seq.s32 s10, $0x1;
	s10 =	sld [smem:$0x3FB2];
	_ =	sdelay $0x3  }
0x37: {  	[smem:$0x3FB2] =	sst s10  }
0x38: {  	s10 =	sld [smem:$0x3FB3]  }
0x39: {  	_ = 	snop;
	(pc) =	sbr.ind lr, $3  }
0x3a: {  	_ = 	snop  }
0x3b: {  	_ = 	snop  }
0x3c: {  	p2 =	seq.s32 s10, $0x1;
	s10 =	sld [smem:$0x3FB2]  }
0x3d: {  	_ =	shalt  }
0x3e: {  	_ =	shalt  }
0x3f: {  	_ =	shalt  }
0x40: {  	_ =	shalt  }
0x41: {  	_ =	shalt  }
0x42: {  	_ =	shalt  }
0x43: {  	_ =	shalt  }
0x44: {  	_ =	shalt  }
0x45: {  	_ =	shalt  }
0x46: {  	_ =	shalt  }
0x47: {  	_ =	shalt  }
0x48: {  	_ =	shalt  }
0x49: {  	_ =	shalt  }
0x4a: {  	_ =	shalt  }
0x4b: {  	_ =	shalt  }
0x4c: {  	_ =	shalt  }
0x4d: {  	_ =	shalt  }
0x4e: {  	_ =	shalt  }
0x4f: {  	_ =	shalt  }
0x50: {  	_ =	shalt  }
0x51: {  	_ =	shalt  }
0x52: {  	_ =	shalt  }
0x53: {  	_ =	shalt  }
0x54: {  	_ =	shalt  }
0x55: {  	_ =	shalt  }
0x56: {  	_ =	shalt  }
0x57: {  	_ =	shalt  }
0x58: {  	_ =	shalt  }
0x59: {  	_ =	shalt  }
0x5a: {  	_ =	shalt  }
0x5b: {  	_ =	shalt  }
0x5c: {  	_ =	shalt  }
0x5d: {  	_ =	shalt  }
0x5e: {  	_ =	shalt  }
0x5f: {  	_ =	shalt  }
0x60: {  	_ =	shalt  }
0x61: {  	_ =	shalt  }
0x62: {  	_ =	shalt  }
0x63: {  	_ =	shalt  }
0x64: {  	_ =	shalt  }
0x65: {  	_ =	shalt  }
0x66: {  	_ =	shalt  }
0x67: {  	_ =	shalt  }
0x68: {  	_ =	shalt  }
0x69: {  	_ =	shalt  }
0x6a: {  	_ =	shalt  }
0x6b: {  	_ =	shalt  }
0x6c: {  	_ =	shalt  }
0x6d: {  	_ =	shalt  }
0x6e: {  	_ =	shalt  }
0x6f: {  	_ =	shalt  }
0x70: {  	_ =	shalt  }
0x71: {  	_ =	shalt  }
0x72: {  	_ =	shalt  }
0x73: {  	_ =	shalt  }
0x74: {  	_ =	shalt  }
0x75: {  	_ =	shalt  }
0x76: {  	_ =	shalt  }
0x77: {  	_ =	shalt  }
0x78: {  	_ =	shalt  }
0x79: {  	_ =	shalt  }
0x7a: {  	_ =	shalt  }
0x7b: {  	_ =	shalt  }
0x7c: {  	_ =	shalt  }
0x7d: {  	_ =	shalt  }
0x7e: {  	_ =	shalt  }
0x7f: {  	_ =	shalt  }
0x80: {  	_ =	shalt  }
0x81: {  	_ =	shalt  }
0x82: {  	_ =	shalt  }
0x83: {  	_ =	shalt  }
0x84: {  	_ =	shalt  }
0x85: {  	_ =	shalt  }
0x86: {  	_ =	shalt  }
0x87: {  	_ =	shalt  }
.Lfunc_end0:
.L_simem_size_0:
called_computation_lowered:
.L_overlay_start_0:
0x88: {  	s2 =	sld [smem:$0x3FD9]  }
0x89: {  	s3 =	sld [smem:$0x3FFE];
	_ =	sdelay $0x1  }
0x8a: {  	s1 =	srdreg.scid  }
0x8b: {  	s0 =	sand.u32 $0x1, s1  }
0x8c: {  	s14 =	sshll.u32 s0, $0xA;
	s2 =	sadd.s32 s3, s2  }
0x8d: {  	s2 =	sadd.s32 s2, s14  }
0x8e: {  	[smem:$0x3FBE] =	sst s2  }
0x8f: {  	_ = 	snop  }
0x90: {  	s2 =	sld [smem:$0x3FC8]  }
0x91: {  	s15 =	sld [smem:$0x3FD0]  }
0x92: {  	s4 =	sld [smem:$0x3FC7]  }
0x93: {  	s5 =	sld [smem:$0x3FC5]  }
0x94: {  	s7 =	simm.s32 $0xA;
	s8 =	simm.s32 $0x10;
	s6 =	sld [smem:$0x3FC4]  }
0x95: {  	[smem:s8], [sflag:s7] =	dma.local [hbm:s15], $0x1  }
0x96: {  	_ =	swait.eq [sflag:s7], $0x1  }
0x97: {  	[sflag:s7] =	ssyncset.done $0x0  }
0x98: {  	[sflag:s7] =	ssyncadd.s32 $0xFFFFFFFF  }
0x99: {  	s16 =	sld [smem:$0x10];
	(tm) =	ssettm $0x1  }
0x9a: {  	s17 =	sld [smem:$0x3FFB];
	_ =	sdelay $0x3  }
0x9b: {  	_ =	strace s17  }
0x9c: {  	s7 =	sld [smem:$0x3FFC];
	_ =	sdelay $0x3  }
0x9d: {  	_ =	strace s7  }
0x9e: {  	s7 =	sld [smem:$0x3FFD];
	_ =	sdelay $0x3  }
0x9f: {  	_ =	strace s7  }
0xa0: {  	_ =	strace $0x8FFFFFFF  }
0xa1: {  	s18 =	sld [smem:$0x3FDB];
	_ =	sdelay $0x1  }
0xa2: {  	s19 =	simm.s32 $_scs_section_size  }
0xa3: {  	s9 =	simm.s32 $_size__tile_overlayer_lowered;
	s10 =	simm.s32 $_tile_overlayer_lowered  }
0xa4: {  	s22 =	simm.s32 $0x1BFF;
	s21 =	sshll.u32 s10, $0x1;
	s7 =	sadd.s32 s19, s18  }
0xa5: {  	s11 =	simm.s32 $0x0;
	s20 =	sshll.u32 s9, $0x1;
	s9 =	sadd.s32 s21, s7  }
0xa6: {  	[timem:s11], [sflag:s22] =	dma.local [hbm:s9], s20  }
0xa7: {  	_ =	swait.ge [sflag:s22], s20  }
0xa8: {  	s8 =	ssub.s32 $0x0, s20;
	[sflag:s22] =	ssyncset.done $0x0  }
0xa9: {  	[sflag:s22] =	ssyncadd.s32 s8;
	_ =	sdelay $0x1  }
0xaa: {  	s23 =	simm.s32 $0x1B8B  }
0xab: {  	_ =	swait.ge [sflag:s23], $0x1  }
0xac: {  	[sflag:s23] =	ssyncset.done $0x0  }
0xad: {  	s25 =	simm.s32 $0x1B8E;
	s24 =	sld [smem:$0x3FFE];
	[sflag:s23] =	ssyncadd.s32 $0xFFFFFFFF  }
0xae: {  	s26 =	simm.s32 $execute0_lowered;
	[smem:$0x3FD2] =	sst s25  }
0xaf: {  	s9 =	sshll.u32 s26, $0x1;
	_ =	strace $0x80000046;
	[dreg:$0x1] =	wrdreg $0xFFFFFFFF  }
0xb0: {  	s28 =	simm.s32 $_size_execute0_lowered;
	s7 =	sadd.s32 s7, s9;
	[dreg:$0x0] =	wrdreg $0x0  }
0xb1: {  	s9 =	sshll.u32 s28, $0x1;
	[dreg:$0x2] =	wrdreg s7  }
0xb2: {  	[dreg:$0x3] =	wrdreg s9  }
0xb3: {  	[dreg:$0x4] =	wrdreg $0xC0  }
0xb4: {  	_ =	task [dreg:s11], $0x5FFFF  }
0xb5: {  	[dreg:$0x1] =	wrdreg $0xFFFFFFFF  }
0xb6: {  	[dreg:$0x0] =	wrdreg $0x60  }
0xb7: {  	[dreg:$0x2] =	wrdreg s16  }
0xb8: {  	[dreg:$0x3] =	wrdreg s2  }
0xb9: {  	[dreg:$0x4] =	wrdreg s4  }
0xba: {  	[dreg:$0x5] =	wrdreg s24  }
0xbb: {  	[dreg:$0x6] =	wrdreg s5  }
0xbc: {  	[dreg:$0x7] =	wrdreg s6  }
0xbd: {  	[dreg:$0x8] =	wrdreg $0x1A4200  }
0xbe: {  	[dreg:$0x9] =	wrdreg $0x9  }
0xbf: {  	_ =	task.clear_ibuf [dreg:s11], $0xAFFFF;
	_ =	strace $0x90000046  }
0xc0: {  	s29 =	simm.s32 $0x9;
	_ =	strace $0x80000048  }
0xc1: {  	_ =	swait.ge [sflag:s29], $0x1  }
0xc2: {  	[sflag:s29] =	ssyncadd.s32 $0xFFFFFFFF  }
0xc3: {  	_ =	strace $0x90000048  }
0xc4: {  	_ =	sfence  }
0xc5: {  	s30 =	sld [smem:$0x0];
	_ =	sdelay $0x2  }
0xc6: {  	s31 =	sshll.u32 s1, $0xD;
	s1 =	sshrl.u32 s1, $0x2  }
0xc7: {  	s3 =	sand.u32 $0x4000, s31;
	s1 =	sadd.s32 s1, s30  }
0xc8: {  	s0 =	sor.u32 s3, s0;
	s1 =	sshll.u32 s1, $0x11  }
0xc9: {  	s0 =	sor.u32 s1, s0  }
0xca: {  	s0 =	sadd.s32 $0x8F2B, s0  }
0xcb: {  	[sflag:s0] =	ssyncadd.remote.s32 $0x1  }
0xcc: {  	_ =	sfence.sel $0xFFFF  }
0xcd: {  	[dreg:$0x0] =	wrdreg $0xFFFFFFFF;
	(pc) =	sbr.abs _section_cstart, $3  }
0xce: {  	[dreg:$0x1] =	wrdreg $0xFFFFFFFF  }
0xcf: {  	_ =	task.clear_ibuf [dreg:s11], $0x2FFFF;
	_ =	strace $0x9FFFFFFF  }
0xd0: {  	(tm) =	ssettm $0x7FFFFFFF  }
0xd1: {  	_ =	shalt  }
tec
execute0_lowered:
.L_overlay_start_1:
0x0: {  	(tag) =	ssettag $0x1  }
0x1: {  	s0 =	rddreg [dreg:$0x0]  }
0x2: {  	s1 =	rddreg [dreg:$0x1]  }
0x3: {  	s3 =	rddreg [dreg:$0x2]  }
0x4: {  	s6 =	rddreg [dreg:$0x3]  }
0x5: {  	s7 =	rddreg [dreg:$0x4]  }
0x6: {  	s2 =	rddreg [dreg:$0x5]  }
0x7: {  	s13 =	rddreg [dreg:$0x6];
	s4 =	srdreg.scid  }
0x8: {  	s11 =	stileid.u32;
	s17 =	simm.s32 $0x4;
	s15 =	simm.s32 $0xDC20  }
0x9: {  	s16 =	simm.s32 $0x11C20;
	s29 =	simm.s32 $0x9C20;
	s30 =	simm.s32 $0xBC20  }
0xa: {  	s31 =	simm.s32 $0x9CA0;
	s14 =	simm.s32 $0x2;
	s28 =	simm.s32 $0x0  }
0xb: {  	s8 =	sand.u32 $0x1, s4;
	s4 =	simm.s32 $0x0;
	s5 =	sshll.u32 s11, $0x8  }
0xc: {  	s11 =	smul.u32 $0x3100, s11;
	s9 =	sshll.u32 s8, $0x7;
	[smem:$0x7FF] =	sst s4  }
0xd: {  	s8 =	ssub.s32 $0x2, s8;
	s9 =	sor.u32 s9, s5;
	_ =	strace $0x80000047  }
0xe: {  	s5 =	sadd.s32 $0x1800, s6;
	s12 =	sshrl.u32 s8, $0x1;
	s20 =	smin.u32 s11, $0x2DC40  }
0xf: {  	s11 =	simm.s32 $0xBBA0;
	s10 =	sshll.u32 s9, $0x4;
	s9 =	sshrl.u32 s9, $0x3  }
0x10: {  	s18 =	ssub.s32 s8, s12;
	s8 =	sshrl.u32 s20, $0x3;
	s20 =	simm.s32 $0xDB20  }
0x11: {  	s12 =	simm.s32 $0x3;
	s10 =	sadd.s32 s10, s6;
	s7 =	sadd.s32 s7, s8  }
0x12: {  	s6 =	sadd.s32 s0, s9;
	s1 =	sadd.s32 s1, s9;
	[dreg:$0xb] =	wrdreg s7  }
0x13: {  	s23 =	sadd.s32 s3, s9;
	s24 =	sadd.s32 s8, s13;
	[dreg:$0xc] =	wrdreg s1  }
0x14: {  	s0 =	smax.u32 s18, $0x1;
	s18 =	simm.s32 $0x80;
	[dreg:$0xd] =	wrdreg s23  }
0x15: {  	s8 =	simm.s32 $0x100;
	s9 =	simm.s32 $0x180;
	[dreg:$0xe] =	wrdreg s24  }
0x16: {  	s3 =	simm.s32 $0xBAA0;
	s19 =	sadd.s32 $0x200, s6;
	[dreg:$0x11] =	wrdreg s0  }
0x17: {  	s13 =	simm.s32 $0x1;
	s21 =	sadd.s32 $0x400, s6;
	[dreg:$0x8] =	wrdreg s19  }
0x18: {  	s22 =	sadd.s32 $0x600, s6;
	s25 =	sadd.s32 $0x63400, s10;
	[dreg:$0x9] =	wrdreg s21  }
0x19: {  	v0 =	vlaneseq.u32;
	s26 =	sadd.s32 $0x73400, s10;
	s23 =	simm.s32 $0x280;
	[dreg:$0xa] =	wrdreg s22  }
0x1a: {  	v1 =	vmul.u32 $0x186A0, v0;
	s10 =	simm.s32 $0xBB20;
	s24 =	simm.s32 $0xDBA0;
	[dreg:$0xf] =	wrdreg s25  }
0x1b: {  	v4 =	vimm.f32 $0.0e+00;
	[dreg:$0x10] =	wrdreg s26;
	s21 =	simm.s32 $0x6500;
	s22 =	simm.s32 $0x200  }
0x1c: {  	v5 =	vimm.f32 $1.000000000e+00;
	v3 =	vmul.u32 $0x8, v0;
	v2 =	vadd.s32 $0x186A00, v1;
	s19 =	simm.s32 $0xDAA0;
	s25 =	simm.s32 $0x300;
	s26 =	simm.s32 $0x15C20  }
.LBB2_1:
0x1d: {  	[tilespmem:s4], [sflag:$0x4] =	stream.linear.gather [hbm4b:s6+s4], $0x80, $0x38;
	[tilespmem:$0x1AA40] =	vst v63  }
0x1e: {  	_ =	swait.ge [sflag:s17], $0x80  }
0x1f: {  	[sflag:s17] =	ssyncset.done $0x0  }
0x20: {  	s0 =	rddreg [dreg:$0x8];
	[sflag:s17] =	ssyncadd.s32 $0xFFFFFF80  }
0x21: {  	[tilespmem:s18], [sflag:$0x4] =	stream.linear.gather [hbm4b:s0+s4], $0x80, $0x38;
	[tilespmem:$0x1AA40] =	vst v63  }
0x22: {  	_ =	swait.ge [sflag:s17], $0x80  }
0x23: {  	[sflag:s17] =	ssyncset.done $0x0  }
0x24: {  	s7 =	rddreg [dreg:$0x9];
	[sflag:s17] =	ssyncadd.s32 $0xFFFFFF80  }
0x25: {  	[tilespmem:s8], [sflag:$0x4] =	stream.linear.gather [hbm4b:s7+s4], $0x80, $0x38;
	[tilespmem:$0x1AA40] =	vst v63  }
0x26: {  	_ =	swait.ge [sflag:s17], $0x80  }
0x27: {  	[sflag:s17] =	ssyncset.done $0x0  }
0x28: {  	s1 =	rddreg [dreg:$0xa];
	[sflag:s17] =	ssyncadd.s32 $0xFFFFFF80  }
0x29: {  	[tilespmem:s9], [sflag:$0x4] =	stream.linear.gather [hbm4b:s1+s4], $0x80, $0x38;
	[tilespmem:$0x1AA40] =	vst v63  }
0x2a: {  	_ =	swait.ge [sflag:s17], $0x80  }
0x2b: {  	[sflag:s17] =	ssyncset.done $0x0  }
0x2c: {  	s7 =	rddreg [dreg:$0xb];
	[sflag:s17] =	ssyncadd.s32 $0xFFFFFF80  }
0x2d: {  	[tilespmem:s21], [sflag:$0x3] =	stream.linear.gather [hbm4b:s7+s4], $0x3100, $0x38;
	[tilespmem:$0x1AA40] =	vst v63  }
0x2e: {  	s8 =	rddreg [dreg:$0xc]  }
0x2f: {  	[tilespmem:s22], [sflag:$0x4] =	stream.linear.gather [hbm4b:s8+s4], $0x80, $0x38;
	[tilespmem:$0x1AA40] =	vst v63  }
0x30: {  	_ =	swait.ge [sflag:s17], $0x80  }
0x31: {  	[sflag:s17] =	ssyncset.done $0x0  }
0x32: {  	s9 =	rddreg [dreg:$0xd];
	[sflag:s17] =	ssyncadd.s32 $0xFFFFFF80  }
0x33: {  	[tilespmem:s23], [sflag:$0x4] =	stream.linear.gather [hbm4b:s9+s4], $0x80, $0x38;
	[tilespmem:$0x1AA40] =	vst v63  }
0x34: {  	_ =	swait.ge [sflag:s17], $0x80  }
0x35: {  	[sflag:s17] =	ssyncset.done $0x0  }
0x36: {  	v6 =	vmov s4;
	[sflag:s17] =	ssyncadd.s32 $0xFFFFFF80  }
0x37: {  	[tilespmem:s15], [sflag:$0x2] =	stream.indirect.gather [hbm4b:s2+s18], $0x80, s4, s18, $0xb8;
	[tilespmem:$0x1AA40] =	vst v63  }
0x38: {  	_ = 	snop  }
0x39: {  	[tilespmem:s16], [sflag:$0x2] =	stream.indirect.gather [hbm4b:s2+s18], $0x80, s18, s18, $0xb8;
	[tilespmem:$0x1AA40] =	vst v63  }
0x3a: {  	s16 =	simm.s32 $0x1  }
0x3b: {  	v8 =	vld.idx.msk [tilespmem:v6+s4+$0x0], $0xffff;
	v6 =	vmov s16;
	_ =	sdelay $0x4  }
0x3c: {  	s0 =	simm.s32 $0x9C30;
	s1 =	simm.s32 $0x2;
	v6 =	vld.idx.msk [tilespmem:v6+s4+$0x0], $0xffff;
	v7 =	vadd.s32 v1, v8;
	v8 =	vadd.s32 v2, v8  }
.LBB2_2:
0x3d: {  	v9 =	vmov s1;
	p0 =	sne.s32 s1, $0x7F;
	s1 =	sadd.s32 $0x1, s1;
	[tilespmem:s0+$0x0] =	vst v8  }
.Ltmp0:
0x3e: {  	[tilespmem:s0+$0xFFFFFFF0] =	vst v7;
	(pc) =	sbr.rel @p0 .LBB2_2-.Ltmp0, $2  }
0x3f: {  	_ =	sdelay $0x2  }
0x40: {  	s0 =	sadd.s32 $0x20, s0;
	v7 =	vadd.s32 v1, v6;
	v8 =	vadd.s32 v2, v6;
	v6 =	vld.idx.msk [tilespmem:v9+s4+$0x0], $0xffff  }
0x41: {  	_ =	sdelay $0x2  }
0x42: {  	[tilespmem:s0+$0x0] =	vst v8  }
0x43: {  	[tilespmem:s0+$0xFFFFFFF0] =	vst v7;
	s8 =	sadd.s32 $0x20, s0;
	v7 =	vadd.s32 v2, v6  }
0x44: {  	v6 =	vadd.s32 v1, v6;
	[tilespmem:s8+$0x0] =	vst v7  }
0x45: {  	s0 =	simm.s32 $0x80;
	[tilespmem:s8+$0xFFFFFFF0] =	vst v6  }
0x46: {  	[tilespmem:s30], [sflag:$0x1] =	stream.indirect.gather [hbm4b:s5+s0], $0x1, s29, s0, $0xb8;
	[tilespmem:$0x1AA40] =	vst v63  }
0x47: {  	s1 =	simm.s32 $0xBCA0  }
0x48: {  	[tilespmem:s1], [sflag:$0x1] =	stream.indirect.gather [hbm4b:s5+s0], $0x1, s31, s0, $0xb8;
	[tilespmem:$0x1AA40] =	vst v63  }
0x49: {  	s9 =	simm.s32 $0x9D20;
	s7 =	simm.s32 $0xBD20  }
0x4a: {  	[tilespmem:s7], [sflag:$0x1] =	stream.indirect.gather [hbm4b:s5+s0], $0x1, s9, s0, $0xb8;
	[tilespmem:$0x1AA40] =	vst v63  }
0x4b: {  	s15 =	simm.s32 $0x9DA0;
	s16 =	simm.s32 $0xBDA0  }
0x4c: {  	[tilespmem:s16], [sflag:$0x1] =	stream.indirect.gather [hbm4b:s5+s0], $0x1, s15, s0, $0xb8;
	[tilespmem:$0x1AA40] =	vst v63  }
0x4d: {  	s8 =	simm.s32 $0x9E20;
	s9 =	simm.s32 $0xBE20  }
0x4e: {  	[tilespmem:s9], [sflag:$0x1] =	stream.indirect.gather [hbm4b:s5+s0], $0x1, s8, s0, $0xb8;
	[tilespmem:$0x1AA40] =	vst v63  }
0x4f: {  	s15 =	simm.s32 $0x9EA0;
	s16 =	simm.s32 $0xBEA0  }
0x50: {  	[tilespmem:s16], [sflag:$0x1] =	stream.indirect.gather [hbm4b:s5+s0], $0x1, s15, s0, $0xb8;
	[tilespmem:$0x1AA40] =	vst v63  }
0x51: {  	s8 =	simm.s32 $0x9F20;
	s9 =	simm.s32 $0xBF20  }
0x52: {  	[tilespmem:s9], [sflag:$0x1] =	stream.indirect.gather [hbm4b:s5+s0], $0x1, s8, s0, $0xb8;
	[tilespmem:$0x1AA40] =	vst v63  }
0x53: {  	s15 =	simm.s32 $0x9FA0;
	s16 =	simm.s32 $0xBFA0  }
0x54: {  	[tilespmem:s16], [sflag:$0x1] =	stream.indirect.gather [hbm4b:s5+s0], $0x1, s15, s0, $0xb8;
	[tilespmem:$0x1AA40] =	vst v63  }
0x55: {  	s8 =	simm.s32 $0xA020;
	s9 =	simm.s32 $0xC020  }
0x56: {  	[tilespmem:s9], [sflag:$0x1] =	stream.indirect.gather [hbm4b:s5+s0], $0x1, s8, s0, $0xb8;
	[tilespmem:$0x1AA40] =	vst v63  }
0x57: {  	s15 =	simm.s32 $0xA0A0;
	s16 =	simm.s32 $0xC0A0  }
0x58: {  	[tilespmem:s16], [sflag:$0x1] =	stream.indirect.gather [hbm4b:s5+s0], $0x1, s15, s0, $0xb8;
	[tilespmem:$0x1AA40] =	vst v63  }
0x59: {  	s8 =	simm.s32 $0xA120;
	s9 =	simm.s32 $0xC120  }
0x5a: {  	[tilespmem:s9], [sflag:$0x1] =	stream.indirect.gather [hbm4b:s5+s0], $0x1, s8, s0, $0xb8;
	[tilespmem:$0x1AA40] =	vst v63  }
0x5b: {  	s15 =	simm.s32 $0xA1A0;
	s16 =	simm.s32 $0xC1A0  }
0x5c: {  	[tilespmem:s16], [sflag:$0x1] =	stream.indirect.gather [hbm4b:s5+s0], $0x1, s15, s0, $0xb8;
	[tilespmem:$0x1AA40] =	vst v63  }
0x5d: {  	s8 =	simm.s32 $0xA220;
	s9 =	simm.s32 $0xC220  }
0x5e: {  	[tilespmem:s9], [sflag:$0x1] =	stream.indirect.gather [hbm4b:s5+s0], $0x1, s8, s0, $0xb8;
	[tilespmem:$0x1AA40] =	vst v63  }
0x5f: {  	s15 =	simm.s32 $0xA2A0;
	s16 =	simm.s32 $0xC2A0  }
0x60: {  	[tilespmem:s16], [sflag:$0x1] =	stream.indirect.gather [hbm4b:s5+s0], $0x1, s15, s0, $0xb8;
	[tilespmem:$0x1AA40] =	vst v63  }
0x61: {  	s8 =	simm.s32 $0xA320;
	s9 =	simm.s32 $0xC320  }
0x62: {  	[tilespmem:s9], [sflag:$0x1] =	stream.indirect.gather [hbm4b:s5+s0], $0x1, s8, s0, $0xb8;
	[tilespmem:$0x1AA40] =	vst v63  }
0x63: {  	s15 =	simm.s32 $0xA3A0;
	s16 =	simm.s32 $0xC3A0  }
0x64: {  	[tilespmem:s16], [sflag:$0x1] =	stream.indirect.gather [hbm4b:s5+s0], $0x1, s15, s0, $0xb8;
	[tilespmem:$0x1AA40] =	vst v63  }
0x65: {  	s8 =	simm.s32 $0xA420;
	s9 =	simm.s32 $0xC420  }
0x66: {  	[tilespmem:s9], [sflag:$0x1] =	stream.indirect.gather [hbm4b:s5+s0], $0x1, s8, s0, $0xb8;
	[tilespmem:$0x1AA40] =	vst v63  }
0x67: {  	s15 =	simm.s32 $0xA4A0;
	s16 =	simm.s32 $0xC4A0  }
0x68: {  	[tilespmem:s16], [sflag:$0x1] =	stream.indirect.gather [hbm4b:s5+s0], $0x1, s15, s0, $0xb8;
	[tilespmem:$0x1AA40] =	vst v63  }
0x69: {  	s8 =	simm.s32 $0xA520;
	s9 =	simm.s32 $0xC520  }
0x6a: {  	[tilespmem:s9], [sflag:$0x1] =	stream.indirect.gather [hbm4b:s5+s0], $0x1, s8, s0, $0xb8;
	[tilespmem:$0x1AA40] =	vst v63  }
0x6b: {  	s15 =	simm.s32 $0xA5A0;
	s16 =	simm.s32 $0xC5A0  }
0x6c: {  	[tilespmem:s16], [sflag:$0x1] =	stream.indirect.gather [hbm4b:s5+s0], $0x1, s15, s0, $0xb8;
	[tilespmem:$0x1AA40] =	vst v63  }
0x6d: {  	s8 =	simm.s32 $0xA620;
	s9 =	simm.s32 $0xC620  }
0x6e: {  	[tilespmem:s9], [sflag:$0x1] =	stream.indirect.gather [hbm4b:s5+s0], $0x1, s8, s0, $0xb8;
	[tilespmem:$0x1AA40] =	vst v63  }
0x6f: {  	s15 =	simm.s32 $0xA6A0;
	s16 =	simm.s32 $0xC6A0  }
0x70: {  	[tilespmem:s16], [sflag:$0x1] =	stream.indirect.gather [hbm4b:s5+s0], $0x1, s15, s0, $0xb8;
	[tilespmem:$0x1AA40] =	vst v63  }
0x71: {  	s8 =	simm.s32 $0xA720;
	s9 =	simm.s32 $0xC720  }
0x72: {  	[tilespmem:s9], [sflag:$0x1] =	stream.indirect.gather [hbm4b:s5+s0], $0x1, s8, s0, $0xb8;
	[tilespmem:$0x1AA40] =	vst v63  }
0x73: {  	s15 =	simm.s32 $0xA7A0;
	s16 =	simm.s32 $0xC7A0  }
0x74: {  	[tilespmem:s16], [sflag:$0x1] =	stream.indirect.gather [hbm4b:s5+s0], $0x1, s15, s0, $0xb8;
	[tilespmem:$0x1AA40] =	vst v63  }
0x75: {  	s8 =	simm.s32 $0xA820;
	s9 =	simm.s32 $0xC820  }
0x76: {  	[tilespmem:s9], [sflag:$0x1] =	stream.indirect.gather [hbm4b:s5+s0], $0x1, s8, s0, $0xb8;
	[tilespmem:$0x1AA40] =	vst v63  }
0x77: {  	s15 =	simm.s32 $0xA8A0;
	s16 =	simm.s32 $0xC8A0  }
0x78: {  	[tilespmem:s16], [sflag:$0x1] =	stream.indirect.gather [hbm4b:s5+s0], $0x1, s15, s0, $0xb8;
	[tilespmem:$0x1AA40] =	vst v63  }
0x79: {  	s8 =	simm.s32 $0xA920;
	s9 =	simm.s32 $0xC920  }
0x7a: {  	[tilespmem:s9], [sflag:$0x1] =	stream.indirect.gather [hbm4b:s5+s0], $0x1, s8, s0, $0xb8;
	[tilespmem:$0x1AA40] =	vst v63  }
0x7b: {  	s15 =	simm.s32 $0xA9A0;
	s16 =	simm.s32 $0xC9A0  }
0x7c: {  	[tilespmem:s16], [sflag:$0x1] =	stream.indirect.gather [hbm4b:s5+s0], $0x1, s15, s0, $0xb8;
	[tilespmem:$0x1AA40] =	vst v63  }
0x7d: {  	s8 =	simm.s32 $0xAA20;
	s9 =	simm.s32 $0xCA20  }
0x7e: {  	[tilespmem:s9], [sflag:$0x1] =	stream.indirect.gather [hbm4b:s5+s0], $0x1, s8, s0, $0xb8;
	[tilespmem:$0x1AA40] =	vst v63  }
0x7f: {  	s15 =	simm.s32 $0xAAA0;
	s16 =	simm.s32 $0xCAA0  }
0x80: {  	v6 =	vmov s0;
	[tilespmem:s16], [sflag:$0x1] =	stream.indirect.gather [hbm4b:s5+s0], $0x1, s15, s0, $0xb8;
	[tilespmem:$0x1AA40] =	vst v63  }
0x81: {  	s7 =	simm.s32 $0xAB20;
	s8 =	simm.s32 $0xCB20  }
0x82: {  	[tilespmem:s8], [sflag:$0x1] =	stream.indirect.gather [hbm4b:s5+s0], $0x1, s7, s0, $0xb8;
	[tilespmem:$0x1AA40] =	vst v63  }
0x83: {  	s9 =	simm.s32 $0xABA0;
	s15 =	simm.s32 $0xCBA0;
	s16 =	simm.s32 $0x81  }
0x84: {  	[tilespmem:s15], [sflag:$0x1] =	stream.indirect.gather [hbm4b:s5+s0], $0x1, s9, s0, $0xb8;
	[tilespmem:$0x1AA40] =	vst v63  }
0x85: {  	v8 =	vld.idx.msk [tilespmem:v6+s4+$0x0], $0xffff;
	v6 =	vmov s16;
	_ =	sdelay $0x4  }
0x86: {  	s1 =	simm.s32 $0x82;
	s0 =	simm.s32 $0xAC30;
	v6 =	vld.idx.msk [tilespmem:v6+s4+$0x0], $0xffff;
	v7 =	vadd.s32 v1, v8;
	v8 =	vadd.s32 v2, v8  }
.LBB2_4:
0x87: {  	v9 =	vmov s1;
	p0 =	sne.s32 s1, $0xFF;
	s1 =	sadd.s32 $0x1, s1;
	[tilespmem:s0+$0x0] =	vst v8  }
.Ltmp1:
0x88: {  	[tilespmem:s0+$0xFFFFFFF0] =	vst v7;
	(pc) =	sbr.rel @p0 .LBB2_4-.Ltmp1, $2  }
0x89: {  	_ =	sdelay $0x2  }
0x8a: {  	s0 =	sadd.s32 $0x20, s0;
	v7 =	vadd.s32 v1, v6;
	v8 =	vadd.s32 v2, v6;
	v6 =	vld.idx.msk [tilespmem:v9+s4+$0x0], $0xffff  }
0x8b: {  	_ =	sdelay $0x2  }
0x8c: {  	[tilespmem:s0+$0x0] =	vst v8  }
0x8d: {  	[tilespmem:s0+$0xFFFFFFF0] =	vst v7;
	s15 =	sadd.s32 $0x20, s0;
	v7 =	vadd.s32 v2, v6  }
0x8e: {  	v6 =	vadd.s32 v1, v6;
	[tilespmem:s15+$0x0] =	vst v7  }
0x8f: {  	s16 =	simm.s32 $0xAC20;
	s1 =	simm.s32 $0xCC20;
	[tilespmem:s15+$0xFFFFFFF0] =	vst v6  }
0x90: {  	[tilespmem:s1], [sflag:$0x1] =	stream.indirect.gather [hbm4b:s5+s18], $0x1, s16, s18, $0xb8;
	[tilespmem:$0x1AA40] =	vst v63  }
0x91: {  	s7 =	simm.s32 $0xCCA0;
	s1 =	simm.s32 $0xACA0  }
0x92: {  	[tilespmem:s7], [sflag:$0x1] =	stream.indirect.gather [hbm4b:s5+s18], $0x1, s1, s18, $0xb8;
	[tilespmem:$0x1AA40] =	vst v63  }
0x93: {  	s8 =	simm.s32 $0xAD20;
	s9 =	simm.s32 $0xCD20  }
0x94: {  	[tilespmem:s9], [sflag:$0x1] =	stream.indirect.gather [hbm4b:s5+s18], $0x1, s8, s18, $0xb8;
	[tilespmem:$0x1AA40] =	vst v63  }
0x95: {  	s15 =	simm.s32 $0xADA0;
	s16 =	simm.s32 $0xCDA0  }
0x96: {  	[tilespmem:s16], [sflag:$0x1] =	stream.indirect.gather [hbm4b:s5+s18], $0x1, s15, s18, $0xb8;
	[tilespmem:$0x1AA40] =	vst v63  }
0x97: {  	s1 =	simm.s32 $0xAE20;
	s7 =	simm.s32 $0xCE20  }
0x98: {  	[tilespmem:s7], [sflag:$0x1] =	stream.indirect.gather [hbm4b:s5+s18], $0x1, s1, s18, $0xb8;
	[tilespmem:$0x1AA40] =	vst v63  }
0x99: {  	s8 =	simm.s32 $0xAEA0;
	s9 =	simm.s32 $0xCEA0  }
0x9a: {  	[tilespmem:s9], [sflag:$0x1] =	stream.indirect.gather [hbm4b:s5+s18], $0x1, s8, s18, $0xb8;
	[tilespmem:$0x1AA40] =	vst v63  }
0x9b: {  	s15 =	simm.s32 $0xAF20;
	s16 =	simm.s32 $0xCF20  }
0x9c: {  	[tilespmem:s16], [sflag:$0x1] =	stream.indirect.gather [hbm4b:s5+s18], $0x1, s15, s18, $0xb8;
	[tilespmem:$0x1AA40] =	vst v63  }
0x9d: {  	s1 =	simm.s32 $0xAFA0;
	s7 =	simm.s32 $0xCFA0  }
0x9e: {  	[tilespmem:s7], [sflag:$0x1] =	stream.indirect.gather [hbm4b:s5+s18], $0x1, s1, s18, $0xb8;
	[tilespmem:$0x1AA40] =	vst v63  }
0x9f: {  	s8 =	simm.s32 $0xB020;
	s9 =	simm.s32 $0xD020  }
0xa0: {  	[tilespmem:s9], [sflag:$0x1] =	stream.indirect.gather [hbm4b:s5+s18], $0x1, s8, s18, $0xb8;
	[tilespmem:$0x1AA40] =	vst v63  }
0xa1: {  	s15 =	simm.s32 $0xB0A0;
	s16 =	simm.s32 $0xD0A0  }
0xa2: {  	[tilespmem:s16], [sflag:$0x1] =	stream.indirect.gather [hbm4b:s5+s18], $0x1, s15, s18, $0xb8;
	[tilespmem:$0x1AA40] =	vst v63  }
0xa3: {  	s1 =	simm.s32 $0xB120;
	s7 =	simm.s32 $0xD120  }
0xa4: {  	[tilespmem:s7], [sflag:$0x1] =	stream.indirect.gather [hbm4b:s5+s18], $0x1, s1, s18, $0xb8;
	[tilespmem:$0x1AA40] =	vst v63  }
0xa5: {  	s8 =	simm.s32 $0xB1A0;
	s9 =	simm.s32 $0xD1A0  }
0xa6: {  	[tilespmem:s9], [sflag:$0x1] =	stream.indirect.gather [hbm4b:s5+s18], $0x1, s8, s18, $0xb8;
	[tilespmem:$0x1AA40] =	vst v63  }
0xa7: {  	s15 =	simm.s32 $0xB220;
	s16 =	simm.s32 $0xD220  }
0xa8: {  	[tilespmem:s16], [sflag:$0x1] =	stream.indirect.gather [hbm4b:s5+s18], $0x1, s15, s18, $0xb8;
	[tilespmem:$0x1AA40] =	vst v63  }
0xa9: {  	s1 =	simm.s32 $0xB2A0;
	s7 =	simm.s32 $0xD2A0  }
0xaa: {  	[tilespmem:s7], [sflag:$0x1] =	stream.indirect.gather [hbm4b:s5+s18], $0x1, s1, s18, $0xb8;
	[tilespmem:$0x1AA40] =	vst v63  }
0xab: {  	s8 =	simm.s32 $0xB320;
	s9 =	simm.s32 $0xD320  }
0xac: {  	[tilespmem:s9], [sflag:$0x1] =	stream.indirect.gather [hbm4b:s5+s18], $0x1, s8, s18, $0xb8;
	[tilespmem:$0x1AA40] =	vst v63  }
0xad: {  	s15 =	simm.s32 $0xB3A0;
	s16 =	simm.s32 $0xD3A0  }
0xae: {  	[tilespmem:s16], [sflag:$0x1] =	stream.indirect.gather [hbm4b:s5+s18], $0x1, s15, s18, $0xb8;
	[tilespmem:$0x1AA40] =	vst v63  }
0xaf: {  	s1 =	simm.s32 $0xB420;
	s7 =	simm.s32 $0xD420  }
0xb0: {  	[tilespmem:s7], [sflag:$0x1] =	stream.indirect.gather [hbm4b:s5+s18], $0x1, s1, s18, $0xb8;
	[tilespmem:$0x1AA40] =	vst v63  }
0xb1: {  	s8 =	simm.s32 $0xB4A0;
	s9 =	simm.s32 $0xD4A0  }
0xb2: {  	[tilespmem:s9], [sflag:$0x1] =	stream.indirect.gather [hbm4b:s5+s18], $0x1, s8, s18, $0xb8;
	[tilespmem:$0x1AA40] =	vst v63  }
0xb3: {  	s15 =	simm.s32 $0xB520;
	s16 =	simm.s32 $0xD520  }
0xb4: {  	[tilespmem:s16], [sflag:$0x1] =	stream.indirect.gather [hbm4b:s5+s18], $0x1, s15, s18, $0xb8;
	[tilespmem:$0x1AA40] =	vst v63  }
0xb5: {  	s1 =	simm.s32 $0xB5A0;
	s7 =	simm.s32 $0xD5A0  }
0xb6: {  	[tilespmem:s7], [sflag:$0x1] =	stream.indirect.gather [hbm4b:s5+s18], $0x1, s1, s18, $0xb8;
	[tilespmem:$0x1AA40] =	vst v63  }
0xb7: {  	s8 =	simm.s32 $0xB620;
	s9 =	simm.s32 $0xD620  }
0xb8: {  	[tilespmem:s9], [sflag:$0x1] =	stream.indirect.gather [hbm4b:s5+s18], $0x1, s8, s18, $0xb8;
	[tilespmem:$0x1AA40] =	vst v63  }
0xb9: {  	s15 =	simm.s32 $0xB6A0;
	s16 =	simm.s32 $0xD6A0  }
0xba: {  	[tilespmem:s16], [sflag:$0x1] =	stream.indirect.gather [hbm4b:s5+s18], $0x1, s15, s18, $0xb8;
	[tilespmem:$0x1AA40] =	vst v63  }
0xbb: {  	s1 =	simm.s32 $0xB720;
	s7 =	simm.s32 $0xD720  }
0xbc: {  	[tilespmem:s7], [sflag:$0x1] =	stream.indirect.gather [hbm4b:s5+s18], $0x1, s1, s18, $0xb8;
	[tilespmem:$0x1AA40] =	vst v63  }
0xbd: {  	s8 =	simm.s32 $0xB7A0;
	s9 =	simm.s32 $0xD7A0  }
0xbe: {  	[tilespmem:s9], [sflag:$0x1] =	stream.indirect.gather [hbm4b:s5+s18], $0x1, s8, s18, $0xb8;
	[tilespmem:$0x1AA40] =	vst v63  }
0xbf: {  	s15 =	simm.s32 $0xB820;
	s16 =	simm.s32 $0xD820  }
0xc0: {  	[tilespmem:s16], [sflag:$0x1] =	stream.indirect.gather [hbm4b:s5+s18], $0x1, s15, s18, $0xb8;
	[tilespmem:$0x1AA40] =	vst v63  }
0xc1: {  	s1 =	simm.s32 $0xB8A0;
	s7 =	simm.s32 $0xD8A0  }
0xc2: {  	[tilespmem:s7], [sflag:$0x1] =	stream.indirect.gather [hbm4b:s5+s18], $0x1, s1, s18, $0xb8;
	[tilespmem:$0x1AA40] =	vst v63  }
0xc3: {  	s8 =	simm.s32 $0xB920;
	s9 =	simm.s32 $0xD920  }
0xc4: {  	[tilespmem:s9], [sflag:$0x1] =	stream.indirect.gather [hbm4b:s5+s18], $0x1, s8, s18, $0xb8;
	[tilespmem:$0x1AA40] =	vst v63  }
0xc5: {  	s15 =	simm.s32 $0xB9A0;
	s16 =	simm.s32 $0xD9A0  }
0xc6: {  	[tilespmem:s16], [sflag:$0x1] =	stream.indirect.gather [hbm4b:s5+s18], $0x1, s15, s18, $0xb8;
	[tilespmem:$0x1AA40] =	vst v63  }
0xc7: {  	s1 =	simm.s32 $0xBA20;
	s7 =	simm.s32 $0xDA20  }
0xc8: {  	[tilespmem:s7], [sflag:$0x1] =	stream.indirect.gather [hbm4b:s5+s18], $0x1, s1, s18, $0xb8;
	[tilespmem:$0x1AA40] =	vst v63  }
0xc9: {  	s8 =	simm.s32 $0x0  }
0xca: {  	[tilespmem:s19], [sflag:$0x1] =	stream.indirect.gather [hbm4b:s5+s18], $0x1, s3, s18, $0xb8;
	[tilespmem:$0x1AA40] =	vst v63  }
0xcb: {  	v6 =	vmov s8  }
0xcc: {  	v6 =	vshll.u32 v6, $0x3;
	[tilespmem:s20], [sflag:$0x1] =	stream.indirect.gather [hbm4b:s5+s18], $0x1, s10, s18, $0xb8;
	[tilespmem:$0x1AA40] =	vst v63  }
0xcd: {  	v6 =	vor.u32 v3, v6  }
0xce: {  	v7 =	vor.u32 $0x1, v6;
	[tilespmem:s24], [sflag:$0x1] =	stream.indirect.gather [hbm4b:s5+s18], $0x1, s11, s18, $0xb8;
	[tilespmem:$0x1AA40] =	vst v63  }
0xcf: {  	v8 =	vor.u32 $0x2, v6;
	_ =	swait.ge [sflag:s12], $0x3100  }
0xd0: {  	s9 =	simm.s32 $0x10;
	v9 =	vor.u32 $0x3, v6;
	[sflag:s12] =	ssyncset.done $0x0  }
0xd1: {  	v13 =	vmov s9;
	v10 =	vor.u32 $0x4, v6;
	[sflag:s12] =	ssyncadd.s32 $0xFFFFCF00  }
0xd2: {  	v13 =	vshll.u32 v13, $0x3;
	v12 =	vor.u32 $0x5, v6;
	v11 =	vld.idx.msk [tilespmem:v6+s21+$0x0], $0xffff  }
0xd3: {  	v13 =	vor.u32 v3, v13;
	v14 =	vor.u32 $0x6, v6;
	v7 =	vld.idx.msk [tilespmem:v7+s21+$0x0], $0xffff  }
0xd4: {  	v15 =	vor.u32 $0x1, v13;
	v8 =	vld.idx.msk [tilespmem:v8+s21+$0x0], $0xffff  }
0xd5: {  	v16 =	vor.u32 $0x2, v13;
	v9 =	vld.idx.msk [tilespmem:v9+s21+$0x0], $0xffff  }
0xd6: {  	v6 =	vor.u32 $0x7, v6;
	v10 =	vld.idx.msk [tilespmem:v10+s21+$0x0], $0xffff  }
0xd7: {  	s15 =	simm.s32 $0x20;
	v12 =	vld.idx.msk [tilespmem:v12+s21+$0x0], $0xffff  }
0xd8: {  	v17 =	vmov s15;
	v18 =	vor.u32 $0x3, v13;
	v14 =	vld.idx.msk [tilespmem:v14+s21+$0x0], $0xffff  }
0xd9: {  	v17 =	vshll.u32 v17, $0x3;
	v19 =	vor.u32 $0x4, v13;
	v21 =	vor.u32 $0x5, v13;
	v22 =	vld.idx.msk [tilespmem:v15+s21+$0x0], $0xffff  }
0xda: {  	v15 =	vor.u32 $0x6, v13;
	v23 =	vld.idx.msk [tilespmem:v16+s21+$0x0], $0xffff;
	v16 =	vor.u32 $0x7, v13;
	v7 =	vshll.u32 v7, $0x4  }
0xdb: {  	s16 =	simm.s32 $0x30;
	v6 =	vld.idx.msk [tilespmem:v6+s21+$0x0], $0xffff;
	v8 =	vshll.u32 v8, $0x8;
	v7 =	vor.u32 v11, v7;
	v11 =	vor.u32 v3, v17  }
0xdc: {  	v20 =	vld.idx.msk [tilespmem:v13+s21+$0x0], $0xffff;
	v17 =	vmov s16;
	v7 =	vor.u32 v8, v7;
	v8 =	vshll.u32 v9, $0xC  }
0xdd: {  	v24 =	vld.idx.msk [tilespmem:v18+s21+$0x0], $0xffff;
	v13 =	vor.u32 $0x2, v11;
	v7 =	vor.u32 v8, v7;
	v8 =	vshll.u32 v10, $0x10  }
0xde: {  	v9 =	vld.idx.msk [tilespmem:v19+s21+$0x0], $0xffff;
	v7 =	vor.u32 v8, v7;
	v8 =	vshll.u32 v12, $0x14;
	v12 =	vor.u32 $0x1, v11  }
0xdf: {  	v17 =	vshll.u32 v17, $0x3;
	v10 =	vld.idx.msk [tilespmem:v21+s21+$0x0], $0xffff;
	v7 =	vor.u32 v8, v7;
	v8 =	vshll.u32 v14, $0x18  }
0xe0: {  	v6 =	vshll.u32 v6, $0x1C;
	v14 =	vor.u32 $0x3, v11;
	v8 =	vor.u32 v8, v7;
	v7 =	vld.idx.msk [tilespmem:v15+s21+$0x0], $0xffff  }
0xe1: {  	v19 =	vshll.u32 v22, $0x4;
	v15 =	vor.u32 $0x4, v11;
	v18 =	vor.u32 v6, v8;
	v6 =	vld.idx.msk [tilespmem:v16+s21+$0x0], $0xffff  }
0xe2: {  	s7 =	simm.s32 $0x9600;
	v19 =	vor.u32 v20, v19;
	v20 =	vshll.u32 v23, $0x8;
	v8 =	vld.idx.msk [tilespmem:v11+s21+$0x0], $0xffff;
	v16 =	vor.u32 $0x5, v11  }
0xe3: {  	s0 =	simm.s32 $0x40;
	v19 =	vor.u32 v20, v19;
	v20 =	vshll.u32 v24, $0xC;
	[tilespmem:s7+$0x0] =	vst v18;
	v18 =	vor.u32 $0x6, v11;
	v12 =	vld.idx.msk [tilespmem:v12+s21+$0x0], $0xffff  }
.LBB2_6:
0xe4: {  	p0 =	sne.s32 s0, $0x610;
	v21 =	vld.idx.msk [tilespmem:v13+s21+$0x0], $0xffff;
	v22 =	vor.u32 $0x7, v11;
	v13 =	vor.u32 v20, v19;
	v9 =	vshll.u32 v9, $0x10  }
0xe5: {  	v11 =	vor.u32 v3, v17;
	v10 =	vshll.u32 v10, $0x14;
	v20 =	vld.idx.msk [tilespmem:v14+s21+$0x0], $0xffff;
	v13 =	vor.u32 v9, v13  }
0xe6: {  	v19 =	vor.u32 $0x1, v11;
	v7 =	vshll.u32 v7, $0x18;
	v9 =	vld.idx.msk [tilespmem:v15+s21+$0x0], $0xffff;
	v14 =	vor.u32 v10, v13  }
.Ltmp2:
0xe7: {  	v13 =	vor.u32 $0x2, v11;
	v6 =	vshll.u32 v6, $0x1C;
	v10 =	vld.idx.msk [tilespmem:v16+s21+$0x0], $0xffff;
	v15 =	vor.u32 v7, v14;
	(pc) =	sbr.rel @p0 .LBB2_6-.Ltmp2, $4  }
0xe8: {  	s7 =	sadd.s32 $0x10, s7;
	v16 =	vmov s0;
	v14 =	vor.u32 $0x3, v11;
	v7 =	vld.idx.msk [tilespmem:v18+s21+$0x0], $0xffff;
	v18 =	vor.u32 v6, v15  }
0xe9: {  	v17 =	vshll.u32 v16, $0x3;
	v15 =	vor.u32 $0x4, v11;
	v12 =	vshll.u32 v12, $0x4;
	v6 =	vld.idx.msk [tilespmem:v22+s21+$0x0], $0xffff;
	[tilespmem:s7+$0x0] =	vst v18  }
0xea: {  	v16 =	vor.u32 $0x5, v11;
	v22 =	vor.u32 v8, v12;
	v21 =	vshll.u32 v21, $0x8;
	v8 =	vld.idx.msk [tilespmem:v11+s21+$0x0], $0xffff  }
0xeb: {  	s0 =	sadd.s32 $0x10, s0;
	v18 =	vor.u32 $0x6, v11;
	v20 =	vshll.u32 v20, $0xC;
	v12 =	vld.idx.msk [tilespmem:v19+s21+$0x0], $0xffff;
	v19 =	vor.u32 v21, v22  }
0xec: {  	_ =	sdelay $0x3  }
0xed: {  	v13 =	vld.idx.msk [tilespmem:v13+s21+$0x0], $0xffff;
	v11 =	vor.u32 $0x7, v11  }
0xee: {  	v17 =	vor.u32 v3, v17;
	v14 =	vld.idx.msk [tilespmem:v14+s21+$0x0], $0xffff  }
0xef: {  	v15 =	vld.idx.msk [tilespmem:v15+s21+$0x0], $0xffff;
	v21 =	vor.u32 $0x1, v17  }
0xf0: {  	v16 =	vld.idx.msk [tilespmem:v16+s21+$0x0], $0xffff;
	v22 =	vor.u32 $0x2, v17  }
0xf1: {  	v18 =	vld.idx.msk [tilespmem:v18+s21+$0x0], $0xffff;
	v23 =	vor.u32 $0x3, v17  }
0xf2: {  	v24 =	vor.u32 $0x4, v17;
	v11 =	vld.idx.msk [tilespmem:v11+s21+$0x0], $0xffff  }
0xf3: {  	v19 =	vor.u32 v20, v19;
	v9 =	vshll.u32 v9, $0x10;
	v25 =	vor.u32 $0x5, v17;
	v45 =	vld.idx.msk [tilespmem:v17+s21+$0x0], $0xffff  }
0xf4: {  	v10 =	vshll.u32 v10, $0x14;
	v9 =	vor.u32 v9, v19;
	v47 =	vor.u32 $0x6, v17;
	v46 =	vld.idx.msk [tilespmem:v21+s21+$0x0], $0xffff  }
0xf5: {  	v7 =	vshll.u32 v7, $0x18;
	v9 =	vor.u32 v10, v9;
	v17 =	vor.u32 $0x7, v17;
	v49 =	vld.idx.msk [tilespmem:v22+s21+$0x0], $0xffff  }
0xf6: {  	v6 =	vshll.u32 v6, $0x1C;
	v7 =	vor.u32 v7, v9;
	v48 =	vshll.u32 v12, $0x4;
	v51 =	vld.idx.msk [tilespmem:v23+s21+$0x0], $0xffff  }
0xf7: {  	v6 =	vor.u32 v6, v7;
	v8 =	vor.u32 v8, v48;
	v50 =	vshll.u32 v13, $0x8;
	v53 =	vld.idx.msk [tilespmem:v24+s21+$0x0], $0xffff  }
0xf8: {  	v52 =	vshll.u32 v14, $0xC;
	v54 =	vshll.u32 v15, $0x10;
	v58 =	vshll.u32 v16, $0x14;
	v55 =	vld.idx.msk [tilespmem:v25+s21+$0x0], $0xffff  }
0xf9: {  	v61 =	vshll.u32 v18, $0x18;
	v8 =	vor.u32 v50, v8;
	v56 =	vld.idx.msk [tilespmem:v47+s21+$0x0], $0xffff;
	v57 =	vshll.u32 v46, $0x4  }
0xfa: {  	v8 =	vor.u32 v52, v8;
	v59 =	vld.idx.msk [tilespmem:v17+s21+$0x0], $0xffff;
	v12 =	vshll.u32 v49, $0x8;
	v9 =	vor.u32 v45, v57  }
0xfb: {  	v7 =	vor.u32 v54, v8;
	v60 =	vshll.u32 v51, $0xC;
	v9 =	vor.u32 v12, v9  }
0xfc: {  	v7 =	vor.u32 v58, v7;
	v10 =	vshll.u32 v53, $0x10;
	v9 =	vor.u32 v60, v9  }
0xfd: {  	v7 =	vor.u32 v61, v7;
	v62 =	vshll.u32 v55, $0x14;
	v9 =	vor.u32 v10, v9  }
0xfe: {  	s0 =	sadd.s32 $0x10, s7;
	v11 =	vshll.u32 v11, $0x1C;
	v8 =	vshll.u32 v56, $0x18;
	v9 =	vor.u32 v62, v9  }
0xff: {  	[tilespmem:s0+$0x0] =	vst v6;
	s0 =	sadd.s32 $0x10, s0;
	v6 =	vor.u32 v11, v7;
	v63 =	vshll.u32 v59, $0x1C;
	v7 =	vor.u32 v8, v9  }
0x100: {  	[tilespmem:s0+$0x0] =	vst v6;
	s0 =	sadd.s32 $0x10, s0;
	v6 =	vor.u32 v63, v7  }
0x101: {  	[tilespmem:s0+$0x0] =	vst v6  }
0x102: {  	s1 =	simm.s32 $0x9600;
	s0 =	rddreg [dreg:$0xe]  }
0x103: {  	[spmem:s0] =	stream.linear.scatter [tilespmem:s1], [sflag:$0x4], $0x620, $0x38;
	[tilespmem:$0x1AA40] =	vst v63  }
0x104: {  	_ =	swait.ge [sflag:s17], $0x620  }
0x105: {  	[sflag:s17] =	ssyncset.done $0x0  }
0x106: {  	s0 =	simm.s32 $0x40;
	s1 =	simm.s32 $0x0;
	[sflag:s17] =	ssyncadd.s32 $0xFFFFF9E0  }
.LBB2_8:
0x107: {  	p0 =	sne.s32 s0, $0x1FC0;
	[tilespmem:s1+$0x15C20] =	vst v4;
	s1 =	smov.u32 s0;
	s0 =	sadd.s32 $0x40, s0  }
.Ltmp3:
0x108: {  	(pc) =	sbr.rel @p0 .LBB2_8-.Ltmp3, $2  }
0x109: {  	_ =	sdelay $0x2  }
0x10a: {  	s1 =	sshra.s32 s1, $0x2  }
0x10b: {  	[tilespmem:s1+$0x15C20] =	vst v4  }
0x10c: {  	[bflag:$0x0] =	sbarrier.arrive $0xFFFF  }
0x10d: {  	s0 =	rddreg [dreg:$0x6]  }
0x10e: {  	[tilespmem:s25], [sflag:$0x4] =	stream.linear.gather [spmem:s0], $0x6200, $0x38;
	[tilespmem:$0x1AA40] =	vst v63  }
0x10f: {  	_ =	swait.ge [sflag:s17], $0x6200  }
0x110: {  	[sflag:s17] =	ssyncset.done $0x0  }
0x111: {  	[sflag:s17] =	ssyncadd.s32 $0xFFFF9E00  }
0x112: {  	_ =	swait.ge [sflag:s13], $0x80  }
0x113: {  	[sflag:s13] =	ssyncset.done $0x0  }
0x114: {  	[sflag:s13] =	ssyncadd.s32 $0xFFFFFF80  }
0x115: {  	_ =	swait.ge [sflag:s13], $0x80  }
0x116: {  	[sflag:s13] =	ssyncset.done $0x0  }
0x117: {  	[sflag:s13] =	ssyncadd.s32 $0xFFFFFF80  }
0x118: {  	_ =	swait.ge [sflag:s13], $0x80  }
0x119: {  	[sflag:s13] =	ssyncset.done $0x0  }
0x11a: {  	[sflag:s13] =	ssyncadd.s32 $0xFFFFFF80  }
0x11b: {  	_ =	swait.ge [sflag:s13], $0x80  }
0x11c: {  	[sflag:s13] =	ssyncset.done $0x0  }
0x11d: {  	[sflag:s13] =	ssyncadd.s32 $0xFFFFFF80  }
0x11e: {  	_ =	swait.ge [sflag:s13], $0x80  }
0x11f: {  	[sflag:s13] =	ssyncset.done $0x0  }
0x120: {  	[sflag:s13] =	ssyncadd.s32 $0xFFFFFF80  }
0x121: {  	_ =	swait.ge [sflag:s13], $0x80  }
0x122: {  	[sflag:s13] =	ssyncset.done $0x0  }
0x123: {  	[sflag:s13] =	ssyncadd.s32 $0xFFFFFF80  }
0x124: {  	_ =	swait.ge [sflag:s13], $0x80  }
0x125: {  	[sflag:s13] =	ssyncset.done $0x0  }
0x126: {  	[sflag:s13] =	ssyncadd.s32 $0xFFFFFF80  }
0x127: {  	_ =	swait.ge [sflag:s13], $0x80  }
0x128: {  	[sflag:s13] =	ssyncset.done $0x0  }
0x129: {  	[sflag:s13] =	ssyncadd.s32 $0xFFFFFF80  }
0x12a: {  	_ =	swait.ge [sflag:s13], $0x80  }
0x12b: {  	[sflag:s13] =	ssyncset.done $0x0  }
0x12c: {  	[sflag:s13] =	ssyncadd.s32 $0xFFFFFF80  }
0x12d: {  	_ =	swait.ge [sflag:s13], $0x80  }
0x12e: {  	[sflag:s13] =	ssyncset.done $0x0  }
0x12f: {  	[sflag:s13] =	ssyncadd.s32 $0xFFFFFF80  }
0x130: {  	_ =	swait.ge [sflag:s13], $0x80  }
0x131: {  	[sflag:s13] =	ssyncset.done $0x0  }
0x132: {  	[sflag:s13] =	ssyncadd.s32 $0xFFFFFF80  }
0x133: {  	_ =	swait.ge [sflag:s13], $0x80  }
0x134: {  	[sflag:s13] =	ssyncset.done $0x0  }
0x135: {  	[sflag:s13] =	ssyncadd.s32 $0xFFFFFF80  }
0x136: {  	_ =	swait.ge [sflag:s13], $0x80  }
0x137: {  	[sflag:s13] =	ssyncset.done $0x0  }
0x138: {  	[sflag:s13] =	ssyncadd.s32 $0xFFFFFF80  }
0x139: {  	_ =	swait.ge [sflag:s13], $0x80  }
0x13a: {  	[sflag:s13] =	ssyncset.done $0x0  }
0x13b: {  	[sflag:s13] =	ssyncadd.s32 $0xFFFFFF80  }
0x13c: {  	_ =	swait.ge [sflag:s13], $0x80  }
0x13d: {  	[sflag:s13] =	ssyncset.done $0x0  }
0x13e: {  	[sflag:s13] =	ssyncadd.s32 $0xFFFFFF80  }
0x13f: {  	_ =	swait.ge [sflag:s13], $0x80  }
0x140: {  	[sflag:s13] =	ssyncset.done $0x0  }
0x141: {  	[sflag:s13] =	ssyncadd.s32 $0xFFFFFF80  }
0x142: {  	_ =	swait.ge [sflag:s13], $0x80  }
0x143: {  	[sflag:s13] =	ssyncset.done $0x0  }
0x144: {  	[sflag:s13] =	ssyncadd.s32 $0xFFFFFF80  }
0x145: {  	_ =	swait.ge [sflag:s13], $0x80  }
0x146: {  	[sflag:s13] =	ssyncset.done $0x0  }
0x147: {  	[sflag:s13] =	ssyncadd.s32 $0xFFFFFF80  }
0x148: {  	_ =	swait.ge [sflag:s13], $0x80  }
0x149: {  	[sflag:s13] =	ssyncset.done $0x0  }
0x14a: {  	[sflag:s13] =	ssyncadd.s32 $0xFFFFFF80  }
0x14b: {  	_ =	swait.ge [sflag:s13], $0x80  }
0x14c: {  	[sflag:s13] =	ssyncset.done $0x0  }
0x14d: {  	[sflag:s13] =	ssyncadd.s32 $0xFFFFFF80  }
0x14e: {  	_ =	swait.ge [sflag:s13], $0x80  }
0x14f: {  	[sflag:s13] =	ssyncset.done $0x0  }
0x150: {  	[sflag:s13] =	ssyncadd.s32 $0xFFFFFF80  }
0x151: {  	_ =	swait.ge [sflag:s13], $0x80  }
0x152: {  	[sflag:s13] =	ssyncset.done $0x0  }
0x153: {  	[sflag:s13] =	ssyncadd.s32 $0xFFFFFF80  }
0x154: {  	_ =	swait.ge [sflag:s13], $0x80  }
0x155: {  	[sflag:s13] =	ssyncset.done $0x0  }
0x156: {  	[sflag:s13] =	ssyncadd.s32 $0xFFFFFF80  }
0x157: {  	_ =	swait.ge [sflag:s13], $0x80  }
0x158: {  	[sflag:s13] =	ssyncset.done $0x0  }
0x159: {  	[sflag:s13] =	ssyncadd.s32 $0xFFFFFF80  }
0x15a: {  	_ =	swait.ge [sflag:s13], $0x80  }
0x15b: {  	[sflag:s13] =	ssyncset.done $0x0  }
0x15c: {  	[sflag:s13] =	ssyncadd.s32 $0xFFFFFF80  }
0x15d: {  	_ =	swait.ge [sflag:s13], $0x80  }
0x15e: {  	[sflag:s13] =	ssyncset.done $0x0  }
0x15f: {  	[sflag:s13] =	ssyncadd.s32 $0xFFFFFF80  }
0x160: {  	_ =	swait.ge [sflag:s13], $0x80  }
0x161: {  	[sflag:s13] =	ssyncset.done $0x0  }
0x162: {  	[sflag:s13] =	ssyncadd.s32 $0xFFFFFF80  }
0x163: {  	_ =	swait.ge [sflag:s13], $0x80  }
0x164: {  	[sflag:s13] =	ssyncset.done $0x0  }
0x165: {  	[sflag:s13] =	ssyncadd.s32 $0xFFFFFF80  }
0x166: {  	_ =	swait.ge [sflag:s13], $0x80  }
0x167: {  	[sflag:s13] =	ssyncset.done $0x0  }
0x168: {  	[sflag:s13] =	ssyncadd.s32 $0xFFFFFF80  }
0x169: {  	_ =	swait.ge [sflag:s13], $0x80  }
0x16a: {  	[sflag:s13] =	ssyncset.done $0x0  }
0x16b: {  	[sflag:s13] =	ssyncadd.s32 $0xFFFFFF80  }
0x16c: {  	_ =	swait.ge [sflag:s13], $0x80  }
0x16d: {  	[sflag:s13] =	ssyncset.done $0x0  }
0x16e: {  	[sflag:s13] =	ssyncadd.s32 $0xFFFFFF80  }
0x16f: {  	_ =	swait.ge [sflag:s13], $0x80  }
0x170: {  	[sflag:s13] =	ssyncset.done $0x0  }
0x171: {  	s16 =	simm.s32 $0xBC30;
	[sflag:s13] =	ssyncadd.s32 $0xFFFFFF80  }
0x172: {  	v8 =	vld [tilespmem:s16+$0xFFFFFFF0];
	_ =	sdelay $0x4  }
0x173: {  	s9 =	simm.s32 $0x0;
	v6 =	vshrl.u32 v8, $0x3  }
0x174: {  	s8 =	simm.s32 $0xBC50;
	v7 =	vmov s9  }
0x175: {  	v9 =	vld [tilespmem:s8+$0xFFFFFFF0];
	_ =	sdelay $0x2  }
0x176: {  	v10 =	vld.idx.msk [tilespmem:v6+s25+$0x0], $0xffff  }
0x177: {  	v6 =	vld.idx.msk [tilespmem:v7+s22+$0x0], $0xffff  }
0x178: {  	s15 =	simm.s32 $0x1;
	s1 =	simm.s32 $0xBC70;
	v11 =	vshrl.u32 v9, $0x3  }
0x179: {  	v12 =	vmov s15;
	v15 =	vld [tilespmem:s1+$0xFFFFFFF0];
	v13 =	vshll.u32 v8, $0x2  }
0x17a: {  	v13 =	vand.u32 $0x1C, v13  }
0x17b: {  	v10 =	vshrl.u32 v10, v13  }
0x17c: {  	v7 =	vshll.u32 v7, $0x4;
	vm0 =	vne.s32 v8, v6;
	v8 =	vand.u32 $0xF, v10  }
0x17d: {  	v11 =	vld.idx.msk [tilespmem:v11+s25+$0x0], $0xffff;
	v8 =	vor.u32 v7, v8  }
0x17e: {  	s7 =	simm.s32 $0x2;
	v13 =	vshrl.u32 v15, $0x3;
	v10 =	vld.idx.msk [tilespmem:v12+s22+$0x0], $0xffff  }
0x17f: {  	v16 =	vmov s7;
	s7 =	simm.s32 $0xBC90  }
0x180: {  	v19 =	vld [tilespmem:s7+$0xFFFFFFF0];
	v14 =	vshll.u32 v9, $0x2  }
0x181: {  	v14 =	vand.u32 $0x1C, v14  }
0x182: {  	v11 =	vshrl.u32 v11, v14;
	[tilespmem:v8+s26+$0x0] =	vst.idx.add.f32.msk vm0, v5  }
0x183: {  	v8 =	vshll.u32 v12, $0x4;
	vm0 =	vne.s32 v9, v10;
	v9 =	vand.u32 $0xF, v11;
	v11 =	vld.idx.msk [tilespmem:v13+s25+$0x0], $0xffff  }
0x184: {  	v14 =	vld [tilespmem:s16+$0x0];
	v12 =	vor.u32 v8, v9  }
0x185: {  	v13 =	vshrl.u32 v19, $0x3;
	v9 =	vld.idx.msk [tilespmem:v16+s22+$0x0], $0xffff  }
0x186: {  	s9 =	simm.s32 $0x4;
	v18 =	vshll.u32 v15, $0x2  }
0x187: {  	s15 =	simm.s32 $0xBCB0;
	v21 =	vand.u32 $0x1C, v18;
	v18 =	vmov s9;
	s16 =	simm.s32 $0x3  }
0x188: {  	v17 =	vld [tilespmem:s15+$0xFFFFFFF0];
	v22 =	vmov s16  }
0x189: {  	v20 =	vshrl.u32 v14, $0x3;
	[tilespmem:v12+s26+$0x0] =	vst.idx.add.f32.msk vm0, v5;
	v12 =	vshrl.u32 v11, v21  }
0x18a: {  	v24 =	vld.idx.msk [tilespmem:v13+s25+$0x0], $0xffff;
	v11 =	vshll.u32 v16, $0x4;
	vm0 =	vne.s32 v15, v9;
	v16 =	vand.u32 $0xF, v12  }
0x18b: {  	v15 =	vld [tilespmem:s8+$0x0];
	v16 =	vor.u32 v11, v16  }
0x18c: {  	v13 =	vld.idx.msk [tilespmem:v18+s22+$0x0], $0xffff  }
0x18d: {  	v12 =	vld.idx.msk [tilespmem:v22+s22+$0x0], $0xffff  }
0x18e: {  	s0 =	simm.s32 $0xBCD0;
	v21 =	vshll.u32 v19, $0x2;
	v27 =	vld.idx.msk [tilespmem:v20+s25+$0x0], $0xffff  }
0x18f: {  	v25 =	vshrl.u32 v17, $0x3;
	v28 =	vshll.u32 v14, $0x2;
	v26 =	vand.u32 $0x1C, v21;
	v21 =	vld [tilespmem:s0+$0xFFFFFFF0]  }
0x190: {  	v20 =	vshrl.u32 v15, $0x3;
	[tilespmem:v16+s26+$0x0] =	vst.idx.add.f32.msk vm0, v5;
	v16 =	vshll.u32 v22, $0x4;
	v22 =	vand.u32 $0x1C, v28  }
0x191: {  	s16 =	simm.s32 $0x5  }
0x192: {  	v23 =	vmov s16;
	v24 =	vshrl.u32 v24, v26  }
0x193: {  	s8 =	simm.s32 $0x6;
	v26 =	vand.u32 $0xF, v24;
	vm0 =	vne.s32 v19, v12;
	v19 =	vld [tilespmem:s1+$0x0];
	v24 =	vshrl.u32 v27, v22;
	v22 =	vmovc v23  }
.LBB2_10:
0x194: {  	p0 =	sne.s32 s8, $0x7F;
	v27 =	vld.idx.msk [tilespmem:v25+s25+$0x0], $0xffff;
	v26 =	vor.u32 v16, v26;
	vm1 =	vne.s32 v14, v6;
	v25 =	vand.u32 $0xF, v24;
	v6 =	vmovc v10;
	s1 =	smov.u32 s0  }
0x195: {  	v10 =	vmovc v9;
	v9 =	vmovc v12;
	v12 =	vmov v13;
	v24 =	vld.idx.msk [tilespmem:v20+s25+$0x0], $0xffff;
	v28 =	vor.u32 v7, v25;
	v29 =	vmov v21  }
0x196: {  	v14 =	vmovc v15;
	v7 =	vmov v8;
	v8 =	vmov v11;
	v11 =	vmov v16  }
.Ltmp4:
0x197: {  	s0 =	sadd.s32 $0x20, s0;
	v25 =	vshrl.u32 v29, $0x3;
	v13 =	vld.idx.msk [tilespmem:v23+s22+$0x0], $0xffff;
	(pc) =	sbr.rel @p0 .LBB2_10-.Ltmp4, $4  }
0x198: {  	v16 =	vshll.u32 v17, $0x2;
	v21 =	vld [tilespmem:s0+$0xFFFFFFF0];
	v20 =	vshrl.u32 v19, $0x3;
	v15 =	vmov v19  }
0x199: {  	v16 =	vand.u32 $0x1C, v16;
	v23 =	vmov s8;
	v19 =	vshll.u32 v14, $0x2;
	[tilespmem:v26+s26+$0x0] =	vst.idx.add.f32.msk vm0, v5  }
0x19a: {  	v26 =	vshrl.u32 v27, v16;
	v16 =	vshll.u32 v18, $0x4;
	v27 =	vand.u32 $0x1C, v19;
	v18 =	vmovc v22;
	[tilespmem:v28+s26+$0x0] =	vst.idx.add.f32.msk vm1, v5  }
0x19b: {  	s8 =	sadd.s32 $0x1, s8;
	vm0 =	vne.s32 v17, v12;
	v17 =	vmovc v29;
	v22 =	vmovc v23;
	v26 =	vand.u32 $0xF, v26;
	v24 =	vshrl.u32 v24, v27;
	v19 =	vld [tilespmem:s7+$0x0];
	s7 =	smov.u32 s15;
	s15 =	smov.u32 s1  }
0x19c: {  	_ = 	snop  }
0x19d: {  	v27 =	vshrl.u32 v21, $0x3;
	_ =	sdelay $0x2  }
0x19e: {  	v25 =	vld.idx.msk [tilespmem:v25+s25+$0x0], $0xffff;
	_ =	sdelay $0x1  }
0x19f: {  	v27 =	vld.idx.msk [tilespmem:v27+s25+$0x0], $0xffff  }
0x1a0: {  	v23 =	vld.idx.msk [tilespmem:v23+s22+$0x0], $0xffff;
	v28 =	vshll.u32 v17, $0x2  }
0x1a1: {  	v26 =	vor.u32 v16, v26;
	v28 =	vand.u32 $0x1C, v28  }
0x1a2: {  	v18 =	vshll.u32 v18, $0x4;
	v52 =	vshll.u32 v21, $0x2;
	v25 =	vshrl.u32 v25, v28  }
0x1a3: {  	vm1 =	vne.s32 v17, v13;
	v54 =	vand.u32 $0x1C, v52;
	v53 =	vand.u32 $0xF, v25  }
0x1a4: {  	v17 =	vor.u32 v18, v53;
	v25 =	vshrl.u32 v27, v54  }
0x1a5: {  	v22 =	vshll.u32 v22, $0x4;
	vm2 =	vne.s32 v21, v23;
	v55 =	vand.u32 $0xF, v25  }
0x1a6: {  	v21 =	vor.u32 v22, v55  }
0x1a7: {  	[tilespmem:v26+s26+$0x0] =	vst.idx.add.f32.msk vm0, v5  }
0x1a8: {  	v56 =	vld [tilespmem:s7+$0x0]  }
0x1a9: {  	[tilespmem:v17+s26+$0x0] =	vst.idx.add.f32.msk vm1, v5  }
0x1aa: {  	v17 =	vld [tilespmem:s15+$0x0]  }
0x1ab: {  	v57 =	vshrl.u32 v19, $0x3;
	[tilespmem:v21+s26+$0x0] =	vst.idx.add.f32.msk vm2, v5  }
0x1ac: {  	v21 =	vld [tilespmem:s0+$0x0];
	_ =	sdelay $0x2  }
0x1ad: {  	v20 =	vld.idx.msk [tilespmem:v20+s25+$0x0], $0xffff;
	v58 =	vshrl.u32 v56, $0x3  }
0x1ae: {  	v26 =	vld.idx.msk [tilespmem:v57+s25+$0x0], $0xffff;
	v59 =	vshrl.u32 v17, $0x3  }
0x1af: {  	v29 =	vshrl.u32 v21, $0x3  }
0x1b0: {  	vm13 =	vne.s32 v14, v6;
	v6 =	vshll.u32 v15, $0x2  }
0x1b1: {  	vm14 =	vne.s32 v15, v10;
	v6 =	vand.u32 $0x1C, v6;
	v10 =	vshll.u32 v19, $0x2  }
0x1b2: {  	v61 =	vand.u32 $0xF, v24;
	v6 =	vshrl.u32 v20, v6;
	v10 =	vand.u32 $0x1C, v10;
	v60 =	vld.idx.msk [tilespmem:v58+s25+$0x0], $0xffff  }
0x1b3: {  	v7 =	vor.u32 v7, v61;
	v6 =	vand.u32 $0xF, v6;
	v10 =	vshrl.u32 v26, v10;
	v62 =	vld.idx.msk [tilespmem:v59+s25+$0x0], $0xffff  }
0x1b4: {  	vm15 =	vne.s32 v19, v9;
	v6 =	vor.u32 v8, v6;
	v8 =	vand.u32 $0xF, v10;
	v63 =	vld.idx.msk [tilespmem:v29+s25+$0x0], $0xffff  }
0x1b5: {  	vm3 =	vne.s32 v56, v12;
	v10 =	vshll.u32 v56, $0x2;
	v8 =	vor.u32 v11, v8  }
0x1b6: {  	v9 =	vand.u32 $0x1C, v10;
	v10 =	vshll.u32 v17, $0x2;
	vm4 =	vne.s32 v17, v13  }
0x1b7: {  	v10 =	vand.u32 $0x1C, v10;
	v9 =	vshrl.u32 v60, v9;
	v11 =	vshll.u32 v21, $0x2  }
0x1b8: {  	v9 =	vand.u32 $0xF, v9;
	v11 =	vand.u32 $0x1C, v11;
	v10 =	vshrl.u32 v62, v10  }
0x1b9: {  	v9 =	vor.u32 v16, v9;
	v10 =	vand.u32 $0xF, v10;
	v11 =	vshrl.u32 v63, v11  }
0x1ba: {  	vm5 =	vne.s32 v21, v23;
	v10 =	vor.u32 v18, v10;
	v11 =	vand.u32 $0xF, v11  }
0x1bb: {  	[tilespmem:v7+s26+$0x0] =	vst.idx.add.f32.msk vm13, v5;
	s15 =	simm.s32 $0x100;
	v7 =	vor.u32 v22, v11  }
0x1bc: {  	[tilespmem:v6+s26+$0x0] =	vst.idx.add.f32.msk vm14, v5;
	v6 =	vmov s15  }
0x1bd: {  	[tilespmem:v8+s26+$0x0] =	vst.idx.add.f32.msk vm15, v5  }
0x1be: {  	[tilespmem:v9+s26+$0x0] =	vst.idx.add.f32.msk vm3, v5  }
0x1bf: {  	[tilespmem:v10+s26+$0x0] =	vst.idx.add.f32.msk vm4, v5  }
0x1c0: {  	s16 =	simm.s32 $0x101;
	[tilespmem:v7+s26+$0x0] =	vst.idx.add.f32.msk vm5, v5  }
0x1c1: {  	v8 =	vld.idx.msk [tilespmem:v6+s4+$0x0], $0xffff;
	v6 =	vmov s16;
	_ =	sdelay $0x4  }
0x1c2: {  	s1 =	simm.s32 $0x102;
	s0 =	simm.s32 $0x9C30;
	v6 =	vld.idx.msk [tilespmem:v6+s4+$0x0], $0xffff;
	v7 =	vadd.s32 v1, v8;
	v8 =	vadd.s32 v2, v8  }
.LBB2_12:
0x1c3: {  	v9 =	vmov s1;
	p0 =	sne.s32 s1, $0x17F;
	s1 =	sadd.s32 $0x1, s1;
	[tilespmem:s0+$0x0] =	vst v8  }
.Ltmp5:
0x1c4: {  	[tilespmem:s0+$0xFFFFFFF0] =	vst v7;
	(pc) =	sbr.rel @p0 .LBB2_12-.Ltmp5, $2  }
0x1c5: {  	_ =	sdelay $0x2  }
0x1c6: {  	s0 =	sadd.s32 $0x20, s0;
	v7 =	vadd.s32 v1, v6;
	v8 =	vadd.s32 v2, v6;
	v6 =	vld.idx.msk [tilespmem:v9+s4+$0x0], $0xffff  }
0x1c7: {  	_ =	sdelay $0x2  }
0x1c8: {  	[tilespmem:s0+$0x0] =	vst v8  }
0x1c9: {  	[tilespmem:s0+$0xFFFFFFF0] =	vst v7;
	s16 =	sadd.s32 $0x20, s0;
	v7 =	vadd.s32 v2, v6  }
0x1ca: {  	v6 =	vadd.s32 v1, v6;
	[tilespmem:s16+$0x0] =	vst v7  }
0x1cb: {  	[tilespmem:s16+$0xFFFFFFF0] =	vst v6  }
0x1cc: {  	[tilespmem:s30], [sflag:$0x1] =	stream.indirect.gather [hbm4b:s5+s18], $0x1, s29, s18, $0xb8;
	[tilespmem:$0x1AA40] =	vst v63  }
0x1cd: {  	s30 =	simm.s32 $0xBCA0  }
0x1ce: {  	[tilespmem:s30], [sflag:$0x1] =	stream.indirect.gather [hbm4b:s5+s18], $0x1, s31, s18, $0xb8;
	[tilespmem:$0x1AA40] =	vst v63  }
0x1cf: {  	s1 =	simm.s32 $0xBD20;
	s31 =	simm.s32 $0x9D20  }
0x1d0: {  	[tilespmem:s1], [sflag:$0x1] =	stream.indirect.gather [hbm4b:s5+s18], $0x1, s31, s18, $0xb8;
	[tilespmem:$0x1AA40] =	vst v63  }
0x1d1: {  	s7 =	simm.s32 $0x9DA0;
	s8 =	simm.s32 $0xBDA0  }
0x1d2: {  	[tilespmem:s8], [sflag:$0x1] =	stream.indirect.gather [hbm4b:s5+s18], $0x1, s7, s18, $0xb8;
	[tilespmem:$0x1AA40] =	vst v63  }
0x1d3: {  	s9 =	simm.s32 $0x9E20;
	s15 =	simm.s32 $0xBE20  }
0x1d4: {  	[tilespmem:s15], [sflag:$0x1] =	stream.indirect.gather [hbm4b:s5+s18], $0x1, s9, s18, $0xb8;
	[tilespmem:$0x1AA40] =	vst v63  }
0x1d5: {  	s16 =	simm.s32 $0x9EA0;
	s29 =	simm.s32 $0xBEA0  }
0x1d6: {  	[tilespmem:s29], [sflag:$0x1] =	stream.indirect.gather [hbm4b:s5+s18], $0x1, s16, s18, $0xb8;
	[tilespmem:$0x1AA40] =	vst v63  }
0x1d7: {  	s30 =	simm.s32 $0x9F20;
	s31 =	simm.s32 $0xBF20  }
0x1d8: {  	[tilespmem:s31], [sflag:$0x1] =	stream.indirect.gather [hbm4b:s5+s18], $0x1, s30, s18, $0xb8;
	[tilespmem:$0x1AA40] =	vst v63  }
0x1d9: {  	s7 =	simm.s32 $0x9FA0;
	s8 =	simm.s32 $0xBFA0  }
0x1da: {  	[tilespmem:s8], [sflag:$0x1] =	stream.indirect.gather [hbm4b:s5+s18], $0x1, s7, s18, $0xb8;
	[tilespmem:$0x1AA40] =	vst v63  }
0x1db: {  	s9 =	simm.s32 $0xA020;
	s15 =	simm.s32 $0xC020  }
0x1dc: {  	[tilespmem:s15], [sflag:$0x1] =	stream.indirect.gather [hbm4b:s5+s18], $0x1, s9, s18, $0xb8;
	[tilespmem:$0x1AA40] =	vst v63  }
0x1dd: {  	s16 =	simm.s32 $0xA0A0;
	s29 =	simm.s32 $0xC0A0  }
0x1de: {  	[tilespmem:s29], [sflag:$0x1] =	stream.indirect.gather [hbm4b:s5+s18], $0x1, s16, s18, $0xb8;
	[tilespmem:$0x1AA40] =	vst v63  }
0x1df: {  	s30 =	simm.s32 $0xA120;
	s31 =	simm.s32 $0xC120  }
0x1e0: {  	[tilespmem:s31], [sflag:$0x1] =	stream.indirect.gather [hbm4b:s5+s18], $0x1, s30, s18, $0xb8;
	[tilespmem:$0x1AA40] =	vst v63  }
0x1e1: {  	s7 =	simm.s32 $0xA1A0;
	s8 =	simm.s32 $0xC1A0  }
0x1e2: {  	[tilespmem:s8], [sflag:$0x1] =	stream.indirect.gather [hbm4b:s5+s18], $0x1, s7, s18, $0xb8;
	[tilespmem:$0x1AA40] =	vst v63  }
0x1e3: {  	s9 =	simm.s32 $0xA220;
	s15 =	simm.s32 $0xC220  }
0x1e4: {  	[tilespmem:s15], [sflag:$0x1] =	stream.indirect.gather [hbm4b:s5+s18], $0x1, s9, s18, $0xb8;
	[tilespmem:$0x1AA40] =	vst v63  }
0x1e5: {  	s16 =	simm.s32 $0xA2A0;
	s29 =	simm.s32 $0xC2A0  }
0x1e6: {  	[tilespmem:s29], [sflag:$0x1] =	stream.indirect.gather [hbm4b:s5+s18], $0x1, s16, s18, $0xb8;
	[tilespmem:$0x1AA40] =	vst v63  }
0x1e7: {  	s30 =	simm.s32 $0xA320;
	s31 =	simm.s32 $0xC320  }
0x1e8: {  	[tilespmem:s31], [sflag:$0x1] =	stream.indirect.gather [hbm4b:s5+s18], $0x1, s30, s18, $0xb8;
	[tilespmem:$0x1AA40] =	vst v63  }
0x1e9: {  	s7 =	simm.s32 $0xA3A0;
	s8 =	simm.s32 $0xC3A0  }
0x1ea: {  	[tilespmem:s8], [sflag:$0x1] =	stream.indirect.gather [hbm4b:s5+s18], $0x1, s7, s18, $0xb8;
	[tilespmem:$0x1AA40] =	vst v63  }
0x1eb: {  	s9 =	simm.s32 $0xA420;
	s15 =	simm.s32 $0xC420  }
0x1ec: {  	[tilespmem:s15], [sflag:$0x1] =	stream.indirect.gather [hbm4b:s5+s18], $0x1, s9, s18, $0xb8;
	[tilespmem:$0x1AA40] =	vst v63  }
0x1ed: {  	s16 =	simm.s32 $0xA4A0;
	s29 =	simm.s32 $0xC4A0  }
0x1ee: {  	[tilespmem:s29], [sflag:$0x1] =	stream.indirect.gather [hbm4b:s5+s18], $0x1, s16, s18, $0xb8;
	[tilespmem:$0x1AA40] =	vst v63  }
0x1ef: {  	s30 =	simm.s32 $0xA520;
	s31 =	simm.s32 $0xC520  }
0x1f0: {  	[tilespmem:s31], [sflag:$0x1] =	stream.indirect.gather [hbm4b:s5+s18], $0x1, s30, s18, $0xb8;
	[tilespmem:$0x1AA40] =	vst v63  }
0x1f1: {  	s7 =	simm.s32 $0xA5A0;
	s8 =	simm.s32 $0xC5A0  }
0x1f2: {  	[tilespmem:s8], [sflag:$0x1] =	stream.indirect.gather [hbm4b:s5+s18], $0x1, s7, s18, $0xb8;
	[tilespmem:$0x1AA40] =	vst v63  }
0x1f3: {  	s9 =	simm.s32 $0xA620;
	s15 =	simm.s32 $0xC620  }
0x1f4: {  	[tilespmem:s15], [sflag:$0x1] =	stream.indirect.gather [hbm4b:s5+s18], $0x1, s9, s18, $0xb8;
	[tilespmem:$0x1AA40] =	vst v63  }
0x1f5: {  	s16 =	simm.s32 $0xA6A0;
	s29 =	simm.s32 $0xC6A0  }
0x1f6: {  	[tilespmem:s29], [sflag:$0x1] =	stream.indirect.gather [hbm4b:s5+s18], $0x1, s16, s18, $0xb8;
	[tilespmem:$0x1AA40] =	vst v63  }
0x1f7: {  	s30 =	simm.s32 $0xA720;
	s31 =	simm.s32 $0xC720  }
0x1f8: {  	[tilespmem:s31], [sflag:$0x1] =	stream.indirect.gather [hbm4b:s5+s18], $0x1, s30, s18, $0xb8;
	[tilespmem:$0x1AA40] =	vst v63  }
0x1f9: {  	s7 =	simm.s32 $0xA7A0;
	s8 =	simm.s32 $0xC7A0  }
0x1fa: {  	[tilespmem:s8], [sflag:$0x1] =	stream.indirect.gather [hbm4b:s5+s18], $0x1, s7, s18, $0xb8;
	[tilespmem:$0x1AA40] =	vst v63  }
0x1fb: {  	s9 =	simm.s32 $0xA820;
	s15 =	simm.s32 $0xC820  }
0x1fc: {  	[tilespmem:s15], [sflag:$0x1] =	stream.indirect.gather [hbm4b:s5+s18], $0x1, s9, s18, $0xb8;
	[tilespmem:$0x1AA40] =	vst v63  }
0x1fd: {  	s16 =	simm.s32 $0xA8A0;
	s29 =	simm.s32 $0xC8A0  }
0x1fe: {  	[tilespmem:s29], [sflag:$0x1] =	stream.indirect.gather [hbm4b:s5+s18], $0x1, s16, s18, $0xb8;
	[tilespmem:$0x1AA40] =	vst v63  }
0x1ff: {  	s30 =	simm.s32 $0xA920;
	s31 =	simm.s32 $0xC920  }
0x200: {  	[tilespmem:s31], [sflag:$0x1] =	stream.indirect.gather [hbm4b:s5+s18], $0x1, s30, s18, $0xb8;
	[tilespmem:$0x1AA40] =	vst v63  }
0x201: {  	s7 =	simm.s32 $0xA9A0;
	s8 =	simm.s32 $0xC9A0  }
0x202: {  	[tilespmem:s8], [sflag:$0x1] =	stream.indirect.gather [hbm4b:s5+s18], $0x1, s7, s18, $0xb8;
	[tilespmem:$0x1AA40] =	vst v63  }
0x203: {  	s9 =	simm.s32 $0xAA20;
	s15 =	simm.s32 $0xCA20  }
0x204: {  	[tilespmem:s15], [sflag:$0x1] =	stream.indirect.gather [hbm4b:s5+s18], $0x1, s9, s18, $0xb8;
	[tilespmem:$0x1AA40] =	vst v63  }
0x205: {  	s16 =	simm.s32 $0xAAA0;
	s29 =	simm.s32 $0xCAA0  }
0x206: {  	[tilespmem:s29], [sflag:$0x1] =	stream.indirect.gather [hbm4b:s5+s18], $0x1, s16, s18, $0xb8;
	[tilespmem:$0x1AA40] =	vst v63  }
0x207: {  	s30 =	simm.s32 $0xAB20;
	s31 =	simm.s32 $0xCB20  }
0x208: {  	[tilespmem:s31], [sflag:$0x1] =	stream.indirect.gather [hbm4b:s5+s18], $0x1, s30, s18, $0xb8;
	[tilespmem:$0x1AA40] =	vst v63  }
0x209: {  	s7 =	simm.s32 $0xABA0;
	s8 =	simm.s32 $0xCBA0  }
0x20a: {  	[tilespmem:s8], [sflag:$0x1] =	stream.indirect.gather [hbm4b:s5+s18], $0x1, s7, s18, $0xb8;
	[tilespmem:$0x1AA40] =	vst v63  }
0x20b: {  	_ =	swait.ge [sflag:s13], $0x80  }
0x20c: {  	[sflag:s13] =	ssyncset.done $0x0  }
0x20d: {  	[sflag:s13] =	ssyncadd.s32 $0xFFFFFF80  }
0x20e: {  	_ =	swait.ge [sflag:s13], $0x80  }
0x20f: {  	[sflag:s13] =	ssyncset.done $0x0  }
0x210: {  	[sflag:s13] =	ssyncadd.s32 $0xFFFFFF80  }
0x211: {  	_ =	swait.ge [sflag:s13], $0x80  }
0x212: {  	[sflag:s13] =	ssyncset.done $0x0  }
0x213: {  	[sflag:s13] =	ssyncadd.s32 $0xFFFFFF80  }
0x214: {  	_ =	swait.ge [sflag:s13], $0x80  }
0x215: {  	[sflag:s13] =	ssyncset.done $0x0  }
0x216: {  	[sflag:s13] =	ssyncadd.s32 $0xFFFFFF80  }
0x217: {  	_ =	swait.ge [sflag:s13], $0x80  }
0x218: {  	[sflag:s13] =	ssyncset.done $0x0  }
0x219: {  	[sflag:s13] =	ssyncadd.s32 $0xFFFFFF80  }
0x21a: {  	_ =	swait.ge [sflag:s13], $0x80  }
0x21b: {  	[sflag:s13] =	ssyncset.done $0x0  }
0x21c: {  	[sflag:s13] =	ssyncadd.s32 $0xFFFFFF80  }
0x21d: {  	_ =	swait.ge [sflag:s13], $0x80  }
0x21e: {  	[sflag:s13] =	ssyncset.done $0x0  }
0x21f: {  	[sflag:s13] =	ssyncadd.s32 $0xFFFFFF80  }
0x220: {  	_ =	swait.ge [sflag:s13], $0x80  }
0x221: {  	[sflag:s13] =	ssyncset.done $0x0  }
0x222: {  	[sflag:s13] =	ssyncadd.s32 $0xFFFFFF80  }
0x223: {  	_ =	swait.ge [sflag:s13], $0x80  }
0x224: {  	[sflag:s13] =	ssyncset.done $0x0  }
0x225: {  	[sflag:s13] =	ssyncadd.s32 $0xFFFFFF80  }
0x226: {  	_ =	swait.ge [sflag:s13], $0x80  }
0x227: {  	[sflag:s13] =	ssyncset.done $0x0  }
0x228: {  	[sflag:s13] =	ssyncadd.s32 $0xFFFFFF80  }
0x229: {  	_ =	swait.ge [sflag:s13], $0x80  }
0x22a: {  	[sflag:s13] =	ssyncset.done $0x0  }
0x22b: {  	[sflag:s13] =	ssyncadd.s32 $0xFFFFFF80  }
0x22c: {  	_ =	swait.ge [sflag:s13], $0x80  }
0x22d: {  	[sflag:s13] =	ssyncset.done $0x0  }
0x22e: {  	[sflag:s13] =	ssyncadd.s32 $0xFFFFFF80  }
0x22f: {  	_ =	swait.ge [sflag:s13], $0x80  }
0x230: {  	[sflag:s13] =	ssyncset.done $0x0  }
0x231: {  	[sflag:s13] =	ssyncadd.s32 $0xFFFFFF80  }
0x232: {  	_ =	swait.ge [sflag:s13], $0x80  }
0x233: {  	[sflag:s13] =	ssyncset.done $0x0  }
0x234: {  	[sflag:s13] =	ssyncadd.s32 $0xFFFFFF80  }
0x235: {  	_ =	swait.ge [sflag:s13], $0x80  }
0x236: {  	[sflag:s13] =	ssyncset.done $0x0  }
0x237: {  	[sflag:s13] =	ssyncadd.s32 $0xFFFFFF80  }
0x238: {  	_ =	swait.ge [sflag:s13], $0x80  }
0x239: {  	[sflag:s13] =	ssyncset.done $0x0  }
0x23a: {  	[sflag:s13] =	ssyncadd.s32 $0xFFFFFF80  }
0x23b: {  	_ =	swait.ge [sflag:s13], $0x80  }
0x23c: {  	[sflag:s13] =	ssyncset.done $0x0  }
0x23d: {  	[sflag:s13] =	ssyncadd.s32 $0xFFFFFF80  }
0x23e: {  	_ =	swait.ge [sflag:s13], $0x80  }
0x23f: {  	[sflag:s13] =	ssyncset.done $0x0  }
0x240: {  	[sflag:s13] =	ssyncadd.s32 $0xFFFFFF80  }
0x241: {  	_ =	swait.ge [sflag:s13], $0x80  }
0x242: {  	[sflag:s13] =	ssyncset.done $0x0  }
0x243: {  	[sflag:s13] =	ssyncadd.s32 $0xFFFFFF80  }
0x244: {  	_ =	swait.ge [sflag:s13], $0x80  }
0x245: {  	[sflag:s13] =	ssyncset.done $0x0  }
0x246: {  	[sflag:s13] =	ssyncadd.s32 $0xFFFFFF80  }
0x247: {  	_ =	swait.ge [sflag:s13], $0x80  }
0x248: {  	[sflag:s13] =	ssyncset.done $0x0  }
0x249: {  	[sflag:s13] =	ssyncadd.s32 $0xFFFFFF80  }
0x24a: {  	_ =	swait.ge [sflag:s13], $0x80  }
0x24b: {  	[sflag:s13] =	ssyncset.done $0x0  }
0x24c: {  	[sflag:s13] =	ssyncadd.s32 $0xFFFFFF80  }
0x24d: {  	_ =	swait.ge [sflag:s13], $0x80  }
0x24e: {  	[sflag:s13] =	ssyncset.done $0x0  }
0x24f: {  	[sflag:s13] =	ssyncadd.s32 $0xFFFFFF80  }
0x250: {  	_ =	swait.ge [sflag:s13], $0x80  }
0x251: {  	[sflag:s13] =	ssyncset.done $0x0  }
0x252: {  	[sflag:s13] =	ssyncadd.s32 $0xFFFFFF80  }
0x253: {  	_ =	swait.ge [sflag:s13], $0x80  }
0x254: {  	[sflag:s13] =	ssyncset.done $0x0  }
0x255: {  	[sflag:s13] =	ssyncadd.s32 $0xFFFFFF80  }
0x256: {  	_ =	swait.ge [sflag:s13], $0x80  }
0x257: {  	[sflag:s13] =	ssyncset.done $0x0  }
0x258: {  	[sflag:s13] =	ssyncadd.s32 $0xFFFFFF80  }
0x259: {  	_ =	swait.ge [sflag:s13], $0x80  }
0x25a: {  	[sflag:s13] =	ssyncset.done $0x0  }
0x25b: {  	[sflag:s13] =	ssyncadd.s32 $0xFFFFFF80  }
0x25c: {  	_ =	swait.ge [sflag:s13], $0x80  }
0x25d: {  	[sflag:s13] =	ssyncset.done $0x0  }
0x25e: {  	[sflag:s13] =	ssyncadd.s32 $0xFFFFFF80  }
0x25f: {  	_ =	swait.ge [sflag:s13], $0x80  }
0x260: {  	[sflag:s13] =	ssyncset.done $0x0  }
0x261: {  	[sflag:s13] =	ssyncadd.s32 $0xFFFFFF80  }
0x262: {  	_ =	swait.ge [sflag:s13], $0x80  }
0x263: {  	[sflag:s13] =	ssyncset.done $0x0  }
0x264: {  	[sflag:s13] =	ssyncadd.s32 $0xFFFFFF80  }
0x265: {  	_ =	swait.ge [sflag:s13], $0x80  }
0x266: {  	[sflag:s13] =	ssyncset.done $0x0  }
0x267: {  	[sflag:s13] =	ssyncadd.s32 $0xFFFFFF80  }
0x268: {  	_ =	swait.ge [sflag:s13], $0x80  }
0x269: {  	[sflag:s13] =	ssyncset.done $0x0  }
0x26a: {  	s9 =	simm.s32 $0xCC30;
	[sflag:s13] =	ssyncadd.s32 $0xFFFFFF80  }
0x26b: {  	v8 =	vld [tilespmem:s9+$0xFFFFFFF0];
	_ =	sdelay $0x4  }
0x26c: {  	s15 =	simm.s32 $0x0;
	v6 =	vshrl.u32 v8, $0x3  }
0x26d: {  	v7 =	vmov s15;
	s16 =	simm.s32 $0xCC50  }
0x26e: {  	v10 =	vld [tilespmem:s16+$0xFFFFFFF0];
	_ =	sdelay $0x2  }
0x26f: {  	v9 =	vld.idx.msk [tilespmem:v6+s25+$0x0], $0xffff  }
0x270: {  	v6 =	vld.idx.msk [tilespmem:v7+s22+$0x0], $0xffff  }
0x271: {  	s7 =	simm.s32 $0x1;
	v11 =	vshrl.u32 v10, $0x3  }
0x272: {  	s15 =	simm.s32 $0xCC70;
	v13 =	vmov s7;
	v12 =	vshll.u32 v8, $0x2  }
0x273: {  	v15 =	vld [tilespmem:s15+$0xFFFFFFF0];
	v12 =	vand.u32 $0x1C, v12  }
0x274: {  	v9 =	vshrl.u32 v9, v12  }
0x275: {  	v7 =	vshll.u32 v7, $0x4;
	vm0 =	vne.s32 v8, v6;
	v8 =	vand.u32 $0xF, v9  }
0x276: {  	v9 =	vld.idx.msk [tilespmem:v11+s25+$0x0], $0xffff;
	v8 =	vor.u32 v7, v8  }
0x277: {  	v11 =	vld.idx.msk [tilespmem:v13+s22+$0x0], $0xffff  }
0x278: {  	s29 =	simm.s32 $0x2;
	v12 =	vshrl.u32 v15, $0x3  }
0x279: {  	v16 =	vmov s29;
	s7 =	simm.s32 $0xCC90;
	v14 =	vshll.u32 v10, $0x2  }
0x27a: {  	v23 =	vld [tilespmem:s7+$0xFFFFFFF0];
	v14 =	vand.u32 $0x1C, v14  }
0x27b: {  	[tilespmem:v8+s26+$0x0] =	vst.idx.add.f32.msk vm0, v5;
	v8 =	vshrl.u32 v9, v14  }
0x27c: {  	v9 =	vshll.u32 v13, $0x4;
	vm0 =	vne.s32 v10, v11;
	v14 =	vld [tilespmem:s9+$0x0];
	v10 =	vand.u32 $0xF, v8  }
0x27d: {  	v12 =	vld.idx.msk [tilespmem:v12+s25+$0x0], $0xffff;
	v13 =	vor.u32 v9, v10  }
0x27e: {  	v8 =	vld.idx.msk [tilespmem:v16+s22+$0x0], $0xffff  }
0x27f: {  	s8 =	simm.s32 $0x3;
	v20 =	vshrl.u32 v23, $0x3  }
0x280: {  	s0 =	simm.s32 $0xCCB0;
	v17 =	vmov s8;
	v18 =	vshll.u32 v15, $0x2  }
0x281: {  	s30 =	simm.s32 $0x4;
	v22 =	vand.u32 $0x1C, v18;
	v18 =	vld [tilespmem:s0+$0xFFFFFFF0];
	v21 =	vshrl.u32 v14, $0x3  }
0x282: {  	v19 =	vmov s30;
	[tilespmem:v13+s26+$0x0] =	vst.idx.add.f32.msk vm0, v5  }
0x283: {  	v22 =	vshrl.u32 v12, v22;
	vm0 =	vne.s32 v15, v8;
	v15 =	vld [tilespmem:s16+$0x0]  }
0x284: {  	v24 =	vld.idx.msk [tilespmem:v20+s25+$0x0], $0xffff;
	v12 =	vshll.u32 v16, $0x4;
	v13 =	vand.u32 $0xF, v22  }
0x285: {  	v10 =	vld.idx.msk [tilespmem:v17+s22+$0x0], $0xffff;
	v16 =	vor.u32 v12, v13  }
0x286: {  	v27 =	vld.idx.msk [tilespmem:v21+s25+$0x0], $0xffff  }
0x287: {  	s8 =	simm.s32 $0xCCD0;
	v25 =	vshrl.u32 v18, $0x3;
	v13 =	vld.idx.msk [tilespmem:v19+s22+$0x0], $0xffff;
	v21 =	vshll.u32 v23, $0x2  }
0x288: {  	s31 =	simm.s32 $0x5;
	v26 =	vand.u32 $0x1C, v21;
	v21 =	vld [tilespmem:s8+$0xFFFFFFF0];
	v20 =	vshrl.u32 v15, $0x3  }
0x289: {  	v28 =	vshll.u32 v14, $0x2;
	v22 =	vmov s31  }
0x28a: {  	v28 =	vand.u32 $0x1C, v28;
	[tilespmem:v16+s26+$0x0] =	vst.idx.add.f32.msk vm0, v5;
	v24 =	vshrl.u32 v24, v26;
	v16 =	vshll.u32 v17, $0x4  }
0x28b: {  	s1 =	simm.s32 $0x6;
	vm0 =	vne.s32 v23, v10;
	v23 =	vmovc v22;
	v17 =	vld [tilespmem:s15+$0x0];
	v26 =	vand.u32 $0xF, v24;
	v24 =	vshrl.u32 v27, v28  }
.LBB2_14:
0x28c: {  	p0 =	sne.s32 s1, $0x7F;
	v27 =	vld.idx.msk [tilespmem:v25+s25+$0x0], $0xffff;
	v26 =	vor.u32 v16, v26;
	vm1 =	vne.s32 v14, v6;
	v25 =	vand.u32 $0xF, v24;
	v6 =	vmovc v11;
	s15 =	smov.u32 s8  }
0x28d: {  	v11 =	vmovc v8;
	v8 =	vmovc v10;
	v10 =	vmov v13;
	v24 =	vld.idx.msk [tilespmem:v20+s25+$0x0], $0xffff;
	v28 =	vor.u32 v7, v25;
	v29 =	vmov v21  }
0x28e: {  	v14 =	vmovc v15;
	v7 =	vmov v9;
	v9 =	vmov v12;
	v12 =	vmov v16  }
.Ltmp6:
0x28f: {  	s8 =	sadd.s32 $0x20, s8;
	v25 =	vshrl.u32 v29, $0x3;
	v13 =	vld.idx.msk [tilespmem:v22+s22+$0x0], $0xffff;
	(pc) =	sbr.rel @p0 .LBB2_14-.Ltmp6, $4  }
0x290: {  	v16 =	vshll.u32 v18, $0x2;
	v21 =	vld [tilespmem:s8+$0xFFFFFFF0];
	v20 =	vshrl.u32 v17, $0x3;
	v15 =	vmov v17  }
0x291: {  	v16 =	vand.u32 $0x1C, v16;
	v22 =	vmov s1;
	v17 =	vshll.u32 v14, $0x2;
	[tilespmem:v26+s26+$0x0] =	vst.idx.add.f32.msk vm0, v5  }
0x292: {  	v26 =	vshrl.u32 v27, v16;
	v16 =	vshll.u32 v19, $0x4;
	v27 =	vand.u32 $0x1C, v17;
	v19 =	vmovc v23;
	[tilespmem:v28+s26+$0x0] =	vst.idx.add.f32.msk vm1, v5  }
0x293: {  	s1 =	sadd.s32 $0x1, s1;
	vm0 =	vne.s32 v18, v10;
	v18 =	vmovc v29;
	v23 =	vmovc v22;
	v26 =	vand.u32 $0xF, v26;
	v24 =	vshrl.u32 v24, v27;
	v17 =	vld [tilespmem:s7+$0x0];
	s7 =	smov.u32 s0;
	s0 =	smov.u32 s15  }
0x294: {  	_ = 	snop  }
0x295: {  	v27 =	vshrl.u32 v21, $0x3;
	_ =	sdelay $0x2  }
0x296: {  	v25 =	vld.idx.msk [tilespmem:v25+s25+$0x0], $0xffff;
	_ =	sdelay $0x1  }
0x297: {  	v27 =	vld.idx.msk [tilespmem:v27+s25+$0x0], $0xffff  }
0x298: {  	v22 =	vld.idx.msk [tilespmem:v22+s22+$0x0], $0xffff;
	v28 =	vshll.u32 v18, $0x2  }
0x299: {  	v26 =	vor.u32 v16, v26;
	v28 =	vand.u32 $0x1C, v28  }
0x29a: {  	v19 =	vshll.u32 v19, $0x4;
	v52 =	vshll.u32 v21, $0x2;
	v25 =	vshrl.u32 v25, v28  }
0x29b: {  	vm1 =	vne.s32 v18, v13;
	v54 =	vand.u32 $0x1C, v52;
	v53 =	vand.u32 $0xF, v25  }
0x29c: {  	v18 =	vor.u32 v19, v53;
	v25 =	vshrl.u32 v27, v54  }
0x29d: {  	v23 =	vshll.u32 v23, $0x4;
	vm2 =	vne.s32 v21, v22;
	v55 =	vand.u32 $0xF, v25  }
0x29e: {  	v21 =	vor.u32 v23, v55  }
0x29f: {  	[tilespmem:v26+s26+$0x0] =	vst.idx.add.f32.msk vm0, v5  }
0x2a0: {  	v56 =	vld [tilespmem:s7+$0x0]  }
0x2a1: {  	[tilespmem:v18+s26+$0x0] =	vst.idx.add.f32.msk vm1, v5  }
0x2a2: {  	v18 =	vld [tilespmem:s0+$0x0]  }
0x2a3: {  	v57 =	vshrl.u32 v17, $0x3;
	[tilespmem:v21+s26+$0x0] =	vst.idx.add.f32.msk vm2, v5  }
0x2a4: {  	v21 =	vld [tilespmem:s8+$0x0];
	_ =	sdelay $0x2  }
0x2a5: {  	v20 =	vld.idx.msk [tilespmem:v20+s25+$0x0], $0xffff;
	v58 =	vshrl.u32 v56, $0x3  }
0x2a6: {  	v26 =	vld.idx.msk [tilespmem:v57+s25+$0x0], $0xffff;
	v59 =	vshrl.u32 v18, $0x3  }
0x2a7: {  	v29 =	vshrl.u32 v21, $0x3  }
0x2a8: {  	vm13 =	vne.s32 v14, v6;
	v6 =	vshll.u32 v15, $0x2  }
0x2a9: {  	vm14 =	vne.s32 v15, v11;
	v6 =	vand.u32 $0x1C, v6;
	v11 =	vshll.u32 v17, $0x2  }
0x2aa: {  	v61 =	vand.u32 $0xF, v24;
	v6 =	vshrl.u32 v20, v6;
	v11 =	vand.u32 $0x1C, v11;
	v60 =	vld.idx.msk [tilespmem:v58+s25+$0x0], $0xffff  }
0x2ab: {  	v7 =	vor.u32 v7, v61;
	v6 =	vand.u32 $0xF, v6;
	v11 =	vshrl.u32 v26, v11;
	v62 =	vld.idx.msk [tilespmem:v59+s25+$0x0], $0xffff  }
0x2ac: {  	vm15 =	vne.s32 v17, v8;
	v6 =	vor.u32 v9, v6;
	v9 =	vand.u32 $0xF, v11;
	v63 =	vld.idx.msk [tilespmem:v29+s25+$0x0], $0xffff  }
0x2ad: {  	vm3 =	vne.s32 v56, v10;
	v11 =	vshll.u32 v56, $0x2;
	v8 =	vor.u32 v12, v9  }
0x2ae: {  	v9 =	vand.u32 $0x1C, v11;
	v10 =	vshll.u32 v18, $0x2;
	vm4 =	vne.s32 v18, v13  }
0x2af: {  	v10 =	vand.u32 $0x1C, v10;
	v9 =	vshrl.u32 v60, v9;
	v11 =	vshll.u32 v21, $0x2  }
0x2b0: {  	v9 =	vand.u32 $0xF, v9;
	v11 =	vand.u32 $0x1C, v11;
	v10 =	vshrl.u32 v62, v10  }
0x2b1: {  	v9 =	vor.u32 v16, v9;
	v10 =	vand.u32 $0xF, v10;
	v11 =	vshrl.u32 v63, v11  }
0x2b2: {  	vm5 =	vne.s32 v21, v22;
	v10 =	vor.u32 v19, v10;
	v11 =	vand.u32 $0xF, v11  }
0x2b3: {  	s30 =	simm.s32 $0x180;
	[tilespmem:v7+s26+$0x0] =	vst.idx.add.f32.msk vm13, v5;
	v7 =	vor.u32 v23, v11  }
0x2b4: {  	[tilespmem:v6+s26+$0x0] =	vst.idx.add.f32.msk vm14, v5;
	v6 =	vmov s30  }
0x2b5: {  	[tilespmem:v8+s26+$0x0] =	vst.idx.add.f32.msk vm15, v5  }
0x2b6: {  	[tilespmem:v9+s26+$0x0] =	vst.idx.add.f32.msk vm3, v5  }
0x2b7: {  	[tilespmem:v10+s26+$0x0] =	vst.idx.add.f32.msk vm4, v5  }
0x2b8: {  	s31 =	simm.s32 $0x181;
	[tilespmem:v7+s26+$0x0] =	vst.idx.add.f32.msk vm5, v5  }
0x2b9: {  	v8 =	vld.idx.msk [tilespmem:v6+s4+$0x0], $0xffff;
	v6 =	vmov s31;
	_ =	sdelay $0x4  }
0x2ba: {  	s1 =	simm.s32 $0x182;
	s0 =	simm.s32 $0xAC30;
	v6 =	vld.idx.msk [tilespmem:v6+s4+$0x0], $0xffff;
	v7 =	vadd.s32 v1, v8;
	v8 =	vadd.s32 v2, v8  }
.LBB2_16:
0x2bb: {  	v9 =	vmov s1;
	p0 =	sne.s32 s1, $0x1FF;
	s1 =	sadd.s32 $0x1, s1;
	[tilespmem:s0+$0x0] =	vst v8  }
.Ltmp7:
0x2bc: {  	[tilespmem:s0+$0xFFFFFFF0] =	vst v7;
	(pc) =	sbr.rel @p0 .LBB2_16-.Ltmp7, $2  }
0x2bd: {  	_ =	sdelay $0x2  }
0x2be: {  	s0 =	sadd.s32 $0x20, s0;
	v7 =	vadd.s32 v1, v6;
	v8 =	vadd.s32 v2, v6;
	v6 =	vld.idx.msk [tilespmem:v9+s4+$0x0], $0xffff  }
0x2bf: {  	_ =	sdelay $0x2  }
0x2c0: {  	[tilespmem:s0+$0x0] =	vst v8  }
0x2c1: {  	[tilespmem:s0+$0xFFFFFFF0] =	vst v7;
	s7 =	sadd.s32 $0x20, s0;
	v7 =	vadd.s32 v2, v6  }
0x2c2: {  	v6 =	vadd.s32 v1, v6;
	[tilespmem:s7+$0x0] =	vst v7  }
0x2c3: {  	s8 =	simm.s32 $0xAC20;
	s1 =	simm.s32 $0xCC20;
	[tilespmem:s7+$0xFFFFFFF0] =	vst v6  }
0x2c4: {  	[tilespmem:s1], [sflag:$0x1] =	stream.indirect.gather [hbm4b:s5+s18], $0x1, s8, s18, $0xb8;
	[tilespmem:$0x1AA40] =	vst v63  }
0x2c5: {  	s9 =	simm.s32 $0xACA0;
	s15 =	simm.s32 $0xCCA0  }
0x2c6: {  	[tilespmem:s15], [sflag:$0x1] =	stream.indirect.gather [hbm4b:s5+s18], $0x1, s9, s18, $0xb8;
	[tilespmem:$0x1AA40] =	vst v63  }
0x2c7: {  	s16 =	simm.s32 $0xAD20;
	s29 =	simm.s32 $0xCD20  }
0x2c8: {  	[tilespmem:s29], [sflag:$0x1] =	stream.indirect.gather [hbm4b:s5+s18], $0x1, s16, s18, $0xb8;
	[tilespmem:$0x1AA40] =	vst v63  }
0x2c9: {  	s30 =	simm.s32 $0xADA0;
	s31 =	simm.s32 $0xCDA0  }
0x2ca: {  	[tilespmem:s31], [sflag:$0x1] =	stream.indirect.gather [hbm4b:s5+s18], $0x1, s30, s18, $0xb8;
	[tilespmem:$0x1AA40] =	vst v63  }
0x2cb: {  	s7 =	simm.s32 $0xAE20;
	s8 =	simm.s32 $0xCE20  }
0x2cc: {  	[tilespmem:s8], [sflag:$0x1] =	stream.indirect.gather [hbm4b:s5+s18], $0x1, s7, s18, $0xb8;
	[tilespmem:$0x1AA40] =	vst v63  }
0x2cd: {  	s9 =	simm.s32 $0xAEA0;
	s15 =	simm.s32 $0xCEA0  }
0x2ce: {  	[tilespmem:s15], [sflag:$0x1] =	stream.indirect.gather [hbm4b:s5+s18], $0x1, s9, s18, $0xb8;
	[tilespmem:$0x1AA40] =	vst v63  }
0x2cf: {  	s16 =	simm.s32 $0xAF20;
	s29 =	simm.s32 $0xCF20  }
0x2d0: {  	[tilespmem:s29], [sflag:$0x1] =	stream.indirect.gather [hbm4b:s5+s18], $0x1, s16, s18, $0xb8;
	[tilespmem:$0x1AA40] =	vst v63  }
0x2d1: {  	s30 =	simm.s32 $0xAFA0;
	s31 =	simm.s32 $0xCFA0  }
0x2d2: {  	[tilespmem:s31], [sflag:$0x1] =	stream.indirect.gather [hbm4b:s5+s18], $0x1, s30, s18, $0xb8;
	[tilespmem:$0x1AA40] =	vst v63  }
0x2d3: {  	s7 =	simm.s32 $0xB020;
	s8 =	simm.s32 $0xD020  }
0x2d4: {  	[tilespmem:s8], [sflag:$0x1] =	stream.indirect.gather [hbm4b:s5+s18], $0x1, s7, s18, $0xb8;
	[tilespmem:$0x1AA40] =	vst v63  }
0x2d5: {  	s9 =	simm.s32 $0xB0A0;
	s15 =	simm.s32 $0xD0A0  }
0x2d6: {  	[tilespmem:s15], [sflag:$0x1] =	stream.indirect.gather [hbm4b:s5+s18], $0x1, s9, s18, $0xb8;
	[tilespmem:$0x1AA40] =	vst v63  }
0x2d7: {  	s16 =	simm.s32 $0xB120;
	s29 =	simm.s32 $0xD120  }
0x2d8: {  	[tilespmem:s29], [sflag:$0x1] =	stream.indirect.gather [hbm4b:s5+s18], $0x1, s16, s18, $0xb8;
	[tilespmem:$0x1AA40] =	vst v63  }
0x2d9: {  	s30 =	simm.s32 $0xB1A0;
	s31 =	simm.s32 $0xD1A0  }
0x2da: {  	[tilespmem:s31], [sflag:$0x1] =	stream.indirect.gather [hbm4b:s5+s18], $0x1, s30, s18, $0xb8;
	[tilespmem:$0x1AA40] =	vst v63  }
0x2db: {  	s7 =	simm.s32 $0xB220;
	s8 =	simm.s32 $0xD220  }
0x2dc: {  	[tilespmem:s8], [sflag:$0x1] =	stream.indirect.gather [hbm4b:s5+s18], $0x1, s7, s18, $0xb8;
	[tilespmem:$0x1AA40] =	vst v63  }
0x2dd: {  	s9 =	simm.s32 $0xB2A0;
	s15 =	simm.s32 $0xD2A0  }
0x2de: {  	[tilespmem:s15], [sflag:$0x1] =	stream.indirect.gather [hbm4b:s5+s18], $0x1, s9, s18, $0xb8;
	[tilespmem:$0x1AA40] =	vst v63  }
0x2df: {  	s16 =	simm.s32 $0xB320;
	s29 =	simm.s32 $0xD320  }
0x2e0: {  	[tilespmem:s29], [sflag:$0x1] =	stream.indirect.gather [hbm4b:s5+s18], $0x1, s16, s18, $0xb8;
	[tilespmem:$0x1AA40] =	vst v63  }
0x2e1: {  	s30 =	simm.s32 $0xB3A0;
	s31 =	simm.s32 $0xD3A0  }
0x2e2: {  	[tilespmem:s31], [sflag:$0x1] =	stream.indirect.gather [hbm4b:s5+s18], $0x1, s30, s18, $0xb8;
	[tilespmem:$0x1AA40] =	vst v63  }
0x2e3: {  	s7 =	simm.s32 $0xB420;
	s8 =	simm.s32 $0xD420  }
0x2e4: {  	[tilespmem:s8], [sflag:$0x1] =	stream.indirect.gather [hbm4b:s5+s18], $0x1, s7, s18, $0xb8;
	[tilespmem:$0x1AA40] =	vst v63  }
0x2e5: {  	s9 =	simm.s32 $0xB4A0;
	s15 =	simm.s32 $0xD4A0  }
0x2e6: {  	[tilespmem:s15], [sflag:$0x1] =	stream.indirect.gather [hbm4b:s5+s18], $0x1, s9, s18, $0xb8;
	[tilespmem:$0x1AA40] =	vst v63  }
0x2e7: {  	s16 =	simm.s32 $0xB520;
	s29 =	simm.s32 $0xD520  }
0x2e8: {  	[tilespmem:s29], [sflag:$0x1] =	stream.indirect.gather [hbm4b:s5+s18], $0x1, s16, s18, $0xb8;
	[tilespmem:$0x1AA40] =	vst v63  }
0x2e9: {  	s30 =	simm.s32 $0xB5A0;
	s31 =	simm.s32 $0xD5A0  }
0x2ea: {  	[tilespmem:s31], [sflag:$0x1] =	stream.indirect.gather [hbm4b:s5+s18], $0x1, s30, s18, $0xb8;
	[tilespmem:$0x1AA40] =	vst v63  }
0x2eb: {  	s7 =	simm.s32 $0xB620;
	s8 =	simm.s32 $0xD620  }
0x2ec: {  	[tilespmem:s8], [sflag:$0x1] =	stream.indirect.gather [hbm4b:s5+s18], $0x1, s7, s18, $0xb8;
	[tilespmem:$0x1AA40] =	vst v63  }
0x2ed: {  	s9 =	simm.s32 $0xB6A0;
	s15 =	simm.s32 $0xD6A0  }
0x2ee: {  	[tilespmem:s15], [sflag:$0x1] =	stream.indirect.gather [hbm4b:s5+s18], $0x1, s9, s18, $0xb8;
	[tilespmem:$0x1AA40] =	vst v63  }
0x2ef: {  	s16 =	simm.s32 $0xB720;
	s29 =	simm.s32 $0xD720  }
0x2f0: {  	[tilespmem:s29], [sflag:$0x1] =	stream.indirect.gather [hbm4b:s5+s18], $0x1, s16, s18, $0xb8;
	[tilespmem:$0x1AA40] =	vst v63  }
0x2f1: {  	s30 =	simm.s32 $0xB7A0;
	s31 =	simm.s32 $0xD7A0  }
0x2f2: {  	[tilespmem:s31], [sflag:$0x1] =	stream.indirect.gather [hbm4b:s5+s18], $0x1, s30, s18, $0xb8;
	[tilespmem:$0x1AA40] =	vst v63  }
0x2f3: {  	s7 =	simm.s32 $0xB820;
	s8 =	simm.s32 $0xD820  }
0x2f4: {  	[tilespmem:s8], [sflag:$0x1] =	stream.indirect.gather [hbm4b:s5+s18], $0x1, s7, s18, $0xb8;
	[tilespmem:$0x1AA40] =	vst v63  }
0x2f5: {  	s9 =	simm.s32 $0xB8A0;
	s15 =	simm.s32 $0xD8A0  }
0x2f6: {  	[tilespmem:s15], [sflag:$0x1] =	stream.indirect.gather [hbm4b:s5+s18], $0x1, s9, s18, $0xb8;
	[tilespmem:$0x1AA40] =	vst v63  }
0x2f7: {  	s16 =	simm.s32 $0xB920;
	s29 =	simm.s32 $0xD920  }
0x2f8: {  	[tilespmem:s29], [sflag:$0x1] =	stream.indirect.gather [hbm4b:s5+s18], $0x1, s16, s18, $0xb8;
	[tilespmem:$0x1AA40] =	vst v63  }
0x2f9: {  	s30 =	simm.s32 $0xB9A0;
	s31 =	simm.s32 $0xD9A0  }
0x2fa: {  	[tilespmem:s31], [sflag:$0x1] =	stream.indirect.gather [hbm4b:s5+s18], $0x1, s30, s18, $0xb8;
	[tilespmem:$0x1AA40] =	vst v63  }
0x2fb: {  	s7 =	simm.s32 $0xBA20;
	s8 =	simm.s32 $0xDA20  }
0x2fc: {  	[tilespmem:s8], [sflag:$0x1] =	stream.indirect.gather [hbm4b:s5+s18], $0x1, s7, s18, $0xb8;
	[tilespmem:$0x1AA40] =	vst v63  }
0x2fd: {  	_ = 	snop  }
0x2fe: {  	[tilespmem:s19], [sflag:$0x1] =	stream.indirect.gather [hbm4b:s5+s18], $0x1, s3, s18, $0xb8;
	[tilespmem:$0x1AA40] =	vst v63  }
0x2ff: {  	_ = 	snop  }
0x300: {  	[tilespmem:s20], [sflag:$0x1] =	stream.indirect.gather [hbm4b:s5+s18], $0x1, s10, s18, $0xb8;
	[tilespmem:$0x1AA40] =	vst v63  }
0x301: {  	_ = 	snop  }
0x302: {  	[tilespmem:s24], [sflag:$0x1] =	stream.indirect.gather [hbm4b:s5+s18], $0x1, s11, s18, $0xb8;
	[tilespmem:$0x1AA40] =	vst v63  }
0x303: {  	_ =	swait.ge [sflag:s13], $0x80  }
0x304: {  	[sflag:s13] =	ssyncset.done $0x0  }
0x305: {  	[sflag:s13] =	ssyncadd.s32 $0xFFFFFF80  }
0x306: {  	_ =	swait.ge [sflag:s13], $0x80  }
0x307: {  	[sflag:s13] =	ssyncset.done $0x0  }
0x308: {  	[sflag:s13] =	ssyncadd.s32 $0xFFFFFF80  }
0x309: {  	_ =	swait.ge [sflag:s13], $0x80  }
0x30a: {  	[sflag:s13] =	ssyncset.done $0x0  }
0x30b: {  	[sflag:s13] =	ssyncadd.s32 $0xFFFFFF80  }
0x30c: {  	_ =	swait.ge [sflag:s13], $0x80  }
0x30d: {  	[sflag:s13] =	ssyncset.done $0x0  }
0x30e: {  	[sflag:s13] =	ssyncadd.s32 $0xFFFFFF80  }
0x30f: {  	_ =	swait.ge [sflag:s13], $0x80  }
0x310: {  	[sflag:s13] =	ssyncset.done $0x0  }
0x311: {  	[sflag:s13] =	ssyncadd.s32 $0xFFFFFF80  }
0x312: {  	_ =	swait.ge [sflag:s13], $0x80  }
0x313: {  	[sflag:s13] =	ssyncset.done $0x0  }
0x314: {  	[sflag:s13] =	ssyncadd.s32 $0xFFFFFF80  }
0x315: {  	_ =	swait.ge [sflag:s13], $0x80  }
0x316: {  	[sflag:s13] =	ssyncset.done $0x0  }
0x317: {  	[sflag:s13] =	ssyncadd.s32 $0xFFFFFF80  }
0x318: {  	_ =	swait.ge [sflag:s13], $0x80  }
0x319: {  	[sflag:s13] =	ssyncset.done $0x0  }
0x31a: {  	[sflag:s13] =	ssyncadd.s32 $0xFFFFFF80  }
0x31b: {  	_ =	swait.ge [sflag:s13], $0x80  }
0x31c: {  	[sflag:s13] =	ssyncset.done $0x0  }
0x31d: {  	[sflag:s13] =	ssyncadd.s32 $0xFFFFFF80  }
0x31e: {  	_ =	swait.ge [sflag:s13], $0x80  }
0x31f: {  	[sflag:s13] =	ssyncset.done $0x0  }
0x320: {  	[sflag:s13] =	ssyncadd.s32 $0xFFFFFF80  }
0x321: {  	_ =	swait.ge [sflag:s13], $0x80  }
0x322: {  	[sflag:s13] =	ssyncset.done $0x0  }
0x323: {  	[sflag:s13] =	ssyncadd.s32 $0xFFFFFF80  }
0x324: {  	_ =	swait.ge [sflag:s13], $0x80  }
0x325: {  	[sflag:s13] =	ssyncset.done $0x0  }
0x326: {  	[sflag:s13] =	ssyncadd.s32 $0xFFFFFF80  }
0x327: {  	_ =	swait.ge [sflag:s13], $0x80  }
0x328: {  	[sflag:s13] =	ssyncset.done $0x0  }
0x329: {  	[sflag:s13] =	ssyncadd.s32 $0xFFFFFF80  }
0x32a: {  	_ =	swait.ge [sflag:s13], $0x80  }
0x32b: {  	[sflag:s13] =	ssyncset.done $0x0  }
0x32c: {  	[sflag:s13] =	ssyncadd.s32 $0xFFFFFF80  }
0x32d: {  	_ =	swait.ge [sflag:s13], $0x80  }
0x32e: {  	[sflag:s13] =	ssyncset.done $0x0  }
0x32f: {  	[sflag:s13] =	ssyncadd.s32 $0xFFFFFF80  }
0x330: {  	_ =	swait.ge [sflag:s13], $0x80  }
0x331: {  	[sflag:s13] =	ssyncset.done $0x0  }
0x332: {  	[sflag:s13] =	ssyncadd.s32 $0xFFFFFF80  }
0x333: {  	_ =	swait.ge [sflag:s13], $0x80  }
0x334: {  	[sflag:s13] =	ssyncset.done $0x0  }
0x335: {  	[sflag:s13] =	ssyncadd.s32 $0xFFFFFF80  }
0x336: {  	_ =	swait.ge [sflag:s13], $0x80  }
0x337: {  	[sflag:s13] =	ssyncset.done $0x0  }
0x338: {  	[sflag:s13] =	ssyncadd.s32 $0xFFFFFF80  }
0x339: {  	_ =	swait.ge [sflag:s13], $0x80  }
0x33a: {  	[sflag:s13] =	ssyncset.done $0x0  }
0x33b: {  	[sflag:s13] =	ssyncadd.s32 $0xFFFFFF80  }
0x33c: {  	_ =	swait.ge [sflag:s13], $0x80  }
0x33d: {  	[sflag:s13] =	ssyncset.done $0x0  }
0x33e: {  	[sflag:s13] =	ssyncadd.s32 $0xFFFFFF80  }
0x33f: {  	_ =	swait.ge [sflag:s13], $0x80  }
0x340: {  	[sflag:s13] =	ssyncset.done $0x0  }
0x341: {  	[sflag:s13] =	ssyncadd.s32 $0xFFFFFF80  }
0x342: {  	_ =	swait.ge [sflag:s13], $0x80  }
0x343: {  	[sflag:s13] =	ssyncset.done $0x0  }
0x344: {  	[sflag:s13] =	ssyncadd.s32 $0xFFFFFF80  }
0x345: {  	_ =	swait.ge [sflag:s13], $0x80  }
0x346: {  	[sflag:s13] =	ssyncset.done $0x0  }
0x347: {  	[sflag:s13] =	ssyncadd.s32 $0xFFFFFF80  }
0x348: {  	_ =	swait.ge [sflag:s13], $0x80  }
0x349: {  	[sflag:s13] =	ssyncset.done $0x0  }
0x34a: {  	[sflag:s13] =	ssyncadd.s32 $0xFFFFFF80  }
0x34b: {  	_ =	swait.ge [sflag:s13], $0x80  }
0x34c: {  	[sflag:s13] =	ssyncset.done $0x0  }
0x34d: {  	[sflag:s13] =	ssyncadd.s32 $0xFFFFFF80  }
0x34e: {  	_ =	swait.ge [sflag:s13], $0x80  }
0x34f: {  	[sflag:s13] =	ssyncset.done $0x0  }
0x350: {  	[sflag:s13] =	ssyncadd.s32 $0xFFFFFF80  }
0x351: {  	_ =	swait.ge [sflag:s13], $0x80  }
0x352: {  	[sflag:s13] =	ssyncset.done $0x0  }
0x353: {  	[sflag:s13] =	ssyncadd.s32 $0xFFFFFF80  }
0x354: {  	_ =	swait.ge [sflag:s13], $0x80  }
0x355: {  	[sflag:s13] =	ssyncset.done $0x0  }
0x356: {  	[sflag:s13] =	ssyncadd.s32 $0xFFFFFF80  }
0x357: {  	_ =	swait.ge [sflag:s13], $0x80  }
0x358: {  	[sflag:s13] =	ssyncset.done $0x0  }
0x359: {  	[sflag:s13] =	ssyncadd.s32 $0xFFFFFF80  }
0x35a: {  	_ =	swait.ge [sflag:s13], $0x80  }
0x35b: {  	[sflag:s13] =	ssyncset.done $0x0  }
0x35c: {  	[sflag:s13] =	ssyncadd.s32 $0xFFFFFF80  }
0x35d: {  	_ =	swait.ge [sflag:s13], $0x80  }
0x35e: {  	[sflag:s13] =	ssyncset.done $0x0  }
0x35f: {  	[sflag:s13] =	ssyncadd.s32 $0xFFFFFF80  }
0x360: {  	_ =	swait.ge [sflag:s13], $0x80  }
0x361: {  	[sflag:s13] =	ssyncset.done $0x0  }
0x362: {  	s9 =	simm.s32 $0xBC30;
	[sflag:s13] =	ssyncadd.s32 $0xFFFFFF80  }
0x363: {  	v8 =	vld [tilespmem:s9+$0xFFFFFFF0];
	_ =	sdelay $0x4  }
0x364: {  	s15 =	simm.s32 $0x0;
	v6 =	vshrl.u32 v8, $0x3  }
0x365: {  	v7 =	vmov s15;
	s16 =	simm.s32 $0xBC50  }
0x366: {  	v9 =	vld [tilespmem:s16+$0xFFFFFFF0];
	_ =	sdelay $0x2  }
0x367: {  	v10 =	vld.idx.msk [tilespmem:v6+s25+$0x0], $0xffff  }
0x368: {  	v6 =	vld.idx.msk [tilespmem:v7+s22+$0x0], $0xffff  }
0x369: {  	s7 =	simm.s32 $0x1;
	v11 =	vshrl.u32 v9, $0x3  }
0x36a: {  	s15 =	simm.s32 $0xBC70;
	v13 =	vmov s7;
	v12 =	vshll.u32 v8, $0x2  }
0x36b: {  	v15 =	vld [tilespmem:s15+$0xFFFFFFF0];
	v12 =	vand.u32 $0x1C, v12  }
0x36c: {  	v10 =	vshrl.u32 v10, v12  }
0x36d: {  	v7 =	vshll.u32 v7, $0x4;
	vm0 =	vne.s32 v8, v6;
	v8 =	vand.u32 $0xF, v10  }
0x36e: {  	v11 =	vld.idx.msk [tilespmem:v11+s25+$0x0], $0xffff;
	v10 =	vor.u32 v7, v8  }
0x36f: {  	v8 =	vld.idx.msk [tilespmem:v13+s22+$0x0], $0xffff  }
0x370: {  	s29 =	simm.s32 $0x2;
	v12 =	vshrl.u32 v15, $0x3  }
0x371: {  	v16 =	vmov s29;
	s7 =	simm.s32 $0xBC90;
	v14 =	vshll.u32 v9, $0x2  }
0x372: {  	v23 =	vld [tilespmem:s7+$0xFFFFFFF0];
	v14 =	vand.u32 $0x1C, v14  }
0x373: {  	v11 =	vshrl.u32 v11, v14;
	[tilespmem:v10+s26+$0x0] =	vst.idx.add.f32.msk vm0, v5  }
0x374: {  	v11 =	vand.u32 $0xF, v11;
	v10 =	vshll.u32 v13, $0x4;
	vm0 =	vne.s32 v9, v8;
	v14 =	vld [tilespmem:s9+$0x0]  }
0x375: {  	v12 =	vld.idx.msk [tilespmem:v12+s25+$0x0], $0xffff;
	v13 =	vor.u32 v10, v11  }
0x376: {  	v9 =	vld.idx.msk [tilespmem:v16+s22+$0x0], $0xffff  }
0x377: {  	s8 =	simm.s32 $0x3;
	v20 =	vshrl.u32 v23, $0x3  }
0x378: {  	s0 =	simm.s32 $0xBCB0;
	v17 =	vmov s8;
	v18 =	vshll.u32 v15, $0x2  }
0x379: {  	s30 =	simm.s32 $0x4;
	v22 =	vand.u32 $0x1C, v18;
	v18 =	vld [tilespmem:s0+$0xFFFFFFF0];
	v21 =	vshrl.u32 v14, $0x3  }
0x37a: {  	v19 =	vmov s30;
	[tilespmem:v13+s26+$0x0] =	vst.idx.add.f32.msk vm0, v5  }
0x37b: {  	v22 =	vshrl.u32 v12, v22;
	vm0 =	vne.s32 v15, v9;
	v15 =	vld [tilespmem:s16+$0x0]  }
0x37c: {  	v25 =	vld.idx.msk [tilespmem:v20+s25+$0x0], $0xffff;
	v12 =	vshll.u32 v16, $0x4;
	v13 =	vand.u32 $0xF, v22  }
0x37d: {  	v11 =	vld.idx.msk [tilespmem:v17+s22+$0x0], $0xffff;
	v16 =	vor.u32 v12, v13  }
0x37e: {  	v27 =	vld.idx.msk [tilespmem:v21+s25+$0x0], $0xffff  }
0x37f: {  	s8 =	simm.s32 $0xBCD0;
	v24 =	vshrl.u32 v18, $0x3;
	v13 =	vld.idx.msk [tilespmem:v19+s22+$0x0], $0xffff;
	v21 =	vshll.u32 v23, $0x2  }
0x380: {  	s31 =	simm.s32 $0x5;
	v20 =	vshrl.u32 v15, $0x3;
	v26 =	vand.u32 $0x1C, v21;
	v21 =	vld [tilespmem:s8+$0xFFFFFFF0]  }
0x381: {  	v22 =	vmov s31;
	v28 =	vshll.u32 v14, $0x2  }
0x382: {  	v28 =	vand.u32 $0x1C, v28;
	[tilespmem:v16+s26+$0x0] =	vst.idx.add.f32.msk vm0, v5;
	v16 =	vshll.u32 v17, $0x4;
	v25 =	vshrl.u32 v25, v26  }
0x383: {  	s1 =	simm.s32 $0x6;
	vm0 =	vne.s32 v23, v11;
	v23 =	vmovc v22;
	v17 =	vld [tilespmem:s15+$0x0];
	v26 =	vand.u32 $0xF, v25;
	v25 =	vshrl.u32 v27, v28  }
.LBB2_18:
0x384: {  	p0 =	sne.s32 s1, $0x7F;
	v27 =	vld.idx.msk [tilespmem:v24+s25+$0x0], $0xffff;
	v26 =	vor.u32 v16, v26;
	vm1 =	vne.s32 v14, v6;
	v24 =	vand.u32 $0xF, v25;
	v6 =	vmovc v8;
	s15 =	smov.u32 s8  }
0x385: {  	v8 =	vmovc v9;
	v9 =	vmovc v11;
	v11 =	vmov v13;
	v25 =	vld.idx.msk [tilespmem:v20+s25+$0x0], $0xffff;
	v28 =	vor.u32 v7, v24;
	v29 =	vmov v21  }
0x386: {  	v14 =	vmovc v15;
	v7 =	vmov v10;
	v10 =	vmov v12;
	v12 =	vmov v16  }
.Ltmp8:
0x387: {  	s8 =	sadd.s32 $0x20, s8;
	v24 =	vshrl.u32 v29, $0x3;
	v13 =	vld.idx.msk [tilespmem:v22+s22+$0x0], $0xffff;
	(pc) =	sbr.rel @p0 .LBB2_18-.Ltmp8, $4  }
0x388: {  	v16 =	vshll.u32 v18, $0x2;
	v21 =	vld [tilespmem:s8+$0xFFFFFFF0];
	v20 =	vshrl.u32 v17, $0x3;
	v15 =	vmov v17  }
0x389: {  	v16 =	vand.u32 $0x1C, v16;
	v22 =	vmov s1;
	v17 =	vshll.u32 v14, $0x2;
	[tilespmem:v26+s26+$0x0] =	vst.idx.add.f32.msk vm0, v5  }
0x38a: {  	v26 =	vshrl.u32 v27, v16;
	v16 =	vshll.u32 v19, $0x4;
	v27 =	vand.u32 $0x1C, v17;
	v19 =	vmovc v23;
	[tilespmem:v28+s26+$0x0] =	vst.idx.add.f32.msk vm1, v5  }
0x38b: {  	s1 =	sadd.s32 $0x1, s1;
	vm0 =	vne.s32 v18, v11;
	v18 =	vmovc v29;
	v23 =	vmovc v22;
	v26 =	vand.u32 $0xF, v26;
	v25 =	vshrl.u32 v25, v27;
	v17 =	vld [tilespmem:s7+$0x0];
	s7 =	smov.u32 s0;
	s0 =	smov.u32 s15  }
0x38c: {  	_ = 	snop  }
0x38d: {  	v27 =	vshrl.u32 v21, $0x3;
	_ =	sdelay $0x2  }
0x38e: {  	v24 =	vld.idx.msk [tilespmem:v24+s25+$0x0], $0xffff;
	_ =	sdelay $0x1  }
0x38f: {  	v27 =	vld.idx.msk [tilespmem:v27+s25+$0x0], $0xffff  }
0x390: {  	v22 =	vld.idx.msk [tilespmem:v22+s22+$0x0], $0xffff;
	v28 =	vshll.u32 v18, $0x2  }
0x391: {  	v26 =	vor.u32 v16, v26;
	v28 =	vand.u32 $0x1C, v28  }
0x392: {  	v19 =	vshll.u32 v19, $0x4;
	v24 =	vshrl.u32 v24, v28;
	v28 =	vshll.u32 v21, $0x2  }
0x393: {  	vm1 =	vne.s32 v18, v13;
	v18 =	vand.u32 $0xF, v24;
	v24 =	vand.u32 $0x1C, v28  }
0x394: {  	v18 =	vor.u32 v19, v18;
	v24 =	vshrl.u32 v27, v24  }
0x395: {  	v23 =	vshll.u32 v23, $0x4;
	vm2 =	vne.s32 v21, v22;
	v21 =	vand.u32 $0xF, v24  }
0x396: {  	v21 =	vor.u32 v23, v21  }
0x397: {  	[tilespmem:v26+s26+$0x0] =	vst.idx.add.f32.msk vm0, v5  }
0x398: {  	v24 =	vld [tilespmem:s7+$0x0]  }
0x399: {  	[tilespmem:v18+s26+$0x0] =	vst.idx.add.f32.msk vm1, v5  }
0x39a: {  	v18 =	vld [tilespmem:s0+$0x0]  }
0x39b: {  	v26 =	vshrl.u32 v17, $0x3;
	[tilespmem:v21+s26+$0x0] =	vst.idx.add.f32.msk vm2, v5  }
0x39c: {  	v21 =	vld [tilespmem:s8+$0x0];
	_ =	sdelay $0x2  }
0x39d: {  	v20 =	vld.idx.msk [tilespmem:v20+s25+$0x0], $0xffff;
	v27 =	vshrl.u32 v24, $0x3  }
0x39e: {  	v26 =	vld.idx.msk [tilespmem:v26+s25+$0x0], $0xffff;
	v28 =	vshrl.u32 v18, $0x3  }
0x39f: {  	v29 =	vshrl.u32 v21, $0x3  }
0x3a0: {  	vm0 =	vne.s32 v14, v6;
	v6 =	vshll.u32 v15, $0x2  }
0x3a1: {  	v14 =	vand.u32 $0xF, v25;
	v25 =	vshll.u32 v17, $0x2;
	v6 =	vand.u32 $0x1C, v6  }
0x3a2: {  	v7 =	vor.u32 v7, v14;
	v14 =	vand.u32 $0x1C, v25;
	v6 =	vshrl.u32 v20, v6;
	v27 =	vld.idx.msk [tilespmem:v27+s25+$0x0], $0xffff  }
0x3a3: {  	v6 =	vand.u32 $0xF, v6;
	vm1 =	vne.s32 v15, v8;
	v8 =	vshrl.u32 v26, v14;
	v14 =	vld.idx.msk [tilespmem:v28+s25+$0x0], $0xffff  }
0x3a4: {  	v6 =	vor.u32 v10, v6;
	v8 =	vand.u32 $0xF, v8;
	v10 =	vshll.u32 v24, $0x2;
	v15 =	vld.idx.msk [tilespmem:v29+s25+$0x0], $0xffff  }
0x3a5: {  	v8 =	vor.u32 v12, v8;
	vm3 =	vne.s32 v24, v11;
	vm2 =	vne.s32 v17, v9  }
0x3a6: {  	v9 =	vand.u32 $0x1C, v10;
	v10 =	vshll.u32 v18, $0x2;
	vm4 =	vne.s32 v18, v13  }
0x3a7: {  	v10 =	vand.u32 $0x1C, v10;
	v11 =	vshll.u32 v21, $0x2;
	v9 =	vshrl.u32 v27, v9  }
0x3a8: {  	v11 =	vand.u32 $0x1C, v11;
	v9 =	vand.u32 $0xF, v9;
	v10 =	vshrl.u32 v14, v10  }
0x3a9: {  	v9 =	vor.u32 v16, v9;
	v10 =	vand.u32 $0xF, v10;
	v11 =	vshrl.u32 v15, v11  }
0x3aa: {  	vm5 =	vne.s32 v21, v22;
	v10 =	vor.u32 v19, v10;
	v11 =	vand.u32 $0xF, v11  }
0x3ab: {  	[tilespmem:v7+s26+$0x0] =	vst.idx.add.f32.msk vm0, v5;
	v7 =	vor.u32 v23, v11  }
0x3ac: {  	[tilespmem:v6+s26+$0x0] =	vst.idx.add.f32.msk vm1, v5  }
0x3ad: {  	[tilespmem:v8+s26+$0x0] =	vst.idx.add.f32.msk vm2, v5  }
0x3ae: {  	[tilespmem:v9+s26+$0x0] =	vst.idx.add.f32.msk vm3, v5  }
0x3af: {  	[tilespmem:v10+s26+$0x0] =	vst.idx.add.f32.msk vm4, v5  }
0x3b0: {  	[tilespmem:v7+s26+$0x0] =	vst.idx.add.f32.msk vm5, v5  }
0x3b1: {  	_ =	swait.ge [sflag:s13], $0x80  }
0x3b2: {  	[sflag:s13] =	ssyncset.done $0x0  }
0x3b3: {  	[sflag:s13] =	ssyncadd.s32 $0xFFFFFF80  }
0x3b4: {  	_ =	swait.ge [sflag:s13], $0x80  }
0x3b5: {  	[sflag:s13] =	ssyncset.done $0x0  }
0x3b6: {  	[sflag:s13] =	ssyncadd.s32 $0xFFFFFF80  }
0x3b7: {  	_ =	swait.ge [sflag:s13], $0x80  }
0x3b8: {  	[sflag:s13] =	ssyncset.done $0x0  }
0x3b9: {  	[sflag:s13] =	ssyncadd.s32 $0xFFFFFF80  }
0x3ba: {  	_ =	swait.ge [sflag:s13], $0x80  }
0x3bb: {  	[sflag:s13] =	ssyncset.done $0x0  }
0x3bc: {  	[sflag:s13] =	ssyncadd.s32 $0xFFFFFF80  }
0x3bd: {  	_ =	swait.ge [sflag:s13], $0x80  }
0x3be: {  	[sflag:s13] =	ssyncset.done $0x0  }
0x3bf: {  	[sflag:s13] =	ssyncadd.s32 $0xFFFFFF80  }
0x3c0: {  	_ =	swait.ge [sflag:s13], $0x80  }
0x3c1: {  	[sflag:s13] =	ssyncset.done $0x0  }
0x3c2: {  	[sflag:s13] =	ssyncadd.s32 $0xFFFFFF80  }
0x3c3: {  	_ =	swait.ge [sflag:s13], $0x80  }
0x3c4: {  	[sflag:s13] =	ssyncset.done $0x0  }
0x3c5: {  	[sflag:s13] =	ssyncadd.s32 $0xFFFFFF80  }
0x3c6: {  	_ =	swait.ge [sflag:s13], $0x80  }
0x3c7: {  	[sflag:s13] =	ssyncset.done $0x0  }
0x3c8: {  	[sflag:s13] =	ssyncadd.s32 $0xFFFFFF80  }
0x3c9: {  	_ =	swait.ge [sflag:s13], $0x80  }
0x3ca: {  	[sflag:s13] =	ssyncset.done $0x0  }
0x3cb: {  	[sflag:s13] =	ssyncadd.s32 $0xFFFFFF80  }
0x3cc: {  	_ =	swait.ge [sflag:s13], $0x80  }
0x3cd: {  	[sflag:s13] =	ssyncset.done $0x0  }
0x3ce: {  	[sflag:s13] =	ssyncadd.s32 $0xFFFFFF80  }
0x3cf: {  	_ =	swait.ge [sflag:s13], $0x80  }
0x3d0: {  	[sflag:s13] =	ssyncset.done $0x0  }
0x3d1: {  	[sflag:s13] =	ssyncadd.s32 $0xFFFFFF80  }
0x3d2: {  	_ =	swait.ge [sflag:s13], $0x80  }
0x3d3: {  	[sflag:s13] =	ssyncset.done $0x0  }
0x3d4: {  	[sflag:s13] =	ssyncadd.s32 $0xFFFFFF80  }
0x3d5: {  	_ =	swait.ge [sflag:s13], $0x80  }
0x3d6: {  	[sflag:s13] =	ssyncset.done $0x0  }
0x3d7: {  	[sflag:s13] =	ssyncadd.s32 $0xFFFFFF80  }
0x3d8: {  	_ =	swait.ge [sflag:s13], $0x80  }
0x3d9: {  	[sflag:s13] =	ssyncset.done $0x0  }
0x3da: {  	[sflag:s13] =	ssyncadd.s32 $0xFFFFFF80  }
0x3db: {  	_ =	swait.ge [sflag:s13], $0x80  }
0x3dc: {  	[sflag:s13] =	ssyncset.done $0x0  }
0x3dd: {  	[sflag:s13] =	ssyncadd.s32 $0xFFFFFF80  }
0x3de: {  	_ =	swait.ge [sflag:s13], $0x80  }
0x3df: {  	[sflag:s13] =	ssyncset.done $0x0  }
0x3e0: {  	[sflag:s13] =	ssyncadd.s32 $0xFFFFFF80  }
0x3e1: {  	_ =	swait.ge [sflag:s13], $0x80  }
0x3e2: {  	[sflag:s13] =	ssyncset.done $0x0  }
0x3e3: {  	[sflag:s13] =	ssyncadd.s32 $0xFFFFFF80  }
0x3e4: {  	_ =	swait.ge [sflag:s13], $0x80  }
0x3e5: {  	[sflag:s13] =	ssyncset.done $0x0  }
0x3e6: {  	[sflag:s13] =	ssyncadd.s32 $0xFFFFFF80  }
0x3e7: {  	_ =	swait.ge [sflag:s13], $0x80  }
0x3e8: {  	[sflag:s13] =	ssyncset.done $0x0  }
0x3e9: {  	[sflag:s13] =	ssyncadd.s32 $0xFFFFFF80  }
0x3ea: {  	_ =	swait.ge [sflag:s13], $0x80  }
0x3eb: {  	[sflag:s13] =	ssyncset.done $0x0  }
0x3ec: {  	[sflag:s13] =	ssyncadd.s32 $0xFFFFFF80  }
0x3ed: {  	_ =	swait.ge [sflag:s13], $0x80  }
0x3ee: {  	[sflag:s13] =	ssyncset.done $0x0  }
0x3ef: {  	[sflag:s13] =	ssyncadd.s32 $0xFFFFFF80  }
0x3f0: {  	_ =	swait.ge [sflag:s13], $0x80  }
0x3f1: {  	[sflag:s13] =	ssyncset.done $0x0  }
0x3f2: {  	[sflag:s13] =	ssyncadd.s32 $0xFFFFFF80  }
0x3f3: {  	_ =	swait.ge [sflag:s13], $0x80  }
0x3f4: {  	[sflag:s13] =	ssyncset.done $0x0  }
0x3f5: {  	[sflag:s13] =	ssyncadd.s32 $0xFFFFFF80  }
0x3f6: {  	_ =	swait.ge [sflag:s13], $0x80  }
0x3f7: {  	[sflag:s13] =	ssyncset.done $0x0  }
0x3f8: {  	[sflag:s13] =	ssyncadd.s32 $0xFFFFFF80  }
0x3f9: {  	_ =	swait.ge [sflag:s13], $0x80  }
0x3fa: {  	[sflag:s13] =	ssyncset.done $0x0  }
0x3fb: {  	[sflag:s13] =	ssyncadd.s32 $0xFFFFFF80  }
0x3fc: {  	_ =	swait.ge [sflag:s13], $0x80  }
0x3fd: {  	[sflag:s13] =	ssyncset.done $0x0  }
0x3fe: {  	[sflag:s13] =	ssyncadd.s32 $0xFFFFFF80  }
0x3ff: {  	_ =	swait.ge [sflag:s13], $0x80  }
0x400: {  	[sflag:s13] =	ssyncset.done $0x0  }
0x401: {  	[sflag:s13] =	ssyncadd.s32 $0xFFFFFF80  }
0x402: {  	_ =	swait.ge [sflag:s13], $0x80  }
0x403: {  	[sflag:s13] =	ssyncset.done $0x0  }
0x404: {  	[sflag:s13] =	ssyncadd.s32 $0xFFFFFF80  }
0x405: {  	_ =	swait.ge [sflag:s13], $0x80  }
0x406: {  	[sflag:s13] =	ssyncset.done $0x0  }
0x407: {  	[sflag:s13] =	ssyncadd.s32 $0xFFFFFF80  }
0x408: {  	_ =	swait.ge [sflag:s13], $0x80  }
0x409: {  	[sflag:s13] =	ssyncset.done $0x0  }
0x40a: {  	[sflag:s13] =	ssyncadd.s32 $0xFFFFFF80  }
0x40b: {  	_ =	swait.ge [sflag:s13], $0x80  }
0x40c: {  	[sflag:s13] =	ssyncset.done $0x0  }
0x40d: {  	[sflag:s13] =	ssyncadd.s32 $0xFFFFFF80  }
0x40e: {  	_ =	swait.ge [sflag:s13], $0x80  }
0x40f: {  	[sflag:s13] =	ssyncset.done $0x0  }
0x410: {  	s1 =	simm.s32 $0xCC30;
	[sflag:s13] =	ssyncadd.s32 $0xFFFFFF80  }
0x411: {  	v10 =	vld [tilespmem:s1+$0xFFFFFFF0];
	_ =	sdelay $0x4  }
0x412: {  	s9 =	simm.s32 $0x0;
	v7 =	vshrl.u32 v10, $0x3  }
0x413: {  	v6 =	vmov s9;
	s8 =	simm.s32 $0xCC50  }
0x414: {  	v11 =	vld [tilespmem:s8+$0xFFFFFFF0];
	_ =	sdelay $0x2  }
0x415: {  	v9 =	vld.idx.msk [tilespmem:v7+s25+$0x0], $0xffff  }
0x416: {  	v8 =	vld.idx.msk [tilespmem:v6+s22+$0x0], $0xffff  }
0x417: {  	s15 =	simm.s32 $0x1;
	s7 =	simm.s32 $0xCC70;
	v12 =	vshrl.u32 v11, $0x3  }
0x418: {  	v14 =	vld [tilespmem:s7+$0xFFFFFFF0];
	v13 =	vshll.u32 v10, $0x2;
	v7 =	vmov s15  }
0x419: {  	v13 =	vand.u32 $0x1C, v13  }
0x41a: {  	v13 =	vshrl.u32 v9, v13  }
0x41b: {  	vm0 =	vne.s32 v10, v8;
	v9 =	vshll.u32 v6, $0x4;
	v10 =	vand.u32 $0xF, v13  }
0x41c: {  	v13 =	vld.idx.msk [tilespmem:v12+s25+$0x0], $0xffff;
	v10 =	vor.u32 v9, v10  }
0x41d: {  	v15 =	vshrl.u32 v14, $0x3;
	v12 =	vld.idx.msk [tilespmem:v7+s22+$0x0], $0xffff  }
0x41e: {  	s15 =	simm.s32 $0x2  }
0x41f: {  	s29 =	simm.s32 $0xCC90;
	v16 =	vshll.u32 v11, $0x2;
	v17 =	vmov s15  }
0x420: {  	s0 =	simm.s32 $0x15C20;
	v21 =	vld [tilespmem:s29+$0xFFFFFFF0];
	v16 =	vand.u32 $0x1C, v16  }
0x421: {  	v13 =	vshrl.u32 v13, v16;
	[tilespmem:v10+s0+$0x0] =	vst.idx.add.f32.msk vm0, v5  }
0x422: {  	v10 =	vshll.u32 v7, $0x4;
	vm0 =	vne.s32 v11, v12;
	v11 =	vand.u32 $0xF, v13;
	v13 =	vld.idx.msk [tilespmem:v15+s25+$0x0], $0xffff  }
0x423: {  	v16 =	vld [tilespmem:s1+$0x0];
	v15 =	vor.u32 v10, v11  }
0x424: {  	v11 =	vld.idx.msk [tilespmem:v17+s22+$0x0], $0xffff  }
0x425: {  	v22 =	vshrl.u32 v21, $0x3  }
0x426: {  	s16 =	simm.s32 $0x3;
	v20 =	vshll.u32 v14, $0x2  }
0x427: {  	v18 =	vmov s16;
	s9 =	simm.s32 $0x4;
	v24 =	vand.u32 $0x1C, v20  }
0x428: {  	s31 =	simm.s32 $0xCCB0;
	v20 =	vmov s9;
	v23 =	vshrl.u32 v16, $0x3;
	[tilespmem:v15+s0+$0x0] =	vst.idx.add.f32.msk vm0, v5;
	v15 =	vshrl.u32 v13, v24  }
0x429: {  	v19 =	vld [tilespmem:s31+$0xFFFFFFF0];
	v13 =	vshll.u32 v17, $0x4;
	vm0 =	vne.s32 v14, v11;
	v15 =	vand.u32 $0xF, v15  }
0x42a: {  	v27 =	vld.idx.msk [tilespmem:v22+s25+$0x0], $0xffff;
	v25 =	vor.u32 v13, v15  }
0x42b: {  	v17 =	vld [tilespmem:s8+$0x0]  }
0x42c: {  	v14 =	vld.idx.msk [tilespmem:v18+s22+$0x0], $0xffff  }
0x42d: {  	v15 =	vld.idx.msk [tilespmem:v20+s22+$0x0], $0xffff  }
0x42e: {  	v29 =	vld.idx.msk [tilespmem:v23+s25+$0x0], $0xffff  }
0x42f: {  	v26 =	vshrl.u32 v19, $0x3;
	s8 =	simm.s32 $0xCCD0;
	v23 =	vshll.u32 v21, $0x2;
	[tilespmem:v25+s0+$0x0] =	vst.idx.add.f32.msk vm0, v5;
	v25 =	vshll.u32 v16, $0x2  }
0x430: {  	v22 =	vshrl.u32 v17, $0x3;
	v28 =	vand.u32 $0x1C, v23;
	v23 =	vld [tilespmem:s8+$0xFFFFFFF0];
	v25 =	vand.u32 $0x1C, v25  }
0x431: {  	s16 =	simm.s32 $0x5  }
0x432: {  	s30 =	simm.s32 $0x15C20;
	v24 =	vmov s16;
	v18 =	vshll.u32 v18, $0x4;
	v27 =	vshrl.u32 v27, v28  }
0x433: {  	s1 =	simm.s32 $0x6;
	s16 =	simm.s32 $0x15C20;
	vm0 =	vne.s32 v21, v14;
	v28 =	vand.u32 $0xF, v27;
	v21 =	vld [tilespmem:s7+$0x0];
	s7 =	simm.s32 $0x15C20;
	v27 =	vshrl.u32 v29, v25;
	v25 =	vmovc v24  }
.LBB2_20:
0x434: {  	p0 =	sne.s32 s1, $0x7F;
	v29 =	vld.idx.msk [tilespmem:v26+s25+$0x0], $0xffff;
	v28 =	vor.u32 v18, v28;
	vm1 =	vne.s32 v16, v8;
	v26 =	vand.u32 $0xF, v27;
	v8 =	vmovc v12;
	s9 =	smov.u32 s8  }
0x435: {  	v12 =	vmovc v11;
	v11 =	vmovc v14;
	v14 =	vmov v15;
	v27 =	vld.idx.msk [tilespmem:v22+s25+$0x0], $0xffff;
	v30 =	vor.u32 v9, v26;
	v31 =	vmov v23  }
0x436: {  	v16 =	vmovc v17;
	v9 =	vmov v10;
	v10 =	vmov v13;
	v13 =	vmov v18  }
.Ltmp9:
0x437: {  	s8 =	sadd.s32 $0x20, s8;
	v26 =	vshrl.u32 v31, $0x3;
	v15 =	vld.idx.msk [tilespmem:v24+s22+$0x0], $0xffff;
	(pc) =	sbr.rel @p0 .LBB2_20-.Ltmp9, $4  }
0x438: {  	v18 =	vshll.u32 v19, $0x2;
	v23 =	vld [tilespmem:s8+$0xFFFFFFF0];
	v22 =	vshrl.u32 v21, $0x3;
	v17 =	vmov v21  }
0x439: {  	v18 =	vand.u32 $0x1C, v18;
	v24 =	vmov s1;
	v21 =	vshll.u32 v16, $0x2;
	[tilespmem:v28+s0+$0x0] =	vst.idx.add.f32.msk vm0, v5  }
0x43a: {  	v28 =	vshrl.u32 v29, v18;
	v18 =	vshll.u32 v20, $0x4;
	v29 =	vand.u32 $0x1C, v21;
	v20 =	vmovc v25;
	[tilespmem:v30+s7+$0x0] =	vst.idx.add.f32.msk vm1, v5;
	s7 =	smov.u32 s16;
	s16 =	smov.u32 s30;
	s30 =	smov.u32 s0  }
0x43b: {  	s1 =	sadd.s32 $0x1, s1;
	vm0 =	vne.s32 v19, v14;
	v19 =	vmovc v31;
	v25 =	vmovc v24;
	v28 =	vand.u32 $0xF, v28;
	v27 =	vshrl.u32 v27, v29;
	v21 =	vld [tilespmem:s29+$0x0];
	s29 =	smov.u32 s31;
	s31 =	smov.u32 s9  }
0x43c: {  	_ = 	snop  }
0x43d: {  	v29 =	vshrl.u32 v23, $0x3;
	_ =	sdelay $0x2  }
0x43e: {  	v26 =	vld.idx.msk [tilespmem:v26+s25+$0x0], $0xffff;
	_ =	sdelay $0x1  }
0x43f: {  	v29 =	vld.idx.msk [tilespmem:v29+s25+$0x0], $0xffff  }
0x440: {  	v24 =	vld.idx.msk [tilespmem:v24+s22+$0x0], $0xffff;
	v30 =	vshll.u32 v19, $0x2  }
0x441: {  	v28 =	vor.u32 v18, v28;
	v30 =	vand.u32 $0x1C, v30  }
0x442: {  	v20 =	vshll.u32 v20, $0x4;
	v45 =	vshll.u32 v23, $0x2;
	v26 =	vshrl.u32 v26, v30  }
0x443: {  	vm1 =	vne.s32 v19, v15;
	v47 =	vand.u32 $0x1C, v45;
	v46 =	vand.u32 $0xF, v26  }
0x444: {  	v19 =	vor.u32 v20, v46;
	v26 =	vshrl.u32 v29, v47  }
0x445: {  	v25 =	vshll.u32 v25, $0x4;
	vm2 =	vne.s32 v23, v24;
	v48 =	vand.u32 $0xF, v26  }
0x446: {  	s0 =	simm.s32 $0x15C20;
	v23 =	vor.u32 v25, v48  }
0x447: {  	[tilespmem:v28+s0+$0x0] =	vst.idx.add.f32.msk vm0, v5  }
0x448: {  	v49 =	vld [tilespmem:s29+$0x0]  }
0x449: {  	[tilespmem:v19+s0+$0x0] =	vst.idx.add.f32.msk vm1, v5  }
0x44a: {  	v19 =	vld [tilespmem:s31+$0x0]  }
0x44b: {  	v50 =	vshrl.u32 v21, $0x3;
	[tilespmem:v23+s0+$0x0] =	vst.idx.add.f32.msk vm2, v5  }
0x44c: {  	v23 =	vld [tilespmem:s8+$0x0];
	_ =	sdelay $0x2  }
0x44d: {  	v22 =	vld.idx.msk [tilespmem:v22+s25+$0x0], $0xffff;
	v51 =	vshrl.u32 v49, $0x3  }
0x44e: {  	v28 =	vld.idx.msk [tilespmem:v50+s25+$0x0], $0xffff;
	v52 =	vshrl.u32 v19, $0x3  }
0x44f: {  	v55 =	vand.u32 $0xF, v27;
	v31 =	vshrl.u32 v23, $0x3  }
0x450: {  	v9 =	vor.u32 v9, v55  }
0x451: {  	v53 =	vshll.u32 v21, $0x2;
	vm1 =	vne.s32 v16, v8;
	v8 =	vshll.u32 v17, $0x2  }
0x452: {  	vm0 =	vne.s32 v17, v12;
	v12 =	vand.u32 $0x1C, v53;
	v8 =	vand.u32 $0x1C, v8;
	v54 =	vld.idx.msk [tilespmem:v51+s25+$0x0], $0xffff  }
0x453: {  	v58 =	vshll.u32 v49, $0x2;
	v8 =	vshrl.u32 v22, v8;
	v12 =	vshrl.u32 v28, v12;
	v56 =	vld.idx.msk [tilespmem:v52+s25+$0x0], $0xffff  }
0x454: {  	vm3 =	vne.s32 v49, v14;
	v8 =	vand.u32 $0xF, v8;
	v57 =	vand.u32 $0xF, v12;
	v59 =	vld.idx.msk [tilespmem:v31+s25+$0x0], $0xffff  }
0x455: {  	v60 =	vand.u32 $0x1C, v58;
	v8 =	vor.u32 v10, v8;
	v10 =	vor.u32 v13, v57  }
0x456: {  	vm2 =	vne.s32 v21, v11;
	v61 =	vshll.u32 v19, $0x2;
	vm4 =	vne.s32 v19, v15  }
0x457: {  	v12 =	vand.u32 $0x1C, v61;
	v11 =	vshrl.u32 v54, v60;
	v62 =	vshll.u32 v23, $0x2  }
0x458: {  	v11 =	vand.u32 $0xF, v11;
	v13 =	vand.u32 $0x1C, v62;
	v12 =	vshrl.u32 v56, v12  }
0x459: {  	v11 =	vor.u32 v18, v11;
	v12 =	vand.u32 $0xF, v12;
	v13 =	vshrl.u32 v59, v13  }
0x45a: {  	vm5 =	vne.s32 v23, v24;
	v12 =	vor.u32 v20, v12;
	v13 =	vand.u32 $0xF, v13  }
0x45b: {  	[tilespmem:v9+s7+$0x0] =	vst.idx.add.f32.msk vm1, v5;
	v63 =	vor.u32 v25, v13  }
0x45c: {  	[tilespmem:v8+s16+$0x0] =	vst.idx.add.f32.msk vm0, v5  }
0x45d: {  	[tilespmem:v10+s30+$0x0] =	vst.idx.add.f32.msk vm2, v5  }
0x45e: {  	[tilespmem:v11+s0+$0x0] =	vst.idx.add.f32.msk vm3, v5  }
0x45f: {  	[tilespmem:v12+s0+$0x0] =	vst.idx.add.f32.msk vm4, v5  }
0x460: {  	[tilespmem:v63+s0+$0x0] =	vst.idx.add.f32.msk vm5, v5  }
0x461: {  	v8 =	vld.idx.msk [tilespmem:v6+s23+$0x0], $0xffff  }
0x462: {  	v9 =	vld [tilespmem:s0+$0x0];
	_ =	sdelay $0x4  }
0x463: {  	s1 =	simm.s32 $0x15C30;
	v6 =	vld.idx.msk [tilespmem:v7+s23+$0x0], $0xffff;
	vm0 =	veq.s32 v8, v0;
	v7 =	vmul.f32 $7.812500000e-03, v9  }
.LBB2_22:
0x464: {  	v8 =	vmov s15;
	p0 =	sne.s32 s15, $0x7F;
	s15 =	sadd.s32 $0x1, s15;
	v9 =	vld [tilespmem:s1+$0x0];
	v10 =	vsel vm0, $0x3F800000, v4  }
.Ltmp10:
0x465: {  	v7 =	vadd.f32 v10, v7;
	(pc) =	sbr.rel @p0 .LBB2_22-.Ltmp10, $3  }
0x466: {  	_ = 	snop  }
0x467: {  	[tilespmem:s0+$0x0] =	vst v7;
	s0 =	smov.u32 s1;
	_ =	sdelay $0x1  }
0x468: {  	s1 =	sadd.s32 $0x10, s1;
	vm0 =	veq.s32 v6, v0;
	v6 =	vld.idx.msk [tilespmem:v8+s23+$0x0], $0xffff;
	v7 =	vmul.f32 $7.812500000e-03, v9  }
0x469: {  	v8 =	vld [tilespmem:s1+$0x0];
	_ =	sdelay $0x4  }
0x46a: {  	v9 =	vsel vm0, $0x3F800000, v4;
	vm15 =	veq.s32 v6, v0;
	v6 =	vmul.f32 $7.812500000e-03, v8  }
0x46b: {  	v7 =	vadd.f32 v9, v7;
	v8 =	vsel vm15, $0x3F800000, v4  }
0x46c: {  	v6 =	vadd.f32 v8, v6  }
0x46d: {  	[tilespmem:s0+$0x0] =	vst v7  }
0x46e: {  	[tilespmem:s1+$0x0] =	vst v6  }
0x46f: {  	s16 =	simm.s32 $0x10;
	s0 =	rddreg [dreg:$0xf]  }
0x470: {  	[hbm4b:s0+s16] =	stream.strided.scatter [tilespmem:s26], [sflag:$0x4], $0x800, s18, s16, $0x38;
	[tilespmem:$0x1AA40] =	vst v63  }
0x471: {  	_ =	swait.ge [sflag:s17], $0x800  }
0x472: {  	[sflag:s17] =	ssyncset.done $0x0  }
0x473: {  	[sflag:s17] =	ssyncadd.s32 $0xFFFFF800  }
0x474: {  	_ =	swait.ge [sflag:s14], $0x4000  }
0x475: {  	[sflag:s14] =	ssyncset.done $0x0  }
0x476: {  	s0 =	simm.s32 $0x0;
	[sflag:s14] =	ssyncadd.s32 $0xFFFFC000  }
0x477: {  	v8 =	vld [tilespmem:s0+$0xDC90]  }
0x478: {  	v10 =	vld [tilespmem:s0+$0xDC20]  }
0x479: {  	v11 =	vld [tilespmem:s0+$0xDC30]  }
0x47a: {  	v9 =	vld [tilespmem:s0+$0xDC40]  }
0x47b: {  	v6 =	vld [tilespmem:s0+$0xDC50]  }
0x47c: {  	s7 =	simm.s32 $0x400;
	s8 =	simm.s32 $0x100;
	v7 =	vld [tilespmem:s0+$0xDC60];
	[tilespmem:s0+$0x16490] =	vst v8  }
0x47d: {  	s9 =	simm.s32 $0x180;
	s29 =	simm.s32 $0x9C20;
	s30 =	simm.s32 $0xBC20;
	[tilespmem:s0+$0x16420] =	vst v10;
	v8 =	vld [tilespmem:s0+$0xDC70]  }
0x47e: {  	s31 =	simm.s32 $0x9CA0;
	s1 =	simm.s32 $0x80;
	s16 =	simm.s32 $0x11C20;
	[tilespmem:s0+$0x16430] =	vst v11;
	v10 =	vld [tilespmem:s0+$0xDC80]  }
.LBB2_24:
0x47f: {  	p0 =	sne.s32 s7, $0xFE00;
	v11 =	vld [tilespmem:s1+$0xDC90];
	[tilespmem:s0+$0x16440] =	vst v9  }
0x480: {  	v12 =	vld [tilespmem:s1+$0xDC20];
	[tilespmem:s0+$0x16450] =	vst v6  }
0x481: {  	v13 =	vld [tilespmem:s1+$0xDC30];
	[tilespmem:s0+$0x16460] =	vst v7  }
.Ltmp11:
0x482: {  	v9 =	vld [tilespmem:s1+$0xDC40];
	[tilespmem:s0+$0x16470] =	vst v8;
	(pc) =	sbr.rel @p0 .LBB2_24-.Ltmp11, $4  }
0x483: {  	v6 =	vld [tilespmem:s1+$0xDC50];
	[tilespmem:s0+$0x16480] =	vst v10;
	s0 =	smov.u32 s1  }
0x484: {  	v7 =	vld [tilespmem:s0+$0xDC60];
	[tilespmem:s0+$0x16490] =	vst v11  }
0x485: {  	[tilespmem:s0+$0x16420] =	vst v12;
	v8 =	vld [tilespmem:s0+$0xDC70]  }
0x486: {  	s1 =	sshra.s32 s7, $0x2;
	s7 =	sadd.s32 $0x200, s7;
	[tilespmem:s0+$0x16430] =	vst v13;
	v10 =	vld [tilespmem:s0+$0xDC80]  }
0x487: {  	v11 =	vld [tilespmem:s1+$0xDC90];
	[tilespmem:s0+$0x16440] =	vst v9  }
0x488: {  	v12 =	vld [tilespmem:s1+$0xDC20];
	[tilespmem:s0+$0x16450] =	vst v6  }
0x489: {  	v13 =	vld [tilespmem:s1+$0xDC30];
	[tilespmem:s0+$0x16460] =	vst v7  }
0x48a: {  	v9 =	vld [tilespmem:s1+$0xDC40];
	[tilespmem:s0+$0x16470] =	vst v8  }
0x48b: {  	v6 =	vld [tilespmem:s1+$0xDC50];
	[tilespmem:s0+$0x16480] =	vst v10  }
0x48c: {  	v7 =	vld [tilespmem:s1+$0xDC60];
	[tilespmem:s1+$0x16490] =	vst v11  }
0x48d: {  	v8 =	vld [tilespmem:s1+$0xDC70];
	[tilespmem:s1+$0x16420] =	vst v12  }
0x48e: {  	v10 =	vld [tilespmem:s1+$0xDC80];
	[tilespmem:s1+$0x16430] =	vst v13  }
0x48f: {  	[tilespmem:s1+$0x16440] =	vst v9  }
0x490: {  	[tilespmem:s1+$0x16450] =	vst v6  }
0x491: {  	[tilespmem:s1+$0x16460] =	vst v7  }
0x492: {  	[tilespmem:s1+$0x16470] =	vst v8  }
0x493: {  	s15 =	simm.s32 $0xDC20;
	[tilespmem:s1+$0x16480] =	vst v10  }
0x494: {  	[tilespmem:s15], [sflag:$0x2] =	stream.indirect.gather [hbm4b:s2+s18], $0x80, s8, s18, $0xb8;
	[tilespmem:$0x1AA40] =	vst v63  }
0x495: {  	_ =	swait.ge [sflag:s14], $0x4000  }
0x496: {  	[sflag:s14] =	ssyncset.done $0x0  }
0x497: {  	s7 =	simm.s32 $0x0;
	[sflag:s14] =	ssyncadd.s32 $0xFFFFC000  }
0x498: {  	v6 =	vld [tilespmem:s7+$0x11C90]  }
0x499: {  	v7 =	vld [tilespmem:s7+$0x16490]  }
0x49a: {  	v8 =	vld [tilespmem:s7+$0x11C20]  }
0x49b: {  	v9 =	vld [tilespmem:s7+$0x16420]  }
0x49c: {  	v10 =	vld [tilespmem:s7+$0x11C30]  }
0x49d: {  	v11 =	vld [tilespmem:s7+$0x16430]  }
0x49e: {  	v61 =	vld [tilespmem:s7+$0x11C40]  }
0x49f: {  	v62 =	vld [tilespmem:s7+$0x11C50]  }
0x4a0: {  	v6 =	vadd.f32 v7, v6;
	v7 =	vld [tilespmem:s7+$0x16440]  }
0x4a1: {  	v8 =	vadd.f32 v9, v8;
	v9 =	vld [tilespmem:s7+$0x16450]  }
0x4a2: {  	v14 =	vld [tilespmem:s7+$0x16460]  }
0x4a3: {  	[tilespmem:s7+$0x16490] =	vst v6;
	v6 =	vadd.f32 v11, v10;
	v10 =	vld [tilespmem:s7+$0x11C60]  }
0x4a4: {  	[tilespmem:s7+$0x16420] =	vst v8;
	v8 =	vld [tilespmem:s7+$0x16470]  }
0x4a5: {  	[tilespmem:s7+$0x16430] =	vst v6;
	v6 =	vld [tilespmem:s7+$0x11C70];
	v7 =	vadd.f32 v7, v61  }
0x4a6: {  	v63 =	vadd.f32 v9, v62;
	v9 =	vld [tilespmem:s7+$0x16480]  }
0x4a7: {  	s0 =	simm.s32 $0x80;
	[tilespmem:s7+$0x16440] =	vst v7;
	v7 =	vld [tilespmem:s7+$0x11C80]  }
0x4a8: {  	s1 =	simm.s32 $0x400;
	v11 =	vld [tilespmem:s0+$0x11C90];
	[tilespmem:s7+$0x16450] =	vst v63;
	v10 =	vadd.f32 v14, v10  }
.LBB2_26:
0x4a9: {  	p0 =	sne.s32 s1, $0xFE00;
	v12 =	vld [tilespmem:s0+$0x16490]  }
0x4aa: {  	v13 =	vld [tilespmem:s0+$0x11C20];
	[tilespmem:s7+$0x16460] =	vst v10;
	v6 =	vadd.f32 v8, v6  }
0x4ab: {  	v8 =	vld [tilespmem:s0+$0x16420]  }
0x4ac: {  	v10 =	vld [tilespmem:s0+$0x11C30];
	[tilespmem:s7+$0x16470] =	vst v6;
	v6 =	vadd.f32 v9, v7  }
0x4ad: {  	v7 =	vld [tilespmem:s0+$0x16430]  }
0x4ae: {  	v9 =	vld [tilespmem:s0+$0x11C40];
	v11 =	vadd.f32 v12, v11;
	[tilespmem:s7+$0x16480] =	vst v6;
	s7 =	smov.u32 s0  }
0x4af: {  	v6 =	vld [tilespmem:s7+$0x16440]  }
0x4b0: {  	v8 =	vadd.f32 v8, v13;
	v12 =	vld [tilespmem:s7+$0x11C50];
	[tilespmem:s7+$0x16490] =	vst v11  }
0x4b1: {  	v11 =	vld [tilespmem:s7+$0x16450]  }
0x4b2: {  	[tilespmem:s7+$0x16420] =	vst v8;
	v7 =	vadd.f32 v7, v10;
	v10 =	vld [tilespmem:s7+$0x11C60]  }
0x4b3: {  	v13 =	vld [tilespmem:s7+$0x16460]  }
.Ltmp12:
0x4b4: {  	[tilespmem:s7+$0x16430] =	vst v7;
	v7 =	vadd.f32 v6, v9;
	v6 =	vld [tilespmem:s7+$0x11C70];
	(pc) =	sbr.rel @p0 .LBB2_26-.Ltmp12, $4  }
0x4b5: {  	v8 =	vld [tilespmem:s7+$0x16470]  }
0x4b6: {  	[tilespmem:s7+$0x16440] =	vst v7;
	v12 =	vadd.f32 v11, v12;
	v7 =	vld [tilespmem:s7+$0x11C80]  }
0x4b7: {  	s0 =	sshra.s32 s1, $0x2;
	v9 =	vld [tilespmem:s7+$0x16480]  }
0x4b8: {  	s1 =	sadd.s32 $0x200, s1;
	v11 =	vld [tilespmem:s0+$0x11C90];
	[tilespmem:s7+$0x16450] =	vst v12;
	v10 =	vadd.f32 v13, v10  }
0x4b9: {  	v12 =	vld [tilespmem:s0+$0x16490]  }
0x4ba: {  	v13 =	vld [tilespmem:s0+$0x11C20]  }
0x4bb: {  	v14 =	vld [tilespmem:s0+$0x16420]  }
0x4bc: {  	v15 =	vld [tilespmem:s0+$0x11C30]  }
0x4bd: {  	v16 =	vld [tilespmem:s0+$0x16430]  }
0x4be: {  	v17 =	vld [tilespmem:s0+$0x11C40]  }
0x4bf: {  	v53 =	vld [tilespmem:s0+$0x16440]  }
0x4c0: {  	v18 =	vld [tilespmem:s0+$0x11C50]  }
0x4c1: {  	v55 =	vld [tilespmem:s0+$0x11C60]  }
0x4c2: {  	v56 =	vld [tilespmem:s0+$0x16460]  }
0x4c3: {  	v57 =	vld [tilespmem:s0+$0x11C70];
	v11 =	vadd.f32 v12, v11  }
0x4c4: {  	v59 =	vld [tilespmem:s0+$0x11C80];
	v6 =	vadd.f32 v8, v6;
	[tilespmem:s7+$0x16460] =	vst v10  }
0x4c5: {  	v7 =	vadd.f32 v9, v7;
	[tilespmem:s0+$0x16490] =	vst v11;
	v11 =	vld [tilespmem:s0+$0x16450]  }
0x4c6: {  	v8 =	vld [tilespmem:s0+$0x16480];
	[tilespmem:s7+$0x16470] =	vst v6;
	v13 =	vadd.f32 v14, v13  }
0x4c7: {  	v58 =	vld [tilespmem:s0+$0x16470];
	v54 =	vadd.f32 v16, v15;
	[tilespmem:s7+$0x16480] =	vst v7  }
0x4c8: {  	v12 =	vadd.f32 v53, v17;
	[tilespmem:s0+$0x16420] =	vst v13  }
0x4c9: {  	v7 =	vadd.f32 v56, v55;
	[tilespmem:s0+$0x16430] =	vst v54  }
0x4ca: {  	[tilespmem:s0+$0x16440] =	vst v12;
	v6 =	vadd.f32 v11, v18  }
0x4cb: {  	[tilespmem:s0+$0x16460] =	vst v7;
	v7 =	vadd.f32 v8, v59  }
0x4cc: {  	[tilespmem:s0+$0x16450] =	vst v6;
	v6 =	vadd.f32 v58, v57  }
0x4cd: {  	[tilespmem:s0+$0x16480] =	vst v7  }
0x4ce: {  	[tilespmem:s0+$0x16470] =	vst v6  }
0x4cf: {  	[tilespmem:s16], [sflag:$0x2] =	stream.indirect.gather [hbm4b:s2+s18], $0x80, s9, s18, $0xb8;
	[tilespmem:$0x1AA40] =	vst v63  }
0x4d0: {  	_ =	swait.ge [sflag:s14], $0x4000  }
0x4d1: {  	[sflag:s14] =	ssyncset.done $0x0  }
0x4d2: {  	s7 =	simm.s32 $0x0;
	[sflag:s14] =	ssyncadd.s32 $0xFFFFC000  }
0x4d3: {  	v6 =	vld [tilespmem:s7+$0xDC90]  }
0x4d4: {  	v7 =	vld [tilespmem:s7+$0x16490]  }
0x4d5: {  	v8 =	vld [tilespmem:s7+$0xDC20]  }
0x4d6: {  	v9 =	vld [tilespmem:s7+$0x16420]  }
0x4d7: {  	v10 =	vld [tilespmem:s7+$0xDC30]  }
0x4d8: {  	v11 =	vld [tilespmem:s7+$0x16430]  }
0x4d9: {  	v60 =	vld [tilespmem:s7+$0xDC40]  }
0x4da: {  	v61 =	vld [tilespmem:s7+$0xDC50]  }
0x4db: {  	v6 =	vadd.f32 v7, v6;
	v7 =	vld [tilespmem:s7+$0x16440]  }
0x4dc: {  	v8 =	vadd.f32 v9, v8;
	v9 =	vld [tilespmem:s7+$0x16450]  }
0x4dd: {  	v62 =	vld [tilespmem:s7+$0x16460]  }
0x4de: {  	[tilespmem:s7+$0x16490] =	vst v6;
	v6 =	vadd.f32 v11, v10;
	v10 =	vld [tilespmem:s7+$0xDC60]  }
0x4df: {  	[tilespmem:s7+$0x16420] =	vst v8;
	v8 =	vld [tilespmem:s7+$0x16470]  }
0x4e0: {  	[tilespmem:s7+$0x16430] =	vst v6;
	v6 =	vld [tilespmem:s7+$0xDC70];
	v7 =	vadd.f32 v7, v60  }
0x4e1: {  	v63 =	vadd.f32 v9, v61;
	v9 =	vld [tilespmem:s7+$0x16480]  }
0x4e2: {  	s0 =	simm.s32 $0x80;
	[tilespmem:s7+$0x16440] =	vst v7;
	v7 =	vld [tilespmem:s7+$0xDC80]  }
0x4e3: {  	s1 =	simm.s32 $0x400;
	v11 =	vld [tilespmem:s0+$0xDC90];
	[tilespmem:s7+$0x16450] =	vst v63;
	v10 =	vadd.f32 v62, v10  }
.LBB2_28:
0x4e4: {  	p0 =	sne.s32 s1, $0xFE00;
	v12 =	vld [tilespmem:s0+$0x16490]  }
0x4e5: {  	v13 =	vld [tilespmem:s0+$0xDC20];
	[tilespmem:s7+$0x16460] =	vst v10;
	v6 =	vadd.f32 v8, v6  }
0x4e6: {  	v8 =	vld [tilespmem:s0+$0x16420]  }
0x4e7: {  	v10 =	vld [tilespmem:s0+$0xDC30];
	[tilespmem:s7+$0x16470] =	vst v6;
	v6 =	vadd.f32 v9, v7  }
0x4e8: {  	v7 =	vld [tilespmem:s0+$0x16430]  }
0x4e9: {  	v9 =	vld [tilespmem:s0+$0xDC40];
	v11 =	vadd.f32 v12, v11;
	[tilespmem:s7+$0x16480] =	vst v6;
	s7 =	smov.u32 s0  }
0x4ea: {  	v6 =	vld [tilespmem:s7+$0x16440]  }
0x4eb: {  	v8 =	vadd.f32 v8, v13;
	v12 =	vld [tilespmem:s7+$0xDC50];
	[tilespmem:s7+$0x16490] =	vst v11  }
0x4ec: {  	v11 =	vld [tilespmem:s7+$0x16450]  }
0x4ed: {  	[tilespmem:s7+$0x16420] =	vst v8;
	v7 =	vadd.f32 v7, v10;
	v10 =	vld [tilespmem:s7+$0xDC60]  }
0x4ee: {  	v13 =	vld [tilespmem:s7+$0x16460]  }
.Ltmp13:
0x4ef: {  	[tilespmem:s7+$0x16430] =	vst v7;
	v7 =	vadd.f32 v6, v9;
	v6 =	vld [tilespmem:s7+$0xDC70];
	(pc) =	sbr.rel @p0 .LBB2_28-.Ltmp13, $4  }
0x4f0: {  	v8 =	vld [tilespmem:s7+$0x16470]  }
0x4f1: {  	[tilespmem:s7+$0x16440] =	vst v7;
	v12 =	vadd.f32 v11, v12;
	v7 =	vld [tilespmem:s7+$0xDC80]  }
0x4f2: {  	s0 =	sshra.s32 s1, $0x2;
	v9 =	vld [tilespmem:s7+$0x16480]  }
0x4f3: {  	s1 =	sadd.s32 $0x200, s1;
	v11 =	vld [tilespmem:s0+$0xDC90];
	[tilespmem:s7+$0x16450] =	vst v12;
	v10 =	vadd.f32 v13, v10  }
0x4f4: {  	v12 =	vld [tilespmem:s0+$0x16490]  }
0x4f5: {  	v13 =	vld [tilespmem:s0+$0xDC20]  }
0x4f6: {  	v14 =	vld [tilespmem:s0+$0x16420]  }
0x4f7: {  	v15 =	vld [tilespmem:s0+$0xDC30]  }
0x4f8: {  	v16 =	vld [tilespmem:s0+$0x16430]  }
0x4f9: {  	v17 =	vld [tilespmem:s0+$0xDC40]  }
0x4fa: {  	v53 =	vld [tilespmem:s0+$0x16440]  }
0x4fb: {  	v18 =	vld [tilespmem:s0+$0xDC50]  }
0x4fc: {  	v55 =	vld [tilespmem:s0+$0xDC60]  }
0x4fd: {  	v56 =	vld [tilespmem:s0+$0x16460]  }
0x4fe: {  	v57 =	vld [tilespmem:s0+$0xDC70];
	v11 =	vadd.f32 v12, v11  }
0x4ff: {  	v59 =	vld [tilespmem:s0+$0xDC80];
	v6 =	vadd.f32 v8, v6;
	[tilespmem:s7+$0x16460] =	vst v10  }
0x500: {  	v7 =	vadd.f32 v9, v7;
	[tilespmem:s0+$0x16490] =	vst v11;
	v11 =	vld [tilespmem:s0+$0x16450]  }
0x501: {  	v8 =	vld [tilespmem:s0+$0x16480];
	[tilespmem:s7+$0x16470] =	vst v6;
	v13 =	vadd.f32 v14, v13  }
0x502: {  	v58 =	vld [tilespmem:s0+$0x16470];
	v54 =	vadd.f32 v16, v15;
	[tilespmem:s7+$0x16480] =	vst v7  }
0x503: {  	v12 =	vadd.f32 v53, v17;
	[tilespmem:s0+$0x16420] =	vst v13  }
0x504: {  	v7 =	vadd.f32 v56, v55;
	[tilespmem:s0+$0x16430] =	vst v54  }
0x505: {  	[tilespmem:s0+$0x16440] =	vst v12;
	v6 =	vadd.f32 v11, v18  }
0x506: {  	[tilespmem:s0+$0x16460] =	vst v7;
	v7 =	vadd.f32 v8, v59  }
0x507: {  	[tilespmem:s0+$0x16450] =	vst v6;
	v6 =	vadd.f32 v58, v57  }
0x508: {  	[tilespmem:s0+$0x16480] =	vst v7  }
0x509: {  	[tilespmem:s0+$0x16470] =	vst v6  }
0x50a: {  	_ =	swait.ge [sflag:s14], $0x4000  }
0x50b: {  	[sflag:s14] =	ssyncset.done $0x0  }
0x50c: {  	s7 =	simm.s32 $0x0;
	[sflag:s14] =	ssyncadd.s32 $0xFFFFC000  }
0x50d: {  	v6 =	vld [tilespmem:s7+$0x11C90]  }
0x50e: {  	v7 =	vld [tilespmem:s7+$0x16490]  }
0x50f: {  	v8 =	vld [tilespmem:s7+$0x11C20]  }
0x510: {  	v9 =	vld [tilespmem:s7+$0x16420]  }
0x511: {  	v10 =	vld [tilespmem:s7+$0x11C30]  }
0x512: {  	v11 =	vld [tilespmem:s7+$0x16430]  }
0x513: {  	v60 =	vld [tilespmem:s7+$0x11C40]  }
0x514: {  	v61 =	vld [tilespmem:s7+$0x11C50]  }
0x515: {  	v6 =	vadd.f32 v7, v6;
	v7 =	vld [tilespmem:s7+$0x16440]  }
0x516: {  	v8 =	vadd.f32 v9, v8;
	v9 =	vld [tilespmem:s7+$0x16450]  }
0x517: {  	v62 =	vld [tilespmem:s7+$0x16460]  }
0x518: {  	[tilespmem:s7+$0x16490] =	vst v6;
	v6 =	vadd.f32 v11, v10;
	v10 =	vld [tilespmem:s7+$0x11C60]  }
0x519: {  	[tilespmem:s7+$0x16420] =	vst v8;
	v8 =	vld [tilespmem:s7+$0x16470]  }
0x51a: {  	[tilespmem:s7+$0x16430] =	vst v6;
	v6 =	vld [tilespmem:s7+$0x11C70];
	v7 =	vadd.f32 v7, v60  }
0x51b: {  	v63 =	vadd.f32 v9, v61;
	v9 =	vld [tilespmem:s7+$0x16480]  }
0x51c: {  	s0 =	simm.s32 $0x80;
	[tilespmem:s7+$0x16440] =	vst v7;
	v7 =	vld [tilespmem:s7+$0x11C80]  }
0x51d: {  	s1 =	simm.s32 $0x400;
	v11 =	vld [tilespmem:s0+$0x11C90];
	[tilespmem:s7+$0x16450] =	vst v63;
	v10 =	vadd.f32 v62, v10  }
.LBB2_30:
0x51e: {  	p0 =	sne.s32 s1, $0xFE00;
	v12 =	vld [tilespmem:s0+$0x16490]  }
0x51f: {  	v13 =	vld [tilespmem:s0+$0x11C20];
	[tilespmem:s7+$0x16460] =	vst v10;
	v6 =	vadd.f32 v8, v6  }
0x520: {  	v8 =	vld [tilespmem:s0+$0x16420]  }
0x521: {  	v10 =	vld [tilespmem:s0+$0x11C30];
	[tilespmem:s7+$0x16470] =	vst v6;
	v6 =	vadd.f32 v9, v7  }
0x522: {  	v7 =	vld [tilespmem:s0+$0x16430]  }
0x523: {  	v9 =	vld [tilespmem:s0+$0x11C40];
	v11 =	vadd.f32 v12, v11;
	[tilespmem:s7+$0x16480] =	vst v6;
	s7 =	smov.u32 s0  }
0x524: {  	v6 =	vld [tilespmem:s7+$0x16440]  }
0x525: {  	v8 =	vadd.f32 v8, v13;
	v12 =	vld [tilespmem:s7+$0x11C50];
	[tilespmem:s7+$0x16490] =	vst v11  }
0x526: {  	v11 =	vld [tilespmem:s7+$0x16450]  }
0x527: {  	[tilespmem:s7+$0x16420] =	vst v8;
	v7 =	vadd.f32 v7, v10;
	v10 =	vld [tilespmem:s7+$0x11C60]  }
0x528: {  	v13 =	vld [tilespmem:s7+$0x16460]  }
.Ltmp14:
0x529: {  	[tilespmem:s7+$0x16430] =	vst v7;
	v7 =	vadd.f32 v6, v9;
	v6 =	vld [tilespmem:s7+$0x11C70];
	(pc) =	sbr.rel @p0 .LBB2_30-.Ltmp14, $4  }
0x52a: {  	v8 =	vld [tilespmem:s7+$0x16470]  }
0x52b: {  	[tilespmem:s7+$0x16440] =	vst v7;
	v12 =	vadd.f32 v11, v12;
	v7 =	vld [tilespmem:s7+$0x11C80]  }
0x52c: {  	s0 =	sshra.s32 s1, $0x2;
	v9 =	vld [tilespmem:s7+$0x16480]  }
0x52d: {  	s1 =	sadd.s32 $0x200, s1;
	v11 =	vld [tilespmem:s0+$0x11C90];
	[tilespmem:s7+$0x16450] =	vst v12;
	v10 =	vadd.f32 v13, v10  }
0x52e: {  	v12 =	vld [tilespmem:s0+$0x16490]  }
0x52f: {  	v13 =	vld [tilespmem:s0+$0x11C20]  }
0x530: {  	v14 =	vld [tilespmem:s0+$0x16420]  }
0x531: {  	v15 =	vld [tilespmem:s0+$0x11C30]  }
0x532: {  	v16 =	vld [tilespmem:s0+$0x16430]  }
0x533: {  	v17 =	vld [tilespmem:s0+$0x11C40]  }
0x534: {  	v55 =	vld [tilespmem:s0+$0x16440]  }
0x535: {  	v18 =	vld [tilespmem:s0+$0x11C50]  }
0x536: {  	v56 =	vld [tilespmem:s0+$0x16450]  }
0x537: {  	v58 =	vld [tilespmem:s0+$0x11C60]  }
0x538: {  	v59 =	vld [tilespmem:s0+$0x16460];
	v6 =	vadd.f32 v8, v6  }
0x539: {  	v60 =	vld [tilespmem:s0+$0x11C70];
	[tilespmem:s7+$0x16460] =	vst v10;
	v7 =	vadd.f32 v9, v7  }
0x53a: {  	v61 =	vld [tilespmem:s0+$0x16470];
	[tilespmem:s7+$0x16470] =	vst v6;
	v11 =	vadd.f32 v12, v11  }
0x53b: {  	v62 =	vld [tilespmem:s0+$0x11C80];
	v13 =	vadd.f32 v14, v13;
	[tilespmem:s7+$0x16480] =	vst v7  }
0x53c: {  	v63 =	vld [tilespmem:s0+$0x16480];
	v57 =	vadd.f32 v16, v15;
	[tilespmem:s0+$0x16490] =	vst v11  }
0x53d: {  	v12 =	vadd.f32 v55, v17;
	[tilespmem:s0+$0x16420] =	vst v13  }
0x53e: {  	v6 =	vadd.f32 v56, v18;
	[tilespmem:s0+$0x16430] =	vst v57  }
0x53f: {  	v7 =	vadd.f32 v59, v58;
	[tilespmem:s0+$0x16440] =	vst v12  }
0x540: {  	[tilespmem:s0+$0x16450] =	vst v6;
	v6 =	vadd.f32 v61, v60  }
0x541: {  	[tilespmem:s0+$0x16460] =	vst v7;
	v7 =	vadd.f32 v63, v62  }
0x542: {  	[tilespmem:s0+$0x16470] =	vst v6  }
0x543: {  	[tilespmem:s0+$0x16480] =	vst v7  }
0x544: {  	s1 =	simm.s32 $0x16420;
	s0 =	rddreg [dreg:$0x10]  }
0x545: {  	[hbm4b:s0+s4] =	stream.linear.scatter [tilespmem:s1], [sflag:$0x4], $0x4000, $0x38;
	[tilespmem:$0x1AA40] =	vst v63  }
0x546: {  	_ =	swait.ge [sflag:s17], $0x4000  }
0x547: {  	s28 =	sadd.s32 $0x1, s28;
	s7 =	rddreg [dreg:$0x11]  }
0x548: {  	p0 =	sne.s32 s28, s7  }
.Ltmp15:
0x549: {  	_ = 	snop;
	(pc) =	sbr.rel @p0 .LBB2_1-.Ltmp15, $3  }
0x54a: {  	_ =	sdelay $0x1  }
0x54b: {  	[sflag:s17] =	ssyncset.done $0x0  }
0x54c: {  	[sflag:s17] =	ssyncadd.s32 $0xFFFFC000  }
0x54d: {  	_ =	sfence.sel $0x180000  }
0x54e: {  	[bflag:$0x0] =	sbarrier.arrive $0xFFFF  }
0x54f: {  	_ =	strace $0x90000047  }
0x550: {  	s0 =	stileid.u32;
	[bflag:$0x2] =	sbarrier.arrive $0xFFFF  }
0x551: {  	p0 =	sne.s32 s0, $0x0;
	s0 =	rddreg [dreg:$0x7]  }
0x552: {  	s0 =	sadd.s32 @!p0 $0x100000, s0  }
0x553: {  	[sflag:s0] =	ssyncadd.tile.s32 @!p0 $0x1;
	_ =	shalt  }
.Lfunc_end2:
_tile_overlayer_lowered:
.L_overlay_start_2:
0x554: {  	(tag) =	ssettag $0x2  }
0x555: {  	s0 =	rddreg [dreg:$0x0];
	s2 =	stileid.u32  }
0x556: {  	s1 =	rddreg [dreg:$0x1];
	p0 =	sne.s32 s2, $0x0  }
0x557: {  	s3 =	rddreg [dreg:$0x2];
	[bflag:$0x3] =	sbarrier.arrive $0xFFFF;
	s2 =	simm.s32 @!p0 $0x1C04  }
0x558: {  	[timem:s3], [sflag:s2] =	dma.local @!p0 [hbm:s0], s1  }
0x559: {  	s0 =	simm.s32 @!p0 $0x4  }
0x55a: {  	_ =	swait.ge @!p0 [sflag:s0], s1  }
0x55b: {  	s1 =	ssub.s32 @!p0 $0x0, s1;
	[sflag:s0] =	ssyncset.done @!p0 $0x0  }
0x55c: {  	[sflag:s0] =	ssyncadd.s32 @!p0 s1  }
0x55d: {  	[bflag:$0x3] =	sbarrier.arrive $0xFFFF  }
0x55e: {  	_ =	shalt  }

</sc_bundles>
